<compile_context>
chip_gen: v7x
topology: tpu7x:2x2x1
jax: 0.10.2.dev20260603
libtpu: 0.0.44.dev20260713+nightly
codegen_flags: <defaults>
</compile_context>

<pallas_src>
import functools

import jax
import jax.numpy as jnp
from jax import lax
from jax.experimental import pallas as pl
from jax.experimental.pallas import tpu as pltpu
from jax.experimental.pallas import tpu_sc as plsc

N = 50000
E = 150000
D = 128
R = 4
CHW = 64
NCH = D // CHW
NT = 16
NSC = 2
NP = 50048
RPT = NP // NT
ZR = 184
BB = 208
NBUF = 3
QE = 2496
NQ = 4
EPT = QE * NQ
EPAD = NT * EPT
DUMMY = N + 8


def _sc_aggregate(xch, sidx, didx, zeros_in):
    mesh = plsc.VectorSubcoreMesh(core_axis_name="c", subcore_axis_name="s")

    @functools.partial(
        pl.kernel,
        out_type=(
            jax.ShapeDtypeStruct((NSC, NP, D), jnp.bfloat16),
            jax.ShapeDtypeStruct((NSC, NP, CHW), jnp.bfloat16),
        ),
        mesh=mesh,
        scratch_types=[
            pltpu.VMEM_SHARED((NP, CHW), jnp.bfloat16),
            pltpu.VMEM((QE,), jnp.int32),
            pltpu.VMEM((QE,), jnp.int32),
            pltpu.VMEM((NBUF, BB, CHW), jnp.bfloat16),
            pltpu.VMEM((ZR, CHW), jnp.bfloat16),
            [pltpu.SemaphoreType.DMA] * NBUF,
            pltpu.SemaphoreType.DMA,
        ],
        compiler_params=pltpu.CompilerParams(use_tc_tiling_on_sc=False),
    )
    def sc_kernel(xch_hbm, sidx_hbm, didx_hbm, zeros_hbm,
                  agg_hbm, deg_hbm,
                  acc_sh, sidx_vm, didx_vm, rows_vm, zeros_vm,
                  gsems, sem):
        core = lax.axis_index("c")
        sid = lax.axis_index("s")
        row0 = sid * RPT
        pltpu.sync_copy(zeros_hbm, zeros_vm)

        def zero_acc():
            for z in range(RPT // ZR):
                pltpu.sync_copy(zeros_vm,
                                acc_sh.at[pl.ds(row0 + z * ZR, ZR)])

        def gather(g, u):
            return pltpu.async_copy(
                xch_hbm.at[sidx_vm.at[pl.ds(g * BB, BB)]],
                rows_vm.at[u], gsems[u])

        def wait_gather(u):
            pltpu.make_async_copy(
                xch_hbm.at[sidx_vm.at[pl.ds(0, BB)]],
                rows_vm.at[u], gsems[u]).wait()

        def scatter(g, u):
            pltpu.sync_copy(rows_vm.at[u],
                            acc_sh.at[didx_vm.at[pl.ds(g * BB, BB)]],
                            add=True)

        for c in range(NCH):
            zero_acc()
            plsc.subcore_barrier()

            @pl.loop(0, NQ)
            def _quarter(q):
                pltpu.sync_copy(
                    sidx_hbm.at[core, c, sid, pl.ds(q * QE, QE)], sidx_vm)
                pltpu.sync_copy(
                    didx_hbm.at[core, sid, pl.ds(q * QE, QE)], didx_vm)

                for u in range(NBUF):
                    gather(u, u)

                @pl.loop(0, QE // BB, step=NBUF)
                def _blk(g):
                    for u in range(NBUF):
                        wait_gather(u)
                        scatter(g + u, u)

                        @pl.when(g + u + NBUF < QE // BB)
                        def _fire():
                            gather(g + u + NBUF, u)

            plsc.subcore_barrier()
            pltpu.sync_copy(
                acc_sh.at[pl.ds(row0, RPT)],
                agg_hbm.at[core, pl.ds(row0, RPT), pl.ds(c * CHW, CHW)])

        zero_acc()

        @pl.loop(0, BB)
        def _ones(i):
            rows_vm[0, i, pl.ds(0, 32)] = jnp.full((32,), 1.0, jnp.bfloat16)
            rows_vm[0, i, pl.ds(32, 32)] = jnp.full((32,), 1.0, jnp.bfloat16)

        plsc.subcore_barrier()

        @pl.loop(0, NQ)
        def _dquarter(q):
            pltpu.sync_copy(
                didx_hbm.at[core, sid, pl.ds(q * QE, QE)], didx_vm)

            @pl.loop(0, QE // BB)
            def _dblk(g):
                scatter(g, 0)

        plsc.subcore_barrier()
        pltpu.sync_copy(acc_sh.at[pl.ds(row0, RPT)],
                        deg_hbm.at[core, pl.ds(row0, RPT)])

    return sc_kernel(xch, sidx, didx, zeros_in)


BN = 2000


def _tc_body(agg_ref, deg_ref, base_ref, ws_ref, o_ref):
    acc = base_ref[...]
    for r in range(NSC):
        h = agg_ref[r].astype(jnp.float32)
        d = jnp.maximum(deg_ref[r, :, 0:1].astype(jnp.float32), 1.0)
        acc = acc + jnp.dot(h / d, ws_ref[r],
                            preferred_element_type=jnp.float32)
    o_ref[...] = acc


def _tc_combine(agg, deg, base, ws):
    grid = N // BN
    return pl.pallas_call(
        _tc_body,
        grid=(grid,),
        in_specs=[
            pl.BlockSpec((NSC, BN, D), lambda i: (0, i, 0)),
            pl.BlockSpec((NSC, BN, CHW), lambda i: (0, i, 0)),
            pl.BlockSpec((BN, D), lambda i: (i, 0)),
            pl.BlockSpec((NSC, D, D), lambda i: (0, 0, 0)),
        ],
        out_specs=pl.BlockSpec((BN, D), lambda i: (i, 0)),
        out_shape=jax.ShapeDtypeStruct((N, D), jnp.float32),
    )(agg, deg, base, ws)


def _tc_selfloop_body(x_ref, wl_ref, b_ref, o_ref):
    o_ref[...] = jnp.dot(x_ref[...], wl_ref[...],
                         preferred_element_type=jnp.float32) + b_ref[...]


def _tc_selfloop(x, wl, b):
    grid = N // BN
    return pl.pallas_call(
        _tc_selfloop_body,
        grid=(grid,),
        in_specs=[
            pl.BlockSpec((BN, D), lambda i: (i, 0)),
            pl.BlockSpec((D, D), lambda i: (0, 0)),
            pl.BlockSpec((1, D), lambda i: (0, 0)),
        ],
        out_specs=pl.BlockSpec((BN, D), lambda i: (i, 0)),
        out_shape=jax.ShapeDtypeStruct((N, D), jnp.float32),
    )(x, wl, b)


def kernel(x, edge_index_rel0, edge_index_rel1, edge_index_rel2,
           edge_index_rel3, W_rel0, W_rel1, W_rel2, W_rel3, W_loop, b_loop):
    x = x.astype(jnp.float32)
    xp = jnp.pad(x, ((0, NP - N), (0, 0))).astype(jnp.bfloat16)
    xch = xp.reshape(NP, NCH, CHW).transpose(1, 0, 2).reshape(NCH * NP, CHW)

    edges = (edge_index_rel0, edge_index_rel2, edge_index_rel1,
             edge_index_rel3)
    srcs, dsts = [], []
    for ei in edges:
        ei = ei.astype(jnp.int32)
        srcs.append(jnp.pad(ei[0], (0, EPAD - E)))
        dsts.append(jnp.pad(ei[1], (0, EPAD - E), constant_values=DUMMY))
    src_all = jnp.stack(srcs)
    dst_all = jnp.stack(dsts)
    offs = jnp.arange(NCH, dtype=jnp.int32) * NP
    sidx = (src_all[:, None, :] + offs[None, :, None]).reshape(
        2, NSC, NCH, NT, EPT)
    didx = dst_all.reshape(2, NSC, NT, EPT)
    zeros_in = jnp.zeros((ZR, CHW), jnp.bfloat16)

    ws02 = jnp.stack([W_rel0, W_rel2]).astype(jnp.float32)
    ws13 = jnp.stack([W_rel1, W_rel3]).astype(jnp.float32)

    agg0, deg0 = _sc_aggregate(xch, sidx[0], didx[0], zeros_in)
    agg1, deg1 = _sc_aggregate(xch, sidx[1], didx[1], zeros_in)

    y = _tc_selfloop(x, W_loop.astype(jnp.float32),
                     b_loop.astype(jnp.float32).reshape(1, D))
    y = _tc_combine(agg0, deg0, y, ws02)
    y = _tc_combine(agg1, deg1, y, ws13)
    return y

# --- scband reference (transcript-rebuilt; emitter-appended) ---
"""Pipeline reference for scband-rel-graph-conv-layer-2405181685904 (READ-ONLY COPY).

The authoritative reference and input builder live on the scoring server;
editing this copy changes nothing except your own understanding.
"""

import jax, jax.numpy as jnp
import numpy as np

N = 50000
E = 150000
D_IN = 128
D_OUT = 128
R = 4


def setup_inputs(seed: int = 0) -> dict:
    key = jax.random.key(seed)
    ks = jax.random.split(key, 2 + R + R + 2)
    inp = {}
    inp["x"] = jax.random.normal(ks[0], (N, D_IN), dtype=jnp.float32)
    for r in range(R):
        inp[f"edge_index_rel{r}"] = jax.random.randint(ks[1 + r], (2, E), 0, N)
    scale = 1.0 / np.sqrt(D_IN)
    for r in range(R):
        # per-relation projection weight, stored as [in_feat, out_feat]
        inp[f"W_rel{r}"] = jax.random.uniform(ks[1 + R + r], (D_IN, D_OUT), dtype=jnp.float32, minval=-scale, maxval=scale)
    inp["W_loop"] = jax.random.uniform(ks[1 + 2 * R], (D_IN, D_OUT), dtype=jnp.float32, minval=-scale, maxval=scale)
    inp["b_loop"] = jax.random.uniform(ks[2 + 2 * R], (D_OUT,), dtype=jnp.float32, minval=-scale, maxval=scale)
    return inp


def _rel_conv(x, edge_index, W):
    # DGL GraphConv(norm='right', weight=False): aggregate-then-matmul since in_feat == out_feat.
    src = edge_index[0]
    dst = edge_index[1]
    msg = jnp.take(x, src, axis=0)
    agg = jax.ops.segment_sum(msg, dst, num_segments=x.shape[0])
    deg = jax.ops.segment_sum(jnp.ones((edge_index.shape[1],), dtype=x.dtype), dst, num_segments=x.shape[0])
    deg = jnp.clip(deg, 1.0, None)
    h = agg / deg[:, None]
    return h @ W


def reference(x, edge_index_rel0, edge_index_rel1, edge_index_rel2, edge_index_rel3,
              W_rel0, W_rel1, W_rel2, W_rel3, W_loop, b_loop):
    edges = [edge_index_rel0, edge_index_rel1, edge_index_rel2, edge_index_rel3]
    Ws = [W_rel0, W_rel1, W_rel2, W_rel3]
    # HeteroGraphConv default cross-relation aggregation: sum
    h = jnp.zeros((x.shape[0], W_rel0.shape[1]), dtype=x.dtype)
    for ei, W in zip(edges, Ws):
        h = h + _rel_conv(x, ei, W)
    # self-loop linear (nn.Linear with bias)
    h = h + x @ W_loop + b_loop
    # activation=None, dropout=0.0 -> identity
    return h

if __name__ == "__main__":
    import jax
    _d = setup_inputs()
    print(jax.jit(kernel)(*tuple(_d.values())))

</pallas_src>

<mosaic_0001>
#map = affine_map<(d0, d1) -> (0, 0)>
#map1 = affine_map<(d0, d1) -> (0, 0, 0, 0)>
#map2 = affine_map<(d0, d1) -> (0, 0, 0)>
module attributes {stable_mosaic.version = 14 : i64} {
  func.func @sc_kernel(%arg0: i32, %arg1: i32, %arg2: memref<100096x64xbf16, #tpu.memory_space<hbm>>, %arg3: memref<2x2x16x9984xi32, #tpu.memory_space<hbm>>, %arg4: memref<2x16x9984xi32, #tpu.memory_space<hbm>>, %arg5: memref<184x64xbf16, #tpu.memory_space<hbm>>, %arg6: memref<2x50048x128xbf16, #tpu.memory_space<hbm>>, %arg7: memref<2x50048x64xbf16, #tpu.memory_space<hbm>>, %arg8: memref<50048x64xbf16, #tpu.memory_space<vmem_shared>>, %arg9: memref<2496xi32, #tpu.memory_space<vmem>>, %arg10: memref<2496xi32, #tpu.memory_space<vmem>>, %arg11: memref<3x208x64xbf16, #tpu.memory_space<vmem>>, %arg12: memref<184x64xbf16, #tpu.memory_space<vmem>>, %arg13: memref<!tpu.dma_semaphore, #tpu.memory_space<semaphore_mem>>, %arg14: memref<!tpu.dma_semaphore, #tpu.memory_space<semaphore_mem>>, %arg15: memref<!tpu.dma_semaphore, #tpu.memory_space<semaphore_mem>>, %arg16: memref<!tpu.dma_semaphore, #tpu.memory_space<semaphore_mem>>) attributes {dimension_semantics = [#tpu.dimension_semantics<core_parallel>, #tpu.dimension_semantics<subcore_parallel>], iteration_bounds = array<i64: 2, 16>, scalar_prefetch = 0 : i64, scratch_operands = 9 : i64, tpu.core_type = #tpu.core_type<sc_vector_subcore>, window_params = [{transform_indices = #map}, {transform_indices = #map1}, {transform_indices = #map2}, {transform_indices = #map}, {transform_indices = #map2}, {transform_indices = #map2}]} {
    %mul3A = arith.constant 3128 : i32
    %mul3A_0 = arith.muli %arg1, %mul3A : i32
    "tpu.region"() ({
      %run_scoped3A = tpu.sem_alloc : memref<!tpu.dma_semaphore, #tpu.memory_space<semaphore_mem>>
      tpu.enqueue_dma source(%arg5 : memref<184x64xbf16, #tpu.memory_space<hbm>>) target(%arg12 : memref<184x64xbf16, #tpu.memory_space<vmem>>) target_semaphore(%run_scoped3A : memref<!tpu.dma_semaphore, #tpu.memory_space<semaphore_mem>>)
      tpu.wait_dma2 semaphore(%run_scoped3A : memref<!tpu.dma_semaphore, #tpu.memory_space<semaphore_mem>>) src(%arg5 : memref<184x64xbf16, #tpu.memory_space<hbm>>) dst(%arg12 : memref<184x64xbf16, #tpu.memory_space<vmem>>)
      tpu.yield
    }) : () -> ()
    %add3A = arith.constant 0 : i32
    %add3A_1 = arith.addi %mul3A_0, %add3A : i32
    "tpu.region"() ({
      %run_scoped3A = tpu.sem_alloc : memref<!tpu.dma_semaphore, #tpu.memory_space<semaphore_mem>>
      %dma_start3A = arith.constant 0 : i32
      %dma_start3A_126 = tpu.memref_slice %arg8[%add3A_1, %dma_start3A] : memref<50048x64xbf16, #tpu.memory_space<vmem_shared>> -> memref<184x64xbf16, #tpu.memory_space<vmem_shared>>
      %dma_start3A_127 = arith.constant 0 : i32
      %dma_start3A_128 = tpu.memref_slice %arg8[%add3A_1, %dma_start3A_127] : memref<50048x64xbf16, #tpu.memory_space<vmem_shared>> -> memref<184x64xbf16, #tpu.memory_space<vmem_shared>>
      tpu.enqueue_dma source(%arg12 : memref<184x64xbf16, #tpu.memory_space<vmem>>) target(%dma_start3A_128 : memref<184x64xbf16, #tpu.memory_space<vmem_shared>>) target_semaphore(%run_scoped3A : memref<!tpu.dma_semaphore, #tpu.memory_space<semaphore_mem>>)
      %dma_wait3A = arith.constant 0 : i32
      %dma_wait3A_129 = tpu.memref_slice %arg8[%add3A_1, %dma_wait3A] : memref<50048x64xbf16, #tpu.memory_space<vmem_shared>> -> memref<184x64xbf16, #tpu.memory_space<vmem_shared>>
      %dma_wait3A_130 = arith.constant 0 : i32
      %dma_wait3A_131 = tpu.memref_slice %arg8[%add3A_1, %dma_wait3A_130] : memref<50048x64xbf16, #tpu.memory_space<vmem_shared>> -> memref<184x64xbf16, #tpu.memory_space<vmem_shared>>
      tpu.wait_dma2 semaphore(%run_scoped3A : memref<!tpu.dma_semaphore, #tpu.memory_space<semaphore_mem>>) src(%arg12 : memref<184x64xbf16, #tpu.memory_space<vmem>>) dst(%dma_wait3A_131 : memref<184x64xbf16, #tpu.memory_space<vmem_shared>>)
      tpu.yield
    }) : () -> ()
    %add3A_2 = arith.constant 184 : i32
    %add3A_3 = arith.addi %mul3A_0, %add3A_2 : i32
    "tpu.region"() ({
      %run_scoped3A = tpu.sem_alloc : memref<!tpu.dma_semaphore, #tpu.memory_space<semaphore_mem>>
      %dma_start3A = arith.constant 0 : i32
      %dma_start3A_126 = tpu.memref_slice %arg8[%add3A_3, %dma_start3A] : memref<50048x64xbf16, #tpu.memory_space<vmem_shared>> -> memref<184x64xbf16, #tpu.memory_space<vmem_shared>>
      %dma_start3A_127 = arith.constant 0 : i32
      %dma_start3A_128 = tpu.memref_slice %arg8[%add3A_3, %dma_start3A_127] : memref<50048x64xbf16, #tpu.memory_space<vmem_shared>> -> memref<184x64xbf16, #tpu.memory_space<vmem_shared>>
      tpu.enqueue_dma source(%arg12 : memref<184x64xbf16, #tpu.memory_space<vmem>>) target(%dma_start3A_128 : memref<184x64xbf16, #tpu.memory_space<vmem_shared>>) target_semaphore(%run_scoped3A : memref<!tpu.dma_semaphore, #tpu.memory_space<semaphore_mem>>)
      %dma_wait3A = arith.constant 0 : i32
      %dma_wait3A_129 = tpu.memref_slice %arg8[%add3A_3, %dma_wait3A] : memref<50048x64xbf16, #tpu.memory_space<vmem_shared>> -> memref<184x64xbf16, #tpu.memory_space<vmem_shared>>
      %dma_wait3A_130 = arith.constant 0 : i32
      %dma_wait3A_131 = tpu.memref_slice %arg8[%add3A_3, %dma_wait3A_130] : memref<50048x64xbf16, #tpu.memory_space<vmem_shared>> -> memref<184x64xbf16, #tpu.memory_space<vmem_shared>>
      tpu.wait_dma2 semaphore(%run_scoped3A : memref<!tpu.dma_semaphore, #tpu.memory_space<semaphore_mem>>) src(%arg12 : memref<184x64xbf16, #tpu.memory_space<vmem>>) dst(%dma_wait3A_131 : memref<184x64xbf16, #tpu.memory_space<vmem_shared>>)
      tpu.yield
    }) : () -> ()
    %add3A_4 = arith.constant 368 : i32
    %add3A_5 = arith.addi %mul3A_0, %add3A_4 : i32
    "tpu.region"() ({
      %run_scoped3A = tpu.sem_alloc : memref<!tpu.dma_semaphore, #tpu.memory_space<semaphore_mem>>
      %dma_start3A = arith.constant 0 : i32
      %dma_start3A_126 = tpu.memref_slice %arg8[%add3A_5, %dma_start3A] : memref<50048x64xbf16, #tpu.memory_space<vmem_shared>> -> memref<184x64xbf16, #tpu.memory_space<vmem_shared>>
      %dma_start3A_127 = arith.constant 0 : i32
      %dma_start3A_128 = tpu.memref_slice %arg8[%add3A_5, %dma_start3A_127] : memref<50048x64xbf16, #tpu.memory_space<vmem_shared>> -> memref<184x64xbf16, #tpu.memory_space<vmem_shared>>
      tpu.enqueue_dma source(%arg12 : memref<184x64xbf16, #tpu.memory_space<vmem>>) target(%dma_start3A_128 : memref<184x64xbf16, #tpu.memory_space<vmem_shared>>) target_semaphore(%run_scoped3A : memref<!tpu.dma_semaphore, #tpu.memory_space<semaphore_mem>>)
      %dma_wait3A = arith.constant 0 : i32
      %dma_wait3A_129 = tpu.memref_slice %arg8[%add3A_5, %dma_wait3A] : memref<50048x64xbf16, #tpu.memory_space<vmem_shared>> -> memref<184x64xbf16, #tpu.memory_space<vmem_shared>>
      %dma_wait3A_130 = arith.constant 0 : i32
      %dma_wait3A_131 = tpu.memref_slice %arg8[%add3A_5, %dma_wait3A_130] : memref<50048x64xbf16, #tpu.memory_space<vmem_shared>> -> memref<184x64xbf16, #tpu.memory_space<vmem_shared>>
      tpu.wait_dma2 semaphore(%run_scoped3A : memref<!tpu.dma_semaphore, #tpu.memory_space<semaphore_mem>>) src(%arg12 : memref<184x64xbf16, #tpu.memory_space<vmem>>) dst(%dma_wait3A_131 : memref<184x64xbf16, #tpu.memory_space<vmem_shared>>)
      tpu.yield
    }) : () -> ()
    %add3A_6 = arith.constant 552 : i32
    %add3A_7 = arith.addi %mul3A_0, %add3A_6 : i32
    "tpu.region"() ({
      %run_scoped3A = tpu.sem_alloc : memref<!tpu.dma_semaphore, #tpu.memory_space<semaphore_mem>>
      %dma_start3A = arith.constant 0 : i32
      %dma_start3A_126 = tpu.memref_slice %arg8[%add3A_7, %dma_start3A] : memref<50048x64xbf16, #tpu.memory_space<vmem_shared>> -> memref<184x64xbf16, #tpu.memory_space<vmem_shared>>
      %dma_start3A_127 = arith.constant 0 : i32
      %dma_start3A_128 = tpu.memref_slice %arg8[%add3A_7, %dma_start3A_127] : memref<50048x64xbf16, #tpu.memory_space<vmem_shared>> -> memref<184x64xbf16, #tpu.memory_space<vmem_shared>>
      tpu.enqueue_dma source(%arg12 : memref<184x64xbf16, #tpu.memory_space<vmem>>) target(%dma_start3A_128 : memref<184x64xbf16, #tpu.memory_space<vmem_shared>>) target_semaphore(%run_scoped3A : memref<!tpu.dma_semaphore, #tpu.memory_space<semaphore_mem>>)
      %dma_wait3A = arith.constant 0 : i32
      %dma_wait3A_129 = tpu.memref_slice %arg8[%add3A_7, %dma_wait3A] : memref<50048x64xbf16, #tpu.memory_space<vmem_shared>> -> memref<184x64xbf16, #tpu.memory_space<vmem_shared>>
      %dma_wait3A_130 = arith.constant 0 : i32
      %dma_wait3A_131 = tpu.memref_slice %arg8[%add3A_7, %dma_wait3A_130] : memref<50048x64xbf16, #tpu.memory_space<vmem_shared>> -> memref<184x64xbf16, #tpu.memory_space<vmem_shared>>
      tpu.wait_dma2 semaphore(%run_scoped3A : memref<!tpu.dma_semaphore, #tpu.memory_space<semaphore_mem>>) src(%arg12 : memref<184x64xbf16, #tpu.memory_space<vmem>>) dst(%dma_wait3A_131 : memref<184x64xbf16, #tpu.memory_space<vmem_shared>>)
      tpu.yield
    }) : () -> ()
    %add3A_8 = arith.constant 736 : i32
    %add3A_9 = arith.addi %mul3A_0, %add3A_8 : i32
    "tpu.region"() ({
      %run_scoped3A = tpu.sem_alloc : memref<!tpu.dma_semaphore, #tpu.memory_space<semaphore_mem>>
      %dma_start3A = arith.constant 0 : i32
      %dma_start3A_126 = tpu.memref_slice %arg8[%add3A_9, %dma_start3A] : memref<50048x64xbf16, #tpu.memory_space<vmem_shared>> -> memref<184x64xbf16, #tpu.memory_space<vmem_shared>>
      %dma_start3A_127 = arith.constant 0 : i32
      %dma_start3A_128 = tpu.memref_slice %arg8[%add3A_9, %dma_start3A_127] : memref<50048x64xbf16, #tpu.memory_space<vmem_shared>> -> memref<184x64xbf16, #tpu.memory_space<vmem_shared>>
      tpu.enqueue_dma source(%arg12 : memref<184x64xbf16, #tpu.memory_space<vmem>>) target(%dma_start3A_128 : memref<184x64xbf16, #tpu.memory_space<vmem_shared>>) target_semaphore(%run_scoped3A : memref<!tpu.dma_semaphore, #tpu.memory_space<semaphore_mem>>)
      %dma_wait3A = arith.constant 0 : i32
      %dma_wait3A_129 = tpu.memref_slice %arg8[%add3A_9, %dma_wait3A] : memref<50048x64xbf16, #tpu.memory_space<vmem_shared>> -> memref<184x64xbf16, #tpu.memory_space<vmem_shared>>
      %dma_wait3A_130 = arith.constant 0 : i32
      %dma_wait3A_131 = tpu.memref_slice %arg8[%add3A_9, %dma_wait3A_130] : memref<50048x64xbf16, #tpu.memory_space<vmem_shared>> -> memref<184x64xbf16, #tpu.memory_space<vmem_shared>>
      tpu.wait_dma2 semaphore(%run_scoped3A : memref<!tpu.dma_semaphore, #tpu.memory_space<semaphore_mem>>) src(%arg12 : memref<184x64xbf16, #tpu.memory_space<vmem>>) dst(%dma_wait3A_131 : memref<184x64xbf16, #tpu.memory_space<vmem_shared>>)
      tpu.yield
    }) : () -> ()
    %add3A_10 = arith.constant 920 : i32
    %add3A_11 = arith.addi %mul3A_0, %add3A_10 : i32
    "tpu.region"() ({
      %run_scoped3A = tpu.sem_alloc : memref<!tpu.dma_semaphore, #tpu.memory_space<semaphore_mem>>
      %dma_start3A = arith.constant 0 : i32
      %dma_start3A_126 = tpu.memref_slice %arg8[%add3A_11, %dma_start3A] : memref<50048x64xbf16, #tpu.memory_space<vmem_shared>> -> memref<184x64xbf16, #tpu.memory_space<vmem_shared>>
      %dma_start3A_127 = arith.constant 0 : i32
      %dma_start3A_128 = tpu.memref_slice %arg8[%add3A_11, %dma_start3A_127] : memref<50048x64xbf16, #tpu.memory_space<vmem_shared>> -> memref<184x64xbf16, #tpu.memory_space<vmem_shared>>
      tpu.enqueue_dma source(%arg12 : memref<184x64xbf16, #tpu.memory_space<vmem>>) target(%dma_start3A_128 : memref<184x64xbf16, #tpu.memory_space<vmem_shared>>) target_semaphore(%run_scoped3A : memref<!tpu.dma_semaphore, #tpu.memory_space<semaphore_mem>>)
      %dma_wait3A = arith.constant 0 : i32
      %dma_wait3A_129 = tpu.memref_slice %arg8[%add3A_11, %dma_wait3A] : memref<50048x64xbf16, #tpu.memory_space<vmem_shared>> -> memref<184x64xbf16, #tpu.memory_space<vmem_shared>>
      %dma_wait3A_130 = arith.constant 0 : i32
      %dma_wait3A_131 = tpu.memref_slice %arg8[%add3A_11, %dma_wait3A_130] : memref<50048x64xbf16, #tpu.memory_space<vmem_shared>> -> memref<184x64xbf16, #tpu.memory_space<vmem_shared>>
      tpu.wait_dma2 semaphore(%run_scoped3A : memref<!tpu.dma_semaphore, #tpu.memory_space<semaphore_mem>>) src(%arg12 : memref<184x64xbf16, #tpu.memory_space<vmem>>) dst(%dma_wait3A_131 : memref<184x64xbf16, #tpu.memory_space<vmem_shared>>)
      tpu.yield
    }) : () -> ()
    %add3A_12 = arith.constant 1104 : i32
    %add3A_13 = arith.addi %mul3A_0, %add3A_12 : i32
    "tpu.region"() ({
      %run_scoped3A = tpu.sem_alloc : memref<!tpu.dma_semaphore, #tpu.memory_space<semaphore_mem>>
      %dma_start3A = arith.constant 0 : i32
      %dma_start3A_126 = tpu.memref_slice %arg8[%add3A_13, %dma_start3A] : memref<50048x64xbf16, #tpu.memory_space<vmem_shared>> -> memref<184x64xbf16, #tpu.memory_space<vmem_shared>>
      %dma_start3A_127 = arith.constant 0 : i32
      %dma_start3A_128 = tpu.memref_slice %arg8[%add3A_13, %dma_start3A_127] : memref<50048x64xbf16, #tpu.memory_space<vmem_shared>> -> memref<184x64xbf16, #tpu.memory_space<vmem_shared>>
      tpu.enqueue_dma source(%arg12 : memref<184x64xbf16, #tpu.memory_space<vmem>>) target(%dma_start3A_128 : memref<184x64xbf16, #tpu.memory_space<vmem_shared>>) target_semaphore(%run_scoped3A : memref<!tpu.dma_semaphore, #tpu.memory_space<semaphore_mem>>)
      %dma_wait3A = arith.constant 0 : i32
      %dma_wait3A_129 = tpu.memref_slice %arg8[%add3A_13, %dma_wait3A] : memref<50048x64xbf16, #tpu.memory_space<vmem_shared>> -> memref<184x64xbf16, #tpu.memory_space<vmem_shared>>
      %dma_wait3A_130 = arith.constant 0 : i32
      %dma_wait3A_131 = tpu.memref_slice %arg8[%add3A_13, %dma_wait3A_130] : memref<50048x64xbf16, #tpu.memory_space<vmem_shared>> -> memref<184x64xbf16, #tpu.memory_space<vmem_shared>>
      tpu.wait_dma2 semaphore(%run_scoped3A : memref<!tpu.dma_semaphore, #tpu.memory_space<semaphore_mem>>) src(%arg12 : memref<184x64xbf16, #tpu.memory_space<vmem>>) dst(%dma_wait3A_131 : memref<184x64xbf16, #tpu.memory_space<vmem_shared>>)
      tpu.yield
    }) : () -> ()
    %add3A_14 = arith.constant 1288 : i32
    %add3A_15 = arith.addi %mul3A_0, %add3A_14 : i32
    "tpu.region"() ({
      %run_scoped3A = tpu.sem_alloc : memref<!tpu.dma_semaphore, #tpu.memory_space<semaphore_mem>>
      %dma_start3A = arith.constant 0 : i32
      %dma_start3A_126 = tpu.memref_slice %arg8[%add3A_15, %dma_start3A] : memref<50048x64xbf16, #tpu.memory_space<vmem_shared>> -> memref<184x64xbf16, #tpu.memory_space<vmem_shared>>
      %dma_start3A_127 = arith.constant 0 : i32
      %dma_start3A_128 = tpu.memref_slice %arg8[%add3A_15, %dma_start3A_127] : memref<50048x64xbf16, #tpu.memory_space<vmem_shared>> -> memref<184x64xbf16, #tpu.memory_space<vmem_shared>>
      tpu.enqueue_dma source(%arg12 : memref<184x64xbf16, #tpu.memory_space<vmem>>) target(%dma_start3A_128 : memref<184x64xbf16, #tpu.memory_space<vmem_shared>>) target_semaphore(%run_scoped3A : memref<!tpu.dma_semaphore, #tpu.memory_space<semaphore_mem>>)
      %dma_wait3A = arith.constant 0 : i32
      %dma_wait3A_129 = tpu.memref_slice %arg8[%add3A_15, %dma_wait3A] : memref<50048x64xbf16, #tpu.memory_space<vmem_shared>> -> memref<184x64xbf16, #tpu.memory_space<vmem_shared>>
      %dma_wait3A_130 = arith.constant 0 : i32
      %dma_wait3A_131 = tpu.memref_slice %arg8[%add3A_15, %dma_wait3A_130] : memref<50048x64xbf16, #tpu.memory_space<vmem_shared>> -> memref<184x64xbf16, #tpu.memory_space<vmem_shared>>
      tpu.wait_dma2 semaphore(%run_scoped3A : memref<!tpu.dma_semaphore, #tpu.memory_space<semaphore_mem>>) src(%arg12 : memref<184x64xbf16, #tpu.memory_space<vmem>>) dst(%dma_wait3A_131 : memref<184x64xbf16, #tpu.memory_space<vmem_shared>>)
      tpu.yield
    }) : () -> ()
    %add3A_16 = arith.constant 1472 : i32
    %add3A_17 = arith.addi %mul3A_0, %add3A_16 : i32
    "tpu.region"() ({
      %run_scoped3A = tpu.sem_alloc : memref<!tpu.dma_semaphore, #tpu.memory_space<semaphore_mem>>
      %dma_start3A = arith.constant 0 : i32
      %dma_start3A_126 = tpu.memref_slice %arg8[%add3A_17, %dma_start3A] : memref<50048x64xbf16, #tpu.memory_space<vmem_shared>> -> memref<184x64xbf16, #tpu.memory_space<vmem_shared>>
      %dma_start3A_127 = arith.constant 0 : i32
      %dma_start3A_128 = tpu.memref_slice %arg8[%add3A_17, %dma_start3A_127] : memref<50048x64xbf16, #tpu.memory_space<vmem_shared>> -> memref<184x64xbf16, #tpu.memory_space<vmem_shared>>
      tpu.enqueue_dma source(%arg12 : memref<184x64xbf16, #tpu.memory_space<vmem>>) target(%dma_start3A_128 : memref<184x64xbf16, #tpu.memory_space<vmem_shared>>) target_semaphore(%run_scoped3A : memref<!tpu.dma_semaphore, #tpu.memory_space<semaphore_mem>>)
      %dma_wait3A = arith.constant 0 : i32
      %dma_wait3A_129 = tpu.memref_slice %arg8[%add3A_17, %dma_wait3A] : memref<50048x64xbf16, #tpu.memory_space<vmem_shared>> -> memref<184x64xbf16, #tpu.memory_space<vmem_shared>>
      %dma_wait3A_130 = arith.constant 0 : i32
      %dma_wait3A_131 = tpu.memref_slice %arg8[%add3A_17, %dma_wait3A_130] : memref<50048x64xbf16, #tpu.memory_space<vmem_shared>> -> memref<184x64xbf16, #tpu.memory_space<vmem_shared>>
      tpu.wait_dma2 semaphore(%run_scoped3A : memref<!tpu.dma_semaphore, #tpu.memory_space<semaphore_mem>>) src(%arg12 : memref<184x64xbf16, #tpu.memory_space<vmem>>) dst(%dma_wait3A_131 : memref<184x64xbf16, #tpu.memory_space<vmem_shared>>)
      tpu.yield
    }) : () -> ()
    %add3A_18 = arith.constant 1656 : i32
    %add3A_19 = arith.addi %mul3A_0, %add3A_18 : i32
    "tpu.region"() ({
      %run_scoped3A = tpu.sem_alloc : memref<!tpu.dma_semaphore, #tpu.memory_space<semaphore_mem>>
      %dma_start3A = arith.constant 0 : i32
      %dma_start3A_126 = tpu.memref_slice %arg8[%add3A_19, %dma_start3A] : memref<50048x64xbf16, #tpu.memory_space<vmem_shared>> -> memref<184x64xbf16, #tpu.memory_space<vmem_shared>>
      %dma_start3A_127 = arith.constant 0 : i32
      %dma_start3A_128 = tpu.memref_slice %arg8[%add3A_19, %dma_start3A_127] : memref<50048x64xbf16, #tpu.memory_space<vmem_shared>> -> memref<184x64xbf16, #tpu.memory_space<vmem_shared>>
      tpu.enqueue_dma source(%arg12 : memref<184x64xbf16, #tpu.memory_space<vmem>>) target(%dma_start3A_128 : memref<184x64xbf16, #tpu.memory_space<vmem_shared>>) target_semaphore(%run_scoped3A : memref<!tpu.dma_semaphore, #tpu.memory_space<semaphore_mem>>)
      %dma_wait3A = arith.constant 0 : i32
      %dma_wait3A_129 = tpu.memref_slice %arg8[%add3A_19, %dma_wait3A] : memref<50048x64xbf16, #tpu.memory_space<vmem_shared>> -> memref<184x64xbf16, #tpu.memory_space<vmem_shared>>
      %dma_wait3A_130 = arith.constant 0 : i32
      %dma_wait3A_131 = tpu.memref_slice %arg8[%add3A_19, %dma_wait3A_130] : memref<50048x64xbf16, #tpu.memory_space<vmem_shared>> -> memref<184x64xbf16, #tpu.memory_space<vmem_shared>>
      tpu.wait_dma2 semaphore(%run_scoped3A : memref<!tpu.dma_semaphore, #tpu.memory_space<semaphore_mem>>) src(%arg12 : memref<184x64xbf16, #tpu.memory_space<vmem>>) dst(%dma_wait3A_131 : memref<184x64xbf16, #tpu.memory_space<vmem_shared>>)
      tpu.yield
    }) : () -> ()
    %add3A_20 = arith.constant 1840 : i32
    %add3A_21 = arith.addi %mul3A_0, %add3A_20 : i32
    "tpu.region"() ({
      %run_scoped3A = tpu.sem_alloc : memref<!tpu.dma_semaphore, #tpu.memory_space<semaphore_mem>>
      %dma_start3A = arith.constant 0 : i32
      %dma_start3A_126 = tpu.memref_slice %arg8[%add3A_21, %dma_start3A] : memref<50048x64xbf16, #tpu.memory_space<vmem_shared>> -> memref<184x64xbf16, #tpu.memory_space<vmem_shared>>
      %dma_start3A_127 = arith.constant 0 : i32
      %dma_start3A_128 = tpu.memref_slice %arg8[%add3A_21, %dma_start3A_127] : memref<50048x64xbf16, #tpu.memory_space<vmem_shared>> -> memref<184x64xbf16, #tpu.memory_space<vmem_shared>>
      tpu.enqueue_dma source(%arg12 : memref<184x64xbf16, #tpu.memory_space<vmem>>) target(%dma_start3A_128 : memref<184x64xbf16, #tpu.memory_space<vmem_shared>>) target_semaphore(%run_scoped3A : memref<!tpu.dma_semaphore, #tpu.memory_space<semaphore_mem>>)
      %dma_wait3A = arith.constant 0 : i32
      %dma_wait3A_129 = tpu.memref_slice %arg8[%add3A_21, %dma_wait3A] : memref<50048x64xbf16, #tpu.memory_space<vmem_shared>> -> memref<184x64xbf16, #tpu.memory_space<vmem_shared>>
      %dma_wait3A_130 = arith.constant 0 : i32
      %dma_wait3A_131 = tpu.memref_slice %arg8[%add3A_21, %dma_wait3A_130] : memref<50048x64xbf16, #tpu.memory_space<vmem_shared>> -> memref<184x64xbf16, #tpu.memory_space<vmem_shared>>
      tpu.wait_dma2 semaphore(%run_scoped3A : memref<!tpu.dma_semaphore, #tpu.memory_space<semaphore_mem>>) src(%arg12 : memref<184x64xbf16, #tpu.memory_space<vmem>>) dst(%dma_wait3A_131 : memref<184x64xbf16, #tpu.memory_space<vmem_shared>>)
      tpu.yield
    }) : () -> ()
    %add3A_22 = arith.constant 2024 : i32
    %add3A_23 = arith.addi %mul3A_0, %add3A_22 : i32
    "tpu.region"() ({
      %run_scoped3A = tpu.sem_alloc : memref<!tpu.dma_semaphore, #tpu.memory_space<semaphore_mem>>
      %dma_start3A = arith.constant 0 : i32
      %dma_start3A_126 = tpu.memref_slice %arg8[%add3A_23, %dma_start3A] : memref<50048x64xbf16, #tpu.memory_space<vmem_shared>> -> memref<184x64xbf16, #tpu.memory_space<vmem_shared>>
      %dma_start3A_127 = arith.constant 0 : i32
      %dma_start3A_128 = tpu.memref_slice %arg8[%add3A_23, %dma_start3A_127] : memref<50048x64xbf16, #tpu.memory_space<vmem_shared>> -> memref<184x64xbf16, #tpu.memory_space<vmem_shared>>
      tpu.enqueue_dma source(%arg12 : memref<184x64xbf16, #tpu.memory_space<vmem>>) target(%dma_start3A_128 : memref<184x64xbf16, #tpu.memory_space<vmem_shared>>) target_semaphore(%run_scoped3A : memref<!tpu.dma_semaphore, #tpu.memory_space<semaphore_mem>>)
      %dma_wait3A = arith.constant 0 : i32
      %dma_wait3A_129 = tpu.memref_slice %arg8[%add3A_23, %dma_wait3A] : memref<50048x64xbf16, #tpu.memory_space<vmem_shared>> -> memref<184x64xbf16, #tpu.memory_space<vmem_shared>>
      %dma_wait3A_130 = arith.constant 0 : i32
      %dma_wait3A_131 = tpu.memref_slice %arg8[%add3A_23, %dma_wait3A_130] : memref<50048x64xbf16, #tpu.memory_space<vmem_shared>> -> memref<184x64xbf16, #tpu.memory_space<vmem_shared>>
      tpu.wait_dma2 semaphore(%run_scoped3A : memref<!tpu.dma_semaphore, #tpu.memory_space<semaphore_mem>>) src(%arg12 : memref<184x64xbf16, #tpu.memory_space<vmem>>) dst(%dma_wait3A_131 : memref<184x64xbf16, #tpu.memory_space<vmem_shared>>)
      tpu.yield
    }) : () -> ()
    %add3A_24 = arith.constant 2208 : i32
    %add3A_25 = arith.addi %mul3A_0, %add3A_24 : i32
    "tpu.region"() ({
      %run_scoped3A = tpu.sem_alloc : memref<!tpu.dma_semaphore, #tpu.memory_space<semaphore_mem>>
      %dma_start3A = arith.constant 0 : i32
      %dma_start3A_126 = tpu.memref_slice %arg8[%add3A_25, %dma_start3A] : memref<50048x64xbf16, #tpu.memory_space<vmem_shared>> -> memref<184x64xbf16, #tpu.memory_space<vmem_shared>>
      %dma_start3A_127 = arith.constant 0 : i32
      %dma_start3A_128 = tpu.memref_slice %arg8[%add3A_25, %dma_start3A_127] : memref<50048x64xbf16, #tpu.memory_space<vmem_shared>> -> memref<184x64xbf16, #tpu.memory_space<vmem_shared>>
      tpu.enqueue_dma source(%arg12 : memref<184x64xbf16, #tpu.memory_space<vmem>>) target(%dma_start3A_128 : memref<184x64xbf16, #tpu.memory_space<vmem_shared>>) target_semaphore(%run_scoped3A : memref<!tpu.dma_semaphore, #tpu.memory_space<semaphore_mem>>)
      %dma_wait3A = arith.constant 0 : i32
      %dma_wait3A_129 = tpu.memref_slice %arg8[%add3A_25, %dma_wait3A] : memref<50048x64xbf16, #tpu.memory_space<vmem_shared>> -> memref<184x64xbf16, #tpu.memory_space<vmem_shared>>
      %dma_wait3A_130 = arith.constant 0 : i32
      %dma_wait3A_131 = tpu.memref_slice %arg8[%add3A_25, %dma_wait3A_130] : memref<50048x64xbf16, #tpu.memory_space<vmem_shared>> -> memref<184x64xbf16, #tpu.memory_space<vmem_shared>>
      tpu.wait_dma2 semaphore(%run_scoped3A : memref<!tpu.dma_semaphore, #tpu.memory_space<semaphore_mem>>) src(%arg12 : memref<184x64xbf16, #tpu.memory_space<vmem>>) dst(%dma_wait3A_131 : memref<184x64xbf16, #tpu.memory_space<vmem_shared>>)
      tpu.yield
    }) : () -> ()
    %add3A_26 = arith.constant 2392 : i32
    %add3A_27 = arith.addi %mul3A_0, %add3A_26 : i32
    "tpu.region"() ({
      %run_scoped3A = tpu.sem_alloc : memref<!tpu.dma_semaphore, #tpu.memory_space<semaphore_mem>>
      %dma_start3A = arith.constant 0 : i32
      %dma_start3A_126 = tpu.memref_slice %arg8[%add3A_27, %dma_start3A] : memref<50048x64xbf16, #tpu.memory_space<vmem_shared>> -> memref<184x64xbf16, #tpu.memory_space<vmem_shared>>
      %dma_start3A_127 = arith.constant 0 : i32
      %dma_start3A_128 = tpu.memref_slice %arg8[%add3A_27, %dma_start3A_127] : memref<50048x64xbf16, #tpu.memory_space<vmem_shared>> -> memref<184x64xbf16, #tpu.memory_space<vmem_shared>>
      tpu.enqueue_dma source(%arg12 : memref<184x64xbf16, #tpu.memory_space<vmem>>) target(%dma_start3A_128 : memref<184x64xbf16, #tpu.memory_space<vmem_shared>>) target_semaphore(%run_scoped3A : memref<!tpu.dma_semaphore, #tpu.memory_space<semaphore_mem>>)
      %dma_wait3A = arith.constant 0 : i32
      %dma_wait3A_129 = tpu.memref_slice %arg8[%add3A_27, %dma_wait3A] : memref<50048x64xbf16, #tpu.memory_space<vmem_shared>> -> memref<184x64xbf16, #tpu.memory_space<vmem_shared>>
      %dma_wait3A_130 = arith.constant 0 : i32
      %dma_wait3A_131 = tpu.memref_slice %arg8[%add3A_27, %dma_wait3A_130] : memref<50048x64xbf16, #tpu.memory_space<vmem_shared>> -> memref<184x64xbf16, #tpu.memory_space<vmem_shared>>
      tpu.wait_dma2 semaphore(%run_scoped3A : memref<!tpu.dma_semaphore, #tpu.memory_space<semaphore_mem>>) src(%arg12 : memref<184x64xbf16, #tpu.memory_space<vmem>>) dst(%dma_wait3A_131 : memref<184x64xbf16, #tpu.memory_space<vmem_shared>>)
      tpu.yield
    }) : () -> ()
    %add3A_28 = arith.constant 2576 : i32
    %add3A_29 = arith.addi %mul3A_0, %add3A_28 : i32
    "tpu.region"() ({
      %run_scoped3A = tpu.sem_alloc : memref<!tpu.dma_semaphore, #tpu.memory_space<semaphore_mem>>
      %dma_start3A = arith.constant 0 : i32
      %dma_start3A_126 = tpu.memref_slice %arg8[%add3A_29, %dma_start3A] : memref<50048x64xbf16, #tpu.memory_space<vmem_shared>> -> memref<184x64xbf16, #tpu.memory_space<vmem_shared>>
      %dma_start3A_127 = arith.constant 0 : i32
      %dma_start3A_128 = tpu.memref_slice %arg8[%add3A_29, %dma_start3A_127] : memref<50048x64xbf16, #tpu.memory_space<vmem_shared>> -> memref<184x64xbf16, #tpu.memory_space<vmem_shared>>
      tpu.enqueue_dma source(%arg12 : memref<184x64xbf16, #tpu.memory_space<vmem>>) target(%dma_start3A_128 : memref<184x64xbf16, #tpu.memory_space<vmem_shared>>) target_semaphore(%run_scoped3A : memref<!tpu.dma_semaphore, #tpu.memory_space<semaphore_mem>>)
      %dma_wait3A = arith.constant 0 : i32
      %dma_wait3A_129 = tpu.memref_slice %arg8[%add3A_29, %dma_wait3A] : memref<50048x64xbf16, #tpu.memory_space<vmem_shared>> -> memref<184x64xbf16, #tpu.memory_space<vmem_shared>>
      %dma_wait3A_130 = arith.constant 0 : i32
      %dma_wait3A_131 = tpu.memref_slice %arg8[%add3A_29, %dma_wait3A_130] : memref<50048x64xbf16, #tpu.memory_space<vmem_shared>> -> memref<184x64xbf16, #tpu.memory_space<vmem_shared>>
      tpu.wait_dma2 semaphore(%run_scoped3A : memref<!tpu.dma_semaphore, #tpu.memory_space<semaphore_mem>>) src(%arg12 : memref<184x64xbf16, #tpu.memory_space<vmem>>) dst(%dma_wait3A_131 : memref<184x64xbf16, #tpu.memory_space<vmem_shared>>)
      tpu.yield
    }) : () -> ()
    %add3A_30 = arith.constant 2760 : i32
    %add3A_31 = arith.addi %mul3A_0, %add3A_30 : i32
    "tpu.region"() ({
      %run_scoped3A = tpu.sem_alloc : memref<!tpu.dma_semaphore, #tpu.memory_space<semaphore_mem>>
      %dma_start3A = arith.constant 0 : i32
      %dma_start3A_126 = tpu.memref_slice %arg8[%add3A_31, %dma_start3A] : memref<50048x64xbf16, #tpu.memory_space<vmem_shared>> -> memref<184x64xbf16, #tpu.memory_space<vmem_shared>>
      %dma_start3A_127 = arith.constant 0 : i32
      %dma_start3A_128 = tpu.memref_slice %arg8[%add3A_31, %dma_start3A_127] : memref<50048x64xbf16, #tpu.memory_space<vmem_shared>> -> memref<184x64xbf16, #tpu.memory_space<vmem_shared>>
      tpu.enqueue_dma source(%arg12 : memref<184x64xbf16, #tpu.memory_space<vmem>>) target(%dma_start3A_128 : memref<184x64xbf16, #tpu.memory_space<vmem_shared>>) target_semaphore(%run_scoped3A : memref<!tpu.dma_semaphore, #tpu.memory_space<semaphore_mem>>)
      %dma_wait3A = arith.constant 0 : i32
      %dma_wait3A_129 = tpu.memref_slice %arg8[%add3A_31, %dma_wait3A] : memref<50048x64xbf16, #tpu.memory_space<vmem_shared>> -> memref<184x64xbf16, #tpu.memory_space<vmem_shared>>
      %dma_wait3A_130 = arith.constant 0 : i32
      %dma_wait3A_131 = tpu.memref_slice %arg8[%add3A_31, %dma_wait3A_130] : memref<50048x64xbf16, #tpu.memory_space<vmem_shared>> -> memref<184x64xbf16, #tpu.memory_space<vmem_shared>>
      tpu.wait_dma2 semaphore(%run_scoped3A : memref<!tpu.dma_semaphore, #tpu.memory_space<semaphore_mem>>) src(%arg12 : memref<184x64xbf16, #tpu.memory_space<vmem>>) dst(%dma_wait3A_131 : memref<184x64xbf16, #tpu.memory_space<vmem_shared>>)
      tpu.yield
    }) : () -> ()
    %add3A_32 = arith.constant 2944 : i32
    %add3A_33 = arith.addi %mul3A_0, %add3A_32 : i32
    "tpu.region"() ({
      %run_scoped3A = tpu.sem_alloc : memref<!tpu.dma_semaphore, #tpu.memory_space<semaphore_mem>>
      %dma_start3A = arith.constant 0 : i32
      %dma_start3A_126 = tpu.memref_slice %arg8[%add3A_33, %dma_start3A] : memref<50048x64xbf16, #tpu.memory_space<vmem_shared>> -> memref<184x64xbf16, #tpu.memory_space<vmem_shared>>
      %dma_start3A_127 = arith.constant 0 : i32
      %dma_start3A_128 = tpu.memref_slice %arg8[%add3A_33, %dma_start3A_127] : memref<50048x64xbf16, #tpu.memory_space<vmem_shared>> -> memref<184x64xbf16, #tpu.memory_space<vmem_shared>>
      tpu.enqueue_dma source(%arg12 : memref<184x64xbf16, #tpu.memory_space<vmem>>) target(%dma_start3A_128 : memref<184x64xbf16, #tpu.memory_space<vmem_shared>>) target_semaphore(%run_scoped3A : memref<!tpu.dma_semaphore, #tpu.memory_space<semaphore_mem>>)
      %dma_wait3A = arith.constant 0 : i32
      %dma_wait3A_129 = tpu.memref_slice %arg8[%add3A_33, %dma_wait3A] : memref<50048x64xbf16, #tpu.memory_space<vmem_shared>> -> memref<184x64xbf16, #tpu.memory_space<vmem_shared>>
      %dma_wait3A_130 = arith.constant 0 : i32
      %dma_wait3A_131 = tpu.memref_slice %arg8[%add3A_33, %dma_wait3A_130] : memref<50048x64xbf16, #tpu.memory_space<vmem_shared>> -> memref<184x64xbf16, #tpu.memory_space<vmem_shared>>
      tpu.wait_dma2 semaphore(%run_scoped3A : memref<!tpu.dma_semaphore, #tpu.memory_space<semaphore_mem>>) src(%arg12 : memref<184x64xbf16, #tpu.memory_space<vmem>>) dst(%dma_wait3A_131 : memref<184x64xbf16, #tpu.memory_space<vmem_shared>>)
      tpu.yield
    }) : () -> ()
    %barrier3A = arith.constant 0 : index
    tpu.barrier barrier_id(%barrier3A)
    %scan3A = arith.constant 0 : i32
    %scan3A_34 = arith.constant 4 : i32
    %scan3A_35 = arith.addi %scan3A, %scan3A_34 : i32
    %scan3A_36 = arith.constant 1 : i32
    scf.for %scan3A_126 = %scan3A to %scan3A_35 step %scan3A_36  : i32 {
      %mul3A_127 = arith.constant 1 : i32
      %mul3A_128 = arith.muli %scan3A_126, %mul3A_127 : i32
      %add3A_129 = arith.constant 0 : i32
      %add3A_130 = arith.addi %add3A_129, %mul3A_128 : i32
      %mul3A_131 = arith.constant 2496 : i32
      %mul3A_132 = arith.muli %add3A_130, %mul3A_131 : i32
      %run_scoped3A = arith.constant 0 : i32
      "tpu.region"() ({
        %run_scoped3A_169 = tpu.sem_alloc : memref<!tpu.dma_semaphore, #tpu.memory_space<semaphore_mem>>
        %dma_start3A_170 = tpu.memref_slice %arg3[%arg0, %run_scoped3A, %arg1, %mul3A_132] : memref<2x2x16x9984xi32, #tpu.memory_space<hbm>> -> memref<1x1x1x2496xi32, #tpu.memory_space<hbm>>
        %dma_start3A_171 = tpu.memref_squeeze %dma_start3A_170 : memref<1x1x1x2496xi32, #tpu.memory_space<hbm>> -> memref<2496xi32, #tpu.memory_space<hbm>>
        %dma_start3A_172 = tpu.memref_slice %arg3[%arg0, %run_scoped3A, %arg1, %mul3A_132] : memref<2x2x16x9984xi32, #tpu.memory_space<hbm>> -> memref<1x1x1x2496xi32, #tpu.memory_space<hbm>>
        %dma_start3A_173 = tpu.memref_squeeze %dma_start3A_172 : memref<1x1x1x2496xi32, #tpu.memory_space<hbm>> -> memref<2496xi32, #tpu.memory_space<hbm>>
        tpu.enqueue_dma source(%dma_start3A_173 : memref<2496xi32, #tpu.memory_space<hbm>>) target(%arg9 : memref<2496xi32, #tpu.memory_space<vmem>>) target_semaphore(%run_scoped3A_169 : memref<!tpu.dma_semaphore, #tpu.memory_space<semaphore_mem>>)
        %dma_wait3A = tpu.memref_slice %arg3[%arg0, %run_scoped3A, %arg1, %mul3A_132] : memref<2x2x16x9984xi32, #tpu.memory_space<hbm>> -> memref<1x1x1x2496xi32, #tpu.memory_space<hbm>>
        %dma_wait3A_174 = tpu.memref_squeeze %dma_wait3A : memref<1x1x1x2496xi32, #tpu.memory_space<hbm>> -> memref<2496xi32, #tpu.memory_space<hbm>>
        %dma_wait3A_175 = tpu.memref_slice %arg3[%arg0, %run_scoped3A, %arg1, %mul3A_132] : memref<2x2x16x9984xi32, #tpu.memory_space<hbm>> -> memref<1x1x1x2496xi32, #tpu.memory_space<hbm>>
        %dma_wait3A_176 = tpu.memref_squeeze %dma_wait3A_175 : memref<1x1x1x2496xi32, #tpu.memory_space<hbm>> -> memref<2496xi32, #tpu.memory_space<hbm>>
        tpu.wait_dma2 semaphore(%run_scoped3A_169 : memref<!tpu.dma_semaphore, #tpu.memory_space<semaphore_mem>>) src(%dma_wait3A_176 : memref<2496xi32, #tpu.memory_space<hbm>>) dst(%arg9 : memref<2496xi32, #tpu.memory_space<vmem>>)
        tpu.yield
      }) : () -> ()
      %mul3A_133 = arith.constant 2496 : i32
      %mul3A_134 = arith.muli %add3A_130, %mul3A_133 : i32
      "tpu.region"() ({
        %run_scoped3A_169 = tpu.sem_alloc : memref<!tpu.dma_semaphore, #tpu.memory_space<semaphore_mem>>
        %dma_start3A_170 = tpu.memref_slice %arg4[%arg0, %arg1, %mul3A_134] : memref<2x16x9984xi32, #tpu.memory_space<hbm>> -> memref<1x1x2496xi32, #tpu.memory_space<hbm>>
        %dma_start3A_171 = tpu.memref_squeeze %dma_start3A_170 : memref<1x1x2496xi32, #tpu.memory_space<hbm>> -> memref<2496xi32, #tpu.memory_space<hbm>>
        %dma_start3A_172 = tpu.memref_slice %arg4[%arg0, %arg1, %mul3A_134] : memref<2x16x9984xi32, #tpu.memory_space<hbm>> -> memref<1x1x2496xi32, #tpu.memory_space<hbm>>
        %dma_start3A_173 = tpu.memref_squeeze %dma_start3A_172 : memref<1x1x2496xi32, #tpu.memory_space<hbm>> -> memref<2496xi32, #tpu.memory_space<hbm>>
        tpu.enqueue_dma source(%dma_start3A_173 : memref<2496xi32, #tpu.memory_space<hbm>>) target(%arg10 : memref<2496xi32, #tpu.memory_space<vmem>>) target_semaphore(%run_scoped3A_169 : memref<!tpu.dma_semaphore, #tpu.memory_space<semaphore_mem>>)
        %dma_wait3A = tpu.memref_slice %arg4[%arg0, %arg1, %mul3A_134] : memref<2x16x9984xi32, #tpu.memory_space<hbm>> -> memref<1x1x2496xi32, #tpu.memory_space<hbm>>
        %dma_wait3A_174 = tpu.memref_squeeze %dma_wait3A : memref<1x1x2496xi32, #tpu.memory_space<hbm>> -> memref<2496xi32, #tpu.memory_space<hbm>>
        %dma_wait3A_175 = tpu.memref_slice %arg4[%arg0, %arg1, %mul3A_134] : memref<2x16x9984xi32, #tpu.memory_space<hbm>> -> memref<1x1x2496xi32, #tpu.memory_space<hbm>>
        %dma_wait3A_176 = tpu.memref_squeeze %dma_wait3A_175 : memref<1x1x2496xi32, #tpu.memory_space<hbm>> -> memref<2496xi32, #tpu.memory_space<hbm>>
        tpu.wait_dma2 semaphore(%run_scoped3A_169 : memref<!tpu.dma_semaphore, #tpu.memory_space<semaphore_mem>>) src(%dma_wait3A_176 : memref<2496xi32, #tpu.memory_space<hbm>>) dst(%arg10 : memref<2496xi32, #tpu.memory_space<vmem>>)
        tpu.yield
      }) : () -> ()
      %dma_start3A = arith.constant 0 : i32
      %dma_start3A_135 = arith.constant 0 : i32
      %dma_start3A_136 = arith.constant 0 : i32
      %dma_start3A_137 = tpu.memref_slice %arg11[%dma_start3A, %dma_start3A_135, %dma_start3A_136] : memref<3x208x64xbf16, #tpu.memory_space<vmem>> -> memref<1x208x64xbf16, #tpu.memory_space<vmem>>
      %dma_start3A_138 = tpu.memref_squeeze %dma_start3A_137 : memref<1x208x64xbf16, #tpu.memory_space<vmem>> -> memref<208x64xbf16, #tpu.memory_space<vmem>>
      %dma_start3A_139 = arith.constant 0 : i32
      %dma_start3A_140 = tpu.memref_slice %arg9[%dma_start3A_139] : memref<2496xi32, #tpu.memory_space<vmem>> -> memref<208xi32, #tpu.memory_space<vmem>>
      %dma_start3A_141 = arith.constant 0 : i32
      %dma_start3A_142 = arith.constant 0 : i32
      %dma_start3A_143 = tpu.memref_slice %arg2[%dma_start3A_141, %dma_start3A_142] : memref<100096x64xbf16, #tpu.memory_space<hbm>> -> memref<100096x64xbf16, #tpu.memory_space<hbm>>
      tpu.enqueue_indirect_dma source(%dma_start3A_143 : memref<100096x64xbf16, #tpu.memory_space<hbm>>) target(%dma_start3A_138 : memref<208x64xbf16, #tpu.memory_space<vmem>>) offsets(%dma_start3A_140 : memref<208xi32, #tpu.memory_space<vmem>>) semaphore(%arg13 : memref<!tpu.dma_semaphore, #tpu.memory_space<semaphore_mem>>)
      %dma_start3A_144 = arith.constant 1 : i32
      %dma_start3A_145 = arith.constant 0 : i32
      %dma_start3A_146 = arith.constant 0 : i32
      %dma_start3A_147 = tpu.memref_slice %arg11[%dma_start3A_144, %dma_start3A_145, %dma_start3A_146] : memref<3x208x64xbf16, #tpu.memory_space<vmem>> -> memref<1x208x64xbf16, #tpu.memory_space<vmem>>
      %dma_start3A_148 = tpu.memref_squeeze %dma_start3A_147 : memref<1x208x64xbf16, #tpu.memory_space<vmem>> -> memref<208x64xbf16, #tpu.memory_space<vmem>>
      %dma_start3A_149 = arith.constant 208 : i32
      %dma_start3A_150 = tpu.memref_slice %arg9[%dma_start3A_149] : memref<2496xi32, #tpu.memory_space<vmem>> -> memref<208xi32, #tpu.memory_space<vmem>>
      %dma_start3A_151 = arith.constant 0 : i32
      %dma_start3A_152 = arith.constant 0 : i32
      %dma_start3A_153 = tpu.memref_slice %arg2[%dma_start3A_151, %dma_start3A_152] : memref<100096x64xbf16, #tpu.memory_space<hbm>> -> memref<100096x64xbf16, #tpu.memory_space<hbm>>
      tpu.enqueue_indirect_dma source(%dma_start3A_153 : memref<100096x64xbf16, #tpu.memory_space<hbm>>) target(%dma_start3A_148 : memref<208x64xbf16, #tpu.memory_space<vmem>>) offsets(%dma_start3A_150 : memref<208xi32, #tpu.memory_space<vmem>>) semaphore(%arg14 : memref<!tpu.dma_semaphore, #tpu.memory_space<semaphore_mem>>)
      %dma_start3A_154 = arith.constant 2 : i32
      %dma_start3A_155 = arith.constant 0 : i32
      %dma_start3A_156 = arith.constant 0 : i32
      %dma_start3A_157 = tpu.memref_slice %arg11[%dma_start3A_154, %dma_start3A_155, %dma_start3A_156] : memref<3x208x64xbf16, #tpu.memory_space<vmem>> -> memref<1x208x64xbf16, #tpu.memory_space<vmem>>
      %dma_start3A_158 = tpu.memref_squeeze %dma_start3A_157 : memref<1x208x64xbf16, #tpu.memory_space<vmem>> -> memref<208x64xbf16, #tpu.memory_space<vmem>>
      %dma_start3A_159 = arith.constant 416 : i32
      %dma_start3A_160 = tpu.memref_slice %arg9[%dma_start3A_159] : memref<2496xi32, #tpu.memory_space<vmem>> -> memref<208xi32, #tpu.memory_space<vmem>>
      %dma_start3A_161 = arith.constant 0 : i32
      %dma_start3A_162 = arith.constant 0 : i32
      %dma_start3A_163 = tpu.memref_slice %arg2[%dma_start3A_161, %dma_start3A_162] : memref<100096x64xbf16, #tpu.memory_space<hbm>> -> memref<100096x64xbf16, #tpu.memory_space<hbm>>
      tpu.enqueue_indirect_dma source(%dma_start3A_163 : memref<100096x64xbf16, #tpu.memory_space<hbm>>) target(%dma_start3A_158 : memref<208x64xbf16, #tpu.memory_space<vmem>>) offsets(%dma_start3A_160 : memref<208xi32, #tpu.memory_space<vmem>>) semaphore(%arg15 : memref<!tpu.dma_semaphore, #tpu.memory_space<semaphore_mem>>)
      %scan3A_164 = arith.constant 0 : i32
      %scan3A_165 = arith.constant 4 : i32
      %scan3A_166 = arith.addi %scan3A_164, %scan3A_165 : i32
      %scan3A_167 = arith.constant 1 : i32
      scf.for %scan3A_169 = %scan3A_164 to %scan3A_166 step %scan3A_167  : i32 {
        %mul3A_170 = arith.constant 3 : i32
        %mul3A_171 = arith.muli %scan3A_169, %mul3A_170 : i32
        %add3A_172 = arith.constant 0 : i32
        %add3A_173 = arith.addi %add3A_172, %mul3A_171 : i32
        %dma_wait3A = arith.constant 0 : i32
        %dma_wait3A_174 = arith.constant 0 : i32
        %dma_wait3A_175 = arith.constant 0 : i32
        %dma_wait3A_176 = tpu.memref_slice %arg11[%dma_wait3A, %dma_wait3A_174, %dma_wait3A_175] : memref<3x208x64xbf16, #tpu.memory_space<vmem>> -> memref<1x208x64xbf16, #tpu.memory_space<vmem>>
        %dma_wait3A_177 = tpu.memref_squeeze %dma_wait3A_176 : memref<1x208x64xbf16, #tpu.memory_space<vmem>> -> memref<208x64xbf16, #tpu.memory_space<vmem>>
        %dma_wait3A_178 = arith.constant 0 : i32
        %dma_wait3A_179 = tpu.memref_slice %arg9[%dma_wait3A_178] : memref<2496xi32, #tpu.memory_space<vmem>> -> memref<208xi32, #tpu.memory_space<vmem>>
        %dma_wait3A_180 = arith.constant 0 : i32
        %dma_wait3A_181 = arith.constant 0 : i32
        %dma_wait3A_182 = tpu.memref_slice %arg2[%dma_wait3A_180, %dma_wait3A_181] : memref<100096x64xbf16, #tpu.memory_space<hbm>> -> memref<100096x64xbf16, #tpu.memory_space<hbm>>
        tpu.wait_indirect_dma semaphore(%arg13 : memref<!tpu.dma_semaphore, #tpu.memory_space<semaphore_mem>>) src(%dma_wait3A_182 : memref<100096x64xbf16, #tpu.memory_space<hbm>>) dst(%dma_wait3A_177 : memref<208x64xbf16, #tpu.memory_space<vmem>>)
        %add3A_183 = arith.constant 0 : i32
        %add3A_184 = arith.addi %add3A_173, %add3A_183 : i32
        %mul3A_185 = arith.constant 208 : i32
        %mul3A_186 = arith.muli %add3A_184, %mul3A_185 : i32
        %run_scoped3A_187 = arith.constant 0 : i32
        "tpu.region"() ({
          %run_scoped3A_242 = tpu.sem_alloc : memref<!tpu.dma_semaphore, #tpu.memory_space<semaphore_mem>>
          %dma_start3A_243 = arith.constant 0 : i32
          %dma_start3A_244 = arith.constant 0 : i32
          %dma_start3A_245 = tpu.memref_slice %arg11[%run_scoped3A_187, %dma_start3A_243, %dma_start3A_244] : memref<3x208x64xbf16, #tpu.memory_space<vmem>> -> memref<1x208x64xbf16, #tpu.memory_space<vmem>>
          %dma_start3A_246 = tpu.memref_squeeze %dma_start3A_245 : memref<1x208x64xbf16, #tpu.memory_space<vmem>> -> memref<208x64xbf16, #tpu.memory_space<vmem>>
          %dma_start3A_247 = tpu.memref_slice %arg10[%mul3A_186] : memref<2496xi32, #tpu.memory_space<vmem>> -> memref<208xi32, #tpu.memory_space<vmem>>
          %dma_start3A_248 = arith.constant 0 : i32
          %dma_start3A_249 = arith.constant 0 : i32
          %dma_start3A_250 = tpu.memref_slice %arg8[%dma_start3A_248, %dma_start3A_249] : memref<50048x64xbf16, #tpu.memory_space<vmem_shared>> -> memref<50048x64xbf16, #tpu.memory_space<vmem_shared>>
          tpu.enqueue_indirect_dma source(%dma_start3A_246 : memref<208x64xbf16, #tpu.memory_space<vmem>>) target(%dma_start3A_250 : memref<50048x64xbf16, #tpu.memory_space<vmem_shared>>) offsets(%dma_start3A_247 : memref<208xi32, #tpu.memory_space<vmem>>) semaphore(%run_scoped3A_242 : memref<!tpu.dma_semaphore, #tpu.memory_space<semaphore_mem>>) {add = true}
          %dma_wait3A_251 = arith.constant 0 : i32
          %dma_wait3A_252 = arith.constant 0 : i32
          %dma_wait3A_253 = tpu.memref_slice %arg11[%run_scoped3A_187, %dma_wait3A_251, %dma_wait3A_252] : memref<3x208x64xbf16, #tpu.memory_space<vmem>> -> memref<1x208x64xbf16, #tpu.memory_space<vmem>>
          %dma_wait3A_254 = tpu.memref_squeeze %dma_wait3A_253 : memref<1x208x64xbf16, #tpu.memory_space<vmem>> -> memref<208x64xbf16, #tpu.memory_space<vmem>>
          %dma_wait3A_255 = tpu.memref_slice %arg10[%mul3A_186] : memref<2496xi32, #tpu.memory_space<vmem>> -> memref<208xi32, #tpu.memory_space<vmem>>
          %dma_wait3A_256 = arith.constant 0 : i32
          %dma_wait3A_257 = arith.constant 0 : i32
          %dma_wait3A_258 = tpu.memref_slice %arg8[%dma_wait3A_256, %dma_wait3A_257] : memref<50048x64xbf16, #tpu.memory_space<vmem_shared>> -> memref<50048x64xbf16, #tpu.memory_space<vmem_shared>>
          tpu.wait_indirect_dma semaphore(%run_scoped3A_242 : memref<!tpu.dma_semaphore, #tpu.memory_space<semaphore_mem>>) src(%dma_wait3A_254 : memref<208x64xbf16, #tpu.memory_space<vmem>>) dst(%dma_wait3A_258 : memref<50048x64xbf16, #tpu.memory_space<vmem_shared>>)
          tpu.yield
        }) : () -> ()
        %add3A_188 = arith.constant 0 : i32
        %add3A_189 = arith.addi %add3A_173, %add3A_188 : i32
        %add3A_190 = arith.constant 3 : i32
        %add3A_191 = arith.addi %add3A_189, %add3A_190 : i32
        %lt3A = arith.constant 12 : i32
        %lt3A_192 = arith.cmpi slt, %add3A_191, %lt3A : i32
        %convert_element_type3A = arith.extui %lt3A_192 : i1 to i32
        %cond3A = arith.constant 0 : i32
        %cond3A_193 = arith.cmpi ne, %convert_element_type3A, %cond3A : i32
        scf.if %cond3A_193 {
          %add3A_242 = arith.constant 0 : i32
          %add3A_243 = arith.addi %add3A_173, %add3A_242 : i32
          %add3A_244 = arith.constant 3 : i32
          %add3A_245 = arith.addi %add3A_243, %add3A_244 : i32
          %mul3A_246 = arith.constant 208 : i32
          %mul3A_247 = arith.muli %add3A_245, %mul3A_246 : i32
          %dma_start3A_248 = arith.constant 0 : i32
          %dma_start3A_249 = arith.constant 0 : i32
          %dma_start3A_250 = arith.constant 0 : i32
          %dma_start3A_251 = tpu.memref_slice %arg11[%dma_start3A_248, %dma_start3A_249, %dma_start3A_250] : memref<3x208x64xbf16, #tpu.memory_space<vmem>> -> memref<1x208x64xbf16, #tpu.memory_space<vmem>>
          %dma_start3A_252 = tpu.memref_squeeze %dma_start3A_251 : memref<1x208x64xbf16, #tpu.memory_space<vmem>> -> memref<208x64xbf16, #tpu.memory_space<vmem>>
          %dma_start3A_253 = tpu.memref_slice %arg9[%mul3A_247] : memref<2496xi32, #tpu.memory_space<vmem>> -> memref<208xi32, #tpu.memory_space<vmem>>
          %dma_start3A_254 = arith.constant 0 : i32
          %dma_start3A_255 = arith.constant 0 : i32
          %dma_start3A_256 = tpu.memref_slice %arg2[%dma_start3A_254, %dma_start3A_255] : memref<100096x64xbf16, #tpu.memory_space<hbm>> -> memref<100096x64xbf16, #tpu.memory_space<hbm>>
          tpu.enqueue_indirect_dma source(%dma_start3A_256 : memref<100096x64xbf16, #tpu.memory_space<hbm>>) target(%dma_start3A_252 : memref<208x64xbf16, #tpu.memory_space<vmem>>) offsets(%dma_start3A_253 : memref<208xi32, #tpu.memory_space<vmem>>) semaphore(%arg13 : memref<!tpu.dma_semaphore, #tpu.memory_space<semaphore_mem>>)
        } else {
        }
        %dma_wait3A_194 = arith.constant 1 : i32
        %dma_wait3A_195 = arith.constant 0 : i32
        %dma_wait3A_196 = arith.constant 0 : i32
        %dma_wait3A_197 = tpu.memref_slice %arg11[%dma_wait3A_194, %dma_wait3A_195, %dma_wait3A_196] : memref<3x208x64xbf16, #tpu.memory_space<vmem>> -> memref<1x208x64xbf16, #tpu.memory_space<vmem>>
        %dma_wait3A_198 = tpu.memref_squeeze %dma_wait3A_197 : memref<1x208x64xbf16, #tpu.memory_space<vmem>> -> memref<208x64xbf16, #tpu.memory_space<vmem>>
        %dma_wait3A_199 = arith.constant 0 : i32
        %dma_wait3A_200 = tpu.memref_slice %arg9[%dma_wait3A_199] : memref<2496xi32, #tpu.memory_space<vmem>> -> memref<208xi32, #tpu.memory_space<vmem>>
        %dma_wait3A_201 = arith.constant 0 : i32
        %dma_wait3A_202 = arith.constant 0 : i32
        %dma_wait3A_203 = tpu.memref_slice %arg2[%dma_wait3A_201, %dma_wait3A_202] : memref<100096x64xbf16, #tpu.memory_space<hbm>> -> memref<100096x64xbf16, #tpu.memory_space<hbm>>
        tpu.wait_indirect_dma semaphore(%arg14 : memref<!tpu.dma_semaphore, #tpu.memory_space<semaphore_mem>>) src(%dma_wait3A_203 : memref<100096x64xbf16, #tpu.memory_space<hbm>>) dst(%dma_wait3A_198 : memref<208x64xbf16, #tpu.memory_space<vmem>>)
        %add3A_204 = arith.constant 1 : i32
        %add3A_205 = arith.addi %add3A_173, %add3A_204 : i32
        %mul3A_206 = arith.constant 208 : i32
        %mul3A_207 = arith.muli %add3A_205, %mul3A_206 : i32
        %run_scoped3A_208 = arith.constant 1 : i32
        "tpu.region"() ({
          %run_scoped3A_242 = tpu.sem_alloc : memref<!tpu.dma_semaphore, #tpu.memory_space<semaphore_mem>>
          %dma_start3A_243 = arith.constant 0 : i32
          %dma_start3A_244 = arith.constant 0 : i32
          %dma_start3A_245 = tpu.memref_slice %arg11[%run_scoped3A_208, %dma_start3A_243, %dma_start3A_244] : memref<3x208x64xbf16, #tpu.memory_space<vmem>> -> memref<1x208x64xbf16, #tpu.memory_space<vmem>>
          %dma_start3A_246 = tpu.memref_squeeze %dma_start3A_245 : memref<1x208x64xbf16, #tpu.memory_space<vmem>> -> memref<208x64xbf16, #tpu.memory_space<vmem>>
          %dma_start3A_247 = tpu.memref_slice %arg10[%mul3A_207] : memref<2496xi32, #tpu.memory_space<vmem>> -> memref<208xi32, #tpu.memory_space<vmem>>
          %dma_start3A_248 = arith.constant 0 : i32
          %dma_start3A_249 = arith.constant 0 : i32
          %dma_start3A_250 = tpu.memref_slice %arg8[%dma_start3A_248, %dma_start3A_249] : memref<50048x64xbf16, #tpu.memory_space<vmem_shared>> -> memref<50048x64xbf16, #tpu.memory_space<vmem_shared>>
          tpu.enqueue_indirect_dma source(%dma_start3A_246 : memref<208x64xbf16, #tpu.memory_space<vmem>>) target(%dma_start3A_250 : memref<50048x64xbf16, #tpu.memory_space<vmem_shared>>) offsets(%dma_start3A_247 : memref<208xi32, #tpu.memory_space<vmem>>) semaphore(%run_scoped3A_242 : memref<!tpu.dma_semaphore, #tpu.memory_space<semaphore_mem>>) {add = true}
          %dma_wait3A_251 = arith.constant 0 : i32
          %dma_wait3A_252 = arith.constant 0 : i32
          %dma_wait3A_253 = tpu.memref_slice %arg11[%run_scoped3A_208, %dma_wait3A_251, %dma_wait3A_252] : memref<3x208x64xbf16, #tpu.memory_space<vmem>> -> memref<1x208x64xbf16, #tpu.memory_space<vmem>>
          %dma_wait3A_254 = tpu.memref_squeeze %dma_wait3A_253 : memref<1x208x64xbf16, #tpu.memory_space<vmem>> -> memref<208x64xbf16, #tpu.memory_space<vmem>>
          %dma_wait3A_255 = tpu.memref_slice %arg10[%mul3A_207] : memref<2496xi32, #tpu.memory_space<vmem>> -> memref<208xi32, #tpu.memory_space<vmem>>
          %dma_wait3A_256 = arith.constant 0 : i32
          %dma_wait3A_257 = arith.constant 0 : i32
          %dma_wait3A_258 = tpu.memref_slice %arg8[%dma_wait3A_256, %dma_wait3A_257] : memref<50048x64xbf16, #tpu.memory_space<vmem_shared>> -> memref<50048x64xbf16, #tpu.memory_space<vmem_shared>>
          tpu.wait_indirect_dma semaphore(%run_scoped3A_242 : memref<!tpu.dma_semaphore, #tpu.memory_space<semaphore_mem>>) src(%dma_wait3A_254 : memref<208x64xbf16, #tpu.memory_space<vmem>>) dst(%dma_wait3A_258 : memref<50048x64xbf16, #tpu.memory_space<vmem_shared>>)
          tpu.yield
        }) : () -> ()
        %add3A_209 = arith.constant 1 : i32
        %add3A_210 = arith.addi %add3A_173, %add3A_209 : i32
        %add3A_211 = arith.constant 3 : i32
        %add3A_212 = arith.addi %add3A_210, %add3A_211 : i32
        %lt3A_213 = arith.constant 12 : i32
        %lt3A_214 = arith.cmpi slt, %add3A_212, %lt3A_213 : i32
        %convert_element_type3A_215 = arith.extui %lt3A_214 : i1 to i32
        %cond3A_216 = arith.constant 0 : i32
        %cond3A_217 = arith.cmpi ne, %convert_element_type3A_215, %cond3A_216 : i32
        scf.if %cond3A_217 {
          %add3A_242 = arith.constant 1 : i32
          %add3A_243 = arith.addi %add3A_173, %add3A_242 : i32
          %add3A_244 = arith.constant 3 : i32
          %add3A_245 = arith.addi %add3A_243, %add3A_244 : i32
          %mul3A_246 = arith.constant 208 : i32
          %mul3A_247 = arith.muli %add3A_245, %mul3A_246 : i32
          %dma_start3A_248 = arith.constant 1 : i32
          %dma_start3A_249 = arith.constant 0 : i32
          %dma_start3A_250 = arith.constant 0 : i32
          %dma_start3A_251 = tpu.memref_slice %arg11[%dma_start3A_248, %dma_start3A_249, %dma_start3A_250] : memref<3x208x64xbf16, #tpu.memory_space<vmem>> -> memref<1x208x64xbf16, #tpu.memory_space<vmem>>
          %dma_start3A_252 = tpu.memref_squeeze %dma_start3A_251 : memref<1x208x64xbf16, #tpu.memory_space<vmem>> -> memref<208x64xbf16, #tpu.memory_space<vmem>>
          %dma_start3A_253 = tpu.memref_slice %arg9[%mul3A_247] : memref<2496xi32, #tpu.memory_space<vmem>> -> memref<208xi32, #tpu.memory_space<vmem>>
          %dma_start3A_254 = arith.constant 0 : i32
          %dma_start3A_255 = arith.constant 0 : i32
          %dma_start3A_256 = tpu.memref_slice %arg2[%dma_start3A_254, %dma_start3A_255] : memref<100096x64xbf16, #tpu.memory_space<hbm>> -> memref<100096x64xbf16, #tpu.memory_space<hbm>>
          tpu.enqueue_indirect_dma source(%dma_start3A_256 : memref<100096x64xbf16, #tpu.memory_space<hbm>>) target(%dma_start3A_252 : memref<208x64xbf16, #tpu.memory_space<vmem>>) offsets(%dma_start3A_253 : memref<208xi32, #tpu.memory_space<vmem>>) semaphore(%arg14 : memref<!tpu.dma_semaphore, #tpu.memory_space<semaphore_mem>>)
        } else {
        }
        %dma_wait3A_218 = arith.constant 2 : i32
        %dma_wait3A_219 = arith.constant 0 : i32
        %dma_wait3A_220 = arith.constant 0 : i32
        %dma_wait3A_221 = tpu.memref_slice %arg11[%dma_wait3A_218, %dma_wait3A_219, %dma_wait3A_220] : memref<3x208x64xbf16, #tpu.memory_space<vmem>> -> memref<1x208x64xbf16, #tpu.memory_space<vmem>>
        %dma_wait3A_222 = tpu.memref_squeeze %dma_wait3A_221 : memref<1x208x64xbf16, #tpu.memory_space<vmem>> -> memref<208x64xbf16, #tpu.memory_space<vmem>>
        %dma_wait3A_223 = arith.constant 0 : i32
        %dma_wait3A_224 = tpu.memref_slice %arg9[%dma_wait3A_223] : memref<2496xi32, #tpu.memory_space<vmem>> -> memref<208xi32, #tpu.memory_space<vmem>>
        %dma_wait3A_225 = arith.constant 0 : i32
        %dma_wait3A_226 = arith.constant 0 : i32
        %dma_wait3A_227 = tpu.memref_slice %arg2[%dma_wait3A_225, %dma_wait3A_226] : memref<100096x64xbf16, #tpu.memory_space<hbm>> -> memref<100096x64xbf16, #tpu.memory_space<hbm>>
        tpu.wait_indirect_dma semaphore(%arg15 : memref<!tpu.dma_semaphore, #tpu.memory_space<semaphore_mem>>) src(%dma_wait3A_227 : memref<100096x64xbf16, #tpu.memory_space<hbm>>) dst(%dma_wait3A_222 : memref<208x64xbf16, #tpu.memory_space<vmem>>)
        %add3A_228 = arith.constant 2 : i32
        %add3A_229 = arith.addi %add3A_173, %add3A_228 : i32
        %mul3A_230 = arith.constant 208 : i32
        %mul3A_231 = arith.muli %add3A_229, %mul3A_230 : i32
        %run_scoped3A_232 = arith.constant 2 : i32
        "tpu.region"() ({
          %run_scoped3A_242 = tpu.sem_alloc : memref<!tpu.dma_semaphore, #tpu.memory_space<semaphore_mem>>
          %dma_start3A_243 = arith.constant 0 : i32
          %dma_start3A_244 = arith.constant 0 : i32
          %dma_start3A_245 = tpu.memref_slice %arg11[%run_scoped3A_232, %dma_start3A_243, %dma_start3A_244] : memref<3x208x64xbf16, #tpu.memory_space<vmem>> -> memref<1x208x64xbf16, #tpu.memory_space<vmem>>
          %dma_start3A_246 = tpu.memref_squeeze %dma_start3A_245 : memref<1x208x64xbf16, #tpu.memory_space<vmem>> -> memref<208x64xbf16, #tpu.memory_space<vmem>>
          %dma_start3A_247 = tpu.memref_slice %arg10[%mul3A_231] : memref<2496xi32, #tpu.memory_space<vmem>> -> memref<208xi32, #tpu.memory_space<vmem>>
          %dma_start3A_248 = arith.constant 0 : i32
          %dma_start3A_249 = arith.constant 0 : i32
          %dma_start3A_250 = tpu.memref_slice %arg8[%dma_start3A_248, %dma_start3A_249] : memref<50048x64xbf16, #tpu.memory_space<vmem_shared>> -> memref<50048x64xbf16, #tpu.memory_space<vmem_shared>>
          tpu.enqueue_indirect_dma source(%dma_start3A_246 : memref<208x64xbf16, #tpu.memory_space<vmem>>) target(%dma_start3A_250 : memref<50048x64xbf16, #tpu.memory_space<vmem_shared>>) offsets(%dma_start3A_247 : memref<208xi32, #tpu.memory_space<vmem>>) semaphore(%run_scoped3A_242 : memref<!tpu.dma_semaphore, #tpu.memory_space<semaphore_mem>>) {add = true}
          %dma_wait3A_251 = arith.constant 0 : i32
          %dma_wait3A_252 = arith.constant 0 : i32
          %dma_wait3A_253 = tpu.memref_slice %arg11[%run_scoped3A_232, %dma_wait3A_251, %dma_wait3A_252] : memref<3x208x64xbf16, #tpu.memory_space<vmem>> -> memref<1x208x64xbf16, #tpu.memory_space<vmem>>
          %dma_wait3A_254 = tpu.memref_squeeze %dma_wait3A_253 : memref<1x208x64xbf16, #tpu.memory_space<vmem>> -> memref<208x64xbf16, #tpu.memory_space<vmem>>
          %dma_wait3A_255 = tpu.memref_slice %arg10[%mul3A_231] : memref<2496xi32, #tpu.memory_space<vmem>> -> memref<208xi32, #tpu.memory_space<vmem>>
          %dma_wait3A_256 = arith.constant 0 : i32
          %dma_wait3A_257 = arith.constant 0 : i32
          %dma_wait3A_258 = tpu.memref_slice %arg8[%dma_wait3A_256, %dma_wait3A_257] : memref<50048x64xbf16, #tpu.memory_space<vmem_shared>> -> memref<50048x64xbf16, #tpu.memory_space<vmem_shared>>
          tpu.wait_indirect_dma semaphore(%run_scoped3A_242 : memref<!tpu.dma_semaphore, #tpu.memory_space<semaphore_mem>>) src(%dma_wait3A_254 : memref<208x64xbf16, #tpu.memory_space<vmem>>) dst(%dma_wait3A_258 : memref<50048x64xbf16, #tpu.memory_space<vmem_shared>>)
          tpu.yield
        }) : () -> ()
        %add3A_233 = arith.constant 2 : i32
        %add3A_234 = arith.addi %add3A_173, %add3A_233 : i32
        %add3A_235 = arith.constant 3 : i32
        %add3A_236 = arith.addi %add3A_234, %add3A_235 : i32
        %lt3A_237 = arith.constant 12 : i32
        %lt3A_238 = arith.cmpi slt, %add3A_236, %lt3A_237 : i32
        %convert_element_type3A_239 = arith.extui %lt3A_238 : i1 to i32
        %cond3A_240 = arith.constant 0 : i32
        %cond3A_241 = arith.cmpi ne, %convert_element_type3A_239, %cond3A_240 : i32
        scf.if %cond3A_241 {
          %add3A_242 = arith.constant 2 : i32
          %add3A_243 = arith.addi %add3A_173, %add3A_242 : i32
          %add3A_244 = arith.constant 3 : i32
          %add3A_245 = arith.addi %add3A_243, %add3A_244 : i32
          %mul3A_246 = arith.constant 208 : i32
          %mul3A_247 = arith.muli %add3A_245, %mul3A_246 : i32
          %dma_start3A_248 = arith.constant 2 : i32
          %dma_start3A_249 = arith.constant 0 : i32
          %dma_start3A_250 = arith.constant 0 : i32
          %dma_start3A_251 = tpu.memref_slice %arg11[%dma_start3A_248, %dma_start3A_249, %dma_start3A_250] : memref<3x208x64xbf16, #tpu.memory_space<vmem>> -> memref<1x208x64xbf16, #tpu.memory_space<vmem>>
          %dma_start3A_252 = tpu.memref_squeeze %dma_start3A_251 : memref<1x208x64xbf16, #tpu.memory_space<vmem>> -> memref<208x64xbf16, #tpu.memory_space<vmem>>
          %dma_start3A_253 = tpu.memref_slice %arg9[%mul3A_247] : memref<2496xi32, #tpu.memory_space<vmem>> -> memref<208xi32, #tpu.memory_space<vmem>>
          %dma_start3A_254 = arith.constant 0 : i32
          %dma_start3A_255 = arith.constant 0 : i32
          %dma_start3A_256 = tpu.memref_slice %arg2[%dma_start3A_254, %dma_start3A_255] : memref<100096x64xbf16, #tpu.memory_space<hbm>> -> memref<100096x64xbf16, #tpu.memory_space<hbm>>
          tpu.enqueue_indirect_dma source(%dma_start3A_256 : memref<100096x64xbf16, #tpu.memory_space<hbm>>) target(%dma_start3A_252 : memref<208x64xbf16, #tpu.memory_space<vmem>>) offsets(%dma_start3A_253 : memref<208xi32, #tpu.memory_space<vmem>>) semaphore(%arg15 : memref<!tpu.dma_semaphore, #tpu.memory_space<semaphore_mem>>)
        } else {
        }
      }
      %scan3A_168 = arith.constant 4 : i32
    }
    %scan3A_37 = arith.constant 4 : i32
    %barrier3A_38 = arith.constant 0 : index
    tpu.barrier barrier_id(%barrier3A_38)
    "tpu.region"() ({
      %run_scoped3A = tpu.sem_alloc : memref<!tpu.dma_semaphore, #tpu.memory_space<semaphore_mem>>
      %dma_start3A = arith.constant 0 : i32
      %dma_start3A_126 = tpu.memref_slice %arg6[%arg0, %mul3A_0, %dma_start3A] : memref<2x50048x128xbf16, #tpu.memory_space<hbm>> -> memref<1x3128x64xbf16, #tpu.memory_space<hbm>>
      %dma_start3A_127 = tpu.memref_squeeze %dma_start3A_126 : memref<1x3128x64xbf16, #tpu.memory_space<hbm>> -> memref<3128x64xbf16, #tpu.memory_space<hbm>>
      %dma_start3A_128 = arith.constant 0 : i32
      %dma_start3A_129 = tpu.memref_slice %arg8[%mul3A_0, %dma_start3A_128] : memref<50048x64xbf16, #tpu.memory_space<vmem_shared>> -> memref<3128x64xbf16, #tpu.memory_space<vmem_shared>>
      tpu.enqueue_dma source(%dma_start3A_129 : memref<3128x64xbf16, #tpu.memory_space<vmem_shared>>) target(%dma_start3A_127 : memref<3128x64xbf16, #tpu.memory_space<hbm>>) target_semaphore(%run_scoped3A : memref<!tpu.dma_semaphore, #tpu.memory_space<semaphore_mem>>)
      %dma_wait3A = arith.constant 0 : i32
      %dma_wait3A_130 = tpu.memref_slice %arg6[%arg0, %mul3A_0, %dma_wait3A] : memref<2x50048x128xbf16, #tpu.memory_space<hbm>> -> memref<1x3128x64xbf16, #tpu.memory_space<hbm>>
      %dma_wait3A_131 = tpu.memref_squeeze %dma_wait3A_130 : memref<1x3128x64xbf16, #tpu.memory_space<hbm>> -> memref<3128x64xbf16, #tpu.memory_space<hbm>>
      %dma_wait3A_132 = arith.constant 0 : i32
      %dma_wait3A_133 = tpu.memref_slice %arg8[%mul3A_0, %dma_wait3A_132] : memref<50048x64xbf16, #tpu.memory_space<vmem_shared>> -> memref<3128x64xbf16, #tpu.memory_space<vmem_shared>>
      tpu.wait_dma2 semaphore(%run_scoped3A : memref<!tpu.dma_semaphore, #tpu.memory_space<semaphore_mem>>) src(%dma_wait3A_133 : memref<3128x64xbf16, #tpu.memory_space<vmem_shared>>) dst(%dma_wait3A_131 : memref<3128x64xbf16, #tpu.memory_space<hbm>>)
      tpu.yield
    }) : () -> ()
    %add3A_39 = arith.constant 0 : i32
    %add3A_40 = arith.addi %mul3A_0, %add3A_39 : i32
    "tpu.region"() ({
      %run_scoped3A = tpu.sem_alloc : memref<!tpu.dma_semaphore, #tpu.memory_space<semaphore_mem>>
      %dma_start3A = arith.constant 0 : i32
      %dma_start3A_126 = tpu.memref_slice %arg8[%add3A_40, %dma_start3A] : memref<50048x64xbf16, #tpu.memory_space<vmem_shared>> -> memref<184x64xbf16, #tpu.memory_space<vmem_shared>>
      %dma_start3A_127 = arith.constant 0 : i32
      %dma_start3A_128 = tpu.memref_slice %arg8[%add3A_40, %dma_start3A_127] : memref<50048x64xbf16, #tpu.memory_space<vmem_shared>> -> memref<184x64xbf16, #tpu.memory_space<vmem_shared>>
      tpu.enqueue_dma source(%arg12 : memref<184x64xbf16, #tpu.memory_space<vmem>>) target(%dma_start3A_128 : memref<184x64xbf16, #tpu.memory_space<vmem_shared>>) target_semaphore(%run_scoped3A : memref<!tpu.dma_semaphore, #tpu.memory_space<semaphore_mem>>)
      %dma_wait3A = arith.constant 0 : i32
      %dma_wait3A_129 = tpu.memref_slice %arg8[%add3A_40, %dma_wait3A] : memref<50048x64xbf16, #tpu.memory_space<vmem_shared>> -> memref<184x64xbf16, #tpu.memory_space<vmem_shared>>
      %dma_wait3A_130 = arith.constant 0 : i32
      %dma_wait3A_131 = tpu.memref_slice %arg8[%add3A_40, %dma_wait3A_130] : memref<50048x64xbf16, #tpu.memory_space<vmem_shared>> -> memref<184x64xbf16, #tpu.memory_space<vmem_shared>>
      tpu.wait_dma2 semaphore(%run_scoped3A : memref<!tpu.dma_semaphore, #tpu.memory_space<semaphore_mem>>) src(%arg12 : memref<184x64xbf16, #tpu.memory_space<vmem>>) dst(%dma_wait3A_131 : memref<184x64xbf16, #tpu.memory_space<vmem_shared>>)
      tpu.yield
    }) : () -> ()
    %add3A_41 = arith.constant 184 : i32
    %add3A_42 = arith.addi %mul3A_0, %add3A_41 : i32
    "tpu.region"() ({
      %run_scoped3A = tpu.sem_alloc : memref<!tpu.dma_semaphore, #tpu.memory_space<semaphore_mem>>
      %dma_start3A = arith.constant 0 : i32
      %dma_start3A_126 = tpu.memref_slice %arg8[%add3A_42, %dma_start3A] : memref<50048x64xbf16, #tpu.memory_space<vmem_shared>> -> memref<184x64xbf16, #tpu.memory_space<vmem_shared>>
      %dma_start3A_127 = arith.constant 0 : i32
      %dma_start3A_128 = tpu.memref_slice %arg8[%add3A_42, %dma_start3A_127] : memref<50048x64xbf16, #tpu.memory_space<vmem_shared>> -> memref<184x64xbf16, #tpu.memory_space<vmem_shared>>
      tpu.enqueue_dma source(%arg12 : memref<184x64xbf16, #tpu.memory_space<vmem>>) target(%dma_start3A_128 : memref<184x64xbf16, #tpu.memory_space<vmem_shared>>) target_semaphore(%run_scoped3A : memref<!tpu.dma_semaphore, #tpu.memory_space<semaphore_mem>>)
      %dma_wait3A = arith.constant 0 : i32
      %dma_wait3A_129 = tpu.memref_slice %arg8[%add3A_42, %dma_wait3A] : memref<50048x64xbf16, #tpu.memory_space<vmem_shared>> -> memref<184x64xbf16, #tpu.memory_space<vmem_shared>>
      %dma_wait3A_130 = arith.constant 0 : i32
      %dma_wait3A_131 = tpu.memref_slice %arg8[%add3A_42, %dma_wait3A_130] : memref<50048x64xbf16, #tpu.memory_space<vmem_shared>> -> memref<184x64xbf16, #tpu.memory_space<vmem_shared>>
      tpu.wait_dma2 semaphore(%run_scoped3A : memref<!tpu.dma_semaphore, #tpu.memory_space<semaphore_mem>>) src(%arg12 : memref<184x64xbf16, #tpu.memory_space<vmem>>) dst(%dma_wait3A_131 : memref<184x64xbf16, #tpu.memory_space<vmem_shared>>)
      tpu.yield
    }) : () -> ()
    %add3A_43 = arith.constant 368 : i32
    %add3A_44 = arith.addi %mul3A_0, %add3A_43 : i32
    "tpu.region"() ({
      %run_scoped3A = tpu.sem_alloc : memref<!tpu.dma_semaphore, #tpu.memory_space<semaphore_mem>>
      %dma_start3A = arith.constant 0 : i32
      %dma_start3A_126 = tpu.memref_slice %arg8[%add3A_44, %dma_start3A] : memref<50048x64xbf16, #tpu.memory_space<vmem_shared>> -> memref<184x64xbf16, #tpu.memory_space<vmem_shared>>
      %dma_start3A_127 = arith.constant 0 : i32
      %dma_start3A_128 = tpu.memref_slice %arg8[%add3A_44, %dma_start3A_127] : memref<50048x64xbf16, #tpu.memory_space<vmem_shared>> -> memref<184x64xbf16, #tpu.memory_space<vmem_shared>>
      tpu.enqueue_dma source(%arg12 : memref<184x64xbf16, #tpu.memory_space<vmem>>) target(%dma_start3A_128 : memref<184x64xbf16, #tpu.memory_space<vmem_shared>>) target_semaphore(%run_scoped3A : memref<!tpu.dma_semaphore, #tpu.memory_space<semaphore_mem>>)
      %dma_wait3A = arith.constant 0 : i32
      %dma_wait3A_129 = tpu.memref_slice %arg8[%add3A_44, %dma_wait3A] : memref<50048x64xbf16, #tpu.memory_space<vmem_shared>> -> memref<184x64xbf16, #tpu.memory_space<vmem_shared>>
      %dma_wait3A_130 = arith.constant 0 : i32
      %dma_wait3A_131 = tpu.memref_slice %arg8[%add3A_44, %dma_wait3A_130] : memref<50048x64xbf16, #tpu.memory_space<vmem_shared>> -> memref<184x64xbf16, #tpu.memory_space<vmem_shared>>
      tpu.wait_dma2 semaphore(%run_scoped3A : memref<!tpu.dma_semaphore, #tpu.memory_space<semaphore_mem>>) src(%arg12 : memref<184x64xbf16, #tpu.memory_space<vmem>>) dst(%dma_wait3A_131 : memref<184x64xbf16, #tpu.memory_space<vmem_shared>>)
      tpu.yield
    }) : () -> ()
    %add3A_45 = arith.constant 552 : i32
    %add3A_46 = arith.addi %mul3A_0, %add3A_45 : i32
    "tpu.region"() ({
      %run_scoped3A = tpu.sem_alloc : memref<!tpu.dma_semaphore, #tpu.memory_space<semaphore_mem>>
      %dma_start3A = arith.constant 0 : i32
      %dma_start3A_126 = tpu.memref_slice %arg8[%add3A_46, %dma_start3A] : memref<50048x64xbf16, #tpu.memory_space<vmem_shared>> -> memref<184x64xbf16, #tpu.memory_space<vmem_shared>>
      %dma_start3A_127 = arith.constant 0 : i32
      %dma_start3A_128 = tpu.memref_slice %arg8[%add3A_46, %dma_start3A_127] : memref<50048x64xbf16, #tpu.memory_space<vmem_shared>> -> memref<184x64xbf16, #tpu.memory_space<vmem_shared>>
      tpu.enqueue_dma source(%arg12 : memref<184x64xbf16, #tpu.memory_space<vmem>>) target(%dma_start3A_128 : memref<184x64xbf16, #tpu.memory_space<vmem_shared>>) target_semaphore(%run_scoped3A : memref<!tpu.dma_semaphore, #tpu.memory_space<semaphore_mem>>)
      %dma_wait3A = arith.constant 0 : i32
      %dma_wait3A_129 = tpu.memref_slice %arg8[%add3A_46, %dma_wait3A] : memref<50048x64xbf16, #tpu.memory_space<vmem_shared>> -> memref<184x64xbf16, #tpu.memory_space<vmem_shared>>
      %dma_wait3A_130 = arith.constant 0 : i32
      %dma_wait3A_131 = tpu.memref_slice %arg8[%add3A_46, %dma_wait3A_130] : memref<50048x64xbf16, #tpu.memory_space<vmem_shared>> -> memref<184x64xbf16, #tpu.memory_space<vmem_shared>>
      tpu.wait_dma2 semaphore(%run_scoped3A : memref<!tpu.dma_semaphore, #tpu.memory_space<semaphore_mem>>) src(%arg12 : memref<184x64xbf16, #tpu.memory_space<vmem>>) dst(%dma_wait3A_131 : memref<184x64xbf16, #tpu.memory_space<vmem_shared>>)
      tpu.yield
    }) : () -> ()
    %add3A_47 = arith.constant 736 : i32
    %add3A_48 = arith.addi %mul3A_0, %add3A_47 : i32
    "tpu.region"() ({
      %run_scoped3A = tpu.sem_alloc : memref<!tpu.dma_semaphore, #tpu.memory_space<semaphore_mem>>
      %dma_start3A = arith.constant 0 : i32
      %dma_start3A_126 = tpu.memref_slice %arg8[%add3A_48, %dma_start3A] : memref<50048x64xbf16, #tpu.memory_space<vmem_shared>> -> memref<184x64xbf16, #tpu.memory_space<vmem_shared>>
      %dma_start3A_127 = arith.constant 0 : i32
      %dma_start3A_128 = tpu.memref_slice %arg8[%add3A_48, %dma_start3A_127] : memref<50048x64xbf16, #tpu.memory_space<vmem_shared>> -> memref<184x64xbf16, #tpu.memory_space<vmem_shared>>
      tpu.enqueue_dma source(%arg12 : memref<184x64xbf16, #tpu.memory_space<vmem>>) target(%dma_start3A_128 : memref<184x64xbf16, #tpu.memory_space<vmem_shared>>) target_semaphore(%run_scoped3A : memref<!tpu.dma_semaphore, #tpu.memory_space<semaphore_mem>>)
      %dma_wait3A = arith.constant 0 : i32
      %dma_wait3A_129 = tpu.memref_slice %arg8[%add3A_48, %dma_wait3A] : memref<50048x64xbf16, #tpu.memory_space<vmem_shared>> -> memref<184x64xbf16, #tpu.memory_space<vmem_shared>>
      %dma_wait3A_130 = arith.constant 0 : i32
      %dma_wait3A_131 = tpu.memref_slice %arg8[%add3A_48, %dma_wait3A_130] : memref<50048x64xbf16, #tpu.memory_space<vmem_shared>> -> memref<184x64xbf16, #tpu.memory_space<vmem_shared>>
      tpu.wait_dma2 semaphore(%run_scoped3A : memref<!tpu.dma_semaphore, #tpu.memory_space<semaphore_mem>>) src(%arg12 : memref<184x64xbf16, #tpu.memory_space<vmem>>) dst(%dma_wait3A_131 : memref<184x64xbf16, #tpu.memory_space<vmem_shared>>)
      tpu.yield
    }) : () -> ()
    %add3A_49 = arith.constant 920 : i32
    %add3A_50 = arith.addi %mul3A_0, %add3A_49 : i32
    "tpu.region"() ({
      %run_scoped3A = tpu.sem_alloc : memref<!tpu.dma_semaphore, #tpu.memory_space<semaphore_mem>>
      %dma_start3A = arith.constant 0 : i32
      %dma_start3A_126 = tpu.memref_slice %arg8[%add3A_50, %dma_start3A] : memref<50048x64xbf16, #tpu.memory_space<vmem_shared>> -> memref<184x64xbf16, #tpu.memory_space<vmem_shared>>
      %dma_start3A_127 = arith.constant 0 : i32
      %dma_start3A_128 = tpu.memref_slice %arg8[%add3A_50, %dma_start3A_127] : memref<50048x64xbf16, #tpu.memory_space<vmem_shared>> -> memref<184x64xbf16, #tpu.memory_space<vmem_shared>>
      tpu.enqueue_dma source(%arg12 : memref<184x64xbf16, #tpu.memory_space<vmem>>) target(%dma_start3A_128 : memref<184x64xbf16, #tpu.memory_space<vmem_shared>>) target_semaphore(%run_scoped3A : memref<!tpu.dma_semaphore, #tpu.memory_space<semaphore_mem>>)
      %dma_wait3A = arith.constant 0 : i32
      %dma_wait3A_129 = tpu.memref_slice %arg8[%add3A_50, %dma_wait3A] : memref<50048x64xbf16, #tpu.memory_space<vmem_shared>> -> memref<184x64xbf16, #tpu.memory_space<vmem_shared>>
      %dma_wait3A_130 = arith.constant 0 : i32
      %dma_wait3A_131 = tpu.memref_slice %arg8[%add3A_50, %dma_wait3A_130] : memref<50048x64xbf16, #tpu.memory_space<vmem_shared>> -> memref<184x64xbf16, #tpu.memory_space<vmem_shared>>
      tpu.wait_dma2 semaphore(%run_scoped3A : memref<!tpu.dma_semaphore, #tpu.memory_space<semaphore_mem>>) src(%arg12 : memref<184x64xbf16, #tpu.memory_space<vmem>>) dst(%dma_wait3A_131 : memref<184x64xbf16, #tpu.memory_space<vmem_shared>>)
      tpu.yield
    }) : () -> ()
    %add3A_51 = arith.constant 1104 : i32
    %add3A_52 = arith.addi %mul3A_0, %add3A_51 : i32
    "tpu.region"() ({
      %run_scoped3A = tpu.sem_alloc : memref<!tpu.dma_semaphore, #tpu.memory_space<semaphore_mem>>
      %dma_start3A = arith.constant 0 : i32
      %dma_start3A_126 = tpu.memref_slice %arg8[%add3A_52, %dma_start3A] : memref<50048x64xbf16, #tpu.memory_space<vmem_shared>> -> memref<184x64xbf16, #tpu.memory_space<vmem_shared>>
      %dma_start3A_127 = arith.constant 0 : i32
      %dma_start3A_128 = tpu.memref_slice %arg8[%add3A_52, %dma_start3A_127] : memref<50048x64xbf16, #tpu.memory_space<vmem_shared>> -> memref<184x64xbf16, #tpu.memory_space<vmem_shared>>
      tpu.enqueue_dma source(%arg12 : memref<184x64xbf16, #tpu.memory_space<vmem>>) target(%dma_start3A_128 : memref<184x64xbf16, #tpu.memory_space<vmem_shared>>) target_semaphore(%run_scoped3A : memref<!tpu.dma_semaphore, #tpu.memory_space<semaphore_mem>>)
      %dma_wait3A = arith.constant 0 : i32
      %dma_wait3A_129 = tpu.memref_slice %arg8[%add3A_52, %dma_wait3A] : memref<50048x64xbf16, #tpu.memory_space<vmem_shared>> -> memref<184x64xbf16, #tpu.memory_space<vmem_shared>>
      %dma_wait3A_130 = arith.constant 0 : i32
      %dma_wait3A_131 = tpu.memref_slice %arg8[%add3A_52, %dma_wait3A_130] : memref<50048x64xbf16, #tpu.memory_space<vmem_shared>> -> memref<184x64xbf16, #tpu.memory_space<vmem_shared>>
      tpu.wait_dma2 semaphore(%run_scoped3A : memref<!tpu.dma_semaphore, #tpu.memory_space<semaphore_mem>>) src(%arg12 : memref<184x64xbf16, #tpu.memory_space<vmem>>) dst(%dma_wait3A_131 : memref<184x64xbf16, #tpu.memory_space<vmem_shared>>)
      tpu.yield
    }) : () -> ()
    %add3A_53 = arith.constant 1288 : i32
    %add3A_54 = arith.addi %mul3A_0, %add3A_53 : i32
    "tpu.region"() ({
      %run_scoped3A = tpu.sem_alloc : memref<!tpu.dma_semaphore, #tpu.memory_space<semaphore_mem>>
      %dma_start3A = arith.constant 0 : i32
      %dma_start3A_126 = tpu.memref_slice %arg8[%add3A_54, %dma_start3A] : memref<50048x64xbf16, #tpu.memory_space<vmem_shared>> -> memref<184x64xbf16, #tpu.memory_space<vmem_shared>>
      %dma_start3A_127 = arith.constant 0 : i32
      %dma_start3A_128 = tpu.memref_slice %arg8[%add3A_54, %dma_start3A_127] : memref<50048x64xbf16, #tpu.memory_space<vmem_shared>> -> memref<184x64xbf16, #tpu.memory_space<vmem_shared>>
      tpu.enqueue_dma source(%arg12 : memref<184x64xbf16, #tpu.memory_space<vmem>>) target(%dma_start3A_128 : memref<184x64xbf16, #tpu.memory_space<vmem_shared>>) target_semaphore(%run_scoped3A : memref<!tpu.dma_semaphore, #tpu.memory_space<semaphore_mem>>)
      %dma_wait3A = arith.constant 0 : i32
      %dma_wait3A_129 = tpu.memref_slice %arg8[%add3A_54, %dma_wait3A] : memref<50048x64xbf16, #tpu.memory_space<vmem_shared>> -> memref<184x64xbf16, #tpu.memory_space<vmem_shared>>
      %dma_wait3A_130 = arith.constant 0 : i32
      %dma_wait3A_131 = tpu.memref_slice %arg8[%add3A_54, %dma_wait3A_130] : memref<50048x64xbf16, #tpu.memory_space<vmem_shared>> -> memref<184x64xbf16, #tpu.memory_space<vmem_shared>>
      tpu.wait_dma2 semaphore(%run_scoped3A : memref<!tpu.dma_semaphore, #tpu.memory_space<semaphore_mem>>) src(%arg12 : memref<184x64xbf16, #tpu.memory_space<vmem>>) dst(%dma_wait3A_131 : memref<184x64xbf16, #tpu.memory_space<vmem_shared>>)
      tpu.yield
    }) : () -> ()
    %add3A_55 = arith.constant 1472 : i32
    %add3A_56 = arith.addi %mul3A_0, %add3A_55 : i32
    "tpu.region"() ({
      %run_scoped3A = tpu.sem_alloc : memref<!tpu.dma_semaphore, #tpu.memory_space<semaphore_mem>>
      %dma_start3A = arith.constant 0 : i32
      %dma_start3A_126 = tpu.memref_slice %arg8[%add3A_56, %dma_start3A] : memref<50048x64xbf16, #tpu.memory_space<vmem_shared>> -> memref<184x64xbf16, #tpu.memory_space<vmem_shared>>
      %dma_start3A_127 = arith.constant 0 : i32
      %dma_start3A_128 = tpu.memref_slice %arg8[%add3A_56, %dma_start3A_127] : memref<50048x64xbf16, #tpu.memory_space<vmem_shared>> -> memref<184x64xbf16, #tpu.memory_space<vmem_shared>>
      tpu.enqueue_dma source(%arg12 : memref<184x64xbf16, #tpu.memory_space<vmem>>) target(%dma_start3A_128 : memref<184x64xbf16, #tpu.memory_space<vmem_shared>>) target_semaphore(%run_scoped3A : memref<!tpu.dma_semaphore, #tpu.memory_space<semaphore_mem>>)
      %dma_wait3A = arith.constant 0 : i32
      %dma_wait3A_129 = tpu.memref_slice %arg8[%add3A_56, %dma_wait3A] : memref<50048x64xbf16, #tpu.memory_space<vmem_shared>> -> memref<184x64xbf16, #tpu.memory_space<vmem_shared>>
      %dma_wait3A_130 = arith.constant 0 : i32
      %dma_wait3A_131 = tpu.memref_slice %arg8[%add3A_56, %dma_wait3A_130] : memref<50048x64xbf16, #tpu.memory_space<vmem_shared>> -> memref<184x64xbf16, #tpu.memory_space<vmem_shared>>
      tpu.wait_dma2 semaphore(%run_scoped3A : memref<!tpu.dma_semaphore, #tpu.memory_space<semaphore_mem>>) src(%arg12 : memref<184x64xbf16, #tpu.memory_space<vmem>>) dst(%dma_wait3A_131 : memref<184x64xbf16, #tpu.memory_space<vmem_shared>>)
      tpu.yield
    }) : () -> ()
    %add3A_57 = arith.constant 1656 : i32
    %add3A_58 = arith.addi %mul3A_0, %add3A_57 : i32
    "tpu.region"() ({
      %run_scoped3A = tpu.sem_alloc : memref<!tpu.dma_semaphore, #tpu.memory_space<semaphore_mem>>
      %dma_start3A = arith.constant 0 : i32
      %dma_start3A_126 = tpu.memref_slice %arg8[%add3A_58, %dma_start3A] : memref<50048x64xbf16, #tpu.memory_space<vmem_shared>> -> memref<184x64xbf16, #tpu.memory_space<vmem_shared>>
      %dma_start3A_127 = arith.constant 0 : i32
      %dma_start3A_128 = tpu.memref_slice %arg8[%add3A_58, %dma_start3A_127] : memref<50048x64xbf16, #tpu.memory_space<vmem_shared>> -> memref<184x64xbf16, #tpu.memory_space<vmem_shared>>
      tpu.enqueue_dma source(%arg12 : memref<184x64xbf16, #tpu.memory_space<vmem>>) target(%dma_start3A_128 : memref<184x64xbf16, #tpu.memory_space<vmem_shared>>) target_semaphore(%run_scoped3A : memref<!tpu.dma_semaphore, #tpu.memory_space<semaphore_mem>>)
      %dma_wait3A = arith.constant 0 : i32
      %dma_wait3A_129 = tpu.memref_slice %arg8[%add3A_58, %dma_wait3A] : memref<50048x64xbf16, #tpu.memory_space<vmem_shared>> -> memref<184x64xbf16, #tpu.memory_space<vmem_shared>>
      %dma_wait3A_130 = arith.constant 0 : i32
      %dma_wait3A_131 = tpu.memref_slice %arg8[%add3A_58, %dma_wait3A_130] : memref<50048x64xbf16, #tpu.memory_space<vmem_shared>> -> memref<184x64xbf16, #tpu.memory_space<vmem_shared>>
      tpu.wait_dma2 semaphore(%run_scoped3A : memref<!tpu.dma_semaphore, #tpu.memory_space<semaphore_mem>>) src(%arg12 : memref<184x64xbf16, #tpu.memory_space<vmem>>) dst(%dma_wait3A_131 : memref<184x64xbf16, #tpu.memory_space<vmem_shared>>)
      tpu.yield
    }) : () -> ()
    %add3A_59 = arith.constant 1840 : i32
    %add3A_60 = arith.addi %mul3A_0, %add3A_59 : i32
    "tpu.region"() ({
      %run_scoped3A = tpu.sem_alloc : memref<!tpu.dma_semaphore, #tpu.memory_space<semaphore_mem>>
      %dma_start3A = arith.constant 0 : i32
      %dma_start3A_126 = tpu.memref_slice %arg8[%add3A_60, %dma_start3A] : memref<50048x64xbf16, #tpu.memory_space<vmem_shared>> -> memref<184x64xbf16, #tpu.memory_space<vmem_shared>>
      %dma_start3A_127 = arith.constant 0 : i32
      %dma_start3A_128 = tpu.memref_slice %arg8[%add3A_60, %dma_start3A_127] : memref<50048x64xbf16, #tpu.memory_space<vmem_shared>> -> memref<184x64xbf16, #tpu.memory_space<vmem_shared>>
      tpu.enqueue_dma source(%arg12 : memref<184x64xbf16, #tpu.memory_space<vmem>>) target(%dma_start3A_128 : memref<184x64xbf16, #tpu.memory_space<vmem_shared>>) target_semaphore(%run_scoped3A : memref<!tpu.dma_semaphore, #tpu.memory_space<semaphore_mem>>)
      %dma_wait3A = arith.constant 0 : i32
      %dma_wait3A_129 = tpu.memref_slice %arg8[%add3A_60, %dma_wait3A] : memref<50048x64xbf16, #tpu.memory_space<vmem_shared>> -> memref<184x64xbf16, #tpu.memory_space<vmem_shared>>
      %dma_wait3A_130 = arith.constant 0 : i32
      %dma_wait3A_131 = tpu.memref_slice %arg8[%add3A_60, %dma_wait3A_130] : memref<50048x64xbf16, #tpu.memory_space<vmem_shared>> -> memref<184x64xbf16, #tpu.memory_space<vmem_shared>>
      tpu.wait_dma2 semaphore(%run_scoped3A : memref<!tpu.dma_semaphore, #tpu.memory_space<semaphore_mem>>) src(%arg12 : memref<184x64xbf16, #tpu.memory_space<vmem>>) dst(%dma_wait3A_131 : memref<184x64xbf16, #tpu.memory_space<vmem_shared>>)
      tpu.yield
    }) : () -> ()
    %add3A_61 = arith.constant 2024 : i32
    %add3A_62 = arith.addi %mul3A_0, %add3A_61 : i32
    "tpu.region"() ({
      %run_scoped3A = tpu.sem_alloc : memref<!tpu.dma_semaphore, #tpu.memory_space<semaphore_mem>>
      %dma_start3A = arith.constant 0 : i32
      %dma_start3A_126 = tpu.memref_slice %arg8[%add3A_62, %dma_start3A] : memref<50048x64xbf16, #tpu.memory_space<vmem_shared>> -> memref<184x64xbf16, #tpu.memory_space<vmem_shared>>
      %dma_start3A_127 = arith.constant 0 : i32
      %dma_start3A_128 = tpu.memref_slice %arg8[%add3A_62, %dma_start3A_127] : memref<50048x64xbf16, #tpu.memory_space<vmem_shared>> -> memref<184x64xbf16, #tpu.memory_space<vmem_shared>>
      tpu.enqueue_dma source(%arg12 : memref<184x64xbf16, #tpu.memory_space<vmem>>) target(%dma_start3A_128 : memref<184x64xbf16, #tpu.memory_space<vmem_shared>>) target_semaphore(%run_scoped3A : memref<!tpu.dma_semaphore, #tpu.memory_space<semaphore_mem>>)
      %dma_wait3A = arith.constant 0 : i32
      %dma_wait3A_129 = tpu.memref_slice %arg8[%add3A_62, %dma_wait3A] : memref<50048x64xbf16, #tpu.memory_space<vmem_shared>> -> memref<184x64xbf16, #tpu.memory_space<vmem_shared>>
      %dma_wait3A_130 = arith.constant 0 : i32
      %dma_wait3A_131 = tpu.memref_slice %arg8[%add3A_62, %dma_wait3A_130] : memref<50048x64xbf16, #tpu.memory_space<vmem_shared>> -> memref<184x64xbf16, #tpu.memory_space<vmem_shared>>
      tpu.wait_dma2 semaphore(%run_scoped3A : memref<!tpu.dma_semaphore, #tpu.memory_space<semaphore_mem>>) src(%arg12 : memref<184x64xbf16, #tpu.memory_space<vmem>>) dst(%dma_wait3A_131 : memref<184x64xbf16, #tpu.memory_space<vmem_shared>>)
      tpu.yield
    }) : () -> ()
    %add3A_63 = arith.constant 2208 : i32
    %add3A_64 = arith.addi %mul3A_0, %add3A_63 : i32
    "tpu.region"() ({
      %run_scoped3A = tpu.sem_alloc : memref<!tpu.dma_semaphore, #tpu.memory_space<semaphore_mem>>
      %dma_start3A = arith.constant 0 : i32
      %dma_start3A_126 = tpu.memref_slice %arg8[%add3A_64, %dma_start3A] : memref<50048x64xbf16, #tpu.memory_space<vmem_shared>> -> memref<184x64xbf16, #tpu.memory_space<vmem_shared>>
      %dma_start3A_127 = arith.constant 0 : i32
      %dma_start3A_128 = tpu.memref_slice %arg8[%add3A_64, %dma_start3A_127] : memref<50048x64xbf16, #tpu.memory_space<vmem_shared>> -> memref<184x64xbf16, #tpu.memory_space<vmem_shared>>
      tpu.enqueue_dma source(%arg12 : memref<184x64xbf16, #tpu.memory_space<vmem>>) target(%dma_start3A_128 : memref<184x64xbf16, #tpu.memory_space<vmem_shared>>) target_semaphore(%run_scoped3A : memref<!tpu.dma_semaphore, #tpu.memory_space<semaphore_mem>>)
      %dma_wait3A = arith.constant 0 : i32
      %dma_wait3A_129 = tpu.memref_slice %arg8[%add3A_64, %dma_wait3A] : memref<50048x64xbf16, #tpu.memory_space<vmem_shared>> -> memref<184x64xbf16, #tpu.memory_space<vmem_shared>>
      %dma_wait3A_130 = arith.constant 0 : i32
      %dma_wait3A_131 = tpu.memref_slice %arg8[%add3A_64, %dma_wait3A_130] : memref<50048x64xbf16, #tpu.memory_space<vmem_shared>> -> memref<184x64xbf16, #tpu.memory_space<vmem_shared>>
      tpu.wait_dma2 semaphore(%run_scoped3A : memref<!tpu.dma_semaphore, #tpu.memory_space<semaphore_mem>>) src(%arg12 : memref<184x64xbf16, #tpu.memory_space<vmem>>) dst(%dma_wait3A_131 : memref<184x64xbf16, #tpu.memory_space<vmem_shared>>)
      tpu.yield
    }) : () -> ()
    %add3A_65 = arith.constant 2392 : i32
    %add3A_66 = arith.addi %mul3A_0, %add3A_65 : i32
    "tpu.region"() ({
      %run_scoped3A = tpu.sem_alloc : memref<!tpu.dma_semaphore, #tpu.memory_space<semaphore_mem>>
      %dma_start3A = arith.constant 0 : i32
      %dma_start3A_126 = tpu.memref_slice %arg8[%add3A_66, %dma_start3A] : memref<50048x64xbf16, #tpu.memory_space<vmem_shared>> -> memref<184x64xbf16, #tpu.memory_space<vmem_shared>>
      %dma_start3A_127 = arith.constant 0 : i32
      %dma_start3A_128 = tpu.memref_slice %arg8[%add3A_66, %dma_start3A_127] : memref<50048x64xbf16, #tpu.memory_space<vmem_shared>> -> memref<184x64xbf16, #tpu.memory_space<vmem_shared>>
      tpu.enqueue_dma source(%arg12 : memref<184x64xbf16, #tpu.memory_space<vmem>>) target(%dma_start3A_128 : memref<184x64xbf16, #tpu.memory_space<vmem_shared>>) target_semaphore(%run_scoped3A : memref<!tpu.dma_semaphore, #tpu.memory_space<semaphore_mem>>)
      %dma_wait3A = arith.constant 0 : i32
      %dma_wait3A_129 = tpu.memref_slice %arg8[%add3A_66, %dma_wait3A] : memref<50048x64xbf16, #tpu.memory_space<vmem_shared>> -> memref<184x64xbf16, #tpu.memory_space<vmem_shared>>
      %dma_wait3A_130 = arith.constant 0 : i32
      %dma_wait3A_131 = tpu.memref_slice %arg8[%add3A_66, %dma_wait3A_130] : memref<50048x64xbf16, #tpu.memory_space<vmem_shared>> -> memref<184x64xbf16, #tpu.memory_space<vmem_shared>>
      tpu.wait_dma2 semaphore(%run_scoped3A : memref<!tpu.dma_semaphore, #tpu.memory_space<semaphore_mem>>) src(%arg12 : memref<184x64xbf16, #tpu.memory_space<vmem>>) dst(%dma_wait3A_131 : memref<184x64xbf16, #tpu.memory_space<vmem_shared>>)
      tpu.yield
    }) : () -> ()
    %add3A_67 = arith.constant 2576 : i32
    %add3A_68 = arith.addi %mul3A_0, %add3A_67 : i32
    "tpu.region"() ({
      %run_scoped3A = tpu.sem_alloc : memref<!tpu.dma_semaphore, #tpu.memory_space<semaphore_mem>>
      %dma_start3A = arith.constant 0 : i32
      %dma_start3A_126 = tpu.memref_slice %arg8[%add3A_68, %dma_start3A] : memref<50048x64xbf16, #tpu.memory_space<vmem_shared>> -> memref<184x64xbf16, #tpu.memory_space<vmem_shared>>
      %dma_start3A_127 = arith.constant 0 : i32
      %dma_start3A_128 = tpu.memref_slice %arg8[%add3A_68, %dma_start3A_127] : memref<50048x64xbf16, #tpu.memory_space<vmem_shared>> -> memref<184x64xbf16, #tpu.memory_space<vmem_shared>>
      tpu.enqueue_dma source(%arg12 : memref<184x64xbf16, #tpu.memory_space<vmem>>) target(%dma_start3A_128 : memref<184x64xbf16, #tpu.memory_space<vmem_shared>>) target_semaphore(%run_scoped3A : memref<!tpu.dma_semaphore, #tpu.memory_space<semaphore_mem>>)
      %dma_wait3A = arith.constant 0 : i32
      %dma_wait3A_129 = tpu.memref_slice %arg8[%add3A_68, %dma_wait3A] : memref<50048x64xbf16, #tpu.memory_space<vmem_shared>> -> memref<184x64xbf16, #tpu.memory_space<vmem_shared>>
      %dma_wait3A_130 = arith.constant 0 : i32
      %dma_wait3A_131 = tpu.memref_slice %arg8[%add3A_68, %dma_wait3A_130] : memref<50048x64xbf16, #tpu.memory_space<vmem_shared>> -> memref<184x64xbf16, #tpu.memory_space<vmem_shared>>
      tpu.wait_dma2 semaphore(%run_scoped3A : memref<!tpu.dma_semaphore, #tpu.memory_space<semaphore_mem>>) src(%arg12 : memref<184x64xbf16, #tpu.memory_space<vmem>>) dst(%dma_wait3A_131 : memref<184x64xbf16, #tpu.memory_space<vmem_shared>>)
      tpu.yield
    }) : () -> ()
    %add3A_69 = arith.constant 2760 : i32
    %add3A_70 = arith.addi %mul3A_0, %add3A_69 : i32
    "tpu.region"() ({
      %run_scoped3A = tpu.sem_alloc : memref<!tpu.dma_semaphore, #tpu.memory_space<semaphore_mem>>
      %dma_start3A = arith.constant 0 : i32
      %dma_start3A_126 = tpu.memref_slice %arg8[%add3A_70, %dma_start3A] : memref<50048x64xbf16, #tpu.memory_space<vmem_shared>> -> memref<184x64xbf16, #tpu.memory_space<vmem_shared>>
      %dma_start3A_127 = arith.constant 0 : i32
      %dma_start3A_128 = tpu.memref_slice %arg8[%add3A_70, %dma_start3A_127] : memref<50048x64xbf16, #tpu.memory_space<vmem_shared>> -> memref<184x64xbf16, #tpu.memory_space<vmem_shared>>
      tpu.enqueue_dma source(%arg12 : memref<184x64xbf16, #tpu.memory_space<vmem>>) target(%dma_start3A_128 : memref<184x64xbf16, #tpu.memory_space<vmem_shared>>) target_semaphore(%run_scoped3A : memref<!tpu.dma_semaphore, #tpu.memory_space<semaphore_mem>>)
      %dma_wait3A = arith.constant 0 : i32
      %dma_wait3A_129 = tpu.memref_slice %arg8[%add3A_70, %dma_wait3A] : memref<50048x64xbf16, #tpu.memory_space<vmem_shared>> -> memref<184x64xbf16, #tpu.memory_space<vmem_shared>>
      %dma_wait3A_130 = arith.constant 0 : i32
      %dma_wait3A_131 = tpu.memref_slice %arg8[%add3A_70, %dma_wait3A_130] : memref<50048x64xbf16, #tpu.memory_space<vmem_shared>> -> memref<184x64xbf16, #tpu.memory_space<vmem_shared>>
      tpu.wait_dma2 semaphore(%run_scoped3A : memref<!tpu.dma_semaphore, #tpu.memory_space<semaphore_mem>>) src(%arg12 : memref<184x64xbf16, #tpu.memory_space<vmem>>) dst(%dma_wait3A_131 : memref<184x64xbf16, #tpu.memory_space<vmem_shared>>)
      tpu.yield
    }) : () -> ()
    %add3A_71 = arith.constant 2944 : i32
    %add3A_72 = arith.addi %mul3A_0, %add3A_71 : i32
    "tpu.region"() ({
      %run_scoped3A = tpu.sem_alloc : memref<!tpu.dma_semaphore, #tpu.memory_space<semaphore_mem>>
      %dma_start3A = arith.constant 0 : i32
      %dma_start3A_126 = tpu.memref_slice %arg8[%add3A_72, %dma_start3A] : memref<50048x64xbf16, #tpu.memory_space<vmem_shared>> -> memref<184x64xbf16, #tpu.memory_space<vmem_shared>>
      %dma_start3A_127 = arith.constant 0 : i32
      %dma_start3A_128 = tpu.memref_slice %arg8[%add3A_72, %dma_start3A_127] : memref<50048x64xbf16, #tpu.memory_space<vmem_shared>> -> memref<184x64xbf16, #tpu.memory_space<vmem_shared>>
      tpu.enqueue_dma source(%arg12 : memref<184x64xbf16, #tpu.memory_space<vmem>>) target(%dma_start3A_128 : memref<184x64xbf16, #tpu.memory_space<vmem_shared>>) target_semaphore(%run_scoped3A : memref<!tpu.dma_semaphore, #tpu.memory_space<semaphore_mem>>)
      %dma_wait3A = arith.constant 0 : i32
      %dma_wait3A_129 = tpu.memref_slice %arg8[%add3A_72, %dma_wait3A] : memref<50048x64xbf16, #tpu.memory_space<vmem_shared>> -> memref<184x64xbf16, #tpu.memory_space<vmem_shared>>
      %dma_wait3A_130 = arith.constant 0 : i32
      %dma_wait3A_131 = tpu.memref_slice %arg8[%add3A_72, %dma_wait3A_130] : memref<50048x64xbf16, #tpu.memory_space<vmem_shared>> -> memref<184x64xbf16, #tpu.memory_space<vmem_shared>>
      tpu.wait_dma2 semaphore(%run_scoped3A : memref<!tpu.dma_semaphore, #tpu.memory_space<semaphore_mem>>) src(%arg12 : memref<184x64xbf16, #tpu.memory_space<vmem>>) dst(%dma_wait3A_131 : memref<184x64xbf16, #tpu.memory_space<vmem_shared>>)
      tpu.yield
    }) : () -> ()
    %barrier3A_73 = arith.constant 0 : index
    tpu.barrier barrier_id(%barrier3A_73)
    %scan3A_74 = arith.constant 0 : i32
    %scan3A_75 = arith.constant 4 : i32
    %scan3A_76 = arith.addi %scan3A_74, %scan3A_75 : i32
    %scan3A_77 = arith.constant 1 : i32
    scf.for %scan3A_126 = %scan3A_74 to %scan3A_76 step %scan3A_77  : i32 {
      %mul3A_127 = arith.constant 1 : i32
      %mul3A_128 = arith.muli %scan3A_126, %mul3A_127 : i32
      %add3A_129 = arith.constant 0 : i32
      %add3A_130 = arith.addi %add3A_129, %mul3A_128 : i32
      %mul3A_131 = arith.constant 2496 : i32
      %mul3A_132 = arith.muli %add3A_130, %mul3A_131 : i32
      %run_scoped3A = arith.constant 1 : i32
      "tpu.region"() ({
        %run_scoped3A_169 = tpu.sem_alloc : memref<!tpu.dma_semaphore, #tpu.memory_space<semaphore_mem>>
        %dma_start3A_170 = tpu.memref_slice %arg3[%arg0, %run_scoped3A, %arg1, %mul3A_132] : memref<2x2x16x9984xi32, #tpu.memory_space<hbm>> -> memref<1x1x1x2496xi32, #tpu.memory_space<hbm>>
        %dma_start3A_171 = tpu.memref_squeeze %dma_start3A_170 : memref<1x1x1x2496xi32, #tpu.memory_space<hbm>> -> memref<2496xi32, #tpu.memory_space<hbm>>
        %dma_start3A_172 = tpu.memref_slice %arg3[%arg0, %run_scoped3A, %arg1, %mul3A_132] : memref<2x2x16x9984xi32, #tpu.memory_space<hbm>> -> memref<1x1x1x2496xi32, #tpu.memory_space<hbm>>
        %dma_start3A_173 = tpu.memref_squeeze %dma_start3A_172 : memref<1x1x1x2496xi32, #tpu.memory_space<hbm>> -> memref<2496xi32, #tpu.memory_space<hbm>>
        tpu.enqueue_dma source(%dma_start3A_173 : memref<2496xi32, #tpu.memory_space<hbm>>) target(%arg9 : memref<2496xi32, #tpu.memory_space<vmem>>) target_semaphore(%run_scoped3A_169 : memref<!tpu.dma_semaphore, #tpu.memory_space<semaphore_mem>>)
        %dma_wait3A = tpu.memref_slice %arg3[%arg0, %run_scoped3A, %arg1, %mul3A_132] : memref<2x2x16x9984xi32, #tpu.memory_space<hbm>> -> memref<1x1x1x2496xi32, #tpu.memory_space<hbm>>
        %dma_wait3A_174 = tpu.memref_squeeze %dma_wait3A : memref<1x1x1x2496xi32, #tpu.memory_space<hbm>> -> memref<2496xi32, #tpu.memory_space<hbm>>
        %dma_wait3A_175 = tpu.memref_slice %arg3[%arg0, %run_scoped3A, %arg1, %mul3A_132] : memref<2x2x16x9984xi32, #tpu.memory_space<hbm>> -> memref<1x1x1x2496xi32, #tpu.memory_space<hbm>>
        %dma_wait3A_176 = tpu.memref_squeeze %dma_wait3A_175 : memref<1x1x1x2496xi32, #tpu.memory_space<hbm>> -> memref<2496xi32, #tpu.memory_space<hbm>>
        tpu.wait_dma2 semaphore(%run_scoped3A_169 : memref<!tpu.dma_semaphore, #tpu.memory_space<semaphore_mem>>) src(%dma_wait3A_176 : memref<2496xi32, #tpu.memory_space<hbm>>) dst(%arg9 : memref<2496xi32, #tpu.memory_space<vmem>>)
        tpu.yield
      }) : () -> ()
      %mul3A_133 = arith.constant 2496 : i32
      %mul3A_134 = arith.muli %add3A_130, %mul3A_133 : i32
      "tpu.region"() ({
        %run_scoped3A_169 = tpu.sem_alloc : memref<!tpu.dma_semaphore, #tpu.memory_space<semaphore_mem>>
        %dma_start3A_170 = tpu.memref_slice %arg4[%arg0, %arg1, %mul3A_134] : memref<2x16x9984xi32, #tpu.memory_space<hbm>> -> memref<1x1x2496xi32, #tpu.memory_space<hbm>>
        %dma_start3A_171 = tpu.memref_squeeze %dma_start3A_170 : memref<1x1x2496xi32, #tpu.memory_space<hbm>> -> memref<2496xi32, #tpu.memory_space<hbm>>
        %dma_start3A_172 = tpu.memref_slice %arg4[%arg0, %arg1, %mul3A_134] : memref<2x16x9984xi32, #tpu.memory_space<hbm>> -> memref<1x1x2496xi32, #tpu.memory_space<hbm>>
        %dma_start3A_173 = tpu.memref_squeeze %dma_start3A_172 : memref<1x1x2496xi32, #tpu.memory_space<hbm>> -> memref<2496xi32, #tpu.memory_space<hbm>>
        tpu.enqueue_dma source(%dma_start3A_173 : memref<2496xi32, #tpu.memory_space<hbm>>) target(%arg10 : memref<2496xi32, #tpu.memory_space<vmem>>) target_semaphore(%run_scoped3A_169 : memref<!tpu.dma_semaphore, #tpu.memory_space<semaphore_mem>>)
        %dma_wait3A = tpu.memref_slice %arg4[%arg0, %arg1, %mul3A_134] : memref<2x16x9984xi32, #tpu.memory_space<hbm>> -> memref<1x1x2496xi32, #tpu.memory_space<hbm>>
        %dma_wait3A_174 = tpu.memref_squeeze %dma_wait3A : memref<1x1x2496xi32, #tpu.memory_space<hbm>> -> memref<2496xi32, #tpu.memory_space<hbm>>
        %dma_wait3A_175 = tpu.memref_slice %arg4[%arg0, %arg1, %mul3A_134] : memref<2x16x9984xi32, #tpu.memory_space<hbm>> -> memref<1x1x2496xi32, #tpu.memory_space<hbm>>
        %dma_wait3A_176 = tpu.memref_squeeze %dma_wait3A_175 : memref<1x1x2496xi32, #tpu.memory_space<hbm>> -> memref<2496xi32, #tpu.memory_space<hbm>>
        tpu.wait_dma2 semaphore(%run_scoped3A_169 : memref<!tpu.dma_semaphore, #tpu.memory_space<semaphore_mem>>) src(%dma_wait3A_176 : memref<2496xi32, #tpu.memory_space<hbm>>) dst(%arg10 : memref<2496xi32, #tpu.memory_space<vmem>>)
        tpu.yield
      }) : () -> ()
      %dma_start3A = arith.constant 0 : i32
      %dma_start3A_135 = arith.constant 0 : i32
      %dma_start3A_136 = arith.constant 0 : i32
      %dma_start3A_137 = tpu.memref_slice %arg11[%dma_start3A, %dma_start3A_135, %dma_start3A_136] : memref<3x208x64xbf16, #tpu.memory_space<vmem>> -> memref<1x208x64xbf16, #tpu.memory_space<vmem>>
      %dma_start3A_138 = tpu.memref_squeeze %dma_start3A_137 : memref<1x208x64xbf16, #tpu.memory_space<vmem>> -> memref<208x64xbf16, #tpu.memory_space<vmem>>
      %dma_start3A_139 = arith.constant 0 : i32
      %dma_start3A_140 = tpu.memref_slice %arg9[%dma_start3A_139] : memref<2496xi32, #tpu.memory_space<vmem>> -> memref<208xi32, #tpu.memory_space<vmem>>
      %dma_start3A_141 = arith.constant 0 : i32
      %dma_start3A_142 = arith.constant 0 : i32
      %dma_start3A_143 = tpu.memref_slice %arg2[%dma_start3A_141, %dma_start3A_142] : memref<100096x64xbf16, #tpu.memory_space<hbm>> -> memref<100096x64xbf16, #tpu.memory_space<hbm>>
      tpu.enqueue_indirect_dma source(%dma_start3A_143 : memref<100096x64xbf16, #tpu.memory_space<hbm>>) target(%dma_start3A_138 : memref<208x64xbf16, #tpu.memory_space<vmem>>) offsets(%dma_start3A_140 : memref<208xi32, #tpu.memory_space<vmem>>) semaphore(%arg13 : memref<!tpu.dma_semaphore, #tpu.memory_space<semaphore_mem>>)
      %dma_start3A_144 = arith.constant 1 : i32
      %dma_start3A_145 = arith.constant 0 : i32
      %dma_start3A_146 = arith.constant 0 : i32
      %dma_start3A_147 = tpu.memref_slice %arg11[%dma_start3A_144, %dma_start3A_145, %dma_start3A_146] : memref<3x208x64xbf16, #tpu.memory_space<vmem>> -> memref<1x208x64xbf16, #tpu.memory_space<vmem>>
      %dma_start3A_148 = tpu.memref_squeeze %dma_start3A_147 : memref<1x208x64xbf16, #tpu.memory_space<vmem>> -> memref<208x64xbf16, #tpu.memory_space<vmem>>
      %dma_start3A_149 = arith.constant 208 : i32
      %dma_start3A_150 = tpu.memref_slice %arg9[%dma_start3A_149] : memref<2496xi32, #tpu.memory_space<vmem>> -> memref<208xi32, #tpu.memory_space<vmem>>
      %dma_start3A_151 = arith.constant 0 : i32
      %dma_start3A_152 = arith.constant 0 : i32
      %dma_start3A_153 = tpu.memref_slice %arg2[%dma_start3A_151, %dma_start3A_152] : memref<100096x64xbf16, #tpu.memory_space<hbm>> -> memref<100096x64xbf16, #tpu.memory_space<hbm>>
      tpu.enqueue_indirect_dma source(%dma_start3A_153 : memref<100096x64xbf16, #tpu.memory_space<hbm>>) target(%dma_start3A_148 : memref<208x64xbf16, #tpu.memory_space<vmem>>) offsets(%dma_start3A_150 : memref<208xi32, #tpu.memory_space<vmem>>) semaphore(%arg14 : memref<!tpu.dma_semaphore, #tpu.memory_space<semaphore_mem>>)
      %dma_start3A_154 = arith.constant 2 : i32
      %dma_start3A_155 = arith.constant 0 : i32
      %dma_start3A_156 = arith.constant 0 : i32
      %dma_start3A_157 = tpu.memref_slice %arg11[%dma_start3A_154, %dma_start3A_155, %dma_start3A_156] : memref<3x208x64xbf16, #tpu.memory_space<vmem>> -> memref<1x208x64xbf16, #tpu.memory_space<vmem>>
      %dma_start3A_158 = tpu.memref_squeeze %dma_start3A_157 : memref<1x208x64xbf16, #tpu.memory_space<vmem>> -> memref<208x64xbf16, #tpu.memory_space<vmem>>
      %dma_start3A_159 = arith.constant 416 : i32
      %dma_start3A_160 = tpu.memref_slice %arg9[%dma_start3A_159] : memref<2496xi32, #tpu.memory_space<vmem>> -> memref<208xi32, #tpu.memory_space<vmem>>
      %dma_start3A_161 = arith.constant 0 : i32
      %dma_start3A_162 = arith.constant 0 : i32
      %dma_start3A_163 = tpu.memref_slice %arg2[%dma_start3A_161, %dma_start3A_162] : memref<100096x64xbf16, #tpu.memory_space<hbm>> -> memref<100096x64xbf16, #tpu.memory_space<hbm>>
      tpu.enqueue_indirect_dma source(%dma_start3A_163 : memref<100096x64xbf16, #tpu.memory_space<hbm>>) target(%dma_start3A_158 : memref<208x64xbf16, #tpu.memory_space<vmem>>) offsets(%dma_start3A_160 : memref<208xi32, #tpu.memory_space<vmem>>) semaphore(%arg15 : memref<!tpu.dma_semaphore, #tpu.memory_space<semaphore_mem>>)
      %scan3A_164 = arith.constant 0 : i32
      %scan3A_165 = arith.constant 4 : i32
      %scan3A_166 = arith.addi %scan3A_164, %scan3A_165 : i32
      %scan3A_167 = arith.constant 1 : i32
      scf.for %scan3A_169 = %scan3A_164 to %scan3A_166 step %scan3A_167  : i32 {
        %mul3A_170 = arith.constant 3 : i32
        %mul3A_171 = arith.muli %scan3A_169, %mul3A_170 : i32
        %add3A_172 = arith.constant 0 : i32
        %add3A_173 = arith.addi %add3A_172, %mul3A_171 : i32
        %dma_wait3A = arith.constant 0 : i32
        %dma_wait3A_174 = arith.constant 0 : i32
        %dma_wait3A_175 = arith.constant 0 : i32
        %dma_wait3A_176 = tpu.memref_slice %arg11[%dma_wait3A, %dma_wait3A_174, %dma_wait3A_175] : memref<3x208x64xbf16, #tpu.memory_space<vmem>> -> memref<1x208x64xbf16, #tpu.memory_space<vmem>>
        %dma_wait3A_177 = tpu.memref_squeeze %dma_wait3A_176 : memref<1x208x64xbf16, #tpu.memory_space<vmem>> -> memref<208x64xbf16, #tpu.memory_space<vmem>>
        %dma_wait3A_178 = arith.constant 0 : i32
        %dma_wait3A_179 = tpu.memref_slice %arg9[%dma_wait3A_178] : memref<2496xi32, #tpu.memory_space<vmem>> -> memref<208xi32, #tpu.memory_space<vmem>>
        %dma_wait3A_180 = arith.constant 0 : i32
        %dma_wait3A_181 = arith.constant 0 : i32
        %dma_wait3A_182 = tpu.memref_slice %arg2[%dma_wait3A_180, %dma_wait3A_181] : memref<100096x64xbf16, #tpu.memory_space<hbm>> -> memref<100096x64xbf16, #tpu.memory_space<hbm>>
        tpu.wait_indirect_dma semaphore(%arg13 : memref<!tpu.dma_semaphore, #tpu.memory_space<semaphore_mem>>) src(%dma_wait3A_182 : memref<100096x64xbf16, #tpu.memory_space<hbm>>) dst(%dma_wait3A_177 : memref<208x64xbf16, #tpu.memory_space<vmem>>)
        %add3A_183 = arith.constant 0 : i32
        %add3A_184 = arith.addi %add3A_173, %add3A_183 : i32
        %mul3A_185 = arith.constant 208 : i32
        %mul3A_186 = arith.muli %add3A_184, %mul3A_185 : i32
        %run_scoped3A_187 = arith.constant 0 : i32
        "tpu.region"() ({
          %run_scoped3A_242 = tpu.sem_alloc : memref<!tpu.dma_semaphore, #tpu.memory_space<semaphore_mem>>
          %dma_start3A_243 = arith.constant 0 : i32
          %dma_start3A_244 = arith.constant 0 : i32
          %dma_start3A_245 = tpu.memref_slice %arg11[%run_scoped3A_187, %dma_start3A_243, %dma_start3A_244] : memref<3x208x64xbf16, #tpu.memory_space<vmem>> -> memref<1x208x64xbf16, #tpu.memory_space<vmem>>
          %dma_start3A_246 = tpu.memref_squeeze %dma_start3A_245 : memref<1x208x64xbf16, #tpu.memory_space<vmem>> -> memref<208x64xbf16, #tpu.memory_space<vmem>>
          %dma_start3A_247 = tpu.memref_slice %arg10[%mul3A_186] : memref<2496xi32, #tpu.memory_space<vmem>> -> memref<208xi32, #tpu.memory_space<vmem>>
          %dma_start3A_248 = arith.constant 0 : i32
          %dma_start3A_249 = arith.constant 0 : i32
          %dma_start3A_250 = tpu.memref_slice %arg8[%dma_start3A_248, %dma_start3A_249] : memref<50048x64xbf16, #tpu.memory_space<vmem_shared>> -> memref<50048x64xbf16, #tpu.memory_space<vmem_shared>>
          tpu.enqueue_indirect_dma source(%dma_start3A_246 : memref<208x64xbf16, #tpu.memory_space<vmem>>) target(%dma_start3A_250 : memref<50048x64xbf16, #tpu.memory_space<vmem_shared>>) offsets(%dma_start3A_247 : memref<208xi32, #tpu.memory_space<vmem>>) semaphore(%run_scoped3A_242 : memref<!tpu.dma_semaphore, #tpu.memory_space<semaphore_mem>>) {add = true}
          %dma_wait3A_251 = arith.constant 0 : i32
          %dma_wait3A_252 = arith.constant 0 : i32
          %dma_wait3A_253 = tpu.memref_slice %arg11[%run_scoped3A_187, %dma_wait3A_251, %dma_wait3A_252] : memref<3x208x64xbf16, #tpu.memory_space<vmem>> -> memref<1x208x64xbf16, #tpu.memory_space<vmem>>
          %dma_wait3A_254 = tpu.memref_squeeze %dma_wait3A_253 : memref<1x208x64xbf16, #tpu.memory_space<vmem>> -> memref<208x64xbf16, #tpu.memory_space<vmem>>
          %dma_wait3A_255 = tpu.memref_slice %arg10[%mul3A_186] : memref<2496xi32, #tpu.memory_space<vmem>> -> memref<208xi32, #tpu.memory_space<vmem>>
          %dma_wait3A_256 = arith.constant 0 : i32
          %dma_wait3A_257 = arith.constant 0 : i32
          %dma_wait3A_258 = tpu.memref_slice %arg8[%dma_wait3A_256, %dma_wait3A_257] : memref<50048x64xbf16, #tpu.memory_space<vmem_shared>> -> memref<50048x64xbf16, #tpu.memory_space<vmem_shared>>
          tpu.wait_indirect_dma semaphore(%run_scoped3A_242 : memref<!tpu.dma_semaphore, #tpu.memory_space<semaphore_mem>>) src(%dma_wait3A_254 : memref<208x64xbf16, #tpu.memory_space<vmem>>) dst(%dma_wait3A_258 : memref<50048x64xbf16, #tpu.memory_space<vmem_shared>>)
          tpu.yield
        }) : () -> ()
        %add3A_188 = arith.constant 0 : i32
        %add3A_189 = arith.addi %add3A_173, %add3A_188 : i32
        %add3A_190 = arith.constant 3 : i32
        %add3A_191 = arith.addi %add3A_189, %add3A_190 : i32
        %lt3A = arith.constant 12 : i32
        %lt3A_192 = arith.cmpi slt, %add3A_191, %lt3A : i32
        %convert_element_type3A = arith.extui %lt3A_192 : i1 to i32
        %cond3A = arith.constant 0 : i32
        %cond3A_193 = arith.cmpi ne, %convert_element_type3A, %cond3A : i32
        scf.if %cond3A_193 {
          %add3A_242 = arith.constant 0 : i32
          %add3A_243 = arith.addi %add3A_173, %add3A_242 : i32
          %add3A_244 = arith.constant 3 : i32
          %add3A_245 = arith.addi %add3A_243, %add3A_244 : i32
          %mul3A_246 = arith.constant 208 : i32
          %mul3A_247 = arith.muli %add3A_245, %mul3A_246 : i32
          %dma_start3A_248 = arith.constant 0 : i32
          %dma_start3A_249 = arith.constant 0 : i32
          %dma_start3A_250 = arith.constant 0 : i32
          %dma_start3A_251 = tpu.memref_slice %arg11[%dma_start3A_248, %dma_start3A_249, %dma_start3A_250] : memref<3x208x64xbf16, #tpu.memory_space<vmem>> -> memref<1x208x64xbf16, #tpu.memory_space<vmem>>
          %dma_start3A_252 = tpu.memref_squeeze %dma_start3A_251 : memref<1x208x64xbf16, #tpu.memory_space<vmem>> -> memref<208x64xbf16, #tpu.memory_space<vmem>>
          %dma_start3A_253 = tpu.memref_slice %arg9[%mul3A_247] : memref<2496xi32, #tpu.memory_space<vmem>> -> memref<208xi32, #tpu.memory_space<vmem>>
          %dma_start3A_254 = arith.constant 0 : i32
          %dma_start3A_255 = arith.constant 0 : i32
          %dma_start3A_256 = tpu.memref_slice %arg2[%dma_start3A_254, %dma_start3A_255] : memref<100096x64xbf16, #tpu.memory_space<hbm>> -> memref<100096x64xbf16, #tpu.memory_space<hbm>>
          tpu.enqueue_indirect_dma source(%dma_start3A_256 : memref<100096x64xbf16, #tpu.memory_space<hbm>>) target(%dma_start3A_252 : memref<208x64xbf16, #tpu.memory_space<vmem>>) offsets(%dma_start3A_253 : memref<208xi32, #tpu.memory_space<vmem>>) semaphore(%arg13 : memref<!tpu.dma_semaphore, #tpu.memory_space<semaphore_mem>>)
        } else {
        }
        %dma_wait3A_194 = arith.constant 1 : i32
        %dma_wait3A_195 = arith.constant 0 : i32
        %dma_wait3A_196 = arith.constant 0 : i32
        %dma_wait3A_197 = tpu.memref_slice %arg11[%dma_wait3A_194, %dma_wait3A_195, %dma_wait3A_196] : memref<3x208x64xbf16, #tpu.memory_space<vmem>> -> memref<1x208x64xbf16, #tpu.memory_space<vmem>>
        %dma_wait3A_198 = tpu.memref_squeeze %dma_wait3A_197 : memref<1x208x64xbf16, #tpu.memory_space<vmem>> -> memref<208x64xbf16, #tpu.memory_space<vmem>>
        %dma_wait3A_199 = arith.constant 0 : i32
        %dma_wait3A_200 = tpu.memref_slice %arg9[%dma_wait3A_199] : memref<2496xi32, #tpu.memory_space<vmem>> -> memref<208xi32, #tpu.memory_space<vmem>>
        %dma_wait3A_201 = arith.constant 0 : i32
        %dma_wait3A_202 = arith.constant 0 : i32
        %dma_wait3A_203 = tpu.memref_slice %arg2[%dma_wait3A_201, %dma_wait3A_202] : memref<100096x64xbf16, #tpu.memory_space<hbm>> -> memref<100096x64xbf16, #tpu.memory_space<hbm>>
        tpu.wait_indirect_dma semaphore(%arg14 : memref<!tpu.dma_semaphore, #tpu.memory_space<semaphore_mem>>) src(%dma_wait3A_203 : memref<100096x64xbf16, #tpu.memory_space<hbm>>) dst(%dma_wait3A_198 : memref<208x64xbf16, #tpu.memory_space<vmem>>)
        %add3A_204 = arith.constant 1 : i32
        %add3A_205 = arith.addi %add3A_173, %add3A_204 : i32
        %mul3A_206 = arith.constant 208 : i32
        %mul3A_207 = arith.muli %add3A_205, %mul3A_206 : i32
        %run_scoped3A_208 = arith.constant 1 : i32
        "tpu.region"() ({
          %run_scoped3A_242 = tpu.sem_alloc : memref<!tpu.dma_semaphore, #tpu.memory_space<semaphore_mem>>
          %dma_start3A_243 = arith.constant 0 : i32
          %dma_start3A_244 = arith.constant 0 : i32
          %dma_start3A_245 = tpu.memref_slice %arg11[%run_scoped3A_208, %dma_start3A_243, %dma_start3A_244] : memref<3x208x64xbf16, #tpu.memory_space<vmem>> -> memref<1x208x64xbf16, #tpu.memory_space<vmem>>
          %dma_start3A_246 = tpu.memref_squeeze %dma_start3A_245 : memref<1x208x64xbf16, #tpu.memory_space<vmem>> -> memref<208x64xbf16, #tpu.memory_space<vmem>>
          %dma_start3A_247 = tpu.memref_slice %arg10[%mul3A_207] : memref<2496xi32, #tpu.memory_space<vmem>> -> memref<208xi32, #tpu.memory_space<vmem>>
          %dma_start3A_248 = arith.constant 0 : i32
          %dma_start3A_249 = arith.constant 0 : i32
          %dma_start3A_250 = tpu.memref_slice %arg8[%dma_start3A_248, %dma_start3A_249] : memref<50048x64xbf16, #tpu.memory_space<vmem_shared>> -> memref<50048x64xbf16, #tpu.memory_space<vmem_shared>>
          tpu.enqueue_indirect_dma source(%dma_start3A_246 : memref<208x64xbf16, #tpu.memory_space<vmem>>) target(%dma_start3A_250 : memref<50048x64xbf16, #tpu.memory_space<vmem_shared>>) offsets(%dma_start3A_247 : memref<208xi32, #tpu.memory_space<vmem>>) semaphore(%run_scoped3A_242 : memref<!tpu.dma_semaphore, #tpu.memory_space<semaphore_mem>>) {add = true}
          %dma_wait3A_251 = arith.constant 0 : i32
          %dma_wait3A_252 = arith.constant 0 : i32
          %dma_wait3A_253 = tpu.memref_slice %arg11[%run_scoped3A_208, %dma_wait3A_251, %dma_wait3A_252] : memref<3x208x64xbf16, #tpu.memory_space<vmem>> -> memref<1x208x64xbf16, #tpu.memory_space<vmem>>
          %dma_wait3A_254 = tpu.memref_squeeze %dma_wait3A_253 : memref<1x208x64xbf16, #tpu.memory_space<vmem>> -> memref<208x64xbf16, #tpu.memory_space<vmem>>
          %dma_wait3A_255 = tpu.memref_slice %arg10[%mul3A_207] : memref<2496xi32, #tpu.memory_space<vmem>> -> memref<208xi32, #tpu.memory_space<vmem>>
          %dma_wait3A_256 = arith.constant 0 : i32
          %dma_wait3A_257 = arith.constant 0 : i32
          %dma_wait3A_258 = tpu.memref_slice %arg8[%dma_wait3A_256, %dma_wait3A_257] : memref<50048x64xbf16, #tpu.memory_space<vmem_shared>> -> memref<50048x64xbf16, #tpu.memory_space<vmem_shared>>
          tpu.wait_indirect_dma semaphore(%run_scoped3A_242 : memref<!tpu.dma_semaphore, #tpu.memory_space<semaphore_mem>>) src(%dma_wait3A_254 : memref<208x64xbf16, #tpu.memory_space<vmem>>) dst(%dma_wait3A_258 : memref<50048x64xbf16, #tpu.memory_space<vmem_shared>>)
          tpu.yield
        }) : () -> ()
        %add3A_209 = arith.constant 1 : i32
        %add3A_210 = arith.addi %add3A_173, %add3A_209 : i32
        %add3A_211 = arith.constant 3 : i32
        %add3A_212 = arith.addi %add3A_210, %add3A_211 : i32
        %lt3A_213 = arith.constant 12 : i32
        %lt3A_214 = arith.cmpi slt, %add3A_212, %lt3A_213 : i32
        %convert_element_type3A_215 = arith.extui %lt3A_214 : i1 to i32
        %cond3A_216 = arith.constant 0 : i32
        %cond3A_217 = arith.cmpi ne, %convert_element_type3A_215, %cond3A_216 : i32
        scf.if %cond3A_217 {
          %add3A_242 = arith.constant 1 : i32
          %add3A_243 = arith.addi %add3A_173, %add3A_242 : i32
          %add3A_244 = arith.constant 3 : i32
          %add3A_245 = arith.addi %add3A_243, %add3A_244 : i32
          %mul3A_246 = arith.constant 208 : i32
          %mul3A_247 = arith.muli %add3A_245, %mul3A_246 : i32
          %dma_start3A_248 = arith.constant 1 : i32
          %dma_start3A_249 = arith.constant 0 : i32
          %dma_start3A_250 = arith.constant 0 : i32
          %dma_start3A_251 = tpu.memref_slice %arg11[%dma_start3A_248, %dma_start3A_249, %dma_start3A_250] : memref<3x208x64xbf16, #tpu.memory_space<vmem>> -> memref<1x208x64xbf16, #tpu.memory_space<vmem>>
          %dma_start3A_252 = tpu.memref_squeeze %dma_start3A_251 : memref<1x208x64xbf16, #tpu.memory_space<vmem>> -> memref<208x64xbf16, #tpu.memory_space<vmem>>
          %dma_start3A_253 = tpu.memref_slice %arg9[%mul3A_247] : memref<2496xi32, #tpu.memory_space<vmem>> -> memref<208xi32, #tpu.memory_space<vmem>>
          %dma_start3A_254 = arith.constant 0 : i32
          %dma_start3A_255 = arith.constant 0 : i32
          %dma_start3A_256 = tpu.memref_slice %arg2[%dma_start3A_254, %dma_start3A_255] : memref<100096x64xbf16, #tpu.memory_space<hbm>> -> memref<100096x64xbf16, #tpu.memory_space<hbm>>
          tpu.enqueue_indirect_dma source(%dma_start3A_256 : memref<100096x64xbf16, #tpu.memory_space<hbm>>) target(%dma_start3A_252 : memref<208x64xbf16, #tpu.memory_space<vmem>>) offsets(%dma_start3A_253 : memref<208xi32, #tpu.memory_space<vmem>>) semaphore(%arg14 : memref<!tpu.dma_semaphore, #tpu.memory_space<semaphore_mem>>)
        } else {
        }
        %dma_wait3A_218 = arith.constant 2 : i32
        %dma_wait3A_219 = arith.constant 0 : i32
        %dma_wait3A_220 = arith.constant 0 : i32
        %dma_wait3A_221 = tpu.memref_slice %arg11[%dma_wait3A_218, %dma_wait3A_219, %dma_wait3A_220] : memref<3x208x64xbf16, #tpu.memory_space<vmem>> -> memref<1x208x64xbf16, #tpu.memory_space<vmem>>
        %dma_wait3A_222 = tpu.memref_squeeze %dma_wait3A_221 : memref<1x208x64xbf16, #tpu.memory_space<vmem>> -> memref<208x64xbf16, #tpu.memory_space<vmem>>
        %dma_wait3A_223 = arith.constant 0 : i32
        %dma_wait3A_224 = tpu.memref_slice %arg9[%dma_wait3A_223] : memref<2496xi32, #tpu.memory_space<vmem>> -> memref<208xi32, #tpu.memory_space<vmem>>
        %dma_wait3A_225 = arith.constant 0 : i32
        %dma_wait3A_226 = arith.constant 0 : i32
        %dma_wait3A_227 = tpu.memref_slice %arg2[%dma_wait3A_225, %dma_wait3A_226] : memref<100096x64xbf16, #tpu.memory_space<hbm>> -> memref<100096x64xbf16, #tpu.memory_space<hbm>>
        tpu.wait_indirect_dma semaphore(%arg15 : memref<!tpu.dma_semaphore, #tpu.memory_space<semaphore_mem>>) src(%dma_wait3A_227 : memref<100096x64xbf16, #tpu.memory_space<hbm>>) dst(%dma_wait3A_222 : memref<208x64xbf16, #tpu.memory_space<vmem>>)
        %add3A_228 = arith.constant 2 : i32
        %add3A_229 = arith.addi %add3A_173, %add3A_228 : i32
        %mul3A_230 = arith.constant 208 : i32
        %mul3A_231 = arith.muli %add3A_229, %mul3A_230 : i32
        %run_scoped3A_232 = arith.constant 2 : i32
        "tpu.region"() ({
          %run_scoped3A_242 = tpu.sem_alloc : memref<!tpu.dma_semaphore, #tpu.memory_space<semaphore_mem>>
          %dma_start3A_243 = arith.constant 0 : i32
          %dma_start3A_244 = arith.constant 0 : i32
          %dma_start3A_245 = tpu.memref_slice %arg11[%run_scoped3A_232, %dma_start3A_243, %dma_start3A_244] : memref<3x208x64xbf16, #tpu.memory_space<vmem>> -> memref<1x208x64xbf16, #tpu.memory_space<vmem>>
          %dma_start3A_246 = tpu.memref_squeeze %dma_start3A_245 : memref<1x208x64xbf16, #tpu.memory_space<vmem>> -> memref<208x64xbf16, #tpu.memory_space<vmem>>
          %dma_start3A_247 = tpu.memref_slice %arg10[%mul3A_231] : memref<2496xi32, #tpu.memory_space<vmem>> -> memref<208xi32, #tpu.memory_space<vmem>>
          %dma_start3A_248 = arith.constant 0 : i32
          %dma_start3A_249 = arith.constant 0 : i32
          %dma_start3A_250 = tpu.memref_slice %arg8[%dma_start3A_248, %dma_start3A_249] : memref<50048x64xbf16, #tpu.memory_space<vmem_shared>> -> memref<50048x64xbf16, #tpu.memory_space<vmem_shared>>
          tpu.enqueue_indirect_dma source(%dma_start3A_246 : memref<208x64xbf16, #tpu.memory_space<vmem>>) target(%dma_start3A_250 : memref<50048x64xbf16, #tpu.memory_space<vmem_shared>>) offsets(%dma_start3A_247 : memref<208xi32, #tpu.memory_space<vmem>>) semaphore(%run_scoped3A_242 : memref<!tpu.dma_semaphore, #tpu.memory_space<semaphore_mem>>) {add = true}
          %dma_wait3A_251 = arith.constant 0 : i32
          %dma_wait3A_252 = arith.constant 0 : i32
          %dma_wait3A_253 = tpu.memref_slice %arg11[%run_scoped3A_232, %dma_wait3A_251, %dma_wait3A_252] : memref<3x208x64xbf16, #tpu.memory_space<vmem>> -> memref<1x208x64xbf16, #tpu.memory_space<vmem>>
          %dma_wait3A_254 = tpu.memref_squeeze %dma_wait3A_253 : memref<1x208x64xbf16, #tpu.memory_space<vmem>> -> memref<208x64xbf16, #tpu.memory_space<vmem>>
          %dma_wait3A_255 = tpu.memref_slice %arg10[%mul3A_231] : memref<2496xi32, #tpu.memory_space<vmem>> -> memref<208xi32, #tpu.memory_space<vmem>>
          %dma_wait3A_256 = arith.constant 0 : i32
          %dma_wait3A_257 = arith.constant 0 : i32
          %dma_wait3A_258 = tpu.memref_slice %arg8[%dma_wait3A_256, %dma_wait3A_257] : memref<50048x64xbf16, #tpu.memory_space<vmem_shared>> -> memref<50048x64xbf16, #tpu.memory_space<vmem_shared>>
          tpu.wait_indirect_dma semaphore(%run_scoped3A_242 : memref<!tpu.dma_semaphore, #tpu.memory_space<semaphore_mem>>) src(%dma_wait3A_254 : memref<208x64xbf16, #tpu.memory_space<vmem>>) dst(%dma_wait3A_258 : memref<50048x64xbf16, #tpu.memory_space<vmem_shared>>)
          tpu.yield
        }) : () -> ()
        %add3A_233 = arith.constant 2 : i32
        %add3A_234 = arith.addi %add3A_173, %add3A_233 : i32
        %add3A_235 = arith.constant 3 : i32
        %add3A_236 = arith.addi %add3A_234, %add3A_235 : i32
        %lt3A_237 = arith.constant 12 : i32
        %lt3A_238 = arith.cmpi slt, %add3A_236, %lt3A_237 : i32
        %convert_element_type3A_239 = arith.extui %lt3A_238 : i1 to i32
        %cond3A_240 = arith.constant 0 : i32
        %cond3A_241 = arith.cmpi ne, %convert_element_type3A_239, %cond3A_240 : i32
        scf.if %cond3A_241 {
          %add3A_242 = arith.constant 2 : i32
          %add3A_243 = arith.addi %add3A_173, %add3A_242 : i32
          %add3A_244 = arith.constant 3 : i32
          %add3A_245 = arith.addi %add3A_243, %add3A_244 : i32
          %mul3A_246 = arith.constant 208 : i32
          %mul3A_247 = arith.muli %add3A_245, %mul3A_246 : i32
          %dma_start3A_248 = arith.constant 2 : i32
          %dma_start3A_249 = arith.constant 0 : i32
          %dma_start3A_250 = arith.constant 0 : i32
          %dma_start3A_251 = tpu.memref_slice %arg11[%dma_start3A_248, %dma_start3A_249, %dma_start3A_250] : memref<3x208x64xbf16, #tpu.memory_space<vmem>> -> memref<1x208x64xbf16, #tpu.memory_space<vmem>>
          %dma_start3A_252 = tpu.memref_squeeze %dma_start3A_251 : memref<1x208x64xbf16, #tpu.memory_space<vmem>> -> memref<208x64xbf16, #tpu.memory_space<vmem>>
          %dma_start3A_253 = tpu.memref_slice %arg9[%mul3A_247] : memref<2496xi32, #tpu.memory_space<vmem>> -> memref<208xi32, #tpu.memory_space<vmem>>
          %dma_start3A_254 = arith.constant 0 : i32
          %dma_start3A_255 = arith.constant 0 : i32
          %dma_start3A_256 = tpu.memref_slice %arg2[%dma_start3A_254, %dma_start3A_255] : memref<100096x64xbf16, #tpu.memory_space<hbm>> -> memref<100096x64xbf16, #tpu.memory_space<hbm>>
          tpu.enqueue_indirect_dma source(%dma_start3A_256 : memref<100096x64xbf16, #tpu.memory_space<hbm>>) target(%dma_start3A_252 : memref<208x64xbf16, #tpu.memory_space<vmem>>) offsets(%dma_start3A_253 : memref<208xi32, #tpu.memory_space<vmem>>) semaphore(%arg15 : memref<!tpu.dma_semaphore, #tpu.memory_space<semaphore_mem>>)
        } else {
        }
      }
      %scan3A_168 = arith.constant 4 : i32
    }
    %scan3A_78 = arith.constant 4 : i32
    %barrier3A_79 = arith.constant 0 : index
    tpu.barrier barrier_id(%barrier3A_79)
    "tpu.region"() ({
      %run_scoped3A = tpu.sem_alloc : memref<!tpu.dma_semaphore, #tpu.memory_space<semaphore_mem>>
      %dma_start3A = arith.constant 64 : i32
      %dma_start3A_126 = tpu.memref_slice %arg6[%arg0, %mul3A_0, %dma_start3A] : memref<2x50048x128xbf16, #tpu.memory_space<hbm>> -> memref<1x3128x64xbf16, #tpu.memory_space<hbm>>
      %dma_start3A_127 = tpu.memref_squeeze %dma_start3A_126 : memref<1x3128x64xbf16, #tpu.memory_space<hbm>> -> memref<3128x64xbf16, #tpu.memory_space<hbm>>
      %dma_start3A_128 = arith.constant 0 : i32
      %dma_start3A_129 = tpu.memref_slice %arg8[%mul3A_0, %dma_start3A_128] : memref<50048x64xbf16, #tpu.memory_space<vmem_shared>> -> memref<3128x64xbf16, #tpu.memory_space<vmem_shared>>
      tpu.enqueue_dma source(%dma_start3A_129 : memref<3128x64xbf16, #tpu.memory_space<vmem_shared>>) target(%dma_start3A_127 : memref<3128x64xbf16, #tpu.memory_space<hbm>>) target_semaphore(%run_scoped3A : memref<!tpu.dma_semaphore, #tpu.memory_space<semaphore_mem>>)
      %dma_wait3A = arith.constant 64 : i32
      %dma_wait3A_130 = tpu.memref_slice %arg6[%arg0, %mul3A_0, %dma_wait3A] : memref<2x50048x128xbf16, #tpu.memory_space<hbm>> -> memref<1x3128x64xbf16, #tpu.memory_space<hbm>>
      %dma_wait3A_131 = tpu.memref_squeeze %dma_wait3A_130 : memref<1x3128x64xbf16, #tpu.memory_space<hbm>> -> memref<3128x64xbf16, #tpu.memory_space<hbm>>
      %dma_wait3A_132 = arith.constant 0 : i32
      %dma_wait3A_133 = tpu.memref_slice %arg8[%mul3A_0, %dma_wait3A_132] : memref<50048x64xbf16, #tpu.memory_space<vmem_shared>> -> memref<3128x64xbf16, #tpu.memory_space<vmem_shared>>
      tpu.wait_dma2 semaphore(%run_scoped3A : memref<!tpu.dma_semaphore, #tpu.memory_space<semaphore_mem>>) src(%dma_wait3A_133 : memref<3128x64xbf16, #tpu.memory_space<vmem_shared>>) dst(%dma_wait3A_131 : memref<3128x64xbf16, #tpu.memory_space<hbm>>)
      tpu.yield
    }) : () -> ()
    %add3A_80 = arith.constant 0 : i32
    %add3A_81 = arith.addi %mul3A_0, %add3A_80 : i32
    "tpu.region"() ({
      %run_scoped3A = tpu.sem_alloc : memref<!tpu.dma_semaphore, #tpu.memory_space<semaphore_mem>>
      %dma_start3A = arith.constant 0 : i32
      %dma_start3A_126 = tpu.memref_slice %arg8[%add3A_81, %dma_start3A] : memref<50048x64xbf16, #tpu.memory_space<vmem_shared>> -> memref<184x64xbf16, #tpu.memory_space<vmem_shared>>
      %dma_start3A_127 = arith.constant 0 : i32
      %dma_start3A_128 = tpu.memref_slice %arg8[%add3A_81, %dma_start3A_127] : memref<50048x64xbf16, #tpu.memory_space<vmem_shared>> -> memref<184x64xbf16, #tpu.memory_space<vmem_shared>>
      tpu.enqueue_dma source(%arg12 : memref<184x64xbf16, #tpu.memory_space<vmem>>) target(%dma_start3A_128 : memref<184x64xbf16, #tpu.memory_space<vmem_shared>>) target_semaphore(%run_scoped3A : memref<!tpu.dma_semaphore, #tpu.memory_space<semaphore_mem>>)
      %dma_wait3A = arith.constant 0 : i32
      %dma_wait3A_129 = tpu.memref_slice %arg8[%add3A_81, %dma_wait3A] : memref<50048x64xbf16, #tpu.memory_space<vmem_shared>> -> memref<184x64xbf16, #tpu.memory_space<vmem_shared>>
      %dma_wait3A_130 = arith.constant 0 : i32
      %dma_wait3A_131 = tpu.memref_slice %arg8[%add3A_81, %dma_wait3A_130] : memref<50048x64xbf16, #tpu.memory_space<vmem_shared>> -> memref<184x64xbf16, #tpu.memory_space<vmem_shared>>
      tpu.wait_dma2 semaphore(%run_scoped3A : memref<!tpu.dma_semaphore, #tpu.memory_space<semaphore_mem>>) src(%arg12 : memref<184x64xbf16, #tpu.memory_space<vmem>>) dst(%dma_wait3A_131 : memref<184x64xbf16, #tpu.memory_space<vmem_shared>>)
      tpu.yield
    }) : () -> ()
    %add3A_82 = arith.constant 184 : i32
    %add3A_83 = arith.addi %mul3A_0, %add3A_82 : i32
    "tpu.region"() ({
      %run_scoped3A = tpu.sem_alloc : memref<!tpu.dma_semaphore, #tpu.memory_space<semaphore_mem>>
      %dma_start3A = arith.constant 0 : i32
      %dma_start3A_126 = tpu.memref_slice %arg8[%add3A_83, %dma_start3A] : memref<50048x64xbf16, #tpu.memory_space<vmem_shared>> -> memref<184x64xbf16, #tpu.memory_space<vmem_shared>>
      %dma_start3A_127 = arith.constant 0 : i32
      %dma_start3A_128 = tpu.memref_slice %arg8[%add3A_83, %dma_start3A_127] : memref<50048x64xbf16, #tpu.memory_space<vmem_shared>> -> memref<184x64xbf16, #tpu.memory_space<vmem_shared>>
      tpu.enqueue_dma source(%arg12 : memref<184x64xbf16, #tpu.memory_space<vmem>>) target(%dma_start3A_128 : memref<184x64xbf16, #tpu.memory_space<vmem_shared>>) target_semaphore(%run_scoped3A : memref<!tpu.dma_semaphore, #tpu.memory_space<semaphore_mem>>)
      %dma_wait3A = arith.constant 0 : i32
      %dma_wait3A_129 = tpu.memref_slice %arg8[%add3A_83, %dma_wait3A] : memref<50048x64xbf16, #tpu.memory_space<vmem_shared>> -> memref<184x64xbf16, #tpu.memory_space<vmem_shared>>
      %dma_wait3A_130 = arith.constant 0 : i32
      %dma_wait3A_131 = tpu.memref_slice %arg8[%add3A_83, %dma_wait3A_130] : memref<50048x64xbf16, #tpu.memory_space<vmem_shared>> -> memref<184x64xbf16, #tpu.memory_space<vmem_shared>>
      tpu.wait_dma2 semaphore(%run_scoped3A : memref<!tpu.dma_semaphore, #tpu.memory_space<semaphore_mem>>) src(%arg12 : memref<184x64xbf16, #tpu.memory_space<vmem>>) dst(%dma_wait3A_131 : memref<184x64xbf16, #tpu.memory_space<vmem_shared>>)
      tpu.yield
    }) : () -> ()
    %add3A_84 = arith.constant 368 : i32
    %add3A_85 = arith.addi %mul3A_0, %add3A_84 : i32
    "tpu.region"() ({
      %run_scoped3A = tpu.sem_alloc : memref<!tpu.dma_semaphore, #tpu.memory_space<semaphore_mem>>
      %dma_start3A = arith.constant 0 : i32
      %dma_start3A_126 = tpu.memref_slice %arg8[%add3A_85, %dma_start3A] : memref<50048x64xbf16, #tpu.memory_space<vmem_shared>> -> memref<184x64xbf16, #tpu.memory_space<vmem_shared>>
      %dma_start3A_127 = arith.constant 0 : i32
      %dma_start3A_128 = tpu.memref_slice %arg8[%add3A_85, %dma_start3A_127] : memref<50048x64xbf16, #tpu.memory_space<vmem_shared>> -> memref<184x64xbf16, #tpu.memory_space<vmem_shared>>
      tpu.enqueue_dma source(%arg12 : memref<184x64xbf16, #tpu.memory_space<vmem>>) target(%dma_start3A_128 : memref<184x64xbf16, #tpu.memory_space<vmem_shared>>) target_semaphore(%run_scoped3A : memref<!tpu.dma_semaphore, #tpu.memory_space<semaphore_mem>>)
      %dma_wait3A = arith.constant 0 : i32
      %dma_wait3A_129 = tpu.memref_slice %arg8[%add3A_85, %dma_wait3A] : memref<50048x64xbf16, #tpu.memory_space<vmem_shared>> -> memref<184x64xbf16, #tpu.memory_space<vmem_shared>>
      %dma_wait3A_130 = arith.constant 0 : i32
      %dma_wait3A_131 = tpu.memref_slice %arg8[%add3A_85, %dma_wait3A_130] : memref<50048x64xbf16, #tpu.memory_space<vmem_shared>> -> memref<184x64xbf16, #tpu.memory_space<vmem_shared>>
      tpu.wait_dma2 semaphore(%run_scoped3A : memref<!tpu.dma_semaphore, #tpu.memory_space<semaphore_mem>>) src(%arg12 : memref<184x64xbf16, #tpu.memory_space<vmem>>) dst(%dma_wait3A_131 : memref<184x64xbf16, #tpu.memory_space<vmem_shared>>)
      tpu.yield
    }) : () -> ()
    %add3A_86 = arith.constant 552 : i32
    %add3A_87 = arith.addi %mul3A_0, %add3A_86 : i32
    "tpu.region"() ({
      %run_scoped3A = tpu.sem_alloc : memref<!tpu.dma_semaphore, #tpu.memory_space<semaphore_mem>>
      %dma_start3A = arith.constant 0 : i32
      %dma_start3A_126 = tpu.memref_slice %arg8[%add3A_87, %dma_start3A] : memref<50048x64xbf16, #tpu.memory_space<vmem_shared>> -> memref<184x64xbf16, #tpu.memory_space<vmem_shared>>
      %dma_start3A_127 = arith.constant 0 : i32
      %dma_start3A_128 = tpu.memref_slice %arg8[%add3A_87, %dma_start3A_127] : memref<50048x64xbf16, #tpu.memory_space<vmem_shared>> -> memref<184x64xbf16, #tpu.memory_space<vmem_shared>>
      tpu.enqueue_dma source(%arg12 : memref<184x64xbf16, #tpu.memory_space<vmem>>) target(%dma_start3A_128 : memref<184x64xbf16, #tpu.memory_space<vmem_shared>>) target_semaphore(%run_scoped3A : memref<!tpu.dma_semaphore, #tpu.memory_space<semaphore_mem>>)
      %dma_wait3A = arith.constant 0 : i32
      %dma_wait3A_129 = tpu.memref_slice %arg8[%add3A_87, %dma_wait3A] : memref<50048x64xbf16, #tpu.memory_space<vmem_shared>> -> memref<184x64xbf16, #tpu.memory_space<vmem_shared>>
      %dma_wait3A_130 = arith.constant 0 : i32
      %dma_wait3A_131 = tpu.memref_slice %arg8[%add3A_87, %dma_wait3A_130] : memref<50048x64xbf16, #tpu.memory_space<vmem_shared>> -> memref<184x64xbf16, #tpu.memory_space<vmem_shared>>
      tpu.wait_dma2 semaphore(%run_scoped3A : memref<!tpu.dma_semaphore, #tpu.memory_space<semaphore_mem>>) src(%arg12 : memref<184x64xbf16, #tpu.memory_space<vmem>>) dst(%dma_wait3A_131 : memref<184x64xbf16, #tpu.memory_space<vmem_shared>>)
      tpu.yield
    }) : () -> ()
    %add3A_88 = arith.constant 736 : i32
    %add3A_89 = arith.addi %mul3A_0, %add3A_88 : i32
    "tpu.region"() ({
      %run_scoped3A = tpu.sem_alloc : memref<!tpu.dma_semaphore, #tpu.memory_space<semaphore_mem>>
      %dma_start3A = arith.constant 0 : i32
      %dma_start3A_126 = tpu.memref_slice %arg8[%add3A_89, %dma_start3A] : memref<50048x64xbf16, #tpu.memory_space<vmem_shared>> -> memref<184x64xbf16, #tpu.memory_space<vmem_shared>>
      %dma_start3A_127 = arith.constant 0 : i32
      %dma_start3A_128 = tpu.memref_slice %arg8[%add3A_89, %dma_start3A_127] : memref<50048x64xbf16, #tpu.memory_space<vmem_shared>> -> memref<184x64xbf16, #tpu.memory_space<vmem_shared>>
      tpu.enqueue_dma source(%arg12 : memref<184x64xbf16, #tpu.memory_space<vmem>>) target(%dma_start3A_128 : memref<184x64xbf16, #tpu.memory_space<vmem_shared>>) target_semaphore(%run_scoped3A : memref<!tpu.dma_semaphore, #tpu.memory_space<semaphore_mem>>)
      %dma_wait3A = arith.constant 0 : i32
      %dma_wait3A_129 = tpu.memref_slice %arg8[%add3A_89, %dma_wait3A] : memref<50048x64xbf16, #tpu.memory_space<vmem_shared>> -> memref<184x64xbf16, #tpu.memory_space<vmem_shared>>
      %dma_wait3A_130 = arith.constant 0 : i32
      %dma_wait3A_131 = tpu.memref_slice %arg8[%add3A_89, %dma_wait3A_130] : memref<50048x64xbf16, #tpu.memory_space<vmem_shared>> -> memref<184x64xbf16, #tpu.memory_space<vmem_shared>>
      tpu.wait_dma2 semaphore(%run_scoped3A : memref<!tpu.dma_semaphore, #tpu.memory_space<semaphore_mem>>) src(%arg12 : memref<184x64xbf16, #tpu.memory_space<vmem>>) dst(%dma_wait3A_131 : memref<184x64xbf16, #tpu.memory_space<vmem_shared>>)
      tpu.yield
    }) : () -> ()
    %add3A_90 = arith.constant 920 : i32
    %add3A_91 = arith.addi %mul3A_0, %add3A_90 : i32
    "tpu.region"() ({
      %run_scoped3A = tpu.sem_alloc : memref<!tpu.dma_semaphore, #tpu.memory_space<semaphore_mem>>
      %dma_start3A = arith.constant 0 : i32
      %dma_start3A_126 = tpu.memref_slice %arg8[%add3A_91, %dma_start3A] : memref<50048x64xbf16, #tpu.memory_space<vmem_shared>> -> memref<184x64xbf16, #tpu.memory_space<vmem_shared>>
      %dma_start3A_127 = arith.constant 0 : i32
      %dma_start3A_128 = tpu.memref_slice %arg8[%add3A_91, %dma_start3A_127] : memref<50048x64xbf16, #tpu.memory_space<vmem_shared>> -> memref<184x64xbf16, #tpu.memory_space<vmem_shared>>
      tpu.enqueue_dma source(%arg12 : memref<184x64xbf16, #tpu.memory_space<vmem>>) target(%dma_start3A_128 : memref<184x64xbf16, #tpu.memory_space<vmem_shared>>) target_semaphore(%run_scoped3A : memref<!tpu.dma_semaphore, #tpu.memory_space<semaphore_mem>>)
      %dma_wait3A = arith.constant 0 : i32
      %dma_wait3A_129 = tpu.memref_slice %arg8[%add3A_91, %dma_wait3A] : memref<50048x64xbf16, #tpu.memory_space<vmem_shared>> -> memref<184x64xbf16, #tpu.memory_space<vmem_shared>>
      %dma_wait3A_130 = arith.constant 0 : i32
      %dma_wait3A_131 = tpu.memref_slice %arg8[%add3A_91, %dma_wait3A_130] : memref<50048x64xbf16, #tpu.memory_space<vmem_shared>> -> memref<184x64xbf16, #tpu.memory_space<vmem_shared>>
      tpu.wait_dma2 semaphore(%run_scoped3A : memref<!tpu.dma_semaphore, #tpu.memory_space<semaphore_mem>>) src(%arg12 : memref<184x64xbf16, #tpu.memory_space<vmem>>) dst(%dma_wait3A_131 : memref<184x64xbf16, #tpu.memory_space<vmem_shared>>)
      tpu.yield
    }) : () -> ()
    %add3A_92 = arith.constant 1104 : i32
    %add3A_93 = arith.addi %mul3A_0, %add3A_92 : i32
    "tpu.region"() ({
      %run_scoped3A = tpu.sem_alloc : memref<!tpu.dma_semaphore, #tpu.memory_space<semaphore_mem>>
      %dma_start3A = arith.constant 0 : i32
      %dma_start3A_126 = tpu.memref_slice %arg8[%add3A_93, %dma_start3A] : memref<50048x64xbf16, #tpu.memory_space<vmem_shared>> -> memref<184x64xbf16, #tpu.memory_space<vmem_shared>>
      %dma_start3A_127 = arith.constant 0 : i32
      %dma_start3A_128 = tpu.memref_slice %arg8[%add3A_93, %dma_start3A_127] : memref<50048x64xbf16, #tpu.memory_space<vmem_shared>> -> memref<184x64xbf16, #tpu.memory_space<vmem_shared>>
      tpu.enqueue_dma source(%arg12 : memref<184x64xbf16, #tpu.memory_space<vmem>>) target(%dma_start3A_128 : memref<184x64xbf16, #tpu.memory_space<vmem_shared>>) target_semaphore(%run_scoped3A : memref<!tpu.dma_semaphore, #tpu.memory_space<semaphore_mem>>)
      %dma_wait3A = arith.constant 0 : i32
      %dma_wait3A_129 = tpu.memref_slice %arg8[%add3A_93, %dma_wait3A] : memref<50048x64xbf16, #tpu.memory_space<vmem_shared>> -> memref<184x64xbf16, #tpu.memory_space<vmem_shared>>
      %dma_wait3A_130 = arith.constant 0 : i32
      %dma_wait3A_131 = tpu.memref_slice %arg8[%add3A_93, %dma_wait3A_130] : memref<50048x64xbf16, #tpu.memory_space<vmem_shared>> -> memref<184x64xbf16, #tpu.memory_space<vmem_shared>>
      tpu.wait_dma2 semaphore(%run_scoped3A : memref<!tpu.dma_semaphore, #tpu.memory_space<semaphore_mem>>) src(%arg12 : memref<184x64xbf16, #tpu.memory_space<vmem>>) dst(%dma_wait3A_131 : memref<184x64xbf16, #tpu.memory_space<vmem_shared>>)
      tpu.yield
    }) : () -> ()
    %add3A_94 = arith.constant 1288 : i32
    %add3A_95 = arith.addi %mul3A_0, %add3A_94 : i32
    "tpu.region"() ({
      %run_scoped3A = tpu.sem_alloc : memref<!tpu.dma_semaphore, #tpu.memory_space<semaphore_mem>>
      %dma_start3A = arith.constant 0 : i32
      %dma_start3A_126 = tpu.memref_slice %arg8[%add3A_95, %dma_start3A] : memref<50048x64xbf16, #tpu.memory_space<vmem_shared>> -> memref<184x64xbf16, #tpu.memory_space<vmem_shared>>
      %dma_start3A_127 = arith.constant 0 : i32
      %dma_start3A_128 = tpu.memref_slice %arg8[%add3A_95, %dma_start3A_127] : memref<50048x64xbf16, #tpu.memory_space<vmem_shared>> -> memref<184x64xbf16, #tpu.memory_space<vmem_shared>>
      tpu.enqueue_dma source(%arg12 : memref<184x64xbf16, #tpu.memory_space<vmem>>) target(%dma_start3A_128 : memref<184x64xbf16, #tpu.memory_space<vmem_shared>>) target_semaphore(%run_scoped3A : memref<!tpu.dma_semaphore, #tpu.memory_space<semaphore_mem>>)
      %dma_wait3A = arith.constant 0 : i32
      %dma_wait3A_129 = tpu.memref_slice %arg8[%add3A_95, %dma_wait3A] : memref<50048x64xbf16, #tpu.memory_space<vmem_shared>> -> memref<184x64xbf16, #tpu.memory_space<vmem_shared>>
      %dma_wait3A_130 = arith.constant 0 : i32
      %dma_wait3A_131 = tpu.memref_slice %arg8[%add3A_95, %dma_wait3A_130] : memref<50048x64xbf16, #tpu.memory_space<vmem_shared>> -> memref<184x64xbf16, #tpu.memory_space<vmem_shared>>
      tpu.wait_dma2 semaphore(%run_scoped3A : memref<!tpu.dma_semaphore, #tpu.memory_space<semaphore_mem>>) src(%arg12 : memref<184x64xbf16, #tpu.memory_space<vmem>>) dst(%dma_wait3A_131 : memref<184x64xbf16, #tpu.memory_space<vmem_shared>>)
      tpu.yield
    }) : () -> ()
    %add3A_96 = arith.constant 1472 : i32
    %add3A_97 = arith.addi %mul3A_0, %add3A_96 : i32
    "tpu.region"() ({
      %run_scoped3A = tpu.sem_alloc : memref<!tpu.dma_semaphore, #tpu.memory_space<semaphore_mem>>
      %dma_start3A = arith.constant 0 : i32
      %dma_start3A_126 = tpu.memref_slice %arg8[%add3A_97, %dma_start3A] : memref<50048x64xbf16, #tpu.memory_space<vmem_shared>> -> memref<184x64xbf16, #tpu.memory_space<vmem_shared>>
      %dma_start3A_127 = arith.constant 0 : i32
      %dma_start3A_128 = tpu.memref_slice %arg8[%add3A_97, %dma_start3A_127] : memref<50048x64xbf16, #tpu.memory_space<vmem_shared>> -> memref<184x64xbf16, #tpu.memory_space<vmem_shared>>
      tpu.enqueue_dma source(%arg12 : memref<184x64xbf16, #tpu.memory_space<vmem>>) target(%dma_start3A_128 : memref<184x64xbf16, #tpu.memory_space<vmem_shared>>) target_semaphore(%run_scoped3A : memref<!tpu.dma_semaphore, #tpu.memory_space<semaphore_mem>>)
      %dma_wait3A = arith.constant 0 : i32
      %dma_wait3A_129 = tpu.memref_slice %arg8[%add3A_97, %dma_wait3A] : memref<50048x64xbf16, #tpu.memory_space<vmem_shared>> -> memref<184x64xbf16, #tpu.memory_space<vmem_shared>>
      %dma_wait3A_130 = arith.constant 0 : i32
      %dma_wait3A_131 = tpu.memref_slice %arg8[%add3A_97, %dma_wait3A_130] : memref<50048x64xbf16, #tpu.memory_space<vmem_shared>> -> memref<184x64xbf16, #tpu.memory_space<vmem_shared>>
      tpu.wait_dma2 semaphore(%run_scoped3A : memref<!tpu.dma_semaphore, #tpu.memory_space<semaphore_mem>>) src(%arg12 : memref<184x64xbf16, #tpu.memory_space<vmem>>) dst(%dma_wait3A_131 : memref<184x64xbf16, #tpu.memory_space<vmem_shared>>)
      tpu.yield
    }) : () -> ()
    %add3A_98 = arith.constant 1656 : i32
    %add3A_99 = arith.addi %mul3A_0, %add3A_98 : i32
    "tpu.region"() ({
      %run_scoped3A = tpu.sem_alloc : memref<!tpu.dma_semaphore, #tpu.memory_space<semaphore_mem>>
      %dma_start3A = arith.constant 0 : i32
      %dma_start3A_126 = tpu.memref_slice %arg8[%add3A_99, %dma_start3A] : memref<50048x64xbf16, #tpu.memory_space<vmem_shared>> -> memref<184x64xbf16, #tpu.memory_space<vmem_shared>>
      %dma_start3A_127 = arith.constant 0 : i32
      %dma_start3A_128 = tpu.memref_slice %arg8[%add3A_99, %dma_start3A_127] : memref<50048x64xbf16, #tpu.memory_space<vmem_shared>> -> memref<184x64xbf16, #tpu.memory_space<vmem_shared>>
      tpu.enqueue_dma source(%arg12 : memref<184x64xbf16, #tpu.memory_space<vmem>>) target(%dma_start3A_128 : memref<184x64xbf16, #tpu.memory_space<vmem_shared>>) target_semaphore(%run_scoped3A : memref<!tpu.dma_semaphore, #tpu.memory_space<semaphore_mem>>)
      %dma_wait3A = arith.constant 0 : i32
      %dma_wait3A_129 = tpu.memref_slice %arg8[%add3A_99, %dma_wait3A] : memref<50048x64xbf16, #tpu.memory_space<vmem_shared>> -> memref<184x64xbf16, #tpu.memory_space<vmem_shared>>
      %dma_wait3A_130 = arith.constant 0 : i32
      %dma_wait3A_131 = tpu.memref_slice %arg8[%add3A_99, %dma_wait3A_130] : memref<50048x64xbf16, #tpu.memory_space<vmem_shared>> -> memref<184x64xbf16, #tpu.memory_space<vmem_shared>>
      tpu.wait_dma2 semaphore(%run_scoped3A : memref<!tpu.dma_semaphore, #tpu.memory_space<semaphore_mem>>) src(%arg12 : memref<184x64xbf16, #tpu.memory_space<vmem>>) dst(%dma_wait3A_131 : memref<184x64xbf16, #tpu.memory_space<vmem_shared>>)
      tpu.yield
    }) : () -> ()
    %add3A_100 = arith.constant 1840 : i32
    %add3A_101 = arith.addi %mul3A_0, %add3A_100 : i32
    "tpu.region"() ({
      %run_scoped3A = tpu.sem_alloc : memref<!tpu.dma_semaphore, #tpu.memory_space<semaphore_mem>>
      %dma_start3A = arith.constant 0 : i32
      %dma_start3A_126 = tpu.memref_slice %arg8[%add3A_101, %dma_start3A] : memref<50048x64xbf16, #tpu.memory_space<vmem_shared>> -> memref<184x64xbf16, #tpu.memory_space<vmem_shared>>
      %dma_start3A_127 = arith.constant 0 : i32
      %dma_start3A_128 = tpu.memref_slice %arg8[%add3A_101, %dma_start3A_127] : memref<50048x64xbf16, #tpu.memory_space<vmem_shared>> -> memref<184x64xbf16, #tpu.memory_space<vmem_shared>>
      tpu.enqueue_dma source(%arg12 : memref<184x64xbf16, #tpu.memory_space<vmem>>) target(%dma_start3A_128 : memref<184x64xbf16, #tpu.memory_space<vmem_shared>>) target_semaphore(%run_scoped3A : memref<!tpu.dma_semaphore, #tpu.memory_space<semaphore_mem>>)
      %dma_wait3A = arith.constant 0 : i32
      %dma_wait3A_129 = tpu.memref_slice %arg8[%add3A_101, %dma_wait3A] : memref<50048x64xbf16, #tpu.memory_space<vmem_shared>> -> memref<184x64xbf16, #tpu.memory_space<vmem_shared>>
      %dma_wait3A_130 = arith.constant 0 : i32
      %dma_wait3A_131 = tpu.memref_slice %arg8[%add3A_101, %dma_wait3A_130] : memref<50048x64xbf16, #tpu.memory_space<vmem_shared>> -> memref<184x64xbf16, #tpu.memory_space<vmem_shared>>
      tpu.wait_dma2 semaphore(%run_scoped3A : memref<!tpu.dma_semaphore, #tpu.memory_space<semaphore_mem>>) src(%arg12 : memref<184x64xbf16, #tpu.memory_space<vmem>>) dst(%dma_wait3A_131 : memref<184x64xbf16, #tpu.memory_space<vmem_shared>>)
      tpu.yield
    }) : () -> ()
    %add3A_102 = arith.constant 2024 : i32
    %add3A_103 = arith.addi %mul3A_0, %add3A_102 : i32
    "tpu.region"() ({
      %run_scoped3A = tpu.sem_alloc : memref<!tpu.dma_semaphore, #tpu.memory_space<semaphore_mem>>
      %dma_start3A = arith.constant 0 : i32
      %dma_start3A_126 = tpu.memref_slice %arg8[%add3A_103, %dma_start3A] : memref<50048x64xbf16, #tpu.memory_space<vmem_shared>> -> memref<184x64xbf16, #tpu.memory_space<vmem_shared>>
      %dma_start3A_127 = arith.constant 0 : i32
      %dma_start3A_128 = tpu.memref_slice %arg8[%add3A_103, %dma_start3A_127] : memref<50048x64xbf16, #tpu.memory_space<vmem_shared>> -> memref<184x64xbf16, #tpu.memory_space<vmem_shared>>
      tpu.enqueue_dma source(%arg12 : memref<184x64xbf16, #tpu.memory_space<vmem>>) target(%dma_start3A_128 : memref<184x64xbf16, #tpu.memory_space<vmem_shared>>) target_semaphore(%run_scoped3A : memref<!tpu.dma_semaphore, #tpu.memory_space<semaphore_mem>>)
      %dma_wait3A = arith.constant 0 : i32
      %dma_wait3A_129 = tpu.memref_slice %arg8[%add3A_103, %dma_wait3A] : memref<50048x64xbf16, #tpu.memory_space<vmem_shared>> -> memref<184x64xbf16, #tpu.memory_space<vmem_shared>>
      %dma_wait3A_130 = arith.constant 0 : i32
      %dma_wait3A_131 = tpu.memref_slice %arg8[%add3A_103, %dma_wait3A_130] : memref<50048x64xbf16, #tpu.memory_space<vmem_shared>> -> memref<184x64xbf16, #tpu.memory_space<vmem_shared>>
      tpu.wait_dma2 semaphore(%run_scoped3A : memref<!tpu.dma_semaphore, #tpu.memory_space<semaphore_mem>>) src(%arg12 : memref<184x64xbf16, #tpu.memory_space<vmem>>) dst(%dma_wait3A_131 : memref<184x64xbf16, #tpu.memory_space<vmem_shared>>)
      tpu.yield
    }) : () -> ()
    %add3A_104 = arith.constant 2208 : i32
    %add3A_105 = arith.addi %mul3A_0, %add3A_104 : i32
    "tpu.region"() ({
      %run_scoped3A = tpu.sem_alloc : memref<!tpu.dma_semaphore, #tpu.memory_space<semaphore_mem>>
      %dma_start3A = arith.constant 0 : i32
      %dma_start3A_126 = tpu.memref_slice %arg8[%add3A_105, %dma_start3A] : memref<50048x64xbf16, #tpu.memory_space<vmem_shared>> -> memref<184x64xbf16, #tpu.memory_space<vmem_shared>>
      %dma_start3A_127 = arith.constant 0 : i32
      %dma_start3A_128 = tpu.memref_slice %arg8[%add3A_105, %dma_start3A_127] : memref<50048x64xbf16, #tpu.memory_space<vmem_shared>> -> memref<184x64xbf16, #tpu.memory_space<vmem_shared>>
      tpu.enqueue_dma source(%arg12 : memref<184x64xbf16, #tpu.memory_space<vmem>>) target(%dma_start3A_128 : memref<184x64xbf16, #tpu.memory_space<vmem_shared>>) target_semaphore(%run_scoped3A : memref<!tpu.dma_semaphore, #tpu.memory_space<semaphore_mem>>)
      %dma_wait3A = arith.constant 0 : i32
      %dma_wait3A_129 = tpu.memref_slice %arg8[%add3A_105, %dma_wait3A] : memref<50048x64xbf16, #tpu.memory_space<vmem_shared>> -> memref<184x64xbf16, #tpu.memory_space<vmem_shared>>
      %dma_wait3A_130 = arith.constant 0 : i32
      %dma_wait3A_131 = tpu.memref_slice %arg8[%add3A_105, %dma_wait3A_130] : memref<50048x64xbf16, #tpu.memory_space<vmem_shared>> -> memref<184x64xbf16, #tpu.memory_space<vmem_shared>>
      tpu.wait_dma2 semaphore(%run_scoped3A : memref<!tpu.dma_semaphore, #tpu.memory_space<semaphore_mem>>) src(%arg12 : memref<184x64xbf16, #tpu.memory_space<vmem>>) dst(%dma_wait3A_131 : memref<184x64xbf16, #tpu.memory_space<vmem_shared>>)
      tpu.yield
    }) : () -> ()
    %add3A_106 = arith.constant 2392 : i32
    %add3A_107 = arith.addi %mul3A_0, %add3A_106 : i32
    "tpu.region"() ({
      %run_scoped3A = tpu.sem_alloc : memref<!tpu.dma_semaphore, #tpu.memory_space<semaphore_mem>>
      %dma_start3A = arith.constant 0 : i32
      %dma_start3A_126 = tpu.memref_slice %arg8[%add3A_107, %dma_start3A] : memref<50048x64xbf16, #tpu.memory_space<vmem_shared>> -> memref<184x64xbf16, #tpu.memory_space<vmem_shared>>
      %dma_start3A_127 = arith.constant 0 : i32
      %dma_start3A_128 = tpu.memref_slice %arg8[%add3A_107, %dma_start3A_127] : memref<50048x64xbf16, #tpu.memory_space<vmem_shared>> -> memref<184x64xbf16, #tpu.memory_space<vmem_shared>>
      tpu.enqueue_dma source(%arg12 : memref<184x64xbf16, #tpu.memory_space<vmem>>) target(%dma_start3A_128 : memref<184x64xbf16, #tpu.memory_space<vmem_shared>>) target_semaphore(%run_scoped3A : memref<!tpu.dma_semaphore, #tpu.memory_space<semaphore_mem>>)
      %dma_wait3A = arith.constant 0 : i32
      %dma_wait3A_129 = tpu.memref_slice %arg8[%add3A_107, %dma_wait3A] : memref<50048x64xbf16, #tpu.memory_space<vmem_shared>> -> memref<184x64xbf16, #tpu.memory_space<vmem_shared>>
      %dma_wait3A_130 = arith.constant 0 : i32
      %dma_wait3A_131 = tpu.memref_slice %arg8[%add3A_107, %dma_wait3A_130] : memref<50048x64xbf16, #tpu.memory_space<vmem_shared>> -> memref<184x64xbf16, #tpu.memory_space<vmem_shared>>
      tpu.wait_dma2 semaphore(%run_scoped3A : memref<!tpu.dma_semaphore, #tpu.memory_space<semaphore_mem>>) src(%arg12 : memref<184x64xbf16, #tpu.memory_space<vmem>>) dst(%dma_wait3A_131 : memref<184x64xbf16, #tpu.memory_space<vmem_shared>>)
      tpu.yield
    }) : () -> ()
    %add3A_108 = arith.constant 2576 : i32
    %add3A_109 = arith.addi %mul3A_0, %add3A_108 : i32
    "tpu.region"() ({
      %run_scoped3A = tpu.sem_alloc : memref<!tpu.dma_semaphore, #tpu.memory_space<semaphore_mem>>
      %dma_start3A = arith.constant 0 : i32
      %dma_start3A_126 = tpu.memref_slice %arg8[%add3A_109, %dma_start3A] : memref<50048x64xbf16, #tpu.memory_space<vmem_shared>> -> memref<184x64xbf16, #tpu.memory_space<vmem_shared>>
      %dma_start3A_127 = arith.constant 0 : i32
      %dma_start3A_128 = tpu.memref_slice %arg8[%add3A_109, %dma_start3A_127] : memref<50048x64xbf16, #tpu.memory_space<vmem_shared>> -> memref<184x64xbf16, #tpu.memory_space<vmem_shared>>
      tpu.enqueue_dma source(%arg12 : memref<184x64xbf16, #tpu.memory_space<vmem>>) target(%dma_start3A_128 : memref<184x64xbf16, #tpu.memory_space<vmem_shared>>) target_semaphore(%run_scoped3A : memref<!tpu.dma_semaphore, #tpu.memory_space<semaphore_mem>>)
      %dma_wait3A = arith.constant 0 : i32
      %dma_wait3A_129 = tpu.memref_slice %arg8[%add3A_109, %dma_wait3A] : memref<50048x64xbf16, #tpu.memory_space<vmem_shared>> -> memref<184x64xbf16, #tpu.memory_space<vmem_shared>>
      %dma_wait3A_130 = arith.constant 0 : i32
      %dma_wait3A_131 = tpu.memref_slice %arg8[%add3A_109, %dma_wait3A_130] : memref<50048x64xbf16, #tpu.memory_space<vmem_shared>> -> memref<184x64xbf16, #tpu.memory_space<vmem_shared>>
      tpu.wait_dma2 semaphore(%run_scoped3A : memref<!tpu.dma_semaphore, #tpu.memory_space<semaphore_mem>>) src(%arg12 : memref<184x64xbf16, #tpu.memory_space<vmem>>) dst(%dma_wait3A_131 : memref<184x64xbf16, #tpu.memory_space<vmem_shared>>)
      tpu.yield
    }) : () -> ()
    %add3A_110 = arith.constant 2760 : i32
    %add3A_111 = arith.addi %mul3A_0, %add3A_110 : i32
    "tpu.region"() ({
      %run_scoped3A = tpu.sem_alloc : memref<!tpu.dma_semaphore, #tpu.memory_space<semaphore_mem>>
      %dma_start3A = arith.constant 0 : i32
      %dma_start3A_126 = tpu.memref_slice %arg8[%add3A_111, %dma_start3A] : memref<50048x64xbf16, #tpu.memory_space<vmem_shared>> -> memref<184x64xbf16, #tpu.memory_space<vmem_shared>>
      %dma_start3A_127 = arith.constant 0 : i32
      %dma_start3A_128 = tpu.memref_slice %arg8[%add3A_111, %dma_start3A_127] : memref<50048x64xbf16, #tpu.memory_space<vmem_shared>> -> memref<184x64xbf16, #tpu.memory_space<vmem_shared>>
      tpu.enqueue_dma source(%arg12 : memref<184x64xbf16, #tpu.memory_space<vmem>>) target(%dma_start3A_128 : memref<184x64xbf16, #tpu.memory_space<vmem_shared>>) target_semaphore(%run_scoped3A : memref<!tpu.dma_semaphore, #tpu.memory_space<semaphore_mem>>)
      %dma_wait3A = arith.constant 0 : i32
      %dma_wait3A_129 = tpu.memref_slice %arg8[%add3A_111, %dma_wait3A] : memref<50048x64xbf16, #tpu.memory_space<vmem_shared>> -> memref<184x64xbf16, #tpu.memory_space<vmem_shared>>
      %dma_wait3A_130 = arith.constant 0 : i32
      %dma_wait3A_131 = tpu.memref_slice %arg8[%add3A_111, %dma_wait3A_130] : memref<50048x64xbf16, #tpu.memory_space<vmem_shared>> -> memref<184x64xbf16, #tpu.memory_space<vmem_shared>>
      tpu.wait_dma2 semaphore(%run_scoped3A : memref<!tpu.dma_semaphore, #tpu.memory_space<semaphore_mem>>) src(%arg12 : memref<184x64xbf16, #tpu.memory_space<vmem>>) dst(%dma_wait3A_131 : memref<184x64xbf16, #tpu.memory_space<vmem_shared>>)
      tpu.yield
    }) : () -> ()
    %add3A_112 = arith.constant 2944 : i32
    %add3A_113 = arith.addi %mul3A_0, %add3A_112 : i32
    "tpu.region"() ({
      %run_scoped3A = tpu.sem_alloc : memref<!tpu.dma_semaphore, #tpu.memory_space<semaphore_mem>>
      %dma_start3A = arith.constant 0 : i32
      %dma_start3A_126 = tpu.memref_slice %arg8[%add3A_113, %dma_start3A] : memref<50048x64xbf16, #tpu.memory_space<vmem_shared>> -> memref<184x64xbf16, #tpu.memory_space<vmem_shared>>
      %dma_start3A_127 = arith.constant 0 : i32
      %dma_start3A_128 = tpu.memref_slice %arg8[%add3A_113, %dma_start3A_127] : memref<50048x64xbf16, #tpu.memory_space<vmem_shared>> -> memref<184x64xbf16, #tpu.memory_space<vmem_shared>>
      tpu.enqueue_dma source(%arg12 : memref<184x64xbf16, #tpu.memory_space<vmem>>) target(%dma_start3A_128 : memref<184x64xbf16, #tpu.memory_space<vmem_shared>>) target_semaphore(%run_scoped3A : memref<!tpu.dma_semaphore, #tpu.memory_space<semaphore_mem>>)
      %dma_wait3A = arith.constant 0 : i32
      %dma_wait3A_129 = tpu.memref_slice %arg8[%add3A_113, %dma_wait3A] : memref<50048x64xbf16, #tpu.memory_space<vmem_shared>> -> memref<184x64xbf16, #tpu.memory_space<vmem_shared>>
      %dma_wait3A_130 = arith.constant 0 : i32
      %dma_wait3A_131 = tpu.memref_slice %arg8[%add3A_113, %dma_wait3A_130] : memref<50048x64xbf16, #tpu.memory_space<vmem_shared>> -> memref<184x64xbf16, #tpu.memory_space<vmem_shared>>
      tpu.wait_dma2 semaphore(%run_scoped3A : memref<!tpu.dma_semaphore, #tpu.memory_space<semaphore_mem>>) src(%arg12 : memref<184x64xbf16, #tpu.memory_space<vmem>>) dst(%dma_wait3A_131 : memref<184x64xbf16, #tpu.memory_space<vmem_shared>>)
      tpu.yield
    }) : () -> ()
    %scan3A_114 = arith.constant 0 : i32
    %scan3A_115 = arith.constant 208 : i32
    %scan3A_116 = arith.addi %scan3A_114, %scan3A_115 : i32
    %scan3A_117 = arith.constant 1 : i32
    scf.for %scan3A_126 = %scan3A_114 to %scan3A_116 step %scan3A_117  : i32 {
      %mul3A_127 = arith.constant 1 : i32
      %mul3A_128 = arith.muli %scan3A_126, %mul3A_127 : i32
      %add3A_129 = arith.constant 0 : i32
      %add3A_130 = arith.addi %add3A_129, %mul3A_128 : i32
      %broadcast_in_dim3A = arith.constant 1.000000e+00 : bf16
      %broadcast_in_dim3A_131 = vector.broadcast %broadcast_in_dim3A : bf16 to vector<32xbf16>
      %swap3A = arith.constant 0 : i32
      %swap3A_132 = arith.index_cast %swap3A : i32 to index
      %swap3A_133 = arith.index_cast %add3A_130 : i32 to index
      %swap3A_134 = arith.constant 0 : index
      %swap3A_135 = tpu.vector_load %arg11[%swap3A_132, %swap3A_133, %swap3A_134] {strides = array<i32>} : memref<3x208x64xbf16, #tpu.memory_space<vmem>>, vector<1x1x32xbf16>,
      %swap3A_136 = vector.shape_cast %swap3A_135 : vector<1x1x32xbf16> to vector<32xbf16>
      %swap3A_137 = vector.shape_cast %broadcast_in_dim3A_131 : vector<32xbf16> to vector<1x1x32xbf16>
      tpu.vector_store %arg11[%swap3A_132, %swap3A_133, %swap3A_134], %swap3A_137 {strides = array<i32>} : memref<3x208x64xbf16, #tpu.memory_space<vmem>>, vector<1x1x32xbf16>,
      %broadcast_in_dim3A_138 = arith.constant 1.000000e+00 : bf16
      %broadcast_in_dim3A_139 = vector.broadcast %broadcast_in_dim3A_138 : bf16 to vector<32xbf16>
      %swap3A_140 = arith.constant 0 : i32
      %swap3A_141 = arith.index_cast %swap3A_140 : i32 to index
      %swap3A_142 = arith.index_cast %add3A_130 : i32 to index
      %swap3A_143 = arith.constant 32 : index
      %swap3A_144 = tpu.vector_load %arg11[%swap3A_141, %swap3A_142, %swap3A_143] {strides = array<i32>} : memref<3x208x64xbf16, #tpu.memory_space<vmem>>, vector<1x1x32xbf16>,
      %swap3A_145 = vector.shape_cast %swap3A_144 : vector<1x1x32xbf16> to vector<32xbf16>
      %swap3A_146 = vector.shape_cast %broadcast_in_dim3A_139 : vector<32xbf16> to vector<1x1x32xbf16>
      tpu.vector_store %arg11[%swap3A_141, %swap3A_142, %swap3A_143], %swap3A_146 {strides = array<i32>} : memref<3x208x64xbf16, #tpu.memory_space<vmem>>, vector<1x1x32xbf16>,
    }
    %scan3A_118 = arith.constant 208 : i32
    %barrier3A_119 = arith.constant 0 : index
    tpu.barrier barrier_id(%barrier3A_119)
    %scan3A_120 = arith.constant 0 : i32
    %scan3A_121 = arith.constant 4 : i32
    %scan3A_122 = arith.addi %scan3A_120, %scan3A_121 : i32
    %scan3A_123 = arith.constant 1 : i32
    scf.for %scan3A_126 = %scan3A_120 to %scan3A_122 step %scan3A_123  : i32 {
      %mul3A_127 = arith.constant 1 : i32
      %mul3A_128 = arith.muli %scan3A_126, %mul3A_127 : i32
      %add3A_129 = arith.constant 0 : i32
      %add3A_130 = arith.addi %add3A_129, %mul3A_128 : i32
      %mul3A_131 = arith.constant 2496 : i32
      %mul3A_132 = arith.muli %add3A_130, %mul3A_131 : i32
      "tpu.region"() ({
        %run_scoped3A = tpu.sem_alloc : memref<!tpu.dma_semaphore, #tpu.memory_space<semaphore_mem>>
        %dma_start3A = tpu.memref_slice %arg4[%arg0, %arg1, %mul3A_132] : memref<2x16x9984xi32, #tpu.memory_space<hbm>> -> memref<1x1x2496xi32, #tpu.memory_space<hbm>>
        %dma_start3A_138 = tpu.memref_squeeze %dma_start3A : memref<1x1x2496xi32, #tpu.memory_space<hbm>> -> memref<2496xi32, #tpu.memory_space<hbm>>
        %dma_start3A_139 = tpu.memref_slice %arg4[%arg0, %arg1, %mul3A_132] : memref<2x16x9984xi32, #tpu.memory_space<hbm>> -> memref<1x1x2496xi32, #tpu.memory_space<hbm>>
        %dma_start3A_140 = tpu.memref_squeeze %dma_start3A_139 : memref<1x1x2496xi32, #tpu.memory_space<hbm>> -> memref<2496xi32, #tpu.memory_space<hbm>>
        tpu.enqueue_dma source(%dma_start3A_140 : memref<2496xi32, #tpu.memory_space<hbm>>) target(%arg10 : memref<2496xi32, #tpu.memory_space<vmem>>) target_semaphore(%run_scoped3A : memref<!tpu.dma_semaphore, #tpu.memory_space<semaphore_mem>>)
        %dma_wait3A = tpu.memref_slice %arg4[%arg0, %arg1, %mul3A_132] : memref<2x16x9984xi32, #tpu.memory_space<hbm>> -> memref<1x1x2496xi32, #tpu.memory_space<hbm>>
        %dma_wait3A_141 = tpu.memref_squeeze %dma_wait3A : memref<1x1x2496xi32, #tpu.memory_space<hbm>> -> memref<2496xi32, #tpu.memory_space<hbm>>
        %dma_wait3A_142 = tpu.memref_slice %arg4[%arg0, %arg1, %mul3A_132] : memref<2x16x9984xi32, #tpu.memory_space<hbm>> -> memref<1x1x2496xi32, #tpu.memory_space<hbm>>
        %dma_wait3A_143 = tpu.memref_squeeze %dma_wait3A_142 : memref<1x1x2496xi32, #tpu.memory_space<hbm>> -> memref<2496xi32, #tpu.memory_space<hbm>>
        tpu.wait_dma2 semaphore(%run_scoped3A : memref<!tpu.dma_semaphore, #tpu.memory_space<semaphore_mem>>) src(%dma_wait3A_143 : memref<2496xi32, #tpu.memory_space<hbm>>) dst(%arg10 : memref<2496xi32, #tpu.memory_space<vmem>>)
        tpu.yield
      }) : () -> ()
      %scan3A_133 = arith.constant 0 : i32
      %scan3A_134 = arith.constant 12 : i32
      %scan3A_135 = arith.addi %scan3A_133, %scan3A_134 : i32
      %scan3A_136 = arith.constant 1 : i32
      scf.for %scan3A_138 = %scan3A_133 to %scan3A_135 step %scan3A_136  : i32 {
        %mul3A_139 = arith.constant 1 : i32
        %mul3A_140 = arith.muli %scan3A_138, %mul3A_139 : i32
        %add3A_141 = arith.constant 0 : i32
        %add3A_142 = arith.addi %add3A_141, %mul3A_140 : i32
        %mul3A_143 = arith.constant 208 : i32
        %mul3A_144 = arith.muli %add3A_142, %mul3A_143 : i32
        %run_scoped3A = arith.constant 0 : i32
        "tpu.region"() ({
          %run_scoped3A_145 = tpu.sem_alloc : memref<!tpu.dma_semaphore, #tpu.memory_space<semaphore_mem>>
          %dma_start3A = arith.constant 0 : i32
          %dma_start3A_146 = arith.constant 0 : i32
          %dma_start3A_147 = tpu.memref_slice %arg11[%run_scoped3A, %dma_start3A, %dma_start3A_146] : memref<3x208x64xbf16, #tpu.memory_space<vmem>> -> memref<1x208x64xbf16, #tpu.memory_space<vmem>>
          %dma_start3A_148 = tpu.memref_squeeze %dma_start3A_147 : memref<1x208x64xbf16, #tpu.memory_space<vmem>> -> memref<208x64xbf16, #tpu.memory_space<vmem>>
          %dma_start3A_149 = tpu.memref_slice %arg10[%mul3A_144] : memref<2496xi32, #tpu.memory_space<vmem>> -> memref<208xi32, #tpu.memory_space<vmem>>
          %dma_start3A_150 = arith.constant 0 : i32
          %dma_start3A_151 = arith.constant 0 : i32
          %dma_start3A_152 = tpu.memref_slice %arg8[%dma_start3A_150, %dma_start3A_151] : memref<50048x64xbf16, #tpu.memory_space<vmem_shared>> -> memref<50048x64xbf16, #tpu.memory_space<vmem_shared>>
          tpu.enqueue_indirect_dma source(%dma_start3A_148 : memref<208x64xbf16, #tpu.memory_space<vmem>>) target(%dma_start3A_152 : memref<50048x64xbf16, #tpu.memory_space<vmem_shared>>) offsets(%dma_start3A_149 : memref<208xi32, #tpu.memory_space<vmem>>) semaphore(%run_scoped3A_145 : memref<!tpu.dma_semaphore, #tpu.memory_space<semaphore_mem>>) {add = true}
          %dma_wait3A = arith.constant 0 : i32
          %dma_wait3A_153 = arith.constant 0 : i32
          %dma_wait3A_154 = tpu.memref_slice %arg11[%run_scoped3A, %dma_wait3A, %dma_wait3A_153] : memref<3x208x64xbf16, #tpu.memory_space<vmem>> -> memref<1x208x64xbf16, #tpu.memory_space<vmem>>
          %dma_wait3A_155 = tpu.memref_squeeze %dma_wait3A_154 : memref<1x208x64xbf16, #tpu.memory_space<vmem>> -> memref<208x64xbf16, #tpu.memory_space<vmem>>
          %dma_wait3A_156 = tpu.memref_slice %arg10[%mul3A_144] : memref<2496xi32, #tpu.memory_space<vmem>> -> memref<208xi32, #tpu.memory_space<vmem>>
          %dma_wait3A_157 = arith.constant 0 : i32
          %dma_wait3A_158 = arith.constant 0 : i32
          %dma_wait3A_159 = tpu.memref_slice %arg8[%dma_wait3A_157, %dma_wait3A_158] : memref<50048x64xbf16, #tpu.memory_space<vmem_shared>> -> memref<50048x64xbf16, #tpu.memory_space<vmem_shared>>
          tpu.wait_indirect_dma semaphore(%run_scoped3A_145 : memref<!tpu.dma_semaphore, #tpu.memory_space<semaphore_mem>>) src(%dma_wait3A_155 : memref<208x64xbf16, #tpu.memory_space<vmem>>) dst(%dma_wait3A_159 : memref<50048x64xbf16, #tpu.memory_space<vmem_shared>>)
          tpu.yield
        }) : () -> ()
      }
      %scan3A_137 = arith.constant 12 : i32
    }
    %scan3A_124 = arith.constant 4 : i32
    %barrier3A_125 = arith.constant 0 : index
    tpu.barrier barrier_id(%barrier3A_125)
    "tpu.region"() ({
      %run_scoped3A = tpu.sem_alloc : memref<!tpu.dma_semaphore, #tpu.memory_space<semaphore_mem>>
      %dma_start3A = arith.constant 0 : i32
      %dma_start3A_126 = tpu.memref_slice %arg7[%arg0, %mul3A_0, %dma_start3A] : memref<2x50048x64xbf16, #tpu.memory_space<hbm>> -> memref<1x3128x64xbf16, #tpu.memory_space<hbm>>
      %dma_start3A_127 = tpu.memref_squeeze %dma_start3A_126 : memref<1x3128x64xbf16, #tpu.memory_space<hbm>> -> memref<3128x64xbf16, #tpu.memory_space<hbm>>
      %dma_start3A_128 = arith.constant 0 : i32
      %dma_start3A_129 = tpu.memref_slice %arg8[%mul3A_0, %dma_start3A_128] : memref<50048x64xbf16, #tpu.memory_space<vmem_shared>> -> memref<3128x64xbf16, #tpu.memory_space<vmem_shared>>
      tpu.enqueue_dma source(%dma_start3A_129 : memref<3128x64xbf16, #tpu.memory_space<vmem_shared>>) target(%dma_start3A_127 : memref<3128x64xbf16, #tpu.memory_space<hbm>>) target_semaphore(%run_scoped3A : memref<!tpu.dma_semaphore, #tpu.memory_space<semaphore_mem>>)
      %dma_wait3A = arith.constant 0 : i32
      %dma_wait3A_130 = tpu.memref_slice %arg7[%arg0, %mul3A_0, %dma_wait3A] : memref<2x50048x64xbf16, #tpu.memory_space<hbm>> -> memref<1x3128x64xbf16, #tpu.memory_space<hbm>>
      %dma_wait3A_131 = tpu.memref_squeeze %dma_wait3A_130 : memref<1x3128x64xbf16, #tpu.memory_space<hbm>> -> memref<3128x64xbf16, #tpu.memory_space<hbm>>
      %dma_wait3A_132 = arith.constant 0 : i32
      %dma_wait3A_133 = tpu.memref_slice %arg8[%mul3A_0, %dma_wait3A_132] : memref<50048x64xbf16, #tpu.memory_space<vmem_shared>> -> memref<3128x64xbf16, #tpu.memory_space<vmem_shared>>
      tpu.wait_dma2 semaphore(%run_scoped3A : memref<!tpu.dma_semaphore, #tpu.memory_space<semaphore_mem>>) src(%dma_wait3A_133 : memref<3128x64xbf16, #tpu.memory_space<vmem_shared>>) dst(%dma_wait3A_131 : memref<3128x64xbf16, #tpu.memory_space<hbm>>)
      tpu.yield
    }) : () -> ()
    return
  }
}

#map = affine_map<(d0, d1) -> (0, 0)>
#map1 = affine_map<(d0, d1) -> (0, 0, 0, 0)>
#map2 = affine_map<(d0, d1) -> (0, 0, 0)>
module attributes {stable_mosaic.version = 14 : i64} {
  func.func @sc_kernel(%arg0: i32, %arg1: i32, %arg2: memref<100096x64xbf16, #tpu.memory_space<hbm>>, %arg3: memref<2x2x16x9984xi32, #tpu.memory_space<hbm>>, %arg4: memref<2x16x9984xi32, #tpu.memory_space<hbm>>, %arg5: memref<184x64xbf16, #tpu.memory_space<hbm>>, %arg6: memref<2x50048x128xbf16, #tpu.memory_space<hbm>>, %arg7: memref<2x50048x64xbf16, #tpu.memory_space<hbm>>, %arg8: memref<50048x64xbf16, #tpu.memory_space<vmem_shared>>, %arg9: memref<2496xi32, #tpu.memory_space<vmem>>, %arg10: memref<2496xi32, #tpu.memory_space<vmem>>, %arg11: memref<3x208x64xbf16, #tpu.memory_space<vmem>>, %arg12: memref<184x64xbf16, #tpu.memory_space<vmem>>, %arg13: memref<!tpu.dma_semaphore, #tpu.memory_space<semaphore_mem>>, %arg14: memref<!tpu.dma_semaphore, #tpu.memory_space<semaphore_mem>>, %arg15: memref<!tpu.dma_semaphore, #tpu.memory_space<semaphore_mem>>, %arg16: memref<!tpu.dma_semaphore, #tpu.memory_space<semaphore_mem>>) attributes {dimension_semantics = [#tpu.dimension_semantics<core_parallel>, #tpu.dimension_semantics<subcore_parallel>], iteration_bounds = array<i64: 2, 16>, scalar_prefetch = 0 : i64, scratch_operands = 9 : i64, tpu.core_type = #tpu.core_type<sc_vector_subcore>, window_params = [{transform_indices = #map}, {transform_indices = #map1}, {transform_indices = #map2}, {transform_indices = #map}, {transform_indices = #map2}, {transform_indices = #map2}]} {
    %mul3A = arith.constant 3128 : i32
    %mul3A_0 = arith.muli %arg1, %mul3A : i32
    "tpu.region"() ({
      %run_scoped3A = tpu.sem_alloc : memref<!tpu.dma_semaphore, #tpu.memory_space<semaphore_mem>>
      tpu.enqueue_dma source(%arg5 : memref<184x64xbf16, #tpu.memory_space<hbm>>) target(%arg12 : memref<184x64xbf16, #tpu.memory_space<vmem>>) target_semaphore(%run_scoped3A : memref<!tpu.dma_semaphore, #tpu.memory_space<semaphore_mem>>)
      tpu.wait_dma2 semaphore(%run_scoped3A : memref<!tpu.dma_semaphore, #tpu.memory_space<semaphore_mem>>) src(%arg5 : memref<184x64xbf16, #tpu.memory_space<hbm>>) dst(%arg12 : memref<184x64xbf16, #tpu.memory_space<vmem>>)
      tpu.yield
    }) : () -> ()
    %add3A = arith.constant 0 : i32
    %add3A_1 = arith.addi %mul3A_0, %add3A : i32
    "tpu.region"() ({
      %run_scoped3A = tpu.sem_alloc : memref<!tpu.dma_semaphore, #tpu.memory_space<semaphore_mem>>
      %dma_start3A = arith.constant 0 : i32
      %dma_start3A_126 = tpu.memref_slice %arg8[%add3A_1, %dma_start3A] : memref<50048x64xbf16, #tpu.memory_space<vmem_shared>> -> memref<184x64xbf16, #tpu.memory_space<vmem_shared>>
      %dma_start3A_127 = arith.constant 0 : i32
      %dma_start3A_128 = tpu.memref_slice %arg8[%add3A_1, %dma_start3A_127] : memref<50048x64xbf16, #tpu.memory_space<vmem_shared>> -> memref<184x64xbf16, #tpu.memory_space<vmem_shared>>
      tpu.enqueue_dma source(%arg12 : memref<184x64xbf16, #tpu.memory_space<vmem>>) target(%dma_start3A_128 : memref<184x64xbf16, #tpu.memory_space<vmem_shared>>) target_semaphore(%run_scoped3A : memref<!tpu.dma_semaphore, #tpu.memory_space<semaphore_mem>>)
      %dma_wait3A = arith.constant 0 : i32
      %dma_wait3A_129 = tpu.memref_slice %arg8[%add3A_1, %dma_wait3A] : memref<50048x64xbf16, #tpu.memory_space<vmem_shared>> -> memref<184x64xbf16, #tpu.memory_space<vmem_shared>>
      %dma_wait3A_130 = arith.constant 0 : i32
      %dma_wait3A_131 = tpu.memref_slice %arg8[%add3A_1, %dma_wait3A_130] : memref<50048x64xbf16, #tpu.memory_space<vmem_shared>> -> memref<184x64xbf16, #tpu.memory_space<vmem_shared>>
      tpu.wait_dma2 semaphore(%run_scoped3A : memref<!tpu.dma_semaphore, #tpu.memory_space<semaphore_mem>>) src(%arg12 : memref<184x64xbf16, #tpu.memory_space<vmem>>) dst(%dma_wait3A_131 : memref<184x64xbf16, #tpu.memory_space<vmem_shared>>)
      tpu.yield
    }) : () -> ()
    %add3A_2 = arith.constant 184 : i32
    %add3A_3 = arith.addi %mul3A_0, %add3A_2 : i32
    "tpu.region"() ({
      %run_scoped3A = tpu.sem_alloc : memref<!tpu.dma_semaphore, #tpu.memory_space<semaphore_mem>>
      %dma_start3A = arith.constant 0 : i32
      %dma_start3A_126 = tpu.memref_slice %arg8[%add3A_3, %dma_start3A] : memref<50048x64xbf16, #tpu.memory_space<vmem_shared>> -> memref<184x64xbf16, #tpu.memory_space<vmem_shared>>
      %dma_start3A_127 = arith.constant 0 : i32
      %dma_start3A_128 = tpu.memref_slice %arg8[%add3A_3, %dma_start3A_127] : memref<50048x64xbf16, #tpu.memory_space<vmem_shared>> -> memref<184x64xbf16, #tpu.memory_space<vmem_shared>>
      tpu.enqueue_dma source(%arg12 : memref<184x64xbf16, #tpu.memory_space<vmem>>) target(%dma_start3A_128 : memref<184x64xbf16, #tpu.memory_space<vmem_shared>>) target_semaphore(%run_scoped3A : memref<!tpu.dma_semaphore, #tpu.memory_space<semaphore_mem>>)
      %dma_wait3A = arith.constant 0 : i32
      %dma_wait3A_129 = tpu.memref_slice %arg8[%add3A_3, %dma_wait3A] : memref<50048x64xbf16, #tpu.memory_space<vmem_shared>> -> memref<184x64xbf16, #tpu.memory_space<vmem_shared>>
      %dma_wait3A_130 = arith.constant 0 : i32
      %dma_wait3A_131 = tpu.memref_slice %arg8[%add3A_3, %dma_wait3A_130] : memref<50048x64xbf16, #tpu.memory_space<vmem_shared>> -> memref<184x64xbf16, #tpu.memory_space<vmem_shared>>
      tpu.wait_dma2 semaphore(%run_scoped3A : memref<!tpu.dma_semaphore, #tpu.memory_space<semaphore_mem>>) src(%arg12 : memref<184x64xbf16, #tpu.memory_space<vmem>>) dst(%dma_wait3A_131 : memref<184x64xbf16, #tpu.memory_space<vmem_shared>>)
      tpu.yield
    }) : () -> ()
    %add3A_4 = arith.constant 368 : i32
    %add3A_5 = arith.addi %mul3A_0, %add3A_4 : i32
    "tpu.region"() ({
      %run_scoped3A = tpu.sem_alloc : memref<!tpu.dma_semaphore, #tpu.memory_space<semaphore_mem>>
      %dma_start3A = arith.constant 0 : i32
      %dma_start3A_126 = tpu.memref_slice %arg8[%add3A_5, %dma_start3A] : memref<50048x64xbf16, #tpu.memory_space<vmem_shared>> -> memref<184x64xbf16, #tpu.memory_space<vmem_shared>>
      %dma_start3A_127 = arith.constant 0 : i32
      %dma_start3A_128 = tpu.memref_slice %arg8[%add3A_5, %dma_start3A_127] : memref<50048x64xbf16, #tpu.memory_space<vmem_shared>> -> memref<184x64xbf16, #tpu.memory_space<vmem_shared>>
      tpu.enqueue_dma source(%arg12 : memref<184x64xbf16, #tpu.memory_space<vmem>>) target(%dma_start3A_128 : memref<184x64xbf16, #tpu.memory_space<vmem_shared>>) target_semaphore(%run_scoped3A : memref<!tpu.dma_semaphore, #tpu.memory_space<semaphore_mem>>)
      %dma_wait3A = arith.constant 0 : i32
      %dma_wait3A_129 = tpu.memref_slice %arg8[%add3A_5, %dma_wait3A] : memref<50048x64xbf16, #tpu.memory_space<vmem_shared>> -> memref<184x64xbf16, #tpu.memory_space<vmem_shared>>
      %dma_wait3A_130 = arith.constant 0 : i32
      %dma_wait3A_131 = tpu.memref_slice %arg8[%add3A_5, %dma_wait3A_130] : memref<50048x64xbf16, #tpu.memory_space<vmem_shared>> -> memref<184x64xbf16, #tpu.memory_space<vmem_shared>>
      tpu.wait_dma2 semaphore(%run_scoped3A : memref<!tpu.dma_semaphore, #tpu.memory_space<semaphore_mem>>) src(%arg12 : memref<184x64xbf16, #tpu.memory_space<vmem>>) dst(%dma_wait3A_131 : memref<184x64xbf16, #tpu.memory_space<vmem_shared>>)
      tpu.yield
    }) : () -> ()
    %add3A_6 = arith.constant 552 : i32
    %add3A_7 = arith.addi %mul3A_0, %add3A_6 : i32
    "tpu.region"() ({
      %run_scoped3A = tpu.sem_alloc : memref<!tpu.dma_semaphore, #tpu.memory_space<semaphore_mem>>
      %dma_start3A = arith.constant 0 : i32
      %dma_start3A_126 = tpu.memref_slice %arg8[%add3A_7, %dma_start3A] : memref<50048x64xbf16, #tpu.memory_space<vmem_shared>> -> memref<184x64xbf16, #tpu.memory_space<vmem_shared>>
      %dma_start3A_127 = arith.constant 0 : i32
      %dma_start3A_128 = tpu.memref_slice %arg8[%add3A_7, %dma_start3A_127] : memref<50048x64xbf16, #tpu.memory_space<vmem_shared>> -> memref<184x64xbf16, #tpu.memory_space<vmem_shared>>
      tpu.enqueue_dma source(%arg12 : memref<184x64xbf16, #tpu.memory_space<vmem>>) target(%dma_start3A_128 : memref<184x64xbf16, #tpu.memory_space<vmem_shared>>) target_semaphore(%run_scoped3A : memref<!tpu.dma_semaphore, #tpu.memory_space<semaphore_mem>>)
      %dma_wait3A = arith.constant 0 : i32
      %dma_wait3A_129 = tpu.memref_slice %arg8[%add3A_7, %dma_wait3A] : memref<50048x64xbf16, #tpu.memory_space<vmem_shared>> -> memref<184x64xbf16, #tpu.memory_space<vmem_shared>>
      %dma_wait3A_130 = arith.constant 0 : i32
      %dma_wait3A_131 = tpu.memref_slice %arg8[%add3A_7, %dma_wait3A_130] : memref<50048x64xbf16, #tpu.memory_space<vmem_shared>> -> memref<184x64xbf16, #tpu.memory_space<vmem_shared>>
      tpu.wait_dma2 semaphore(%run_scoped3A : memref<!tpu.dma_semaphore, #tpu.memory_space<semaphore_mem>>) src(%arg12 : memref<184x64xbf16, #tpu.memory_space<vmem>>) dst(%dma_wait3A_131 : memref<184x64xbf16, #tpu.memory_space<vmem_shared>>)
      tpu.yield
    }) : () -> ()
    %add3A_8 = arith.constant 736 : i32
    %add3A_9 = arith.addi %mul3A_0, %add3A_8 : i32
    "tpu.region"() ({
      %run_scoped3A = tpu.sem_alloc : memref<!tpu.dma_semaphore, #tpu.memory_space<semaphore_mem>>
      %dma_start3A = arith.constant 0 : i32
      %dma_start3A_126 = tpu.memref_slice %arg8[%add3A_9, %dma_start3A] : memref<50048x64xbf16, #tpu.memory_space<vmem_shared>> -> memref<184x64xbf16, #tpu.memory_space<vmem_shared>>
      %dma_start3A_127 = arith.constant 0 : i32
      %dma_start3A_128 = tpu.memref_slice %arg8[%add3A_9, %dma_start3A_127] : memref<50048x64xbf16, #tpu.memory_space<vmem_shared>> -> memref<184x64xbf16, #tpu.memory_space<vmem_shared>>
      tpu.enqueue_dma source(%arg12 : memref<184x64xbf16, #tpu.memory_space<vmem>>) target(%dma_start3A_128 : memref<184x64xbf16, #tpu.memory_space<vmem_shared>>) target_semaphore(%run_scoped3A : memref<!tpu.dma_semaphore, #tpu.memory_space<semaphore_mem>>)
      %dma_wait3A = arith.constant 0 : i32
      %dma_wait3A_129 = tpu.memref_slice %arg8[%add3A_9, %dma_wait3A] : memref<50048x64xbf16, #tpu.memory_space<vmem_shared>> -> memref<184x64xbf16, #tpu.memory_space<vmem_shared>>
      %dma_wait3A_130 = arith.constant 0 : i32
      %dma_wait3A_131 = tpu.memref_slice %arg8[%add3A_9, %dma_wait3A_130] : memref<50048x64xbf16, #tpu.memory_space<vmem_shared>> -> memref<184x64xbf16, #tpu.memory_space<vmem_shared>>
      tpu.wait_dma2 semaphore(%run_scoped3A : memref<!tpu.dma_semaphore, #tpu.memory_space<semaphore_mem>>) src(%arg12 : memref<184x64xbf16, #tpu.memory_space<vmem>>) dst(%dma_wait3A_131 : memref<184x64xbf16, #tpu.memory_space<vmem_shared>>)
      tpu.yield
    }) : () -> ()
    %add3A_10 = arith.constant 920 : i32
    %add3A_11 = arith.addi %mul3A_0, %add3A_10 : i32
    "tpu.region"() ({
      %run_scoped3A = tpu.sem_alloc : memref<!tpu.dma_semaphore, #tpu.memory_space<semaphore_mem>>
      %dma_start3A = arith.constant 0 : i32
      %dma_start3A_126 = tpu.memref_slice %arg8[%add3A_11, %dma_start3A] : memref<50048x64xbf16, #tpu.memory_space<vmem_shared>> -> memref<184x64xbf16, #tpu.memory_space<vmem_shared>>
      %dma_start3A_127 = arith.constant 0 : i32
      %dma_start3A_128 = tpu.memref_slice %arg8[%add3A_11, %dma_start3A_127] : memref<50048x64xbf16, #tpu.memory_space<vmem_shared>> -> memref<184x64xbf16, #tpu.memory_space<vmem_shared>>
      tpu.enqueue_dma source(%arg12 : memref<184x64xbf16, #tpu.memory_space<vmem>>) target(%dma_start3A_128 : memref<184x64xbf16, #tpu.memory_space<vmem_shared>>) target_semaphore(%run_scoped3A : memref<!tpu.dma_semaphore, #tpu.memory_space<semaphore_mem>>)
      %dma_wait3A = arith.constant 0 : i32
      %dma_wait3A_129 = tpu.memref_slice %arg8[%add3A_11, %dma_wait3A] : memref<50048x64xbf16, #tpu.memory_space<vmem_shared>> -> memref<184x64xbf16, #tpu.memory_space<vmem_shared>>
      %dma_wait3A_130 = arith.constant 0 : i32
      %dma_wait3A_131 = tpu.memref_slice %arg8[%add3A_11, %dma_wait3A_130] : memref<50048x64xbf16, #tpu.memory_space<vmem_shared>> -> memref<184x64xbf16, #tpu.memory_space<vmem_shared>>
      tpu.wait_dma2 semaphore(%run_scoped3A : memref<!tpu.dma_semaphore, #tpu.memory_space<semaphore_mem>>) src(%arg12 : memref<184x64xbf16, #tpu.memory_space<vmem>>) dst(%dma_wait3A_131 : memref<184x64xbf16, #tpu.memory_space<vmem_shared>>)
      tpu.yield
    }) : () -> ()
    %add3A_12 = arith.constant 1104 : i32
    %add3A_13 = arith.addi %mul3A_0, %add3A_12 : i32
    "tpu.region"() ({
      %run_scoped3A = tpu.sem_alloc : memref<!tpu.dma_semaphore, #tpu.memory_space<semaphore_mem>>
      %dma_start3A = arith.constant 0 : i32
      %dma_start3A_126 = tpu.memref_slice %arg8[%add3A_13, %dma_start3A] : memref<50048x64xbf16, #tpu.memory_space<vmem_shared>> -> memref<184x64xbf16, #tpu.memory_space<vmem_shared>>
      %dma_start3A_127 = arith.constant 0 : i32
      %dma_start3A_128 = tpu.memref_slice %arg8[%add3A_13, %dma_start3A_127] : memref<50048x64xbf16, #tpu.memory_space<vmem_shared>> -> memref<184x64xbf16, #tpu.memory_space<vmem_shared>>
      tpu.enqueue_dma source(%arg12 : memref<184x64xbf16, #tpu.memory_space<vmem>>) target(%dma_start3A_128 : memref<184x64xbf16, #tpu.memory_space<vmem_shared>>) target_semaphore(%run_scoped3A : memref<!tpu.dma_semaphore, #tpu.memory_space<semaphore_mem>>)
      %dma_wait3A = arith.constant 0 : i32
      %dma_wait3A_129 = tpu.memref_slice %arg8[%add3A_13, %dma_wait3A] : memref<50048x64xbf16, #tpu.memory_space<vmem_shared>> -> memref<184x64xbf16, #tpu.memory_space<vmem_shared>>
      %dma_wait3A_130 = arith.constant 0 : i32
      %dma_wait3A_131 = tpu.memref_slice %arg8[%add3A_13, %dma_wait3A_130] : memref<50048x64xbf16, #tpu.memory_space<vmem_shared>> -> memref<184x64xbf16, #tpu.memory_space<vmem_shared>>
      tpu.wait_dma2 semaphore(%run_scoped3A : memref<!tpu.dma_semaphore, #tpu.memory_space<semaphore_mem>>) src(%arg12 : memref<184x64xbf16, #tpu.memory_space<vmem>>) dst(%dma_wait3A_131 : memref<184x64xbf16, #tpu.memory_space<vmem_shared>>)
      tpu.yield
    }) : () -> ()
    %add3A_14 = arith.constant 1288 : i32
    %add3A_15 = arith.addi %mul3A_0, %add3A_14 : i32
    "tpu.region"() ({
      %run_scoped3A = tpu.sem_alloc : memref<!tpu.dma_semaphore, #tpu.memory_space<semaphore_mem>>
      %dma_start3A = arith.constant 0 : i32
      %dma_start3A_126 = tpu.memref_slice %arg8[%add3A_15, %dma_start3A] : memref<50048x64xbf16, #tpu.memory_space<vmem_shared>> -> memref<184x64xbf16, #tpu.memory_space<vmem_shared>>
      %dma_start3A_127 = arith.constant 0 : i32
      %dma_start3A_128 = tpu.memref_slice %arg8[%add3A_15, %dma_start3A_127] : memref<50048x64xbf16, #tpu.memory_space<vmem_shared>> -> memref<184x64xbf16, #tpu.memory_space<vmem_shared>>
      tpu.enqueue_dma source(%arg12 : memref<184x64xbf16, #tpu.memory_space<vmem>>) target(%dma_start3A_128 : memref<184x64xbf16, #tpu.memory_space<vmem_shared>>) target_semaphore(%run_scoped3A : memref<!tpu.dma_semaphore, #tpu.memory_space<semaphore_mem>>)
      %dma_wait3A = arith.constant 0 : i32
      %dma_wait3A_129 = tpu.memref_slice %arg8[%add3A_15, %dma_wait3A] : memref<50048x64xbf16, #tpu.memory_space<vmem_shared>> -> memref<184x64xbf16, #tpu.memory_space<vmem_shared>>
      %dma_wait3A_130 = arith.constant 0 : i32
      %dma_wait3A_131 = tpu.memref_slice %arg8[%add3A_15, %dma_wait3A_130] : memref<50048x64xbf16, #tpu.memory_space<vmem_shared>> -> memref<184x64xbf16, #tpu.memory_space<vmem_shared>>
      tpu.wait_dma2 semaphore(%run_scoped3A : memref<!tpu.dma_semaphore, #tpu.memory_space<semaphore_mem>>) src(%arg12 : memref<184x64xbf16, #tpu.memory_space<vmem>>) dst(%dma_wait3A_131 : memref<184x64xbf16, #tpu.memory_space<vmem_shared>>)
      tpu.yield
    }) : () -> ()
    %add3A_16 = arith.constant 1472 : i32
    %add3A_17 = arith.addi %mul3A_0, %add3A_16 : i32
    "tpu.region"() ({
      %run_scoped3A = tpu.sem_alloc : memref<!tpu.dma_semaphore, #tpu.memory_space<semaphore_mem>>
      %dma_start3A = arith.constant 0 : i32
      %dma_start3A_126 = tpu.memref_slice %arg8[%add3A_17, %dma_start3A] : memref<50048x64xbf16, #tpu.memory_space<vmem_shared>> -> memref<184x64xbf16, #tpu.memory_space<vmem_shared>>
      %dma_start3A_127 = arith.constant 0 : i32
      %dma_start3A_128 = tpu.memref_slice %arg8[%add3A_17, %dma_start3A_127] : memref<50048x64xbf16, #tpu.memory_space<vmem_shared>> -> memref<184x64xbf16, #tpu.memory_space<vmem_shared>>
      tpu.enqueue_dma source(%arg12 : memref<184x64xbf16, #tpu.memory_space<vmem>>) target(%dma_start3A_128 : memref<184x64xbf16, #tpu.memory_space<vmem_shared>>) target_semaphore(%run_scoped3A : memref<!tpu.dma_semaphore, #tpu.memory_space<semaphore_mem>>)
      %dma_wait3A = arith.constant 0 : i32
      %dma_wait3A_129 = tpu.memref_slice %arg8[%add3A_17, %dma_wait3A] : memref<50048x64xbf16, #tpu.memory_space<vmem_shared>> -> memref<184x64xbf16, #tpu.memory_space<vmem_shared>>
      %dma_wait3A_130 = arith.constant 0 : i32
      %dma_wait3A_131 = tpu.memref_slice %arg8[%add3A_17, %dma_wait3A_130] : memref<50048x64xbf16, #tpu.memory_space<vmem_shared>> -> memref<184x64xbf16, #tpu.memory_space<vmem_shared>>
      tpu.wait_dma2 semaphore(%run_scoped3A : memref<!tpu.dma_semaphore, #tpu.memory_space<semaphore_mem>>) src(%arg12 : memref<184x64xbf16, #tpu.memory_space<vmem>>) dst(%dma_wait3A_131 : memref<184x64xbf16, #tpu.memory_space<vmem_shared>>)
      tpu.yield
    }) : () -> ()
    %add3A_18 = arith.constant 1656 : i32
    %add3A_19 = arith.addi %mul3A_0, %add3A_18 : i32
    "tpu.region"() ({
      %run_scoped3A = tpu.sem_alloc : memref<!tpu.dma_semaphore, #tpu.memory_space<semaphore_mem>>
      %dma_start3A = arith.constant 0 : i32
      %dma_start3A_126 = tpu.memref_slice %arg8[%add3A_19, %dma_start3A] : memref<50048x64xbf16, #tpu.memory_space<vmem_shared>> -> memref<184x64xbf16, #tpu.memory_space<vmem_shared>>
      %dma_start3A_127 = arith.constant 0 : i32
      %dma_start3A_128 = tpu.memref_slice %arg8[%add3A_19, %dma_start3A_127] : memref<50048x64xbf16, #tpu.memory_space<vmem_shared>> -> memref<184x64xbf16, #tpu.memory_space<vmem_shared>>
      tpu.enqueue_dma source(%arg12 : memref<184x64xbf16, #tpu.memory_space<vmem>>) target(%dma_start3A_128 : memref<184x64xbf16, #tpu.memory_space<vmem_shared>>) target_semaphore(%run_scoped3A : memref<!tpu.dma_semaphore, #tpu.memory_space<semaphore_mem>>)
      %dma_wait3A = arith.constant 0 : i32
      %dma_wait3A_129 = tpu.memref_slice %arg8[%add3A_19, %dma_wait3A] : memref<50048x64xbf16, #tpu.memory_space<vmem_shared>> -> memref<184x64xbf16, #tpu.memory_space<vmem_shared>>
      %dma_wait3A_130 = arith.constant 0 : i32
      %dma_wait3A_131 = tpu.memref_slice %arg8[%add3A_19, %dma_wait3A_130] : memref<50048x64xbf16, #tpu.memory_space<vmem_shared>> -> memref<184x64xbf16, #tpu.memory_space<vmem_shared>>
      tpu.wait_dma2 semaphore(%run_scoped3A : memref<!tpu.dma_semaphore, #tpu.memory_space<semaphore_mem>>) src(%arg12 : memref<184x64xbf16, #tpu.memory_space<vmem>>) dst(%dma_wait3A_131 : memref<184x64xbf16, #tpu.memory_space<vmem_shared>>)
      tpu.yield
    }) : () -> ()
    %add3A_20 = arith.constant 1840 : i32
    %add3A_21 = arith.addi %mul3A_0, %add3A_20 : i32
    "tpu.region"() ({
      %run_scoped3A = tpu.sem_alloc : memref<!tpu.dma_semaphore, #tpu.memory_space<semaphore_mem>>
      %dma_start3A = arith.constant 0 : i32
      %dma_start3A_126 = tpu.memref_slice %arg8[%add3A_21, %dma_start3A] : memref<50048x64xbf16, #tpu.memory_space<vmem_shared>> -> memref<184x64xbf16, #tpu.memory_space<vmem_shared>>
      %dma_start3A_127 = arith.constant 0 : i32
      %dma_start3A_128 = tpu.memref_slice %arg8[%add3A_21, %dma_start3A_127] : memref<50048x64xbf16, #tpu.memory_space<vmem_shared>> -> memref<184x64xbf16, #tpu.memory_space<vmem_shared>>
      tpu.enqueue_dma source(%arg12 : memref<184x64xbf16, #tpu.memory_space<vmem>>) target(%dma_start3A_128 : memref<184x64xbf16, #tpu.memory_space<vmem_shared>>) target_semaphore(%run_scoped3A : memref<!tpu.dma_semaphore, #tpu.memory_space<semaphore_mem>>)
      %dma_wait3A = arith.constant 0 : i32
      %dma_wait3A_129 = tpu.memref_slice %arg8[%add3A_21, %dma_wait3A] : memref<50048x64xbf16, #tpu.memory_space<vmem_shared>> -> memref<184x64xbf16, #tpu.memory_space<vmem_shared>>
      %dma_wait3A_130 = arith.constant 0 : i32
      %dma_wait3A_131 = tpu.memref_slice %arg8[%add3A_21, %dma_wait3A_130] : memref<50048x64xbf16, #tpu.memory_space<vmem_shared>> -> memref<184x64xbf16, #tpu.memory_space<vmem_shared>>
      tpu.wait_dma2 semaphore(%run_scoped3A : memref<!tpu.dma_semaphore, #tpu.memory_space<semaphore_mem>>) src(%arg12 : memref<184x64xbf16, #tpu.memory_space<vmem>>) dst(%dma_wait3A_131 : memref<184x64xbf16, #tpu.memory_space<vmem_shared>>)
      tpu.yield
    }) : () -> ()
    %add3A_22 = arith.constant 2024 : i32
    %add3A_23 = arith.addi %mul3A_0, %add3A_22 : i32
    "tpu.region"() ({
      %run_scoped3A = tpu.sem_alloc : memref<!tpu.dma_semaphore, #tpu.memory_space<semaphore_mem>>
      %dma_start3A = arith.constant 0 : i32
      %dma_start3A_126 = tpu.memref_slice %arg8[%add3A_23, %dma_start3A] : memref<50048x64xbf16, #tpu.memory_space<vmem_shared>> -> memref<184x64xbf16, #tpu.memory_space<vmem_shared>>
      %dma_start3A_127 = arith.constant 0 : i32
      %dma_start3A_128 = tpu.memref_slice %arg8[%add3A_23, %dma_start3A_127] : memref<50048x64xbf16, #tpu.memory_space<vmem_shared>> -> memref<184x64xbf16, #tpu.memory_space<vmem_shared>>
      tpu.enqueue_dma source(%arg12 : memref<184x64xbf16, #tpu.memory_space<vmem>>) target(%dma_start3A_128 : memref<184x64xbf16, #tpu.memory_space<vmem_shared>>) target_semaphore(%run_scoped3A : memref<!tpu.dma_semaphore, #tpu.memory_space<semaphore_mem>>)
      %dma_wait3A = arith.constant 0 : i32
      %dma_wait3A_129 = tpu.memref_slice %arg8[%add3A_23, %dma_wait3A] : memref<50048x64xbf16, #tpu.memory_space<vmem_shared>> -> memref<184x64xbf16, #tpu.memory_space<vmem_shared>>
      %dma_wait3A_130 = arith.constant 0 : i32
      %dma_wait3A_131 = tpu.memref_slice %arg8[%add3A_23, %dma_wait3A_130] : memref<50048x64xbf16, #tpu.memory_space<vmem_shared>> -> memref<184x64xbf16, #tpu.memory_space<vmem_shared>>
      tpu.wait_dma2 semaphore(%run_scoped3A : memref<!tpu.dma_semaphore, #tpu.memory_space<semaphore_mem>>) src(%arg12 : memref<184x64xbf16, #tpu.memory_space<vmem>>) dst(%dma_wait3A_131 : memref<184x64xbf16, #tpu.memory_space<vmem_shared>>)
      tpu.yield
    }) : () -> ()
    %add3A_24 = arith.constant 2208 : i32
    %add3A_25 = arith.addi %mul3A_0, %add3A_24 : i32
    "tpu.region"() ({
      %run_scoped3A = tpu.sem_alloc : memref<!tpu.dma_semaphore, #tpu.memory_space<semaphore_mem>>
      %dma_start3A = arith.constant 0 : i32
      %dma_start3A_126 = tpu.memref_slice %arg8[%add3A_25, %dma_start3A] : memref<50048x64xbf16, #tpu.memory_space<vmem_shared>> -> memref<184x64xbf16, #tpu.memory_space<vmem_shared>>
      %dma_start3A_127 = arith.constant 0 : i32
      %dma_start3A_128 = tpu.memref_slice %arg8[%add3A_25, %dma_start3A_127] : memref<50048x64xbf16, #tpu.memory_space<vmem_shared>> -> memref<184x64xbf16, #tpu.memory_space<vmem_shared>>
      tpu.enqueue_dma source(%arg12 : memref<184x64xbf16, #tpu.memory_space<vmem>>) target(%dma_start3A_128 : memref<184x64xbf16, #tpu.memory_space<vmem_shared>>) target_semaphore(%run_scoped3A : memref<!tpu.dma_semaphore, #tpu.memory_space<semaphore_mem>>)
      %dma_wait3A = arith.constant 0 : i32
      %dma_wait3A_129 = tpu.memref_slice %arg8[%add3A_25, %dma_wait3A] : memref<50048x64xbf16, #tpu.memory_space<vmem_shared>> -> memref<184x64xbf16, #tpu.memory_space<vmem_shared>>
      %dma_wait3A_130 = arith.constant 0 : i32
      %dma_wait3A_131 = tpu.memref_slice %arg8[%add3A_25, %dma_wait3A_130] : memref<50048x64xbf16, #tpu.memory_space<vmem_shared>> -> memref<184x64xbf16, #tpu.memory_space<vmem_shared>>
      tpu.wait_dma2 semaphore(%run_scoped3A : memref<!tpu.dma_semaphore, #tpu.memory_space<semaphore_mem>>) src(%arg12 : memref<184x64xbf16, #tpu.memory_space<vmem>>) dst(%dma_wait3A_131 : memref<184x64xbf16, #tpu.memory_space<vmem_shared>>)
      tpu.yield
    }) : () -> ()
    %add3A_26 = arith.constant 2392 : i32
    %add3A_27 = arith.addi %mul3A_0, %add3A_26 : i32
    "tpu.region"() ({
      %run_scoped3A = tpu.sem_alloc : memref<!tpu.dma_semaphore, #tpu.memory_space<semaphore_mem>>
      %dma_start3A = arith.constant 0 : i32
      %dma_start3A_126 = tpu.memref_slice %arg8[%add3A_27, %dma_start3A] : memref<50048x64xbf16, #tpu.memory_space<vmem_shared>> -> memref<184x64xbf16, #tpu.memory_space<vmem_shared>>
      %dma_start3A_127 = arith.constant 0 : i32
      %dma_start3A_128 = tpu.memref_slice %arg8[%add3A_27, %dma_start3A_127] : memref<50048x64xbf16, #tpu.memory_space<vmem_shared>> -> memref<184x64xbf16, #tpu.memory_space<vmem_shared>>
      tpu.enqueue_dma source(%arg12 : memref<184x64xbf16, #tpu.memory_space<vmem>>) target(%dma_start3A_128 : memref<184x64xbf16, #tpu.memory_space<vmem_shared>>) target_semaphore(%run_scoped3A : memref<!tpu.dma_semaphore, #tpu.memory_space<semaphore_mem>>)
      %dma_wait3A = arith.constant 0 : i32
      %dma_wait3A_129 = tpu.memref_slice %arg8[%add3A_27, %dma_wait3A] : memref<50048x64xbf16, #tpu.memory_space<vmem_shared>> -> memref<184x64xbf16, #tpu.memory_space<vmem_shared>>
      %dma_wait3A_130 = arith.constant 0 : i32
      %dma_wait3A_131 = tpu.memref_slice %arg8[%add3A_27, %dma_wait3A_130] : memref<50048x64xbf16, #tpu.memory_space<vmem_shared>> -> memref<184x64xbf16, #tpu.memory_space<vmem_shared>>
      tpu.wait_dma2 semaphore(%run_scoped3A : memref<!tpu.dma_semaphore, #tpu.memory_space<semaphore_mem>>) src(%arg12 : memref<184x64xbf16, #tpu.memory_space<vmem>>) dst(%dma_wait3A_131 : memref<184x64xbf16, #tpu.memory_space<vmem_shared>>)
      tpu.yield
    }) : () -> ()
    %add3A_28 = arith.constant 2576 : i32
    %add3A_29 = arith.addi %mul3A_0, %add3A_28 : i32
    "tpu.region"() ({
      %run_scoped3A = tpu.sem_alloc : memref<!tpu.dma_semaphore, #tpu.memory_space<semaphore_mem>>
      %dma_start3A = arith.constant 0 : i32
      %dma_start3A_126 = tpu.memref_slice %arg8[%add3A_29, %dma_start3A] : memref<50048x64xbf16, #tpu.memory_space<vmem_shared>> -> memref<184x64xbf16, #tpu.memory_space<vmem_shared>>
      %dma_start3A_127 = arith.constant 0 : i32
      %dma_start3A_128 = tpu.memref_slice %arg8[%add3A_29, %dma_start3A_127] : memref<50048x64xbf16, #tpu.memory_space<vmem_shared>> -> memref<184x64xbf16, #tpu.memory_space<vmem_shared>>
      tpu.enqueue_dma source(%arg12 : memref<184x64xbf16, #tpu.memory_space<vmem>>) target(%dma_start3A_128 : memref<184x64xbf16, #tpu.memory_space<vmem_shared>>) target_semaphore(%run_scoped3A : memref<!tpu.dma_semaphore, #tpu.memory_space<semaphore_mem>>)
      %dma_wait3A = arith.constant 0 : i32
      %dma_wait3A_129 = tpu.memref_slice %arg8[%add3A_29, %dma_wait3A] : memref<50048x64xbf16, #tpu.memory_space<vmem_shared>> -> memref<184x64xbf16, #tpu.memory_space<vmem_shared>>
      %dma_wait3A_130 = arith.constant 0 : i32
      %dma_wait3A_131 = tpu.memref_slice %arg8[%add3A_29, %dma_wait3A_130] : memref<50048x64xbf16, #tpu.memory_space<vmem_shared>> -> memref<184x64xbf16, #tpu.memory_space<vmem_shared>>
      tpu.wait_dma2 semaphore(%run_scoped3A : memref<!tpu.dma_semaphore, #tpu.memory_space<semaphore_mem>>) src(%arg12 : memref<184x64xbf16, #tpu.memory_space<vmem>>) dst(%dma_wait3A_131 : memref<184x64xbf16, #tpu.memory_space<vmem_shared>>)
      tpu.yield
    }) : () -> ()
    %add3A_30 = arith.constant 2760 : i32
    %add3A_31 = arith.addi %mul3A_0, %add3A_30 : i32
    "tpu.region"() ({
      %run_scoped3A = tpu.sem_alloc : memref<!tpu.dma_semaphore, #tpu.memory_space<semaphore_mem>>
      %dma_start3A = arith.constant 0 : i32
      %dma_start3A_126 = tpu.memref_slice %arg8[%add3A_31, %dma_start3A] : memref<50048x64xbf16, #tpu.memory_space<vmem_shared>> -> memref<184x64xbf16, #tpu.memory_space<vmem_shared>>
      %dma_start3A_127 = arith.constant 0 : i32
      %dma_start3A_128 = tpu.memref_slice %arg8[%add3A_31, %dma_start3A_127] : memref<50048x64xbf16, #tpu.memory_space<vmem_shared>> -> memref<184x64xbf16, #tpu.memory_space<vmem_shared>>
      tpu.enqueue_dma source(%arg12 : memref<184x64xbf16, #tpu.memory_space<vmem>>) target(%dma_start3A_128 : memref<184x64xbf16, #tpu.memory_space<vmem_shared>>) target_semaphore(%run_scoped3A : memref<!tpu.dma_semaphore, #tpu.memory_space<semaphore_mem>>)
      %dma_wait3A = arith.constant 0 : i32
      %dma_wait3A_129 = tpu.memref_slice %arg8[%add3A_31, %dma_wait3A] : memref<50048x64xbf16, #tpu.memory_space<vmem_shared>> -> memref<184x64xbf16, #tpu.memory_space<vmem_shared>>
      %dma_wait3A_130 = arith.constant 0 : i32
      %dma_wait3A_131 = tpu.memref_slice %arg8[%add3A_31, %dma_wait3A_130] : memref<50048x64xbf16, #tpu.memory_space<vmem_shared>> -> memref<184x64xbf16, #tpu.memory_space<vmem_shared>>
      tpu.wait_dma2 semaphore(%run_scoped3A : memref<!tpu.dma_semaphore, #tpu.memory_space<semaphore_mem>>) src(%arg12 : memref<184x64xbf16, #tpu.memory_space<vmem>>) dst(%dma_wait3A_131 : memref<184x64xbf16, #tpu.memory_space<vmem_shared>>)
      tpu.yield
    }) : () -> ()
    %add3A_32 = arith.constant 2944 : i32
    %add3A_33 = arith.addi %mul3A_0, %add3A_32 : i32
    "tpu.region"() ({
      %run_scoped3A = tpu.sem_alloc : memref<!tpu.dma_semaphore, #tpu.memory_space<semaphore_mem>>
      %dma_start3A = arith.constant 0 : i32
      %dma_start3A_126 = tpu.memref_slice %arg8[%add3A_33, %dma_start3A] : memref<50048x64xbf16, #tpu.memory_space<vmem_shared>> -> memref<184x64xbf16, #tpu.memory_space<vmem_shared>>
      %dma_start3A_127 = arith.constant 0 : i32
      %dma_start3A_128 = tpu.memref_slice %arg8[%add3A_33, %dma_start3A_127] : memref<50048x64xbf16, #tpu.memory_space<vmem_shared>> -> memref<184x64xbf16, #tpu.memory_space<vmem_shared>>
      tpu.enqueue_dma source(%arg12 : memref<184x64xbf16, #tpu.memory_space<vmem>>) target(%dma_start3A_128 : memref<184x64xbf16, #tpu.memory_space<vmem_shared>>) target_semaphore(%run_scoped3A : memref<!tpu.dma_semaphore, #tpu.memory_space<semaphore_mem>>)
      %dma_wait3A = arith.constant 0 : i32
      %dma_wait3A_129 = tpu.memref_slice %arg8[%add3A_33, %dma_wait3A] : memref<50048x64xbf16, #tpu.memory_space<vmem_shared>> -> memref<184x64xbf16, #tpu.memory_space<vmem_shared>>
      %dma_wait3A_130 = arith.constant 0 : i32
      %dma_wait3A_131 = tpu.memref_slice %arg8[%add3A_33, %dma_wait3A_130] : memref<50048x64xbf16, #tpu.memory_space<vmem_shared>> -> memref<184x64xbf16, #tpu.memory_space<vmem_shared>>
      tpu.wait_dma2 semaphore(%run_scoped3A : memref<!tpu.dma_semaphore, #tpu.memory_space<semaphore_mem>>) src(%arg12 : memref<184x64xbf16, #tpu.memory_space<vmem>>) dst(%dma_wait3A_131 : memref<184x64xbf16, #tpu.memory_space<vmem_shared>>)
      tpu.yield
    }) : () -> ()
    %barrier3A = arith.constant 0 : index
    tpu.barrier barrier_id(%barrier3A)
    %scan3A = arith.constant 0 : i32
    %scan3A_34 = arith.constant 4 : i32
    %scan3A_35 = arith.addi %scan3A, %scan3A_34 : i32
    %scan3A_36 = arith.constant 1 : i32
    scf.for %scan3A_126 = %scan3A to %scan3A_35 step %scan3A_36  : i32 {
      %mul3A_127 = arith.constant 1 : i32
      %mul3A_128 = arith.muli %scan3A_126, %mul3A_127 : i32
      %add3A_129 = arith.constant 0 : i32
      %add3A_130 = arith.addi %add3A_129, %mul3A_128 : i32
      %mul3A_131 = arith.constant 2496 : i32
      %mul3A_132 = arith.muli %add3A_130, %mul3A_131 : i32
      %run_scoped3A = arith.constant 0 : i32
      "tpu.region"() ({
        %run_scoped3A_169 = tpu.sem_alloc : memref<!tpu.dma_semaphore, #tpu.memory_space<semaphore_mem>>
        %dma_start3A_170 = tpu.memref_slice %arg3[%arg0, %run_scoped3A, %arg1, %mul3A_132] : memref<2x2x16x9984xi32, #tpu.memory_space<hbm>> -> memref<1x1x1x2496xi32, #tpu.memory_space<hbm>>
        %dma_start3A_171 = tpu.memref_squeeze %dma_start3A_170 : memref<1x1x1x2496xi32, #tpu.memory_space<hbm>> -> memref<2496xi32, #tpu.memory_space<hbm>>
        %dma_start3A_172 = tpu.memref_slice %arg3[%arg0, %run_scoped3A, %arg1, %mul3A_132] : memref<2x2x16x9984xi32, #tpu.memory_space<hbm>> -> memref<1x1x1x2496xi32, #tpu.memory_space<hbm>>
        %dma_start3A_173 = tpu.memref_squeeze %dma_start3A_172 : memref<1x1x1x2496xi32, #tpu.memory_space<hbm>> -> memref<2496xi32, #tpu.memory_space<hbm>>
        tpu.enqueue_dma source(%dma_start3A_173 : memref<2496xi32, #tpu.memory_space<hbm>>) target(%arg9 : memref<2496xi32, #tpu.memory_space<vmem>>) target_semaphore(%run_scoped3A_169 : memref<!tpu.dma_semaphore, #tpu.memory_space<semaphore_mem>>)
        %dma_wait3A = tpu.memref_slice %arg3[%arg0, %run_scoped3A, %arg1, %mul3A_132] : memref<2x2x16x9984xi32, #tpu.memory_space<hbm>> -> memref<1x1x1x2496xi32, #tpu.memory_space<hbm>>
        %dma_wait3A_174 = tpu.memref_squeeze %dma_wait3A : memref<1x1x1x2496xi32, #tpu.memory_space<hbm>> -> memref<2496xi32, #tpu.memory_space<hbm>>
        %dma_wait3A_175 = tpu.memref_slice %arg3[%arg0, %run_scoped3A, %arg1, %mul3A_132] : memref<2x2x16x9984xi32, #tpu.memory_space<hbm>> -> memref<1x1x1x2496xi32, #tpu.memory_space<hbm>>
        %dma_wait3A_176 = tpu.memref_squeeze %dma_wait3A_175 : memref<1x1x1x2496xi32, #tpu.memory_space<hbm>> -> memref<2496xi32, #tpu.memory_space<hbm>>
        tpu.wait_dma2 semaphore(%run_scoped3A_169 : memref<!tpu.dma_semaphore, #tpu.memory_space<semaphore_mem>>) src(%dma_wait3A_176 : memref<2496xi32, #tpu.memory_space<hbm>>) dst(%arg9 : memref<2496xi32, #tpu.memory_space<vmem>>)
        tpu.yield
      }) : () -> ()
      %mul3A_133 = arith.constant 2496 : i32
      %mul3A_134 = arith.muli %add3A_130, %mul3A_133 : i32
      "tpu.region"() ({
        %run_scoped3A_169 = tpu.sem_alloc : memref<!tpu.dma_semaphore, #tpu.memory_space<semaphore_mem>>
        %dma_start3A_170 = tpu.memref_slice %arg4[%arg0, %arg1, %mul3A_134] : memref<2x16x9984xi32, #tpu.memory_space<hbm>> -> memref<1x1x2496xi32, #tpu.memory_space<hbm>>
        %dma_start3A_171 = tpu.memref_squeeze %dma_start3A_170 : memref<1x1x2496xi32, #tpu.memory_space<hbm>> -> memref<2496xi32, #tpu.memory_space<hbm>>
        %dma_start3A_172 = tpu.memref_slice %arg4[%arg0, %arg1, %mul3A_134] : memref<2x16x9984xi32, #tpu.memory_space<hbm>> -> memref<1x1x2496xi32, #tpu.memory_space<hbm>>
        %dma_start3A_173 = tpu.memref_squeeze %dma_start3A_172 : memref<1x1x2496xi32, #tpu.memory_space<hbm>> -> memref<2496xi32, #tpu.memory_space<hbm>>
        tpu.enqueue_dma source(%dma_start3A_173 : memref<2496xi32, #tpu.memory_space<hbm>>) target(%arg10 : memref<2496xi32, #tpu.memory_space<vmem>>) target_semaphore(%run_scoped3A_169 : memref<!tpu.dma_semaphore, #tpu.memory_space<semaphore_mem>>)
        %dma_wait3A = tpu.memref_slice %arg4[%arg0, %arg1, %mul3A_134] : memref<2x16x9984xi32, #tpu.memory_space<hbm>> -> memref<1x1x2496xi32, #tpu.memory_space<hbm>>
        %dma_wait3A_174 = tpu.memref_squeeze %dma_wait3A : memref<1x1x2496xi32, #tpu.memory_space<hbm>> -> memref<2496xi32, #tpu.memory_space<hbm>>
        %dma_wait3A_175 = tpu.memref_slice %arg4[%arg0, %arg1, %mul3A_134] : memref<2x16x9984xi32, #tpu.memory_space<hbm>> -> memref<1x1x2496xi32, #tpu.memory_space<hbm>>
        %dma_wait3A_176 = tpu.memref_squeeze %dma_wait3A_175 : memref<1x1x2496xi32, #tpu.memory_space<hbm>> -> memref<2496xi32, #tpu.memory_space<hbm>>
        tpu.wait_dma2 semaphore(%run_scoped3A_169 : memref<!tpu.dma_semaphore, #tpu.memory_space<semaphore_mem>>) src(%dma_wait3A_176 : memref<2496xi32, #tpu.memory_space<hbm>>) dst(%arg10 : memref<2496xi32, #tpu.memory_space<vmem>>)
        tpu.yield
      }) : () -> ()
      %dma_start3A = arith.constant 0 : i32
      %dma_start3A_135 = arith.constant 0 : i32
      %dma_start3A_136 = arith.constant 0 : i32
      %dma_start3A_137 = tpu.memref_slice %arg11[%dma_start3A, %dma_start3A_135, %dma_start3A_136] : memref<3x208x64xbf16, #tpu.memory_space<vmem>> -> memref<1x208x64xbf16, #tpu.memory_space<vmem>>
      %dma_start3A_138 = tpu.memref_squeeze %dma_start3A_137 : memref<1x208x64xbf16, #tpu.memory_space<vmem>> -> memref<208x64xbf16, #tpu.memory_space<vmem>>
      %dma_start3A_139 = arith.constant 0 : i32
      %dma_start3A_140 = tpu.memref_slice %arg9[%dma_start3A_139] : memref<2496xi32, #tpu.memory_space<vmem>> -> memref<208xi32, #tpu.memory_space<vmem>>
      %dma_start3A_141 = arith.constant 0 : i32
      %dma_start3A_142 = arith.constant 0 : i32
      %dma_start3A_143 = tpu.memref_slice %arg2[%dma_start3A_141, %dma_start3A_142] : memref<100096x64xbf16, #tpu.memory_space<hbm>> -> memref<100096x64xbf16, #tpu.memory_space<hbm>>
      tpu.enqueue_indirect_dma source(%dma_start3A_143 : memref<100096x64xbf16, #tpu.memory_space<hbm>>) target(%dma_start3A_138 : memref<208x64xbf16, #tpu.memory_space<vmem>>) offsets(%dma_start3A_140 : memref<208xi32, #tpu.memory_space<vmem>>) semaphore(%arg13 : memref<!tpu.dma_semaphore, #tpu.memory_space<semaphore_mem>>)
      %dma_start3A_144 = arith.constant 1 : i32
      %dma_start3A_145 = arith.constant 0 : i32
      %dma_start3A_146 = arith.constant 0 : i32
      %dma_start3A_147 = tpu.memref_slice %arg11[%dma_start3A_144, %dma_start3A_145, %dma_start3A_146] : memref<3x208x64xbf16, #tpu.memory_space<vmem>> -> memref<1x208x64xbf16, #tpu.memory_space<vmem>>
      %dma_start3A_148 = tpu.memref_squeeze %dma_start3A_147 : memref<1x208x64xbf16, #tpu.memory_space<vmem>> -> memref<208x64xbf16, #tpu.memory_space<vmem>>
      %dma_start3A_149 = arith.constant 208 : i32
      %dma_start3A_150 = tpu.memref_slice %arg9[%dma_start3A_149] : memref<2496xi32, #tpu.memory_space<vmem>> -> memref<208xi32, #tpu.memory_space<vmem>>
      %dma_start3A_151 = arith.constant 0 : i32
      %dma_start3A_152 = arith.constant 0 : i32
      %dma_start3A_153 = tpu.memref_slice %arg2[%dma_start3A_151, %dma_start3A_152] : memref<100096x64xbf16, #tpu.memory_space<hbm>> -> memref<100096x64xbf16, #tpu.memory_space<hbm>>
      tpu.enqueue_indirect_dma source(%dma_start3A_153 : memref<100096x64xbf16, #tpu.memory_space<hbm>>) target(%dma_start3A_148 : memref<208x64xbf16, #tpu.memory_space<vmem>>) offsets(%dma_start3A_150 : memref<208xi32, #tpu.memory_space<vmem>>) semaphore(%arg14 : memref<!tpu.dma_semaphore, #tpu.memory_space<semaphore_mem>>)
      %dma_start3A_154 = arith.constant 2 : i32
      %dma_start3A_155 = arith.constant 0 : i32
      %dma_start3A_156 = arith.constant 0 : i32
      %dma_start3A_157 = tpu.memref_slice %arg11[%dma_start3A_154, %dma_start3A_155, %dma_start3A_156] : memref<3x208x64xbf16, #tpu.memory_space<vmem>> -> memref<1x208x64xbf16, #tpu.memory_space<vmem>>
      %dma_start3A_158 = tpu.memref_squeeze %dma_start3A_157 : memref<1x208x64xbf16, #tpu.memory_space<vmem>> -> memref<208x64xbf16, #tpu.memory_space<vmem>>
      %dma_start3A_159 = arith.constant 416 : i32
      %dma_start3A_160 = tpu.memref_slice %arg9[%dma_start3A_159] : memref<2496xi32, #tpu.memory_space<vmem>> -> memref<208xi32, #tpu.memory_space<vmem>>
      %dma_start3A_161 = arith.constant 0 : i32
      %dma_start3A_162 = arith.constant 0 : i32
      %dma_start3A_163 = tpu.memref_slice %arg2[%dma_start3A_161, %dma_start3A_162] : memref<100096x64xbf16, #tpu.memory_space<hbm>> -> memref<100096x64xbf16, #tpu.memory_space<hbm>>
      tpu.enqueue_indirect_dma source(%dma_start3A_163 : memref<100096x64xbf16, #tpu.memory_space<hbm>>) target(%dma_start3A_158 : memref<208x64xbf16, #tpu.memory_space<vmem>>) offsets(%dma_start3A_160 : memref<208xi32, #tpu.memory_space<vmem>>) semaphore(%arg15 : memref<!tpu.dma_semaphore, #tpu.memory_space<semaphore_mem>>)
      %scan3A_164 = arith.constant 0 : i32
      %scan3A_165 = arith.constant 4 : i32
      %scan3A_166 = arith.addi %scan3A_164, %scan3A_165 : i32
      %scan3A_167 = arith.constant 1 : i32
      scf.for %scan3A_169 = %scan3A_164 to %scan3A_166 step %scan3A_167  : i32 {
        %mul3A_170 = arith.constant 3 : i32
        %mul3A_171 = arith.muli %scan3A_169, %mul3A_170 : i32
        %add3A_172 = arith.constant 0 : i32
        %add3A_173 = arith.addi %add3A_172, %mul3A_171 : i32
        %dma_wait3A = arith.constant 0 : i32
        %dma_wait3A_174 = arith.constant 0 : i32
        %dma_wait3A_175 = arith.constant 0 : i32
        %dma_wait3A_176 = tpu.memref_slice %arg11[%dma_wait3A, %dma_wait3A_174, %dma_wait3A_175] : memref<3x208x64xbf16, #tpu.memory_space<vmem>> -> memref<1x208x64xbf16, #tpu.memory_space<vmem>>
        %dma_wait3A_177 = tpu.memref_squeeze %dma_wait3A_176 : memref<1x208x64xbf16, #tpu.memory_space<vmem>> -> memref<208x64xbf16, #tpu.memory_space<vmem>>
        %dma_wait3A_178 = arith.constant 0 : i32
        %dma_wait3A_179 = tpu.memref_slice %arg9[%dma_wait3A_178] : memref<2496xi32, #tpu.memory_space<vmem>> -> memref<208xi32, #tpu.memory_space<vmem>>
        %dma_wait3A_180 = arith.constant 0 : i32
        %dma_wait3A_181 = arith.constant 0 : i32
        %dma_wait3A_182 = tpu.memref_slice %arg2[%dma_wait3A_180, %dma_wait3A_181] : memref<100096x64xbf16, #tpu.memory_space<hbm>> -> memref<100096x64xbf16, #tpu.memory_space<hbm>>
        tpu.wait_indirect_dma semaphore(%arg13 : memref<!tpu.dma_semaphore, #tpu.memory_space<semaphore_mem>>) src(%dma_wait3A_182 : memref<100096x64xbf16, #tpu.memory_space<hbm>>) dst(%dma_wait3A_177 : memref<208x64xbf16, #tpu.memory_space<vmem>>)
        %add3A_183 = arith.constant 0 : i32
        %add3A_184 = arith.addi %add3A_173, %add3A_183 : i32
        %mul3A_185 = arith.constant 208 : i32
        %mul3A_186 = arith.muli %add3A_184, %mul3A_185 : i32
        %run_scoped3A_187 = arith.constant 0 : i32
        "tpu.region"() ({
          %run_scoped3A_242 = tpu.sem_alloc : memref<!tpu.dma_semaphore, #tpu.memory_space<semaphore_mem>>
          %dma_start3A_243 = arith.constant 0 : i32
          %dma_start3A_244 = arith.constant 0 : i32
          %dma_start3A_245 = tpu.memref_slice %arg11[%run_scoped3A_187, %dma_start3A_243, %dma_start3A_244] : memref<3x208x64xbf16, #tpu.memory_space<vmem>> -> memref<1x208x64xbf16, #tpu.memory_space<vmem>>
          %dma_start3A_246 = tpu.memref_squeeze %dma_start3A_245 : memref<1x208x64xbf16, #tpu.memory_space<vmem>> -> memref<208x64xbf16, #tpu.memory_space<vmem>>
          %dma_start3A_247 = tpu.memref_slice %arg10[%mul3A_186] : memref<2496xi32, #tpu.memory_space<vmem>> -> memref<208xi32, #tpu.memory_space<vmem>>
          %dma_start3A_248 = arith.constant 0 : i32
          %dma_start3A_249 = arith.constant 0 : i32
          %dma_start3A_250 = tpu.memref_slice %arg8[%dma_start3A_248, %dma_start3A_249] : memref<50048x64xbf16, #tpu.memory_space<vmem_shared>> -> memref<50048x64xbf16, #tpu.memory_space<vmem_shared>>
          tpu.enqueue_indirect_dma source(%dma_start3A_246 : memref<208x64xbf16, #tpu.memory_space<vmem>>) target(%dma_start3A_250 : memref<50048x64xbf16, #tpu.memory_space<vmem_shared>>) offsets(%dma_start3A_247 : memref<208xi32, #tpu.memory_space<vmem>>) semaphore(%run_scoped3A_242 : memref<!tpu.dma_semaphore, #tpu.memory_space<semaphore_mem>>) {add = true}
          %dma_wait3A_251 = arith.constant 0 : i32
          %dma_wait3A_252 = arith.constant 0 : i32
          %dma_wait3A_253 = tpu.memref_slice %arg11[%run_scoped3A_187, %dma_wait3A_251, %dma_wait3A_252] : memref<3x208x64xbf16, #tpu.memory_space<vmem>> -> memref<1x208x64xbf16, #tpu.memory_space<vmem>>
          %dma_wait3A_254 = tpu.memref_squeeze %dma_wait3A_253 : memref<1x208x64xbf16, #tpu.memory_space<vmem>> -> memref<208x64xbf16, #tpu.memory_space<vmem>>
          %dma_wait3A_255 = tpu.memref_slice %arg10[%mul3A_186] : memref<2496xi32, #tpu.memory_space<vmem>> -> memref<208xi32, #tpu.memory_space<vmem>>
          %dma_wait3A_256 = arith.constant 0 : i32
          %dma_wait3A_257 = arith.constant 0 : i32
          %dma_wait3A_258 = tpu.memref_slice %arg8[%dma_wait3A_256, %dma_wait3A_257] : memref<50048x64xbf16, #tpu.memory_space<vmem_shared>> -> memref<50048x64xbf16, #tpu.memory_space<vmem_shared>>
          tpu.wait_indirect_dma semaphore(%run_scoped3A_242 : memref<!tpu.dma_semaphore, #tpu.memory_space<semaphore_mem>>) src(%dma_wait3A_254 : memref<208x64xbf16, #tpu.memory_space<vmem>>) dst(%dma_wait3A_258 : memref<50048x64xbf16, #tpu.memory_space<vmem_shared>>)
          tpu.yield
        }) : () -> ()
        %add3A_188 = arith.constant 0 : i32
        %add3A_189 = arith.addi %add3A_173, %add3A_188 : i32
        %add3A_190 = arith.constant 3 : i32
        %add3A_191 = arith.addi %add3A_189, %add3A_190 : i32
        %lt3A = arith.constant 12 : i32
        %lt3A_192 = arith.cmpi slt, %add3A_191, %lt3A : i32
        %convert_element_type3A = arith.extui %lt3A_192 : i1 to i32
        %cond3A = arith.constant 0 : i32
        %cond3A_193 = arith.cmpi ne, %convert_element_type3A, %cond3A : i32
        scf.if %cond3A_193 {
          %add3A_242 = arith.constant 0 : i32
          %add3A_243 = arith.addi %add3A_173, %add3A_242 : i32
          %add3A_244 = arith.constant 3 : i32
          %add3A_245 = arith.addi %add3A_243, %add3A_244 : i32
          %mul3A_246 = arith.constant 208 : i32
          %mul3A_247 = arith.muli %add3A_245, %mul3A_246 : i32
          %dma_start3A_248 = arith.constant 0 : i32
          %dma_start3A_249 = arith.constant 0 : i32
          %dma_start3A_250 = arith.constant 0 : i32
          %dma_start3A_251 = tpu.memref_slice %arg11[%dma_start3A_248, %dma_start3A_249, %dma_start3A_250] : memref<3x208x64xbf16, #tpu.memory_space<vmem>> -> memref<1x208x64xbf16, #tpu.memory_space<vmem>>
          %dma_start3A_252 = tpu.memref_squeeze %dma_start3A_251 : memref<1x208x64xbf16, #tpu.memory_space<vmem>> -> memref<208x64xbf16, #tpu.memory_space<vmem>>
          %dma_start3A_253 = tpu.memref_slice %arg9[%mul3A_247] : memref<2496xi32, #tpu.memory_space<vmem>> -> memref<208xi32, #tpu.memory_space<vmem>>
          %dma_start3A_254 = arith.constant 0 : i32
          %dma_start3A_255 = arith.constant 0 : i32
          %dma_start3A_256 = tpu.memref_slice %arg2[%dma_start3A_254, %dma_start3A_255] : memref<100096x64xbf16, #tpu.memory_space<hbm>> -> memref<100096x64xbf16, #tpu.memory_space<hbm>>
          tpu.enqueue_indirect_dma source(%dma_start3A_256 : memref<100096x64xbf16, #tpu.memory_space<hbm>>) target(%dma_start3A_252 : memref<208x64xbf16, #tpu.memory_space<vmem>>) offsets(%dma_start3A_253 : memref<208xi32, #tpu.memory_space<vmem>>) semaphore(%arg13 : memref<!tpu.dma_semaphore, #tpu.memory_space<semaphore_mem>>)
        } else {
        }
        %dma_wait3A_194 = arith.constant 1 : i32
        %dma_wait3A_195 = arith.constant 0 : i32
        %dma_wait3A_196 = arith.constant 0 : i32
        %dma_wait3A_197 = tpu.memref_slice %arg11[%dma_wait3A_194, %dma_wait3A_195, %dma_wait3A_196] : memref<3x208x64xbf16, #tpu.memory_space<vmem>> -> memref<1x208x64xbf16, #tpu.memory_space<vmem>>
        %dma_wait3A_198 = tpu.memref_squeeze %dma_wait3A_197 : memref<1x208x64xbf16, #tpu.memory_space<vmem>> -> memref<208x64xbf16, #tpu.memory_space<vmem>>
        %dma_wait3A_199 = arith.constant 0 : i32
        %dma_wait3A_200 = tpu.memref_slice %arg9[%dma_wait3A_199] : memref<2496xi32, #tpu.memory_space<vmem>> -> memref<208xi32, #tpu.memory_space<vmem>>
        %dma_wait3A_201 = arith.constant 0 : i32
        %dma_wait3A_202 = arith.constant 0 : i32
        %dma_wait3A_203 = tpu.memref_slice %arg2[%dma_wait3A_201, %dma_wait3A_202] : memref<100096x64xbf16, #tpu.memory_space<hbm>> -> memref<100096x64xbf16, #tpu.memory_space<hbm>>
        tpu.wait_indirect_dma semaphore(%arg14 : memref<!tpu.dma_semaphore, #tpu.memory_space<semaphore_mem>>) src(%dma_wait3A_203 : memref<100096x64xbf16, #tpu.memory_space<hbm>>) dst(%dma_wait3A_198 : memref<208x64xbf16, #tpu.memory_space<vmem>>)
        %add3A_204 = arith.constant 1 : i32
        %add3A_205 = arith.addi %add3A_173, %add3A_204 : i32
        %mul3A_206 = arith.constant 208 : i32
        %mul3A_207 = arith.muli %add3A_205, %mul3A_206 : i32
        %run_scoped3A_208 = arith.constant 1 : i32
        "tpu.region"() ({
          %run_scoped3A_242 = tpu.sem_alloc : memref<!tpu.dma_semaphore, #tpu.memory_space<semaphore_mem>>
          %dma_start3A_243 = arith.constant 0 : i32
          %dma_start3A_244 = arith.constant 0 : i32
          %dma_start3A_245 = tpu.memref_slice %arg11[%run_scoped3A_208, %dma_start3A_243, %dma_start3A_244] : memref<3x208x64xbf16, #tpu.memory_space<vmem>> -> memref<1x208x64xbf16, #tpu.memory_space<vmem>>
          %dma_start3A_246 = tpu.memref_squeeze %dma_start3A_245 : memref<1x208x64xbf16, #tpu.memory_space<vmem>> -> memref<208x64xbf16, #tpu.memory_space<vmem>>
          %dma_start3A_247 = tpu.memref_slice %arg10[%mul3A_207] : memref<2496xi32, #tpu.memory_space<vmem>> -> memref<208xi32, #tpu.memory_space<vmem>>
          %dma_start3A_248 = arith.constant 0 : i32
          %dma_start3A_249 = arith.constant 0 : i32
          %dma_start3A_250 = tpu.memref_slice %arg8[%dma_start3A_248, %dma_start3A_249] : memref<50048x64xbf16, #tpu.memory_space<vmem_shared>> -> memref<50048x64xbf16, #tpu.memory_space<vmem_shared>>
          tpu.enqueue_indirect_dma source(%dma_start3A_246 : memref<208x64xbf16, #tpu.memory_space<vmem>>) target(%dma_start3A_250 : memref<50048x64xbf16, #tpu.memory_space<vmem_shared>>) offsets(%dma_start3A_247 : memref<208xi32, #tpu.memory_space<vmem>>) semaphore(%run_scoped3A_242 : memref<!tpu.dma_semaphore, #tpu.memory_space<semaphore_mem>>) {add = true}
          %dma_wait3A_251 = arith.constant 0 : i32
          %dma_wait3A_252 = arith.constant 0 : i32
          %dma_wait3A_253 = tpu.memref_slice %arg11[%run_scoped3A_208, %dma_wait3A_251, %dma_wait3A_252] : memref<3x208x64xbf16, #tpu.memory_space<vmem>> -> memref<1x208x64xbf16, #tpu.memory_space<vmem>>
          %dma_wait3A_254 = tpu.memref_squeeze %dma_wait3A_253 : memref<1x208x64xbf16, #tpu.memory_space<vmem>> -> memref<208x64xbf16, #tpu.memory_space<vmem>>
          %dma_wait3A_255 = tpu.memref_slice %arg10[%mul3A_207] : memref<2496xi32, #tpu.memory_space<vmem>> -> memref<208xi32, #tpu.memory_space<vmem>>
          %dma_wait3A_256 = arith.constant 0 : i32
          %dma_wait3A_257 = arith.constant 0 : i32
          %dma_wait3A_258 = tpu.memref_slice %arg8[%dma_wait3A_256, %dma_wait3A_257] : memref<50048x64xbf16, #tpu.memory_space<vmem_shared>> -> memref<50048x64xbf16, #tpu.memory_space<vmem_shared>>
          tpu.wait_indirect_dma semaphore(%run_scoped3A_242 : memref<!tpu.dma_semaphore, #tpu.memory_space<semaphore_mem>>) src(%dma_wait3A_254 : memref<208x64xbf16, #tpu.memory_space<vmem>>) dst(%dma_wait3A_258 : memref<50048x64xbf16, #tpu.memory_space<vmem_shared>>)
          tpu.yield
        }) : () -> ()
        %add3A_209 = arith.constant 1 : i32
        %add3A_210 = arith.addi %add3A_173, %add3A_209 : i32
        %add3A_211 = arith.constant 3 : i32
        %add3A_212 = arith.addi %add3A_210, %add3A_211 : i32
        %lt3A_213 = arith.constant 12 : i32
        %lt3A_214 = arith.cmpi slt, %add3A_212, %lt3A_213 : i32
        %convert_element_type3A_215 = arith.extui %lt3A_214 : i1 to i32
        %cond3A_216 = arith.constant 0 : i32
        %cond3A_217 = arith.cmpi ne, %convert_element_type3A_215, %cond3A_216 : i32
        scf.if %cond3A_217 {
          %add3A_242 = arith.constant 1 : i32
          %add3A_243 = arith.addi %add3A_173, %add3A_242 : i32
          %add3A_244 = arith.constant 3 : i32
          %add3A_245 = arith.addi %add3A_243, %add3A_244 : i32
          %mul3A_246 = arith.constant 208 : i32
          %mul3A_247 = arith.muli %add3A_245, %mul3A_246 : i32
          %dma_start3A_248 = arith.constant 1 : i32
          %dma_start3A_249 = arith.constant 0 : i32
          %dma_start3A_250 = arith.constant 0 : i32
          %dma_start3A_251 = tpu.memref_slice %arg11[%dma_start3A_248, %dma_start3A_249, %dma_start3A_250] : memref<3x208x64xbf16, #tpu.memory_space<vmem>> -> memref<1x208x64xbf16, #tpu.memory_space<vmem>>
          %dma_start3A_252 = tpu.memref_squeeze %dma_start3A_251 : memref<1x208x64xbf16, #tpu.memory_space<vmem>> -> memref<208x64xbf16, #tpu.memory_space<vmem>>
          %dma_start3A_253 = tpu.memref_slice %arg9[%mul3A_247] : memref<2496xi32, #tpu.memory_space<vmem>> -> memref<208xi32, #tpu.memory_space<vmem>>
          %dma_start3A_254 = arith.constant 0 : i32
          %dma_start3A_255 = arith.constant 0 : i32
          %dma_start3A_256 = tpu.memref_slice %arg2[%dma_start3A_254, %dma_start3A_255] : memref<100096x64xbf16, #tpu.memory_space<hbm>> -> memref<100096x64xbf16, #tpu.memory_space<hbm>>
          tpu.enqueue_indirect_dma source(%dma_start3A_256 : memref<100096x64xbf16, #tpu.memory_space<hbm>>) target(%dma_start3A_252 : memref<208x64xbf16, #tpu.memory_space<vmem>>) offsets(%dma_start3A_253 : memref<208xi32, #tpu.memory_space<vmem>>) semaphore(%arg14 : memref<!tpu.dma_semaphore, #tpu.memory_space<semaphore_mem>>)
        } else {
        }
        %dma_wait3A_218 = arith.constant 2 : i32
        %dma_wait3A_219 = arith.constant 0 : i32
        %dma_wait3A_220 = arith.constant 0 : i32
        %dma_wait3A_221 = tpu.memref_slice %arg11[%dma_wait3A_218, %dma_wait3A_219, %dma_wait3A_220] : memref<3x208x64xbf16, #tpu.memory_space<vmem>> -> memref<1x208x64xbf16, #tpu.memory_space<vmem>>
        %dma_wait3A_222 = tpu.memref_squeeze %dma_wait3A_221 : memref<1x208x64xbf16, #tpu.memory_space<vmem>> -> memref<208x64xbf16, #tpu.memory_space<vmem>>
        %dma_wait3A_223 = arith.constant 0 : i32
        %dma_wait3A_224 = tpu.memref_slice %arg9[%dma_wait3A_223] : memref<2496xi32, #tpu.memory_space<vmem>> -> memref<208xi32, #tpu.memory_space<vmem>>
        %dma_wait3A_225 = arith.constant 0 : i32
        %dma_wait3A_226 = arith.constant 0 : i32
        %dma_wait3A_227 = tpu.memref_slice %arg2[%dma_wait3A_225, %dma_wait3A_226] : memref<100096x64xbf16, #tpu.memory_space<hbm>> -> memref<100096x64xbf16, #tpu.memory_space<hbm>>
        tpu.wait_indirect_dma semaphore(%arg15 : memref<!tpu.dma_semaphore, #tpu.memory_space<semaphore_mem>>) src(%dma_wait3A_227 : memref<100096x64xbf16, #tpu.memory_space<hbm>>) dst(%dma_wait3A_222 : memref<208x64xbf16, #tpu.memory_space<vmem>>)
        %add3A_228 = arith.constant 2 : i32
        %add3A_229 = arith.addi %add3A_173, %add3A_228 : i32
        %mul3A_230 = arith.constant 208 : i32
        %mul3A_231 = arith.muli %add3A_229, %mul3A_230 : i32
        %run_scoped3A_232 = arith.constant 2 : i32
        "tpu.region"() ({
          %run_scoped3A_242 = tpu.sem_alloc : memref<!tpu.dma_semaphore, #tpu.memory_space<semaphore_mem>>
          %dma_start3A_243 = arith.constant 0 : i32
          %dma_start3A_244 = arith.constant 0 : i32
          %dma_start3A_245 = tpu.memref_slice %arg11[%run_scoped3A_232, %dma_start3A_243, %dma_start3A_244] : memref<3x208x64xbf16, #tpu.memory_space<vmem>> -> memref<1x208x64xbf16, #tpu.memory_space<vmem>>
          %dma_start3A_246 = tpu.memref_squeeze %dma_start3A_245 : memref<1x208x64xbf16, #tpu.memory_space<vmem>> -> memref<208x64xbf16, #tpu.memory_space<vmem>>
          %dma_start3A_247 = tpu.memref_slice %arg10[%mul3A_231] : memref<2496xi32, #tpu.memory_space<vmem>> -> memref<208xi32, #tpu.memory_space<vmem>>
          %dma_start3A_248 = arith.constant 0 : i32
          %dma_start3A_249 = arith.constant 0 : i32
          %dma_start3A_250 = tpu.memref_slice %arg8[%dma_start3A_248, %dma_start3A_249] : memref<50048x64xbf16, #tpu.memory_space<vmem_shared>> -> memref<50048x64xbf16, #tpu.memory_space<vmem_shared>>
          tpu.enqueue_indirect_dma source(%dma_start3A_246 : memref<208x64xbf16, #tpu.memory_space<vmem>>) target(%dma_start3A_250 : memref<50048x64xbf16, #tpu.memory_space<vmem_shared>>) offsets(%dma_start3A_247 : memref<208xi32, #tpu.memory_space<vmem>>) semaphore(%run_scoped3A_242 : memref<!tpu.dma_semaphore, #tpu.memory_space<semaphore_mem>>) {add = true}
          %dma_wait3A_251 = arith.constant 0 : i32
          %dma_wait3A_252 = arith.constant 0 : i32
          %dma_wait3A_253 = tpu.memref_slice %arg11[%run_scoped3A_232, %dma_wait3A_251, %dma_wait3A_252] : memref<3x208x64xbf16, #tpu.memory_space<vmem>> -> memref<1x208x64xbf16, #tpu.memory_space<vmem>>
          %dma_wait3A_254 = tpu.memref_squeeze %dma_wait3A_253 : memref<1x208x64xbf16, #tpu.memory_space<vmem>> -> memref<208x64xbf16, #tpu.memory_space<vmem>>
          %dma_wait3A_255 = tpu.memref_slice %arg10[%mul3A_231] : memref<2496xi32, #tpu.memory_space<vmem>> -> memref<208xi32, #tpu.memory_space<vmem>>
          %dma_wait3A_256 = arith.constant 0 : i32
          %dma_wait3A_257 = arith.constant 0 : i32
          %dma_wait3A_258 = tpu.memref_slice %arg8[%dma_wait3A_256, %dma_wait3A_257] : memref<50048x64xbf16, #tpu.memory_space<vmem_shared>> -> memref<50048x64xbf16, #tpu.memory_space<vmem_shared>>
          tpu.wait_indirect_dma semaphore(%run_scoped3A_242 : memref<!tpu.dma_semaphore, #tpu.memory_space<semaphore_mem>>) src(%dma_wait3A_254 : memref<208x64xbf16, #tpu.memory_space<vmem>>) dst(%dma_wait3A_258 : memref<50048x64xbf16, #tpu.memory_space<vmem_shared>>)
          tpu.yield
        }) : () -> ()
        %add3A_233 = arith.constant 2 : i32
        %add3A_234 = arith.addi %add3A_173, %add3A_233 : i32
        %add3A_235 = arith.constant 3 : i32
        %add3A_236 = arith.addi %add3A_234, %add3A_235 : i32
        %lt3A_237 = arith.constant 12 : i32
        %lt3A_238 = arith.cmpi slt, %add3A_236, %lt3A_237 : i32
        %convert_element_type3A_239 = arith.extui %lt3A_238 : i1 to i32
        %cond3A_240 = arith.constant 0 : i32
        %cond3A_241 = arith.cmpi ne, %convert_element_type3A_239, %cond3A_240 : i32
        scf.if %cond3A_241 {
          %add3A_242 = arith.constant 2 : i32
          %add3A_243 = arith.addi %add3A_173, %add3A_242 : i32
          %add3A_244 = arith.constant 3 : i32
          %add3A_245 = arith.addi %add3A_243, %add3A_244 : i32
          %mul3A_246 = arith.constant 208 : i32
          %mul3A_247 = arith.muli %add3A_245, %mul3A_246 : i32
          %dma_start3A_248 = arith.constant 2 : i32
          %dma_start3A_249 = arith.constant 0 : i32
          %dma_start3A_250 = arith.constant 0 : i32
          %dma_start3A_251 = tpu.memref_slice %arg11[%dma_start3A_248, %dma_start3A_249, %dma_start3A_250] : memref<3x208x64xbf16, #tpu.memory_space<vmem>> -> memref<1x208x64xbf16, #tpu.memory_space<vmem>>
          %dma_start3A_252 = tpu.memref_squeeze %dma_start3A_251 : memref<1x208x64xbf16, #tpu.memory_space<vmem>> -> memref<208x64xbf16, #tpu.memory_space<vmem>>
          %dma_start3A_253 = tpu.memref_slice %arg9[%mul3A_247] : memref<2496xi32, #tpu.memory_space<vmem>> -> memref<208xi32, #tpu.memory_space<vmem>>
          %dma_start3A_254 = arith.constant 0 : i32
          %dma_start3A_255 = arith.constant 0 : i32
          %dma_start3A_256 = tpu.memref_slice %arg2[%dma_start3A_254, %dma_start3A_255] : memref<100096x64xbf16, #tpu.memory_space<hbm>> -> memref<100096x64xbf16, #tpu.memory_space<hbm>>
          tpu.enqueue_indirect_dma source(%dma_start3A_256 : memref<100096x64xbf16, #tpu.memory_space<hbm>>) target(%dma_start3A_252 : memref<208x64xbf16, #tpu.memory_space<vmem>>) offsets(%dma_start3A_253 : memref<208xi32, #tpu.memory_space<vmem>>) semaphore(%arg15 : memref<!tpu.dma_semaphore, #tpu.memory_space<semaphore_mem>>)
        } else {
        }
      }
      %scan3A_168 = arith.constant 4 : i32
    }
    %scan3A_37 = arith.constant 4 : i32
    %barrier3A_38 = arith.constant 0 : index
    tpu.barrier barrier_id(%barrier3A_38)
    "tpu.region"() ({
      %run_scoped3A = tpu.sem_alloc : memref<!tpu.dma_semaphore, #tpu.memory_space<semaphore_mem>>
      %dma_start3A = arith.constant 0 : i32
      %dma_start3A_126 = tpu.memref_slice %arg6[%arg0, %mul3A_0, %dma_start3A] : memref<2x50048x128xbf16, #tpu.memory_space<hbm>> -> memref<1x3128x64xbf16, #tpu.memory_space<hbm>>
      %dma_start3A_127 = tpu.memref_squeeze %dma_start3A_126 : memref<1x3128x64xbf16, #tpu.memory_space<hbm>> -> memref<3128x64xbf16, #tpu.memory_space<hbm>>
      %dma_start3A_128 = arith.constant 0 : i32
      %dma_start3A_129 = tpu.memref_slice %arg8[%mul3A_0, %dma_start3A_128] : memref<50048x64xbf16, #tpu.memory_space<vmem_shared>> -> memref<3128x64xbf16, #tpu.memory_space<vmem_shared>>
      tpu.enqueue_dma source(%dma_start3A_129 : memref<3128x64xbf16, #tpu.memory_space<vmem_shared>>) target(%dma_start3A_127 : memref<3128x64xbf16, #tpu.memory_space<hbm>>) target_semaphore(%run_scoped3A : memref<!tpu.dma_semaphore, #tpu.memory_space<semaphore_mem>>)
      %dma_wait3A = arith.constant 0 : i32
      %dma_wait3A_130 = tpu.memref_slice %arg6[%arg0, %mul3A_0, %dma_wait3A] : memref<2x50048x128xbf16, #tpu.memory_space<hbm>> -> memref<1x3128x64xbf16, #tpu.memory_space<hbm>>
      %dma_wait3A_131 = tpu.memref_squeeze %dma_wait3A_130 : memref<1x3128x64xbf16, #tpu.memory_space<hbm>> -> memref<3128x64xbf16, #tpu.memory_space<hbm>>
      %dma_wait3A_132 = arith.constant 0 : i32
      %dma_wait3A_133 = tpu.memref_slice %arg8[%mul3A_0, %dma_wait3A_132] : memref<50048x64xbf16, #tpu.memory_space<vmem_shared>> -> memref<3128x64xbf16, #tpu.memory_space<vmem_shared>>
      tpu.wait_dma2 semaphore(%run_scoped3A : memref<!tpu.dma_semaphore, #tpu.memory_space<semaphore_mem>>) src(%dma_wait3A_133 : memref<3128x64xbf16, #tpu.memory_space<vmem_shared>>) dst(%dma_wait3A_131 : memref<3128x64xbf16, #tpu.memory_space<hbm>>)
      tpu.yield
    }) : () -> ()
    %add3A_39 = arith.constant 0 : i32
    %add3A_40 = arith.addi %mul3A_0, %add3A_39 : i32
    "tpu.region"() ({
      %run_scoped3A = tpu.sem_alloc : memref<!tpu.dma_semaphore, #tpu.memory_space<semaphore_mem>>
      %dma_start3A = arith.constant 0 : i32
      %dma_start3A_126 = tpu.memref_slice %arg8[%add3A_40, %dma_start3A] : memref<50048x64xbf16, #tpu.memory_space<vmem_shared>> -> memref<184x64xbf16, #tpu.memory_space<vmem_shared>>
      %dma_start3A_127 = arith.constant 0 : i32
      %dma_start3A_128 = tpu.memref_slice %arg8[%add3A_40, %dma_start3A_127] : memref<50048x64xbf16, #tpu.memory_space<vmem_shared>> -> memref<184x64xbf16, #tpu.memory_space<vmem_shared>>
      tpu.enqueue_dma source(%arg12 : memref<184x64xbf16, #tpu.memory_space<vmem>>) target(%dma_start3A_128 : memref<184x64xbf16, #tpu.memory_space<vmem_shared>>) target_semaphore(%run_scoped3A : memref<!tpu.dma_semaphore, #tpu.memory_space<semaphore_mem>>)
      %dma_wait3A = arith.constant 0 : i32
      %dma_wait3A_129 = tpu.memref_slice %arg8[%add3A_40, %dma_wait3A] : memref<50048x64xbf16, #tpu.memory_space<vmem_shared>> -> memref<184x64xbf16, #tpu.memory_space<vmem_shared>>
      %dma_wait3A_130 = arith.constant 0 : i32
      %dma_wait3A_131 = tpu.memref_slice %arg8[%add3A_40, %dma_wait3A_130] : memref<50048x64xbf16, #tpu.memory_space<vmem_shared>> -> memref<184x64xbf16, #tpu.memory_space<vmem_shared>>
      tpu.wait_dma2 semaphore(%run_scoped3A : memref<!tpu.dma_semaphore, #tpu.memory_space<semaphore_mem>>) src(%arg12 : memref<184x64xbf16, #tpu.memory_space<vmem>>) dst(%dma_wait3A_131 : memref<184x64xbf16, #tpu.memory_space<vmem_shared>>)
      tpu.yield
    }) : () -> ()
    %add3A_41 = arith.constant 184 : i32
    %add3A_42 = arith.addi %mul3A_0, %add3A_41 : i32
    "tpu.region"() ({
      %run_scoped3A = tpu.sem_alloc : memref<!tpu.dma_semaphore, #tpu.memory_space<semaphore_mem>>
      %dma_start3A = arith.constant 0 : i32
      %dma_start3A_126 = tpu.memref_slice %arg8[%add3A_42, %dma_start3A] : memref<50048x64xbf16, #tpu.memory_space<vmem_shared>> -> memref<184x64xbf16, #tpu.memory_space<vmem_shared>>
      %dma_start3A_127 = arith.constant 0 : i32
      %dma_start3A_128 = tpu.memref_slice %arg8[%add3A_42, %dma_start3A_127] : memref<50048x64xbf16, #tpu.memory_space<vmem_shared>> -> memref<184x64xbf16, #tpu.memory_space<vmem_shared>>
      tpu.enqueue_dma source(%arg12 : memref<184x64xbf16, #tpu.memory_space<vmem>>) target(%dma_start3A_128 : memref<184x64xbf16, #tpu.memory_space<vmem_shared>>) target_semaphore(%run_scoped3A : memref<!tpu.dma_semaphore, #tpu.memory_space<semaphore_mem>>)
      %dma_wait3A = arith.constant 0 : i32
      %dma_wait3A_129 = tpu.memref_slice %arg8[%add3A_42, %dma_wait3A] : memref<50048x64xbf16, #tpu.memory_space<vmem_shared>> -> memref<184x64xbf16, #tpu.memory_space<vmem_shared>>
      %dma_wait3A_130 = arith.constant 0 : i32
      %dma_wait3A_131 = tpu.memref_slice %arg8[%add3A_42, %dma_wait3A_130] : memref<50048x64xbf16, #tpu.memory_space<vmem_shared>> -> memref<184x64xbf16, #tpu.memory_space<vmem_shared>>
      tpu.wait_dma2 semaphore(%run_scoped3A : memref<!tpu.dma_semaphore, #tpu.memory_space<semaphore_mem>>) src(%arg12 : memref<184x64xbf16, #tpu.memory_space<vmem>>) dst(%dma_wait3A_131 : memref<184x64xbf16, #tpu.memory_space<vmem_shared>>)
      tpu.yield
    }) : () -> ()
    %add3A_43 = arith.constant 368 : i32
    %add3A_44 = arith.addi %mul3A_0, %add3A_43 : i32
    "tpu.region"() ({
      %run_scoped3A = tpu.sem_alloc : memref<!tpu.dma_semaphore, #tpu.memory_space<semaphore_mem>>
      %dma_start3A = arith.constant 0 : i32
      %dma_start3A_126 = tpu.memref_slice %arg8[%add3A_44, %dma_start3A] : memref<50048x64xbf16, #tpu.memory_space<vmem_shared>> -> memref<184x64xbf16, #tpu.memory_space<vmem_shared>>
      %dma_start3A_127 = arith.constant 0 : i32
      %dma_start3A_128 = tpu.memref_slice %arg8[%add3A_44, %dma_start3A_127] : memref<50048x64xbf16, #tpu.memory_space<vmem_shared>> -> memref<184x64xbf16, #tpu.memory_space<vmem_shared>>
      tpu.enqueue_dma source(%arg12 : memref<184x64xbf16, #tpu.memory_space<vmem>>) target(%dma_start3A_128 : memref<184x64xbf16, #tpu.memory_space<vmem_shared>>) target_semaphore(%run_scoped3A : memref<!tpu.dma_semaphore, #tpu.memory_space<semaphore_mem>>)
      %dma_wait3A = arith.constant 0 : i32
      %dma_wait3A_129 = tpu.memref_slice %arg8[%add3A_44, %dma_wait3A] : memref<50048x64xbf16, #tpu.memory_space<vmem_shared>> -> memref<184x64xbf16, #tpu.memory_space<vmem_shared>>
      %dma_wait3A_130 = arith.constant 0 : i32
      %dma_wait3A_131 = tpu.memref_slice %arg8[%add3A_44, %dma_wait3A_130] : memref<50048x64xbf16, #tpu.memory_space<vmem_shared>> -> memref<184x64xbf16, #tpu.memory_space<vmem_shared>>
      tpu.wait_dma2 semaphore(%run_scoped3A : memref<!tpu.dma_semaphore, #tpu.memory_space<semaphore_mem>>) src(%arg12 : memref<184x64xbf16, #tpu.memory_space<vmem>>) dst(%dma_wait3A_131 : memref<184x64xbf16, #tpu.memory_space<vmem_shared>>)
      tpu.yield
    }) : () -> ()
    %add3A_45 = arith.constant 552 : i32
    %add3A_46 = arith.addi %mul3A_0, %add3A_45 : i32
    "tpu.region"() ({
      %run_scoped3A = tpu.sem_alloc : memref<!tpu.dma_semaphore, #tpu.memory_space<semaphore_mem>>
      %dma_start3A = arith.constant 0 : i32
      %dma_start3A_126 = tpu.memref_slice %arg8[%add3A_46, %dma_start3A] : memref<50048x64xbf16, #tpu.memory_space<vmem_shared>> -> memref<184x64xbf16, #tpu.memory_space<vmem_shared>>
      %dma_start3A_127 = arith.constant 0 : i32
      %dma_start3A_128 = tpu.memref_slice %arg8[%add3A_46, %dma_start3A_127] : memref<50048x64xbf16, #tpu.memory_space<vmem_shared>> -> memref<184x64xbf16, #tpu.memory_space<vmem_shared>>
      tpu.enqueue_dma source(%arg12 : memref<184x64xbf16, #tpu.memory_space<vmem>>) target(%dma_start3A_128 : memref<184x64xbf16, #tpu.memory_space<vmem_shared>>) target_semaphore(%run_scoped3A : memref<!tpu.dma_semaphore, #tpu.memory_space<semaphore_mem>>)
      %dma_wait3A = arith.constant 0 : i32
      %dma_wait3A_129 = tpu.memref_slice %arg8[%add3A_46, %dma_wait3A] : memref<50048x64xbf16, #tpu.memory_space<vmem_shared>> -> memref<184x64xbf16, #tpu.memory_space<vmem_shared>>
      %dma_wait3A_130 = arith.constant 0 : i32
      %dma_wait3A_131 = tpu.memref_slice %arg8[%add3A_46, %dma_wait3A_130] : memref<50048x64xbf16, #tpu.memory_space<vmem_shared>> -> memref<184x64xbf16, #tpu.memory_space<vmem_shared>>
      tpu.wait_dma2 semaphore(%run_scoped3A : memref<!tpu.dma_semaphore, #tpu.memory_space<semaphore_mem>>) src(%arg12 : memref<184x64xbf16, #tpu.memory_space<vmem>>) dst(%dma_wait3A_131 : memref<184x64xbf16, #tpu.memory_space<vmem_shared>>)
      tpu.yield
    }) : () -> ()
    %add3A_47 = arith.constant 736 : i32
    %add3A_48 = arith.addi %mul3A_0, %add3A_47 : i32
    "tpu.region"() ({
      %run_scoped3A = tpu.sem_alloc : memref<!tpu.dma_semaphore, #tpu.memory_space<semaphore_mem>>
      %dma_start3A = arith.constant 0 : i32
      %dma_start3A_126 = tpu.memref_slice %arg8[%add3A_48, %dma_start3A] : memref<50048x64xbf16, #tpu.memory_space<vmem_shared>> -> memref<184x64xbf16, #tpu.memory_space<vmem_shared>>
      %dma_start3A_127 = arith.constant 0 : i32
      %dma_start3A_128 = tpu.memref_slice %arg8[%add3A_48, %dma_start3A_127] : memref<50048x64xbf16, #tpu.memory_space<vmem_shared>> -> memref<184x64xbf16, #tpu.memory_space<vmem_shared>>
      tpu.enqueue_dma source(%arg12 : memref<184x64xbf16, #tpu.memory_space<vmem>>) target(%dma_start3A_128 : memref<184x64xbf16, #tpu.memory_space<vmem_shared>>) target_semaphore(%run_scoped3A : memref<!tpu.dma_semaphore, #tpu.memory_space<semaphore_mem>>)
      %dma_wait3A = arith.constant 0 : i32
      %dma_wait3A_129 = tpu.memref_slice %arg8[%add3A_48, %dma_wait3A] : memref<50048x64xbf16, #tpu.memory_space<vmem_shared>> -> memref<184x64xbf16, #tpu.memory_space<vmem_shared>>
      %dma_wait3A_130 = arith.constant 0 : i32
      %dma_wait3A_131 = tpu.memref_slice %arg8[%add3A_48, %dma_wait3A_130] : memref<50048x64xbf16, #tpu.memory_space<vmem_shared>> -> memref<184x64xbf16, #tpu.memory_space<vmem_shared>>
      tpu.wait_dma2 semaphore(%run_scoped3A : memref<!tpu.dma_semaphore, #tpu.memory_space<semaphore_mem>>) src(%arg12 : memref<184x64xbf16, #tpu.memory_space<vmem>>) dst(%dma_wait3A_131 : memref<184x64xbf16, #tpu.memory_space<vmem_shared>>)
      tpu.yield
    }) : () -> ()
    %add3A_49 = arith.constant 920 : i32
    %add3A_50 = arith.addi %mul3A_0, %add3A_49 : i32
    "tpu.region"() ({
      %run_scoped3A = tpu.sem_alloc : memref<!tpu.dma_semaphore, #tpu.memory_space<semaphore_mem>>
      %dma_start3A = arith.constant 0 : i32
      %dma_start3A_126 = tpu.memref_slice %arg8[%add3A_50, %dma_start3A] : memref<50048x64xbf16, #tpu.memory_space<vmem_shared>> -> memref<184x64xbf16, #tpu.memory_space<vmem_shared>>
      %dma_start3A_127 = arith.constant 0 : i32
      %dma_start3A_128 = tpu.memref_slice %arg8[%add3A_50, %dma_start3A_127] : memref<50048x64xbf16, #tpu.memory_space<vmem_shared>> -> memref<184x64xbf16, #tpu.memory_space<vmem_shared>>
      tpu.enqueue_dma source(%arg12 : memref<184x64xbf16, #tpu.memory_space<vmem>>) target(%dma_start3A_128 : memref<184x64xbf16, #tpu.memory_space<vmem_shared>>) target_semaphore(%run_scoped3A : memref<!tpu.dma_semaphore, #tpu.memory_space<semaphore_mem>>)
      %dma_wait3A = arith.constant 0 : i32
      %dma_wait3A_129 = tpu.memref_slice %arg8[%add3A_50, %dma_wait3A] : memref<50048x64xbf16, #tpu.memory_space<vmem_shared>> -> memref<184x64xbf16, #tpu.memory_space<vmem_shared>>
      %dma_wait3A_130 = arith.constant 0 : i32
      %dma_wait3A_131 = tpu.memref_slice %arg8[%add3A_50, %dma_wait3A_130] : memref<50048x64xbf16, #tpu.memory_space<vmem_shared>> -> memref<184x64xbf16, #tpu.memory_space<vmem_shared>>
      tpu.wait_dma2 semaphore(%run_scoped3A : memref<!tpu.dma_semaphore, #tpu.memory_space<semaphore_mem>>) src(%arg12 : memref<184x64xbf16, #tpu.memory_space<vmem>>) dst(%dma_wait3A_131 : memref<184x64xbf16, #tpu.memory_space<vmem_shared>>)
      tpu.yield
    }) : () -> ()
    %add3A_51 = arith.constant 1104 : i32
    %add3A_52 = arith.addi %mul3A_0, %add3A_51 : i32
    "tpu.region"() ({
      %run_scoped3A = tpu.sem_alloc : memref<!tpu.dma_semaphore, #tpu.memory_space<semaphore_mem>>
      %dma_start3A = arith.constant 0 : i32
      %dma_start3A_126 = tpu.memref_slice %arg8[%add3A_52, %dma_start3A] : memref<50048x64xbf16, #tpu.memory_space<vmem_shared>> -> memref<184x64xbf16, #tpu.memory_space<vmem_shared>>
      %dma_start3A_127 = arith.constant 0 : i32
      %dma_start3A_128 = tpu.memref_slice %arg8[%add3A_52, %dma_start3A_127] : memref<50048x64xbf16, #tpu.memory_space<vmem_shared>> -> memref<184x64xbf16, #tpu.memory_space<vmem_shared>>
      tpu.enqueue_dma source(%arg12 : memref<184x64xbf16, #tpu.memory_space<vmem>>) target(%dma_start3A_128 : memref<184x64xbf16, #tpu.memory_space<vmem_shared>>) target_semaphore(%run_scoped3A : memref<!tpu.dma_semaphore, #tpu.memory_space<semaphore_mem>>)
      %dma_wait3A = arith.constant 0 : i32
      %dma_wait3A_129 = tpu.memref_slice %arg8[%add3A_52, %dma_wait3A] : memref<50048x64xbf16, #tpu.memory_space<vmem_shared>> -> memref<184x64xbf16, #tpu.memory_space<vmem_shared>>
      %dma_wait3A_130 = arith.constant 0 : i32
      %dma_wait3A_131 = tpu.memref_slice %arg8[%add3A_52, %dma_wait3A_130] : memref<50048x64xbf16, #tpu.memory_space<vmem_shared>> -> memref<184x64xbf16, #tpu.memory_space<vmem_shared>>
      tpu.wait_dma2 semaphore(%run_scoped3A : memref<!tpu.dma_semaphore, #tpu.memory_space<semaphore_mem>>) src(%arg12 : memref<184x64xbf16, #tpu.memory_space<vmem>>) dst(%dma_wait3A_131 : memref<184x64xbf16, #tpu.memory_space<vmem_shared>>)
      tpu.yield
    }) : () -> ()
    %add3A_53 = arith.constant 1288 : i32
    %add3A_54 = arith.addi %mul3A_0, %add3A_53 : i32
    "tpu.region"() ({
      %run_scoped3A = tpu.sem_alloc : memref<!tpu.dma_semaphore, #tpu.memory_space<semaphore_mem>>
      %dma_start3A = arith.constant 0 : i32
      %dma_start3A_126 = tpu.memref_slice %arg8[%add3A_54, %dma_start3A] : memref<50048x64xbf16, #tpu.memory_space<vmem_shared>> -> memref<184x64xbf16, #tpu.memory_space<vmem_shared>>
      %dma_start3A_127 = arith.constant 0 : i32
      %dma_start3A_128 = tpu.memref_slice %arg8[%add3A_54, %dma_start3A_127] : memref<50048x64xbf16, #tpu.memory_space<vmem_shared>> -> memref<184x64xbf16, #tpu.memory_space<vmem_shared>>
      tpu.enqueue_dma source(%arg12 : memref<184x64xbf16, #tpu.memory_space<vmem>>) target(%dma_start3A_128 : memref<184x64xbf16, #tpu.memory_space<vmem_shared>>) target_semaphore(%run_scoped3A : memref<!tpu.dma_semaphore, #tpu.memory_space<semaphore_mem>>)
      %dma_wait3A = arith.constant 0 : i32
      %dma_wait3A_129 = tpu.memref_slice %arg8[%add3A_54, %dma_wait3A] : memref<50048x64xbf16, #tpu.memory_space<vmem_shared>> -> memref<184x64xbf16, #tpu.memory_space<vmem_shared>>
      %dma_wait3A_130 = arith.constant 0 : i32
      %dma_wait3A_131 = tpu.memref_slice %arg8[%add3A_54, %dma_wait3A_130] : memref<50048x64xbf16, #tpu.memory_space<vmem_shared>> -> memref<184x64xbf16, #tpu.memory_space<vmem_shared>>
      tpu.wait_dma2 semaphore(%run_scoped3A : memref<!tpu.dma_semaphore, #tpu.memory_space<semaphore_mem>>) src(%arg12 : memref<184x64xbf16, #tpu.memory_space<vmem>>) dst(%dma_wait3A_131 : memref<184x64xbf16, #tpu.memory_space<vmem_shared>>)
      tpu.yield
    }) : () -> ()
    %add3A_55 = arith.constant 1472 : i32
    %add3A_56 = arith.addi %mul3A_0, %add3A_55 : i32
    "tpu.region"() ({
      %run_scoped3A = tpu.sem_alloc : memref<!tpu.dma_semaphore, #tpu.memory_space<semaphore_mem>>
      %dma_start3A = arith.constant 0 : i32
      %dma_start3A_126 = tpu.memref_slice %arg8[%add3A_56, %dma_start3A] : memref<50048x64xbf16, #tpu.memory_space<vmem_shared>> -> memref<184x64xbf16, #tpu.memory_space<vmem_shared>>
      %dma_start3A_127 = arith.constant 0 : i32
      %dma_start3A_128 = tpu.memref_slice %arg8[%add3A_56, %dma_start3A_127] : memref<50048x64xbf16, #tpu.memory_space<vmem_shared>> -> memref<184x64xbf16, #tpu.memory_space<vmem_shared>>
      tpu.enqueue_dma source(%arg12 : memref<184x64xbf16, #tpu.memory_space<vmem>>) target(%dma_start3A_128 : memref<184x64xbf16, #tpu.memory_space<vmem_shared>>) target_semaphore(%run_scoped3A : memref<!tpu.dma_semaphore, #tpu.memory_space<semaphore_mem>>)
      %dma_wait3A = arith.constant 0 : i32
      %dma_wait3A_129 = tpu.memref_slice %arg8[%add3A_56, %dma_wait3A] : memref<50048x64xbf16, #tpu.memory_space<vmem_shared>> -> memref<184x64xbf16, #tpu.memory_space<vmem_shared>>
      %dma_wait3A_130 = arith.constant 0 : i32
      %dma_wait3A_131 = tpu.memref_slice %arg8[%add3A_56, %dma_wait3A_130] : memref<50048x64xbf16, #tpu.memory_space<vmem_shared>> -> memref<184x64xbf16, #tpu.memory_space<vmem_shared>>
      tpu.wait_dma2 semaphore(%run_scoped3A : memref<!tpu.dma_semaphore, #tpu.memory_space<semaphore_mem>>) src(%arg12 : memref<184x64xbf16, #tpu.memory_space<vmem>>) dst(%dma_wait3A_131 : memref<184x64xbf16, #tpu.memory_space<vmem_shared>>)
      tpu.yield
    }) : () -> ()
    %add3A_57 = arith.constant 1656 : i32
    %add3A_58 = arith.addi %mul3A_0, %add3A_57 : i32
    "tpu.region"() ({
      %run_scoped3A = tpu.sem_alloc : memref<!tpu.dma_semaphore, #tpu.memory_space<semaphore_mem>>
      %dma_start3A = arith.constant 0 : i32
      %dma_start3A_126 = tpu.memref_slice %arg8[%add3A_58, %dma_start3A] : memref<50048x64xbf16, #tpu.memory_space<vmem_shared>> -> memref<184x64xbf16, #tpu.memory_space<vmem_shared>>
      %dma_start3A_127 = arith.constant 0 : i32
      %dma_start3A_128 = tpu.memref_slice %arg8[%add3A_58, %dma_start3A_127] : memref<50048x64xbf16, #tpu.memory_space<vmem_shared>> -> memref<184x64xbf16, #tpu.memory_space<vmem_shared>>
      tpu.enqueue_dma source(%arg12 : memref<184x64xbf16, #tpu.memory_space<vmem>>) target(%dma_start3A_128 : memref<184x64xbf16, #tpu.memory_space<vmem_shared>>) target_semaphore(%run_scoped3A : memref<!tpu.dma_semaphore, #tpu.memory_space<semaphore_mem>>)
      %dma_wait3A = arith.constant 0 : i32
      %dma_wait3A_129 = tpu.memref_slice %arg8[%add3A_58, %dma_wait3A] : memref<50048x64xbf16, #tpu.memory_space<vmem_shared>> -> memref<184x64xbf16, #tpu.memory_space<vmem_shared>>
      %dma_wait3A_130 = arith.constant 0 : i32
      %dma_wait3A_131 = tpu.memref_slice %arg8[%add3A_58, %dma_wait3A_130] : memref<50048x64xbf16, #tpu.memory_space<vmem_shared>> -> memref<184x64xbf16, #tpu.memory_space<vmem_shared>>
      tpu.wait_dma2 semaphore(%run_scoped3A : memref<!tpu.dma_semaphore, #tpu.memory_space<semaphore_mem>>) src(%arg12 : memref<184x64xbf16, #tpu.memory_space<vmem>>) dst(%dma_wait3A_131 : memref<184x64xbf16, #tpu.memory_space<vmem_shared>>)
      tpu.yield
    }) : () -> ()
    %add3A_59 = arith.constant 1840 : i32
    %add3A_60 = arith.addi %mul3A_0, %add3A_59 : i32
    "tpu.region"() ({
      %run_scoped3A = tpu.sem_alloc : memref<!tpu.dma_semaphore, #tpu.memory_space<semaphore_mem>>
      %dma_start3A = arith.constant 0 : i32
      %dma_start3A_126 = tpu.memref_slice %arg8[%add3A_60, %dma_start3A] : memref<50048x64xbf16, #tpu.memory_space<vmem_shared>> -> memref<184x64xbf16, #tpu.memory_space<vmem_shared>>
      %dma_start3A_127 = arith.constant 0 : i32
      %dma_start3A_128 = tpu.memref_slice %arg8[%add3A_60, %dma_start3A_127] : memref<50048x64xbf16, #tpu.memory_space<vmem_shared>> -> memref<184x64xbf16, #tpu.memory_space<vmem_shared>>
      tpu.enqueue_dma source(%arg12 : memref<184x64xbf16, #tpu.memory_space<vmem>>) target(%dma_start3A_128 : memref<184x64xbf16, #tpu.memory_space<vmem_shared>>) target_semaphore(%run_scoped3A : memref<!tpu.dma_semaphore, #tpu.memory_space<semaphore_mem>>)
      %dma_wait3A = arith.constant 0 : i32
      %dma_wait3A_129 = tpu.memref_slice %arg8[%add3A_60, %dma_wait3A] : memref<50048x64xbf16, #tpu.memory_space<vmem_shared>> -> memref<184x64xbf16, #tpu.memory_space<vmem_shared>>
      %dma_wait3A_130 = arith.constant 0 : i32
      %dma_wait3A_131 = tpu.memref_slice %arg8[%add3A_60, %dma_wait3A_130] : memref<50048x64xbf16, #tpu.memory_space<vmem_shared>> -> memref<184x64xbf16, #tpu.memory_space<vmem_shared>>
      tpu.wait_dma2 semaphore(%run_scoped3A : memref<!tpu.dma_semaphore, #tpu.memory_space<semaphore_mem>>) src(%arg12 : memref<184x64xbf16, #tpu.memory_space<vmem>>) dst(%dma_wait3A_131 : memref<184x64xbf16, #tpu.memory_space<vmem_shared>>)
      tpu.yield
    }) : () -> ()
    %add3A_61 = arith.constant 2024 : i32
    %add3A_62 = arith.addi %mul3A_0, %add3A_61 : i32
    "tpu.region"() ({
      %run_scoped3A = tpu.sem_alloc : memref<!tpu.dma_semaphore, #tpu.memory_space<semaphore_mem>>
      %dma_start3A = arith.constant 0 : i32
      %dma_start3A_126 = tpu.memref_slice %arg8[%add3A_62, %dma_start3A] : memref<50048x64xbf16, #tpu.memory_space<vmem_shared>> -> memref<184x64xbf16, #tpu.memory_space<vmem_shared>>
      %dma_start3A_127 = arith.constant 0 : i32
      %dma_start3A_128 = tpu.memref_slice %arg8[%add3A_62, %dma_start3A_127] : memref<50048x64xbf16, #tpu.memory_space<vmem_shared>> -> memref<184x64xbf16, #tpu.memory_space<vmem_shared>>
      tpu.enqueue_dma source(%arg12 : memref<184x64xbf16, #tpu.memory_space<vmem>>) target(%dma_start3A_128 : memref<184x64xbf16, #tpu.memory_space<vmem_shared>>) target_semaphore(%run_scoped3A : memref<!tpu.dma_semaphore, #tpu.memory_space<semaphore_mem>>)
      %dma_wait3A = arith.constant 0 : i32
      %dma_wait3A_129 = tpu.memref_slice %arg8[%add3A_62, %dma_wait3A] : memref<50048x64xbf16, #tpu.memory_space<vmem_shared>> -> memref<184x64xbf16, #tpu.memory_space<vmem_shared>>
      %dma_wait3A_130 = arith.constant 0 : i32
      %dma_wait3A_131 = tpu.memref_slice %arg8[%add3A_62, %dma_wait3A_130] : memref<50048x64xbf16, #tpu.memory_space<vmem_shared>> -> memref<184x64xbf16, #tpu.memory_space<vmem_shared>>
      tpu.wait_dma2 semaphore(%run_scoped3A : memref<!tpu.dma_semaphore, #tpu.memory_space<semaphore_mem>>) src(%arg12 : memref<184x64xbf16, #tpu.memory_space<vmem>>) dst(%dma_wait3A_131 : memref<184x64xbf16, #tpu.memory_space<vmem_shared>>)
      tpu.yield
    }) : () -> ()
    %add3A_63 = arith.constant 2208 : i32
    %add3A_64 = arith.addi %mul3A_0, %add3A_63 : i32
    "tpu.region"() ({
      %run_scoped3A = tpu.sem_alloc : memref<!tpu.dma_semaphore, #tpu.memory_space<semaphore_mem>>
      %dma_start3A = arith.constant 0 : i32
      %dma_start3A_126 = tpu.memref_slice %arg8[%add3A_64, %dma_start3A] : memref<50048x64xbf16, #tpu.memory_space<vmem_shared>> -> memref<184x64xbf16, #tpu.memory_space<vmem_shared>>
      %dma_start3A_127 = arith.constant 0 : i32
      %dma_start3A_128 = tpu.memref_slice %arg8[%add3A_64, %dma_start3A_127] : memref<50048x64xbf16, #tpu.memory_space<vmem_shared>> -> memref<184x64xbf16, #tpu.memory_space<vmem_shared>>
      tpu.enqueue_dma source(%arg12 : memref<184x64xbf16, #tpu.memory_space<vmem>>) target(%dma_start3A_128 : memref<184x64xbf16, #tpu.memory_space<vmem_shared>>) target_semaphore(%run_scoped3A : memref<!tpu.dma_semaphore, #tpu.memory_space<semaphore_mem>>)
      %dma_wait3A = arith.constant 0 : i32
      %dma_wait3A_129 = tpu.memref_slice %arg8[%add3A_64, %dma_wait3A] : memref<50048x64xbf16, #tpu.memory_space<vmem_shared>> -> memref<184x64xbf16, #tpu.memory_space<vmem_shared>>
      %dma_wait3A_130 = arith.constant 0 : i32
      %dma_wait3A_131 = tpu.memref_slice %arg8[%add3A_64, %dma_wait3A_130] : memref<50048x64xbf16, #tpu.memory_space<vmem_shared>> -> memref<184x64xbf16, #tpu.memory_space<vmem_shared>>
      tpu.wait_dma2 semaphore(%run_scoped3A : memref<!tpu.dma_semaphore, #tpu.memory_space<semaphore_mem>>) src(%arg12 : memref<184x64xbf16, #tpu.memory_space<vmem>>) dst(%dma_wait3A_131 : memref<184x64xbf16, #tpu.memory_space<vmem_shared>>)
      tpu.yield
    }) : () -> ()
    %add3A_65 = arith.constant 2392 : i32
    %add3A_66 = arith.addi %mul3A_0, %add3A_65 : i32
    "tpu.region"() ({
      %run_scoped3A = tpu.sem_alloc : memref<!tpu.dma_semaphore, #tpu.memory_space<semaphore_mem>>
      %dma_start3A = arith.constant 0 : i32
      %dma_start3A_126 = tpu.memref_slice %arg8[%add3A_66, %dma_start3A] : memref<50048x64xbf16, #tpu.memory_space<vmem_shared>> -> memref<184x64xbf16, #tpu.memory_space<vmem_shared>>
      %dma_start3A_127 = arith.constant 0 : i32
      %dma_start3A_128 = tpu.memref_slice %arg8[%add3A_66, %dma_start3A_127] : memref<50048x64xbf16, #tpu.memory_space<vmem_shared>> -> memref<184x64xbf16, #tpu.memory_space<vmem_shared>>
      tpu.enqueue_dma source(%arg12 : memref<184x64xbf16, #tpu.memory_space<vmem>>) target(%dma_start3A_128 : memref<184x64xbf16, #tpu.memory_space<vmem_shared>>) target_semaphore(%run_scoped3A : memref<!tpu.dma_semaphore, #tpu.memory_space<semaphore_mem>>)
      %dma_wait3A = arith.constant 0 : i32
      %dma_wait3A_129 = tpu.memref_slice %arg8[%add3A_66, %dma_wait3A] : memref<50048x64xbf16, #tpu.memory_space<vmem_shared>> -> memref<184x64xbf16, #tpu.memory_space<vmem_shared>>
      %dma_wait3A_130 = arith.constant 0 : i32
      %dma_wait3A_131 = tpu.memref_slice %arg8[%add3A_66, %dma_wait3A_130] : memref<50048x64xbf16, #tpu.memory_space<vmem_shared>> -> memref<184x64xbf16, #tpu.memory_space<vmem_shared>>
      tpu.wait_dma2 semaphore(%run_scoped3A : memref<!tpu.dma_semaphore, #tpu.memory_space<semaphore_mem>>) src(%arg12 : memref<184x64xbf16, #tpu.memory_space<vmem>>) dst(%dma_wait3A_131 : memref<184x64xbf16, #tpu.memory_space<vmem_shared>>)
      tpu.yield
    }) : () -> ()
    %add3A_67 = arith.constant 2576 : i32
    %add3A_68 = arith.addi %mul3A_0, %add3A_67 : i32
    "tpu.region"() ({
      %run_scoped3A = tpu.sem_alloc : memref<!tpu.dma_semaphore, #tpu.memory_space<semaphore_mem>>
      %dma_start3A = arith.constant 0 : i32
      %dma_start3A_126 = tpu.memref_slice %arg8[%add3A_68, %dma_start3A] : memref<50048x64xbf16, #tpu.memory_space<vmem_shared>> -> memref<184x64xbf16, #tpu.memory_space<vmem_shared>>
      %dma_start3A_127 = arith.constant 0 : i32
      %dma_start3A_128 = tpu.memref_slice %arg8[%add3A_68, %dma_start3A_127] : memref<50048x64xbf16, #tpu.memory_space<vmem_shared>> -> memref<184x64xbf16, #tpu.memory_space<vmem_shared>>
      tpu.enqueue_dma source(%arg12 : memref<184x64xbf16, #tpu.memory_space<vmem>>) target(%dma_start3A_128 : memref<184x64xbf16, #tpu.memory_space<vmem_shared>>) target_semaphore(%run_scoped3A : memref<!tpu.dma_semaphore, #tpu.memory_space<semaphore_mem>>)
      %dma_wait3A = arith.constant 0 : i32
      %dma_wait3A_129 = tpu.memref_slice %arg8[%add3A_68, %dma_wait3A] : memref<50048x64xbf16, #tpu.memory_space<vmem_shared>> -> memref<184x64xbf16, #tpu.memory_space<vmem_shared>>
      %dma_wait3A_130 = arith.constant 0 : i32
      %dma_wait3A_131 = tpu.memref_slice %arg8[%add3A_68, %dma_wait3A_130] : memref<50048x64xbf16, #tpu.memory_space<vmem_shared>> -> memref<184x64xbf16, #tpu.memory_space<vmem_shared>>
      tpu.wait_dma2 semaphore(%run_scoped3A : memref<!tpu.dma_semaphore, #tpu.memory_space<semaphore_mem>>) src(%arg12 : memref<184x64xbf16, #tpu.memory_space<vmem>>) dst(%dma_wait3A_131 : memref<184x64xbf16, #tpu.memory_space<vmem_shared>>)
      tpu.yield
    }) : () -> ()
    %add3A_69 = arith.constant 2760 : i32
    %add3A_70 = arith.addi %mul3A_0, %add3A_69 : i32
    "tpu.region"() ({
      %run_scoped3A = tpu.sem_alloc : memref<!tpu.dma_semaphore, #tpu.memory_space<semaphore_mem>>
      %dma_start3A = arith.constant 0 : i32
      %dma_start3A_126 = tpu.memref_slice %arg8[%add3A_70, %dma_start3A] : memref<50048x64xbf16, #tpu.memory_space<vmem_shared>> -> memref<184x64xbf16, #tpu.memory_space<vmem_shared>>
      %dma_start3A_127 = arith.constant 0 : i32
      %dma_start3A_128 = tpu.memref_slice %arg8[%add3A_70, %dma_start3A_127] : memref<50048x64xbf16, #tpu.memory_space<vmem_shared>> -> memref<184x64xbf16, #tpu.memory_space<vmem_shared>>
      tpu.enqueue_dma source(%arg12 : memref<184x64xbf16, #tpu.memory_space<vmem>>) target(%dma_start3A_128 : memref<184x64xbf16, #tpu.memory_space<vmem_shared>>) target_semaphore(%run_scoped3A : memref<!tpu.dma_semaphore, #tpu.memory_space<semaphore_mem>>)
      %dma_wait3A = arith.constant 0 : i32
      %dma_wait3A_129 = tpu.memref_slice %arg8[%add3A_70, %dma_wait3A] : memref<50048x64xbf16, #tpu.memory_space<vmem_shared>> -> memref<184x64xbf16, #tpu.memory_space<vmem_shared>>
      %dma_wait3A_130 = arith.constant 0 : i32
      %dma_wait3A_131 = tpu.memref_slice %arg8[%add3A_70, %dma_wait3A_130] : memref<50048x64xbf16, #tpu.memory_space<vmem_shared>> -> memref<184x64xbf16, #tpu.memory_space<vmem_shared>>
      tpu.wait_dma2 semaphore(%run_scoped3A : memref<!tpu.dma_semaphore, #tpu.memory_space<semaphore_mem>>) src(%arg12 : memref<184x64xbf16, #tpu.memory_space<vmem>>) dst(%dma_wait3A_131 : memref<184x64xbf16, #tpu.memory_space<vmem_shared>>)
      tpu.yield
    }) : () -> ()
    %add3A_71 = arith.constant 2944 : i32
    %add3A_72 = arith.addi %mul3A_0, %add3A_71 : i32
    "tpu.region"() ({
      %run_scoped3A = tpu.sem_alloc : memref<!tpu.dma_semaphore, #tpu.memory_space<semaphore_mem>>
      %dma_start3A = arith.constant 0 : i32
      %dma_start3A_126 = tpu.memref_slice %arg8[%add3A_72, %dma_start3A] : memref<50048x64xbf16, #tpu.memory_space<vmem_shared>> -> memref<184x64xbf16, #tpu.memory_space<vmem_shared>>
      %dma_start3A_127 = arith.constant 0 : i32
      %dma_start3A_128 = tpu.memref_slice %arg8[%add3A_72, %dma_start3A_127] : memref<50048x64xbf16, #tpu.memory_space<vmem_shared>> -> memref<184x64xbf16, #tpu.memory_space<vmem_shared>>
      tpu.enqueue_dma source(%arg12 : memref<184x64xbf16, #tpu.memory_space<vmem>>) target(%dma_start3A_128 : memref<184x64xbf16, #tpu.memory_space<vmem_shared>>) target_semaphore(%run_scoped3A : memref<!tpu.dma_semaphore, #tpu.memory_space<semaphore_mem>>)
      %dma_wait3A = arith.constant 0 : i32
      %dma_wait3A_129 = tpu.memref_slice %arg8[%add3A_72, %dma_wait3A] : memref<50048x64xbf16, #tpu.memory_space<vmem_shared>> -> memref<184x64xbf16, #tpu.memory_space<vmem_shared>>
      %dma_wait3A_130 = arith.constant 0 : i32
      %dma_wait3A_131 = tpu.memref_slice %arg8[%add3A_72, %dma_wait3A_130] : memref<50048x64xbf16, #tpu.memory_space<vmem_shared>> -> memref<184x64xbf16, #tpu.memory_space<vmem_shared>>
      tpu.wait_dma2 semaphore(%run_scoped3A : memref<!tpu.dma_semaphore, #tpu.memory_space<semaphore_mem>>) src(%arg12 : memref<184x64xbf16, #tpu.memory_space<vmem>>) dst(%dma_wait3A_131 : memref<184x64xbf16, #tpu.memory_space<vmem_shared>>)
      tpu.yield
    }) : () -> ()
    %barrier3A_73 = arith.constant 0 : index
    tpu.barrier barrier_id(%barrier3A_73)
    %scan3A_74 = arith.constant 0 : i32
    %scan3A_75 = arith.constant 4 : i32
    %scan3A_76 = arith.addi %scan3A_74, %scan3A_75 : i32
    %scan3A_77 = arith.constant 1 : i32
    scf.for %scan3A_126 = %scan3A_74 to %scan3A_76 step %scan3A_77  : i32 {
      %mul3A_127 = arith.constant 1 : i32
      %mul3A_128 = arith.muli %scan3A_126, %mul3A_127 : i32
      %add3A_129 = arith.constant 0 : i32
      %add3A_130 = arith.addi %add3A_129, %mul3A_128 : i32
      %mul3A_131 = arith.constant 2496 : i32
      %mul3A_132 = arith.muli %add3A_130, %mul3A_131 : i32
      %run_scoped3A = arith.constant 1 : i32
      "tpu.region"() ({
        %run_scoped3A_169 = tpu.sem_alloc : memref<!tpu.dma_semaphore, #tpu.memory_space<semaphore_mem>>
        %dma_start3A_170 = tpu.memref_slice %arg3[%arg0, %run_scoped3A, %arg1, %mul3A_132] : memref<2x2x16x9984xi32, #tpu.memory_space<hbm>> -> memref<1x1x1x2496xi32, #tpu.memory_space<hbm>>
        %dma_start3A_171 = tpu.memref_squeeze %dma_start3A_170 : memref<1x1x1x2496xi32, #tpu.memory_space<hbm>> -> memref<2496xi32, #tpu.memory_space<hbm>>
        %dma_start3A_172 = tpu.memref_slice %arg3[%arg0, %run_scoped3A, %arg1, %mul3A_132] : memref<2x2x16x9984xi32, #tpu.memory_space<hbm>> -> memref<1x1x1x2496xi32, #tpu.memory_space<hbm>>
        %dma_start3A_173 = tpu.memref_squeeze %dma_start3A_172 : memref<1x1x1x2496xi32, #tpu.memory_space<hbm>> -> memref<2496xi32, #tpu.memory_space<hbm>>
        tpu.enqueue_dma source(%dma_start3A_173 : memref<2496xi32, #tpu.memory_space<hbm>>) target(%arg9 : memref<2496xi32, #tpu.memory_space<vmem>>) target_semaphore(%run_scoped3A_169 : memref<!tpu.dma_semaphore, #tpu.memory_space<semaphore_mem>>)
        %dma_wait3A = tpu.memref_slice %arg3[%arg0, %run_scoped3A, %arg1, %mul3A_132] : memref<2x2x16x9984xi32, #tpu.memory_space<hbm>> -> memref<1x1x1x2496xi32, #tpu.memory_space<hbm>>
        %dma_wait3A_174 = tpu.memref_squeeze %dma_wait3A : memref<1x1x1x2496xi32, #tpu.memory_space<hbm>> -> memref<2496xi32, #tpu.memory_space<hbm>>
        %dma_wait3A_175 = tpu.memref_slice %arg3[%arg0, %run_scoped3A, %arg1, %mul3A_132] : memref<2x2x16x9984xi32, #tpu.memory_space<hbm>> -> memref<1x1x1x2496xi32, #tpu.memory_space<hbm>>
        %dma_wait3A_176 = tpu.memref_squeeze %dma_wait3A_175 : memref<1x1x1x2496xi32, #tpu.memory_space<hbm>> -> memref<2496xi32, #tpu.memory_space<hbm>>
        tpu.wait_dma2 semaphore(%run_scoped3A_169 : memref<!tpu.dma_semaphore, #tpu.memory_space<semaphore_mem>>) src(%dma_wait3A_176 : memref<2496xi32, #tpu.memory_space<hbm>>) dst(%arg9 : memref<2496xi32, #tpu.memory_space<vmem>>)
        tpu.yield
      }) : () -> ()
      %mul3A_133 = arith.constant 2496 : i32
      %mul3A_134 = arith.muli %add3A_130, %mul3A_133 : i32
      "tpu.region"() ({
        %run_scoped3A_169 = tpu.sem_alloc : memref<!tpu.dma_semaphore, #tpu.memory_space<semaphore_mem>>
        %dma_start3A_170 = tpu.memref_slice %arg4[%arg0, %arg1, %mul3A_134] : memref<2x16x9984xi32, #tpu.memory_space<hbm>> -> memref<1x1x2496xi32, #tpu.memory_space<hbm>>
        %dma_start3A_171 = tpu.memref_squeeze %dma_start3A_170 : memref<1x1x2496xi32, #tpu.memory_space<hbm>> -> memref<2496xi32, #tpu.memory_space<hbm>>
        %dma_start3A_172 = tpu.memref_slice %arg4[%arg0, %arg1, %mul3A_134] : memref<2x16x9984xi32, #tpu.memory_space<hbm>> -> memref<1x1x2496xi32, #tpu.memory_space<hbm>>
        %dma_start3A_173 = tpu.memref_squeeze %dma_start3A_172 : memref<1x1x2496xi32, #tpu.memory_space<hbm>> -> memref<2496xi32, #tpu.memory_space<hbm>>
        tpu.enqueue_dma source(%dma_start3A_173 : memref<2496xi32, #tpu.memory_space<hbm>>) target(%arg10 : memref<2496xi32, #tpu.memory_space<vmem>>) target_semaphore(%run_scoped3A_169 : memref<!tpu.dma_semaphore, #tpu.memory_space<semaphore_mem>>)
        %dma_wait3A = tpu.memref_slice %arg4[%arg0, %arg1, %mul3A_134] : memref<2x16x9984xi32, #tpu.memory_space<hbm>> -> memref<1x1x2496xi32, #tpu.memory_space<hbm>>
        %dma_wait3A_174 = tpu.memref_squeeze %dma_wait3A : memref<1x1x2496xi32, #tpu.memory_space<hbm>> -> memref<2496xi32, #tpu.memory_space<hbm>>
        %dma_wait3A_175 = tpu.memref_slice %arg4[%arg0, %arg1, %mul3A_134] : memref<2x16x9984xi32, #tpu.memory_space<hbm>> -> memref<1x1x2496xi32, #tpu.memory_space<hbm>>
        %dma_wait3A_176 = tpu.memref_squeeze %dma_wait3A_175 : memref<1x1x2496xi32, #tpu.memory_space<hbm>> -> memref<2496xi32, #tpu.memory_space<hbm>>
        tpu.wait_dma2 semaphore(%run_scoped3A_169 : memref<!tpu.dma_semaphore, #tpu.memory_space<semaphore_mem>>) src(%dma_wait3A_176 : memref<2496xi32, #tpu.memory_space<hbm>>) dst(%arg10 : memref<2496xi32, #tpu.memory_space<vmem>>)
        tpu.yield
      }) : () -> ()
      %dma_start3A = arith.constant 0 : i32
      %dma_start3A_135 = arith.constant 0 : i32
      %dma_start3A_136 = arith.constant 0 : i32
      %dma_start3A_137 = tpu.memref_slice %arg11[%dma_start3A, %dma_start3A_135, %dma_start3A_136] : memref<3x208x64xbf16, #tpu.memory_space<vmem>> -> memref<1x208x64xbf16, #tpu.memory_space<vmem>>
      %dma_start3A_138 = tpu.memref_squeeze %dma_start3A_137 : memref<1x208x64xbf16, #tpu.memory_space<vmem>> -> memref<208x64xbf16, #tpu.memory_space<vmem>>
      %dma_start3A_139 = arith.constant 0 : i32
      %dma_start3A_140 = tpu.memref_slice %arg9[%dma_start3A_139] : memref<2496xi32, #tpu.memory_space<vmem>> -> memref<208xi32, #tpu.memory_space<vmem>>
      %dma_start3A_141 = arith.constant 0 : i32
      %dma_start3A_142 = arith.constant 0 : i32
      %dma_start3A_143 = tpu.memref_slice %arg2[%dma_start3A_141, %dma_start3A_142] : memref<100096x64xbf16, #tpu.memory_space<hbm>> -> memref<100096x64xbf16, #tpu.memory_space<hbm>>
      tpu.enqueue_indirect_dma source(%dma_start3A_143 : memref<100096x64xbf16, #tpu.memory_space<hbm>>) target(%dma_start3A_138 : memref<208x64xbf16, #tpu.memory_space<vmem>>) offsets(%dma_start3A_140 : memref<208xi32, #tpu.memory_space<vmem>>) semaphore(%arg13 : memref<!tpu.dma_semaphore, #tpu.memory_space<semaphore_mem>>)
      %dma_start3A_144 = arith.constant 1 : i32
      %dma_start3A_145 = arith.constant 0 : i32
      %dma_start3A_146 = arith.constant 0 : i32
      %dma_start3A_147 = tpu.memref_slice %arg11[%dma_start3A_144, %dma_start3A_145, %dma_start3A_146] : memref<3x208x64xbf16, #tpu.memory_space<vmem>> -> memref<1x208x64xbf16, #tpu.memory_space<vmem>>
      %dma_start3A_148 = tpu.memref_squeeze %dma_start3A_147 : memref<1x208x64xbf16, #tpu.memory_space<vmem>> -> memref<208x64xbf16, #tpu.memory_space<vmem>>
      %dma_start3A_149 = arith.constant 208 : i32
      %dma_start3A_150 = tpu.memref_slice %arg9[%dma_start3A_149] : memref<2496xi32, #tpu.memory_space<vmem>> -> memref<208xi32, #tpu.memory_space<vmem>>
      %dma_start3A_151 = arith.constant 0 : i32
      %dma_start3A_152 = arith.constant 0 : i32
      %dma_start3A_153 = tpu.memref_slice %arg2[%dma_start3A_151, %dma_start3A_152] : memref<100096x64xbf16, #tpu.memory_space<hbm>> -> memref<100096x64xbf16, #tpu.memory_space<hbm>>
      tpu.enqueue_indirect_dma source(%dma_start3A_153 : memref<100096x64xbf16, #tpu.memory_space<hbm>>) target(%dma_start3A_148 : memref<208x64xbf16, #tpu.memory_space<vmem>>) offsets(%dma_start3A_150 : memref<208xi32, #tpu.memory_space<vmem>>) semaphore(%arg14 : memref<!tpu.dma_semaphore, #tpu.memory_space<semaphore_mem>>)
      %dma_start3A_154 = arith.constant 2 : i32
      %dma_start3A_155 = arith.constant 0 : i32
      %dma_start3A_156 = arith.constant 0 : i32
      %dma_start3A_157 = tpu.memref_slice %arg11[%dma_start3A_154, %dma_start3A_155, %dma_start3A_156] : memref<3x208x64xbf16, #tpu.memory_space<vmem>> -> memref<1x208x64xbf16, #tpu.memory_space<vmem>>
      %dma_start3A_158 = tpu.memref_squeeze %dma_start3A_157 : memref<1x208x64xbf16, #tpu.memory_space<vmem>> -> memref<208x64xbf16, #tpu.memory_space<vmem>>
      %dma_start3A_159 = arith.constant 416 : i32
      %dma_start3A_160 = tpu.memref_slice %arg9[%dma_start3A_159] : memref<2496xi32, #tpu.memory_space<vmem>> -> memref<208xi32, #tpu.memory_space<vmem>>
      %dma_start3A_161 = arith.constant 0 : i32
      %dma_start3A_162 = arith.constant 0 : i32
      %dma_start3A_163 = tpu.memref_slice %arg2[%dma_start3A_161, %dma_start3A_162] : memref<100096x64xbf16, #tpu.memory_space<hbm>> -> memref<100096x64xbf16, #tpu.memory_space<hbm>>
      tpu.enqueue_indirect_dma source(%dma_start3A_163 : memref<100096x64xbf16, #tpu.memory_space<hbm>>) target(%dma_start3A_158 : memref<208x64xbf16, #tpu.memory_space<vmem>>) offsets(%dma_start3A_160 : memref<208xi32, #tpu.memory_space<vmem>>) semaphore(%arg15 : memref<!tpu.dma_semaphore, #tpu.memory_space<semaphore_mem>>)
      %scan3A_164 = arith.constant 0 : i32
      %scan3A_165 = arith.constant 4 : i32
      %scan3A_166 = arith.addi %scan3A_164, %scan3A_165 : i32
      %scan3A_167 = arith.constant 1 : i32
      scf.for %scan3A_169 = %scan3A_164 to %scan3A_166 step %scan3A_167  : i32 {
        %mul3A_170 = arith.constant 3 : i32
        %mul3A_171 = arith.muli %scan3A_169, %mul3A_170 : i32
        %add3A_172 = arith.constant 0 : i32
        %add3A_173 = arith.addi %add3A_172, %mul3A_171 : i32
        %dma_wait3A = arith.constant 0 : i32
        %dma_wait3A_174 = arith.constant 0 : i32
        %dma_wait3A_175 = arith.constant 0 : i32
        %dma_wait3A_176 = tpu.memref_slice %arg11[%dma_wait3A, %dma_wait3A_174, %dma_wait3A_175] : memref<3x208x64xbf16, #tpu.memory_space<vmem>> -> memref<1x208x64xbf16, #tpu.memory_space<vmem>>
        %dma_wait3A_177 = tpu.memref_squeeze %dma_wait3A_176 : memref<1x208x64xbf16, #tpu.memory_space<vmem>> -> memref<208x64xbf16, #tpu.memory_space<vmem>>
        %dma_wait3A_178 = arith.constant 0 : i32
        %dma_wait3A_179 = tpu.memref_slice %arg9[%dma_wait3A_178] : memref<2496xi32, #tpu.memory_space<vmem>> -> memref<208xi32, #tpu.memory_space<vmem>>
        %dma_wait3A_180 = arith.constant 0 : i32
        %dma_wait3A_181 = arith.constant 0 : i32
        %dma_wait3A_182 = tpu.memref_slice %arg2[%dma_wait3A_180, %dma_wait3A_181] : memref<100096x64xbf16, #tpu.memory_space<hbm>> -> memref<100096x64xbf16, #tpu.memory_space<hbm>>
        tpu.wait_indirect_dma semaphore(%arg13 : memref<!tpu.dma_semaphore, #tpu.memory_space<semaphore_mem>>) src(%dma_wait3A_182 : memref<100096x64xbf16, #tpu.memory_space<hbm>>) dst(%dma_wait3A_177 : memref<208x64xbf16, #tpu.memory_space<vmem>>)
        %add3A_183 = arith.constant 0 : i32
        %add3A_184 = arith.addi %add3A_173, %add3A_183 : i32
        %mul3A_185 = arith.constant 208 : i32
        %mul3A_186 = arith.muli %add3A_184, %mul3A_185 : i32
        %run_scoped3A_187 = arith.constant 0 : i32
        "tpu.region"() ({
          %run_scoped3A_242 = tpu.sem_alloc : memref<!tpu.dma_semaphore, #tpu.memory_space<semaphore_mem>>
          %dma_start3A_243 = arith.constant 0 : i32
          %dma_start3A_244 = arith.constant 0 : i32
          %dma_start3A_245 = tpu.memref_slice %arg11[%run_scoped3A_187, %dma_start3A_243, %dma_start3A_244] : memref<3x208x64xbf16, #tpu.memory_space<vmem>> -> memref<1x208x64xbf16, #tpu.memory_space<vmem>>
          %dma_start3A_246 = tpu.memref_squeeze %dma_start3A_245 : memref<1x208x64xbf16, #tpu.memory_space<vmem>> -> memref<208x64xbf16, #tpu.memory_space<vmem>>
          %dma_start3A_247 = tpu.memref_slice %arg10[%mul3A_186] : memref<2496xi32, #tpu.memory_space<vmem>> -> memref<208xi32, #tpu.memory_space<vmem>>
          %dma_start3A_248 = arith.constant 0 : i32
          %dma_start3A_249 = arith.constant 0 : i32
          %dma_start3A_250 = tpu.memref_slice %arg8[%dma_start3A_248, %dma_start3A_249] : memref<50048x64xbf16, #tpu.memory_space<vmem_shared>> -> memref<50048x64xbf16, #tpu.memory_space<vmem_shared>>
          tpu.enqueue_indirect_dma source(%dma_start3A_246 : memref<208x64xbf16, #tpu.memory_space<vmem>>) target(%dma_start3A_250 : memref<50048x64xbf16, #tpu.memory_space<vmem_shared>>) offsets(%dma_start3A_247 : memref<208xi32, #tpu.memory_space<vmem>>) semaphore(%run_scoped3A_242 : memref<!tpu.dma_semaphore, #tpu.memory_space<semaphore_mem>>) {add = true}
          %dma_wait3A_251 = arith.constant 0 : i32
          %dma_wait3A_252 = arith.constant 0 : i32
          %dma_wait3A_253 = tpu.memref_slice %arg11[%run_scoped3A_187, %dma_wait3A_251, %dma_wait3A_252] : memref<3x208x64xbf16, #tpu.memory_space<vmem>> -> memref<1x208x64xbf16, #tpu.memory_space<vmem>>
          %dma_wait3A_254 = tpu.memref_squeeze %dma_wait3A_253 : memref<1x208x64xbf16, #tpu.memory_space<vmem>> -> memref<208x64xbf16, #tpu.memory_space<vmem>>
          %dma_wait3A_255 = tpu.memref_slice %arg10[%mul3A_186] : memref<2496xi32, #tpu.memory_space<vmem>> -> memref<208xi32, #tpu.memory_space<vmem>>
          %dma_wait3A_256 = arith.constant 0 : i32
          %dma_wait3A_257 = arith.constant 0 : i32
          %dma_wait3A_258 = tpu.memref_slice %arg8[%dma_wait3A_256, %dma_wait3A_257] : memref<50048x64xbf16, #tpu.memory_space<vmem_shared>> -> memref<50048x64xbf16, #tpu.memory_space<vmem_shared>>
          tpu.wait_indirect_dma semaphore(%run_scoped3A_242 : memref<!tpu.dma_semaphore, #tpu.memory_space<semaphore_mem>>) src(%dma_wait3A_254 : memref<208x64xbf16, #tpu.memory_space<vmem>>) dst(%dma_wait3A_258 : memref<50048x64xbf16, #tpu.memory_space<vmem_shared>>)
          tpu.yield
        }) : () -> ()
        %add3A_188 = arith.constant 0 : i32
        %add3A_189 = arith.addi %add3A_173, %add3A_188 : i32
        %add3A_190 = arith.constant 3 : i32
        %add3A_191 = arith.addi %add3A_189, %add3A_190 : i32
        %lt3A = arith.constant 12 : i32
        %lt3A_192 = arith.cmpi slt, %add3A_191, %lt3A : i32
        %convert_element_type3A = arith.extui %lt3A_192 : i1 to i32
        %cond3A = arith.constant 0 : i32
        %cond3A_193 = arith.cmpi ne, %convert_element_type3A, %cond3A : i32
        scf.if %cond3A_193 {
          %add3A_242 = arith.constant 0 : i32
          %add3A_243 = arith.addi %add3A_173, %add3A_242 : i32
          %add3A_244 = arith.constant 3 : i32
          %add3A_245 = arith.addi %add3A_243, %add3A_244 : i32
          %mul3A_246 = arith.constant 208 : i32
          %mul3A_247 = arith.muli %add3A_245, %mul3A_246 : i32
          %dma_start3A_248 = arith.constant 0 : i32
          %dma_start3A_249 = arith.constant 0 : i32
          %dma_start3A_250 = arith.constant 0 : i32
          %dma_start3A_251 = tpu.memref_slice %arg11[%dma_start3A_248, %dma_start3A_249, %dma_start3A_250] : memref<3x208x64xbf16, #tpu.memory_space<vmem>> -> memref<1x208x64xbf16, #tpu.memory_space<vmem>>
          %dma_start3A_252 = tpu.memref_squeeze %dma_start3A_251 : memref<1x208x64xbf16, #tpu.memory_space<vmem>> -> memref<208x64xbf16, #tpu.memory_space<vmem>>
          %dma_start3A_253 = tpu.memref_slice %arg9[%mul3A_247] : memref<2496xi32, #tpu.memory_space<vmem>> -> memref<208xi32, #tpu.memory_space<vmem>>
          %dma_start3A_254 = arith.constant 0 : i32
          %dma_start3A_255 = arith.constant 0 : i32
          %dma_start3A_256 = tpu.memref_slice %arg2[%dma_start3A_254, %dma_start3A_255] : memref<100096x64xbf16, #tpu.memory_space<hbm>> -> memref<100096x64xbf16, #tpu.memory_space<hbm>>
          tpu.enqueue_indirect_dma source(%dma_start3A_256 : memref<100096x64xbf16, #tpu.memory_space<hbm>>) target(%dma_start3A_252 : memref<208x64xbf16, #tpu.memory_space<vmem>>) offsets(%dma_start3A_253 : memref<208xi32, #tpu.memory_space<vmem>>) semaphore(%arg13 : memref<!tpu.dma_semaphore, #tpu.memory_space<semaphore_mem>>)
        } else {
        }
        %dma_wait3A_194 = arith.constant 1 : i32
        %dma_wait3A_195 = arith.constant 0 : i32
        %dma_wait3A_196 = arith.constant 0 : i32
        %dma_wait3A_197 = tpu.memref_slice %arg11[%dma_wait3A_194, %dma_wait3A_195, %dma_wait3A_196] : memref<3x208x64xbf16, #tpu.memory_space<vmem>> -> memref<1x208x64xbf16, #tpu.memory_space<vmem>>
        %dma_wait3A_198 = tpu.memref_squeeze %dma_wait3A_197 : memref<1x208x64xbf16, #tpu.memory_space<vmem>> -> memref<208x64xbf16, #tpu.memory_space<vmem>>
        %dma_wait3A_199 = arith.constant 0 : i32
        %dma_wait3A_200 = tpu.memref_slice %arg9[%dma_wait3A_199] : memref<2496xi32, #tpu.memory_space<vmem>> -> memref<208xi32, #tpu.memory_space<vmem>>
        %dma_wait3A_201 = arith.constant 0 : i32
        %dma_wait3A_202 = arith.constant 0 : i32
        %dma_wait3A_203 = tpu.memref_slice %arg2[%dma_wait3A_201, %dma_wait3A_202] : memref<100096x64xbf16, #tpu.memory_space<hbm>> -> memref<100096x64xbf16, #tpu.memory_space<hbm>>
        tpu.wait_indirect_dma semaphore(%arg14 : memref<!tpu.dma_semaphore, #tpu.memory_space<semaphore_mem>>) src(%dma_wait3A_203 : memref<100096x64xbf16, #tpu.memory_space<hbm>>) dst(%dma_wait3A_198 : memref<208x64xbf16, #tpu.memory_space<vmem>>)
        %add3A_204 = arith.constant 1 : i32
        %add3A_205 = arith.addi %add3A_173, %add3A_204 : i32
        %mul3A_206 = arith.constant 208 : i32
        %mul3A_207 = arith.muli %add3A_205, %mul3A_206 : i32
        %run_scoped3A_208 = arith.constant 1 : i32
        "tpu.region"() ({
          %run_scoped3A_242 = tpu.sem_alloc : memref<!tpu.dma_semaphore, #tpu.memory_space<semaphore_mem>>
          %dma_start3A_243 = arith.constant 0 : i32
          %dma_start3A_244 = arith.constant 0 : i32
          %dma_start3A_245 = tpu.memref_slice %arg11[%run_scoped3A_208, %dma_start3A_243, %dma_start3A_244] : memref<3x208x64xbf16, #tpu.memory_space<vmem>> -> memref<1x208x64xbf16, #tpu.memory_space<vmem>>
          %dma_start3A_246 = tpu.memref_squeeze %dma_start3A_245 : memref<1x208x64xbf16, #tpu.memory_space<vmem>> -> memref<208x64xbf16, #tpu.memory_space<vmem>>
          %dma_start3A_247 = tpu.memref_slice %arg10[%mul3A_207] : memref<2496xi32, #tpu.memory_space<vmem>> -> memref<208xi32, #tpu.memory_space<vmem>>
          %dma_start3A_248 = arith.constant 0 : i32
          %dma_start3A_249 = arith.constant 0 : i32
          %dma_start3A_250 = tpu.memref_slice %arg8[%dma_start3A_248, %dma_start3A_249] : memref<50048x64xbf16, #tpu.memory_space<vmem_shared>> -> memref<50048x64xbf16, #tpu.memory_space<vmem_shared>>
          tpu.enqueue_indirect_dma source(%dma_start3A_246 : memref<208x64xbf16, #tpu.memory_space<vmem>>) target(%dma_start3A_250 : memref<50048x64xbf16, #tpu.memory_space<vmem_shared>>) offsets(%dma_start3A_247 : memref<208xi32, #tpu.memory_space<vmem>>) semaphore(%run_scoped3A_242 : memref<!tpu.dma_semaphore, #tpu.memory_space<semaphore_mem>>) {add = true}
          %dma_wait3A_251 = arith.constant 0 : i32
          %dma_wait3A_252 = arith.constant 0 : i32
          %dma_wait3A_253 = tpu.memref_slice %arg11[%run_scoped3A_208, %dma_wait3A_251, %dma_wait3A_252] : memref<3x208x64xbf16, #tpu.memory_space<vmem>> -> memref<1x208x64xbf16, #tpu.memory_space<vmem>>
          %dma_wait3A_254 = tpu.memref_squeeze %dma_wait3A_253 : memref<1x208x64xbf16, #tpu.memory_space<vmem>> -> memref<208x64xbf16, #tpu.memory_space<vmem>>
          %dma_wait3A_255 = tpu.memref_slice %arg10[%mul3A_207] : memref<2496xi32, #tpu.memory_space<vmem>> -> memref<208xi32, #tpu.memory_space<vmem>>
          %dma_wait3A_256 = arith.constant 0 : i32
          %dma_wait3A_257 = arith.constant 0 : i32
          %dma_wait3A_258 = tpu.memref_slice %arg8[%dma_wait3A_256, %dma_wait3A_257] : memref<50048x64xbf16, #tpu.memory_space<vmem_shared>> -> memref<50048x64xbf16, #tpu.memory_space<vmem_shared>>
          tpu.wait_indirect_dma semaphore(%run_scoped3A_242 : memref<!tpu.dma_semaphore, #tpu.memory_space<semaphore_mem>>) src(%dma_wait3A_254 : memref<208x64xbf16, #tpu.memory_space<vmem>>) dst(%dma_wait3A_258 : memref<50048x64xbf16, #tpu.memory_space<vmem_shared>>)
          tpu.yield
        }) : () -> ()
        %add3A_209 = arith.constant 1 : i32
        %add3A_210 = arith.addi %add3A_173, %add3A_209 : i32
        %add3A_211 = arith.constant 3 : i32
        %add3A_212 = arith.addi %add3A_210, %add3A_211 : i32
        %lt3A_213 = arith.constant 12 : i32
        %lt3A_214 = arith.cmpi slt, %add3A_212, %lt3A_213 : i32
        %convert_element_type3A_215 = arith.extui %lt3A_214 : i1 to i32
        %cond3A_216 = arith.constant 0 : i32
        %cond3A_217 = arith.cmpi ne, %convert_element_type3A_215, %cond3A_216 : i32
        scf.if %cond3A_217 {
          %add3A_242 = arith.constant 1 : i32
          %add3A_243 = arith.addi %add3A_173, %add3A_242 : i32
          %add3A_244 = arith.constant 3 : i32
          %add3A_245 = arith.addi %add3A_243, %add3A_244 : i32
          %mul3A_246 = arith.constant 208 : i32
          %mul3A_247 = arith.muli %add3A_245, %mul3A_246 : i32
          %dma_start3A_248 = arith.constant 1 : i32
          %dma_start3A_249 = arith.constant 0 : i32
          %dma_start3A_250 = arith.constant 0 : i32
          %dma_start3A_251 = tpu.memref_slice %arg11[%dma_start3A_248, %dma_start3A_249, %dma_start3A_250] : memref<3x208x64xbf16, #tpu.memory_space<vmem>> -> memref<1x208x64xbf16, #tpu.memory_space<vmem>>
          %dma_start3A_252 = tpu.memref_squeeze %dma_start3A_251 : memref<1x208x64xbf16, #tpu.memory_space<vmem>> -> memref<208x64xbf16, #tpu.memory_space<vmem>>
          %dma_start3A_253 = tpu.memref_slice %arg9[%mul3A_247] : memref<2496xi32, #tpu.memory_space<vmem>> -> memref<208xi32, #tpu.memory_space<vmem>>
          %dma_start3A_254 = arith.constant 0 : i32
          %dma_start3A_255 = arith.constant 0 : i32
          %dma_start3A_256 = tpu.memref_slice %arg2[%dma_start3A_254, %dma_start3A_255] : memref<100096x64xbf16, #tpu.memory_space<hbm>> -> memref<100096x64xbf16, #tpu.memory_space<hbm>>
          tpu.enqueue_indirect_dma source(%dma_start3A_256 : memref<100096x64xbf16, #tpu.memory_space<hbm>>) target(%dma_start3A_252 : memref<208x64xbf16, #tpu.memory_space<vmem>>) offsets(%dma_start3A_253 : memref<208xi32, #tpu.memory_space<vmem>>) semaphore(%arg14 : memref<!tpu.dma_semaphore, #tpu.memory_space<semaphore_mem>>)
        } else {
        }
        %dma_wait3A_218 = arith.constant 2 : i32
        %dma_wait3A_219 = arith.constant 0 : i32
        %dma_wait3A_220 = arith.constant 0 : i32
        %dma_wait3A_221 = tpu.memref_slice %arg11[%dma_wait3A_218, %dma_wait3A_219, %dma_wait3A_220] : memref<3x208x64xbf16, #tpu.memory_space<vmem>> -> memref<1x208x64xbf16, #tpu.memory_space<vmem>>
        %dma_wait3A_222 = tpu.memref_squeeze %dma_wait3A_221 : memref<1x208x64xbf16, #tpu.memory_space<vmem>> -> memref<208x64xbf16, #tpu.memory_space<vmem>>
        %dma_wait3A_223 = arith.constant 0 : i32
        %dma_wait3A_224 = tpu.memref_slice %arg9[%dma_wait3A_223] : memref<2496xi32, #tpu.memory_space<vmem>> -> memref<208xi32, #tpu.memory_space<vmem>>
        %dma_wait3A_225 = arith.constant 0 : i32
        %dma_wait3A_226 = arith.constant 0 : i32
        %dma_wait3A_227 = tpu.memref_slice %arg2[%dma_wait3A_225, %dma_wait3A_226] : memref<100096x64xbf16, #tpu.memory_space<hbm>> -> memref<100096x64xbf16, #tpu.memory_space<hbm>>
        tpu.wait_indirect_dma semaphore(%arg15 : memref<!tpu.dma_semaphore, #tpu.memory_space<semaphore_mem>>) src(%dma_wait3A_227 : memref<100096x64xbf16, #tpu.memory_space<hbm>>) dst(%dma_wait3A_222 : memref<208x64xbf16, #tpu.memory_space<vmem>>)
        %add3A_228 = arith.constant 2 : i32
        %add3A_229 = arith.addi %add3A_173, %add3A_228 : i32
        %mul3A_230 = arith.constant 208 : i32
        %mul3A_231 = arith.muli %add3A_229, %mul3A_230 : i32
        %run_scoped3A_232 = arith.constant 2 : i32
        "tpu.region"() ({
          %run_scoped3A_242 = tpu.sem_alloc : memref<!tpu.dma_semaphore, #tpu.memory_space<semaphore_mem>>
          %dma_start3A_243 = arith.constant 0 : i32
          %dma_start3A_244 = arith.constant 0 : i32
          %dma_start3A_245 = tpu.memref_slice %arg11[%run_scoped3A_232, %dma_start3A_243, %dma_start3A_244] : memref<3x208x64xbf16, #tpu.memory_space<vmem>> -> memref<1x208x64xbf16, #tpu.memory_space<vmem>>
          %dma_start3A_246 = tpu.memref_squeeze %dma_start3A_245 : memref<1x208x64xbf16, #tpu.memory_space<vmem>> -> memref<208x64xbf16, #tpu.memory_space<vmem>>
          %dma_start3A_247 = tpu.memref_slice %arg10[%mul3A_231] : memref<2496xi32, #tpu.memory_space<vmem>> -> memref<208xi32, #tpu.memory_space<vmem>>
          %dma_start3A_248 = arith.constant 0 : i32
          %dma_start3A_249 = arith.constant 0 : i32
          %dma_start3A_250 = tpu.memref_slice %arg8[%dma_start3A_248, %dma_start3A_249] : memref<50048x64xbf16, #tpu.memory_space<vmem_shared>> -> memref<50048x64xbf16, #tpu.memory_space<vmem_shared>>
          tpu.enqueue_indirect_dma source(%dma_start3A_246 : memref<208x64xbf16, #tpu.memory_space<vmem>>) target(%dma_start3A_250 : memref<50048x64xbf16, #tpu.memory_space<vmem_shared>>) offsets(%dma_start3A_247 : memref<208xi32, #tpu.memory_space<vmem>>) semaphore(%run_scoped3A_242 : memref<!tpu.dma_semaphore, #tpu.memory_space<semaphore_mem>>) {add = true}
          %dma_wait3A_251 = arith.constant 0 : i32
          %dma_wait3A_252 = arith.constant 0 : i32
          %dma_wait3A_253 = tpu.memref_slice %arg11[%run_scoped3A_232, %dma_wait3A_251, %dma_wait3A_252] : memref<3x208x64xbf16, #tpu.memory_space<vmem>> -> memref<1x208x64xbf16, #tpu.memory_space<vmem>>
          %dma_wait3A_254 = tpu.memref_squeeze %dma_wait3A_253 : memref<1x208x64xbf16, #tpu.memory_space<vmem>> -> memref<208x64xbf16, #tpu.memory_space<vmem>>
          %dma_wait3A_255 = tpu.memref_slice %arg10[%mul3A_231] : memref<2496xi32, #tpu.memory_space<vmem>> -> memref<208xi32, #tpu.memory_space<vmem>>
          %dma_wait3A_256 = arith.constant 0 : i32
          %dma_wait3A_257 = arith.constant 0 : i32
          %dma_wait3A_258 = tpu.memref_slice %arg8[%dma_wait3A_256, %dma_wait3A_257] : memref<50048x64xbf16, #tpu.memory_space<vmem_shared>> -> memref<50048x64xbf16, #tpu.memory_space<vmem_shared>>
          tpu.wait_indirect_dma semaphore(%run_scoped3A_242 : memref<!tpu.dma_semaphore, #tpu.memory_space<semaphore_mem>>) src(%dma_wait3A_254 : memref<208x64xbf16, #tpu.memory_space<vmem>>) dst(%dma_wait3A_258 : memref<50048x64xbf16, #tpu.memory_space<vmem_shared>>)
          tpu.yield
        }) : () -> ()
        %add3A_233 = arith.constant 2 : i32
        %add3A_234 = arith.addi %add3A_173, %add3A_233 : i32
        %add3A_235 = arith.constant 3 : i32
        %add3A_236 = arith.addi %add3A_234, %add3A_235 : i32
        %lt3A_237 = arith.constant 12 : i32
        %lt3A_238 = arith.cmpi slt, %add3A_236, %lt3A_237 : i32
        %convert_element_type3A_239 = arith.extui %lt3A_238 : i1 to i32
        %cond3A_240 = arith.constant 0 : i32
        %cond3A_241 = arith.cmpi ne, %convert_element_type3A_239, %cond3A_240 : i32
        scf.if %cond3A_241 {
          %add3A_242 = arith.constant 2 : i32
          %add3A_243 = arith.addi %add3A_173, %add3A_242 : i32
          %add3A_244 = arith.constant 3 : i32
          %add3A_245 = arith.addi %add3A_243, %add3A_244 : i32
          %mul3A_246 = arith.constant 208 : i32
          %mul3A_247 = arith.muli %add3A_245, %mul3A_246 : i32
          %dma_start3A_248 = arith.constant 2 : i32
          %dma_start3A_249 = arith.constant 0 : i32
          %dma_start3A_250 = arith.constant 0 : i32
          %dma_start3A_251 = tpu.memref_slice %arg11[%dma_start3A_248, %dma_start3A_249, %dma_start3A_250] : memref<3x208x64xbf16, #tpu.memory_space<vmem>> -> memref<1x208x64xbf16, #tpu.memory_space<vmem>>
          %dma_start3A_252 = tpu.memref_squeeze %dma_start3A_251 : memref<1x208x64xbf16, #tpu.memory_space<vmem>> -> memref<208x64xbf16, #tpu.memory_space<vmem>>
          %dma_start3A_253 = tpu.memref_slice %arg9[%mul3A_247] : memref<2496xi32, #tpu.memory_space<vmem>> -> memref<208xi32, #tpu.memory_space<vmem>>
          %dma_start3A_254 = arith.constant 0 : i32
          %dma_start3A_255 = arith.constant 0 : i32
          %dma_start3A_256 = tpu.memref_slice %arg2[%dma_start3A_254, %dma_start3A_255] : memref<100096x64xbf16, #tpu.memory_space<hbm>> -> memref<100096x64xbf16, #tpu.memory_space<hbm>>
          tpu.enqueue_indirect_dma source(%dma_start3A_256 : memref<100096x64xbf16, #tpu.memory_space<hbm>>) target(%dma_start3A_252 : memref<208x64xbf16, #tpu.memory_space<vmem>>) offsets(%dma_start3A_253 : memref<208xi32, #tpu.memory_space<vmem>>) semaphore(%arg15 : memref<!tpu.dma_semaphore, #tpu.memory_space<semaphore_mem>>)
        } else {
        }
      }
      %scan3A_168 = arith.constant 4 : i32
    }
    %scan3A_78 = arith.constant 4 : i32
    %barrier3A_79 = arith.constant 0 : index
    tpu.barrier barrier_id(%barrier3A_79)
    "tpu.region"() ({
      %run_scoped3A = tpu.sem_alloc : memref<!tpu.dma_semaphore, #tpu.memory_space<semaphore_mem>>
      %dma_start3A = arith.constant 64 : i32
      %dma_start3A_126 = tpu.memref_slice %arg6[%arg0, %mul3A_0, %dma_start3A] : memref<2x50048x128xbf16, #tpu.memory_space<hbm>> -> memref<1x3128x64xbf16, #tpu.memory_space<hbm>>
      %dma_start3A_127 = tpu.memref_squeeze %dma_start3A_126 : memref<1x3128x64xbf16, #tpu.memory_space<hbm>> -> memref<3128x64xbf16, #tpu.memory_space<hbm>>
      %dma_start3A_128 = arith.constant 0 : i32
      %dma_start3A_129 = tpu.memref_slice %arg8[%mul3A_0, %dma_start3A_128] : memref<50048x64xbf16, #tpu.memory_space<vmem_shared>> -> memref<3128x64xbf16, #tpu.memory_space<vmem_shared>>
      tpu.enqueue_dma source(%dma_start3A_129 : memref<3128x64xbf16, #tpu.memory_space<vmem_shared>>) target(%dma_start3A_127 : memref<3128x64xbf16, #tpu.memory_space<hbm>>) target_semaphore(%run_scoped3A : memref<!tpu.dma_semaphore, #tpu.memory_space<semaphore_mem>>)
      %dma_wait3A = arith.constant 64 : i32
      %dma_wait3A_130 = tpu.memref_slice %arg6[%arg0, %mul3A_0, %dma_wait3A] : memref<2x50048x128xbf16, #tpu.memory_space<hbm>> -> memref<1x3128x64xbf16, #tpu.memory_space<hbm>>
      %dma_wait3A_131 = tpu.memref_squeeze %dma_wait3A_130 : memref<1x3128x64xbf16, #tpu.memory_space<hbm>> -> memref<3128x64xbf16, #tpu.memory_space<hbm>>
      %dma_wait3A_132 = arith.constant 0 : i32
      %dma_wait3A_133 = tpu.memref_slice %arg8[%mul3A_0, %dma_wait3A_132] : memref<50048x64xbf16, #tpu.memory_space<vmem_shared>> -> memref<3128x64xbf16, #tpu.memory_space<vmem_shared>>
      tpu.wait_dma2 semaphore(%run_scoped3A : memref<!tpu.dma_semaphore, #tpu.memory_space<semaphore_mem>>) src(%dma_wait3A_133 : memref<3128x64xbf16, #tpu.memory_space<vmem_shared>>) dst(%dma_wait3A_131 : memref<3128x64xbf16, #tpu.memory_space<hbm>>)
      tpu.yield
    }) : () -> ()
    %add3A_80 = arith.constant 0 : i32
    %add3A_81 = arith.addi %mul3A_0, %add3A_80 : i32
    "tpu.region"() ({
      %run_scoped3A = tpu.sem_alloc : memref<!tpu.dma_semaphore, #tpu.memory_space<semaphore_mem>>
      %dma_start3A = arith.constant 0 : i32
      %dma_start3A_126 = tpu.memref_slice %arg8[%add3A_81, %dma_start3A] : memref<50048x64xbf16, #tpu.memory_space<vmem_shared>> -> memref<184x64xbf16, #tpu.memory_space<vmem_shared>>
      %dma_start3A_127 = arith.constant 0 : i32
      %dma_start3A_128 = tpu.memref_slice %arg8[%add3A_81, %dma_start3A_127] : memref<50048x64xbf16, #tpu.memory_space<vmem_shared>> -> memref<184x64xbf16, #tpu.memory_space<vmem_shared>>
      tpu.enqueue_dma source(%arg12 : memref<184x64xbf16, #tpu.memory_space<vmem>>) target(%dma_start3A_128 : memref<184x64xbf16, #tpu.memory_space<vmem_shared>>) target_semaphore(%run_scoped3A : memref<!tpu.dma_semaphore, #tpu.memory_space<semaphore_mem>>)
      %dma_wait3A = arith.constant 0 : i32
      %dma_wait3A_129 = tpu.memref_slice %arg8[%add3A_81, %dma_wait3A] : memref<50048x64xbf16, #tpu.memory_space<vmem_shared>> -> memref<184x64xbf16, #tpu.memory_space<vmem_shared>>
      %dma_wait3A_130 = arith.constant 0 : i32
      %dma_wait3A_131 = tpu.memref_slice %arg8[%add3A_81, %dma_wait3A_130] : memref<50048x64xbf16, #tpu.memory_space<vmem_shared>> -> memref<184x64xbf16, #tpu.memory_space<vmem_shared>>
      tpu.wait_dma2 semaphore(%run_scoped3A : memref<!tpu.dma_semaphore, #tpu.memory_space<semaphore_mem>>) src(%arg12 : memref<184x64xbf16, #tpu.memory_space<vmem>>) dst(%dma_wait3A_131 : memref<184x64xbf16, #tpu.memory_space<vmem_shared>>)
      tpu.yield
    }) : () -> ()
    %add3A_82 = arith.constant 184 : i32
    %add3A_83 = arith.addi %mul3A_0, %add3A_82 : i32
    "tpu.region"() ({
      %run_scoped3A = tpu.sem_alloc : memref<!tpu.dma_semaphore, #tpu.memory_space<semaphore_mem>>
      %dma_start3A = arith.constant 0 : i32
      %dma_start3A_126 = tpu.memref_slice %arg8[%add3A_83, %dma_start3A] : memref<50048x64xbf16, #tpu.memory_space<vmem_shared>> -> memref<184x64xbf16, #tpu.memory_space<vmem_shared>>
      %dma_start3A_127 = arith.constant 0 : i32
      %dma_start3A_128 = tpu.memref_slice %arg8[%add3A_83, %dma_start3A_127] : memref<50048x64xbf16, #tpu.memory_space<vmem_shared>> -> memref<184x64xbf16, #tpu.memory_space<vmem_shared>>
      tpu.enqueue_dma source(%arg12 : memref<184x64xbf16, #tpu.memory_space<vmem>>) target(%dma_start3A_128 : memref<184x64xbf16, #tpu.memory_space<vmem_shared>>) target_semaphore(%run_scoped3A : memref<!tpu.dma_semaphore, #tpu.memory_space<semaphore_mem>>)
      %dma_wait3A = arith.constant 0 : i32
      %dma_wait3A_129 = tpu.memref_slice %arg8[%add3A_83, %dma_wait3A] : memref<50048x64xbf16, #tpu.memory_space<vmem_shared>> -> memref<184x64xbf16, #tpu.memory_space<vmem_shared>>
      %dma_wait3A_130 = arith.constant 0 : i32
      %dma_wait3A_131 = tpu.memref_slice %arg8[%add3A_83, %dma_wait3A_130] : memref<50048x64xbf16, #tpu.memory_space<vmem_shared>> -> memref<184x64xbf16, #tpu.memory_space<vmem_shared>>
      tpu.wait_dma2 semaphore(%run_scoped3A : memref<!tpu.dma_semaphore, #tpu.memory_space<semaphore_mem>>) src(%arg12 : memref<184x64xbf16, #tpu.memory_space<vmem>>) dst(%dma_wait3A_131 : memref<184x64xbf16, #tpu.memory_space<vmem_shared>>)
      tpu.yield
    }) : () -> ()
    %add3A_84 = arith.constant 368 : i32
    %add3A_85 = arith.addi %mul3A_0, %add3A_84 : i32
    "tpu.region"() ({
      %run_scoped3A = tpu.sem_alloc : memref<!tpu.dma_semaphore, #tpu.memory_space<semaphore_mem>>
      %dma_start3A = arith.constant 0 : i32
      %dma_start3A_126 = tpu.memref_slice %arg8[%add3A_85, %dma_start3A] : memref<50048x64xbf16, #tpu.memory_space<vmem_shared>> -> memref<184x64xbf16, #tpu.memory_space<vmem_shared>>
      %dma_start3A_127 = arith.constant 0 : i32
      %dma_start3A_128 = tpu.memref_slice %arg8[%add3A_85, %dma_start3A_127] : memref<50048x64xbf16, #tpu.memory_space<vmem_shared>> -> memref<184x64xbf16, #tpu.memory_space<vmem_shared>>
      tpu.enqueue_dma source(%arg12 : memref<184x64xbf16, #tpu.memory_space<vmem>>) target(%dma_start3A_128 : memref<184x64xbf16, #tpu.memory_space<vmem_shared>>) target_semaphore(%run_scoped3A : memref<!tpu.dma_semaphore, #tpu.memory_space<semaphore_mem>>)
      %dma_wait3A = arith.constant 0 : i32
      %dma_wait3A_129 = tpu.memref_slice %arg8[%add3A_85, %dma_wait3A] : memref<50048x64xbf16, #tpu.memory_space<vmem_shared>> -> memref<184x64xbf16, #tpu.memory_space<vmem_shared>>
      %dma_wait3A_130 = arith.constant 0 : i32
      %dma_wait3A_131 = tpu.memref_slice %arg8[%add3A_85, %dma_wait3A_130] : memref<50048x64xbf16, #tpu.memory_space<vmem_shared>> -> memref<184x64xbf16, #tpu.memory_space<vmem_shared>>
      tpu.wait_dma2 semaphore(%run_scoped3A : memref<!tpu.dma_semaphore, #tpu.memory_space<semaphore_mem>>) src(%arg12 : memref<184x64xbf16, #tpu.memory_space<vmem>>) dst(%dma_wait3A_131 : memref<184x64xbf16, #tpu.memory_space<vmem_shared>>)
      tpu.yield
    }) : () -> ()
    %add3A_86 = arith.constant 552 : i32
    %add3A_87 = arith.addi %mul3A_0, %add3A_86 : i32
    "tpu.region"() ({
      %run_scoped3A = tpu.sem_alloc : memref<!tpu.dma_semaphore, #tpu.memory_space<semaphore_mem>>
      %dma_start3A = arith.constant 0 : i32
      %dma_start3A_126 = tpu.memref_slice %arg8[%add3A_87, %dma_start3A] : memref<50048x64xbf16, #tpu.memory_space<vmem_shared>> -> memref<184x64xbf16, #tpu.memory_space<vmem_shared>>
      %dma_start3A_127 = arith.constant 0 : i32
      %dma_start3A_128 = tpu.memref_slice %arg8[%add3A_87, %dma_start3A_127] : memref<50048x64xbf16, #tpu.memory_space<vmem_shared>> -> memref<184x64xbf16, #tpu.memory_space<vmem_shared>>
      tpu.enqueue_dma source(%arg12 : memref<184x64xbf16, #tpu.memory_space<vmem>>) target(%dma_start3A_128 : memref<184x64xbf16, #tpu.memory_space<vmem_shared>>) target_semaphore(%run_scoped3A : memref<!tpu.dma_semaphore, #tpu.memory_space<semaphore_mem>>)
      %dma_wait3A = arith.constant 0 : i32
      %dma_wait3A_129 = tpu.memref_slice %arg8[%add3A_87, %dma_wait3A] : memref<50048x64xbf16, #tpu.memory_space<vmem_shared>> -> memref<184x64xbf16, #tpu.memory_space<vmem_shared>>
      %dma_wait3A_130 = arith.constant 0 : i32
      %dma_wait3A_131 = tpu.memref_slice %arg8[%add3A_87, %dma_wait3A_130] : memref<50048x64xbf16, #tpu.memory_space<vmem_shared>> -> memref<184x64xbf16, #tpu.memory_space<vmem_shared>>
      tpu.wait_dma2 semaphore(%run_scoped3A : memref<!tpu.dma_semaphore, #tpu.memory_space<semaphore_mem>>) src(%arg12 : memref<184x64xbf16, #tpu.memory_space<vmem>>) dst(%dma_wait3A_131 : memref<184x64xbf16, #tpu.memory_space<vmem_shared>>)
      tpu.yield
    }) : () -> ()
    %add3A_88 = arith.constant 736 : i32
    %add3A_89 = arith.addi %mul3A_0, %add3A_88 : i32
    "tpu.region"() ({
      %run_scoped3A = tpu.sem_alloc : memref<!tpu.dma_semaphore, #tpu.memory_space<semaphore_mem>>
      %dma_start3A = arith.constant 0 : i32
      %dma_start3A_126 = tpu.memref_slice %arg8[%add3A_89, %dma_start3A] : memref<50048x64xbf16, #tpu.memory_space<vmem_shared>> -> memref<184x64xbf16, #tpu.memory_space<vmem_shared>>
      %dma_start3A_127 = arith.constant 0 : i32
      %dma_start3A_128 = tpu.memref_slice %arg8[%add3A_89, %dma_start3A_127] : memref<50048x64xbf16, #tpu.memory_space<vmem_shared>> -> memref<184x64xbf16, #tpu.memory_space<vmem_shared>>
      tpu.enqueue_dma source(%arg12 : memref<184x64xbf16, #tpu.memory_space<vmem>>) target(%dma_start3A_128 : memref<184x64xbf16, #tpu.memory_space<vmem_shared>>) target_semaphore(%run_scoped3A : memref<!tpu.dma_semaphore, #tpu.memory_space<semaphore_mem>>)
      %dma_wait3A = arith.constant 0 : i32
      %dma_wait3A_129 = tpu.memref_slice %arg8[%add3A_89, %dma_wait3A] : memref<50048x64xbf16, #tpu.memory_space<vmem_shared>> -> memref<184x64xbf16, #tpu.memory_space<vmem_shared>>
      %dma_wait3A_130 = arith.constant 0 : i32
      %dma_wait3A_131 = tpu.memref_slice %arg8[%add3A_89, %dma_wait3A_130] : memref<50048x64xbf16, #tpu.memory_space<vmem_shared>> -> memref<184x64xbf16, #tpu.memory_space<vmem_shared>>
      tpu.wait_dma2 semaphore(%run_scoped3A : memref<!tpu.dma_semaphore, #tpu.memory_space<semaphore_mem>>) src(%arg12 : memref<184x64xbf16, #tpu.memory_space<vmem>>) dst(%dma_wait3A_131 : memref<184x64xbf16, #tpu.memory_space<vmem_shared>>)
      tpu.yield
    }) : () -> ()
    %add3A_90 = arith.constant 920 : i32
    %add3A_91 = arith.addi %mul3A_0, %add3A_90 : i32
    "tpu.region"() ({
      %run_scoped3A = tpu.sem_alloc : memref<!tpu.dma_semaphore, #tpu.memory_space<semaphore_mem>>
      %dma_start3A = arith.constant 0 : i32
      %dma_start3A_126 = tpu.memref_slice %arg8[%add3A_91, %dma_start3A] : memref<50048x64xbf16, #tpu.memory_space<vmem_shared>> -> memref<184x64xbf16, #tpu.memory_space<vmem_shared>>
      %dma_start3A_127 = arith.constant 0 : i32
      %dma_start3A_128 = tpu.memref_slice %arg8[%add3A_91, %dma_start3A_127] : memref<50048x64xbf16, #tpu.memory_space<vmem_shared>> -> memref<184x64xbf16, #tpu.memory_space<vmem_shared>>
      tpu.enqueue_dma source(%arg12 : memref<184x64xbf16, #tpu.memory_space<vmem>>) target(%dma_start3A_128 : memref<184x64xbf16, #tpu.memory_space<vmem_shared>>) target_semaphore(%run_scoped3A : memref<!tpu.dma_semaphore, #tpu.memory_space<semaphore_mem>>)
      %dma_wait3A = arith.constant 0 : i32
      %dma_wait3A_129 = tpu.memref_slice %arg8[%add3A_91, %dma_wait3A] : memref<50048x64xbf16, #tpu.memory_space<vmem_shared>> -> memref<184x64xbf16, #tpu.memory_space<vmem_shared>>
      %dma_wait3A_130 = arith.constant 0 : i32
      %dma_wait3A_131 = tpu.memref_slice %arg8[%add3A_91, %dma_wait3A_130] : memref<50048x64xbf16, #tpu.memory_space<vmem_shared>> -> memref<184x64xbf16, #tpu.memory_space<vmem_shared>>
      tpu.wait_dma2 semaphore(%run_scoped3A : memref<!tpu.dma_semaphore, #tpu.memory_space<semaphore_mem>>) src(%arg12 : memref<184x64xbf16, #tpu.memory_space<vmem>>) dst(%dma_wait3A_131 : memref<184x64xbf16, #tpu.memory_space<vmem_shared>>)
      tpu.yield
    }) : () -> ()
    %add3A_92 = arith.constant 1104 : i32
    %add3A_93 = arith.addi %mul3A_0, %add3A_92 : i32
    "tpu.region"() ({
      %run_scoped3A = tpu.sem_alloc : memref<!tpu.dma_semaphore, #tpu.memory_space<semaphore_mem>>
      %dma_start3A = arith.constant 0 : i32
      %dma_start3A_126 = tpu.memref_slice %arg8[%add3A_93, %dma_start3A] : memref<50048x64xbf16, #tpu.memory_space<vmem_shared>> -> memref<184x64xbf16, #tpu.memory_space<vmem_shared>>
      %dma_start3A_127 = arith.constant 0 : i32
      %dma_start3A_128 = tpu.memref_slice %arg8[%add3A_93, %dma_start3A_127] : memref<50048x64xbf16, #tpu.memory_space<vmem_shared>> -> memref<184x64xbf16, #tpu.memory_space<vmem_shared>>
      tpu.enqueue_dma source(%arg12 : memref<184x64xbf16, #tpu.memory_space<vmem>>) target(%dma_start3A_128 : memref<184x64xbf16, #tpu.memory_space<vmem_shared>>) target_semaphore(%run_scoped3A : memref<!tpu.dma_semaphore, #tpu.memory_space<semaphore_mem>>)
      %dma_wait3A = arith.constant 0 : i32
      %dma_wait3A_129 = tpu.memref_slice %arg8[%add3A_93, %dma_wait3A] : memref<50048x64xbf16, #tpu.memory_space<vmem_shared>> -> memref<184x64xbf16, #tpu.memory_space<vmem_shared>>
      %dma_wait3A_130 = arith.constant 0 : i32
      %dma_wait3A_131 = tpu.memref_slice %arg8[%add3A_93, %dma_wait3A_130] : memref<50048x64xbf16, #tpu.memory_space<vmem_shared>> -> memref<184x64xbf16, #tpu.memory_space<vmem_shared>>
      tpu.wait_dma2 semaphore(%run_scoped3A : memref<!tpu.dma_semaphore, #tpu.memory_space<semaphore_mem>>) src(%arg12 : memref<184x64xbf16, #tpu.memory_space<vmem>>) dst(%dma_wait3A_131 : memref<184x64xbf16, #tpu.memory_space<vmem_shared>>)
      tpu.yield
    }) : () -> ()
    %add3A_94 = arith.constant 1288 : i32
    %add3A_95 = arith.addi %mul3A_0, %add3A_94 : i32
    "tpu.region"() ({
      %run_scoped3A = tpu.sem_alloc : memref<!tpu.dma_semaphore, #tpu.memory_space<semaphore_mem>>
      %dma_start3A = arith.constant 0 : i32
      %dma_start3A_126 = tpu.memref_slice %arg8[%add3A_95, %dma_start3A] : memref<50048x64xbf16, #tpu.memory_space<vmem_shared>> -> memref<184x64xbf16, #tpu.memory_space<vmem_shared>>
      %dma_start3A_127 = arith.constant 0 : i32
      %dma_start3A_128 = tpu.memref_slice %arg8[%add3A_95, %dma_start3A_127] : memref<50048x64xbf16, #tpu.memory_space<vmem_shared>> -> memref<184x64xbf16, #tpu.memory_space<vmem_shared>>
      tpu.enqueue_dma source(%arg12 : memref<184x64xbf16, #tpu.memory_space<vmem>>) target(%dma_start3A_128 : memref<184x64xbf16, #tpu.memory_space<vmem_shared>>) target_semaphore(%run_scoped3A : memref<!tpu.dma_semaphore, #tpu.memory_space<semaphore_mem>>)
      %dma_wait3A = arith.constant 0 : i32
      %dma_wait3A_129 = tpu.memref_slice %arg8[%add3A_95, %dma_wait3A] : memref<50048x64xbf16, #tpu.memory_space<vmem_shared>> -> memref<184x64xbf16, #tpu.memory_space<vmem_shared>>
      %dma_wait3A_130 = arith.constant 0 : i32
      %dma_wait3A_131 = tpu.memref_slice %arg8[%add3A_95, %dma_wait3A_130] : memref<50048x64xbf16, #tpu.memory_space<vmem_shared>> -> memref<184x64xbf16, #tpu.memory_space<vmem_shared>>
      tpu.wait_dma2 semaphore(%run_scoped3A : memref<!tpu.dma_semaphore, #tpu.memory_space<semaphore_mem>>) src(%arg12 : memref<184x64xbf16, #tpu.memory_space<vmem>>) dst(%dma_wait3A_131 : memref<184x64xbf16, #tpu.memory_space<vmem_shared>>)
      tpu.yield
    }) : () -> ()
    %add3A_96 = arith.constant 1472 : i32
    %add3A_97 = arith.addi %mul3A_0, %add3A_96 : i32
    "tpu.region"() ({
      %run_scoped3A = tpu.sem_alloc : memref<!tpu.dma_semaphore, #tpu.memory_space<semaphore_mem>>
      %dma_start3A = arith.constant 0 : i32
      %dma_start3A_126 = tpu.memref_slice %arg8[%add3A_97, %dma_start3A] : memref<50048x64xbf16, #tpu.memory_space<vmem_shared>> -> memref<184x64xbf16, #tpu.memory_space<vmem_shared>>
      %dma_start3A_127 = arith.constant 0 : i32
      %dma_start3A_128 = tpu.memref_slice %arg8[%add3A_97, %dma_start3A_127] : memref<50048x64xbf16, #tpu.memory_space<vmem_shared>> -> memref<184x64xbf16, #tpu.memory_space<vmem_shared>>
      tpu.enqueue_dma source(%arg12 : memref<184x64xbf16, #tpu.memory_space<vmem>>) target(%dma_start3A_128 : memref<184x64xbf16, #tpu.memory_space<vmem_shared>>) target_semaphore(%run_scoped3A : memref<!tpu.dma_semaphore, #tpu.memory_space<semaphore_mem>>)
      %dma_wait3A = arith.constant 0 : i32
      %dma_wait3A_129 = tpu.memref_slice %arg8[%add3A_97, %dma_wait3A] : memref<50048x64xbf16, #tpu.memory_space<vmem_shared>> -> memref<184x64xbf16, #tpu.memory_space<vmem_shared>>
      %dma_wait3A_130 = arith.constant 0 : i32
      %dma_wait3A_131 = tpu.memref_slice %arg8[%add3A_97, %dma_wait3A_130] : memref<50048x64xbf16, #tpu.memory_space<vmem_shared>> -> memref<184x64xbf16, #tpu.memory_space<vmem_shared>>
      tpu.wait_dma2 semaphore(%run_scoped3A : memref<!tpu.dma_semaphore, #tpu.memory_space<semaphore_mem>>) src(%arg12 : memref<184x64xbf16, #tpu.memory_space<vmem>>) dst(%dma_wait3A_131 : memref<184x64xbf16, #tpu.memory_space<vmem_shared>>)
      tpu.yield
    }) : () -> ()
    %add3A_98 = arith.constant 1656 : i32
    %add3A_99 = arith.addi %mul3A_0, %add3A_98 : i32
    "tpu.region"() ({
      %run_scoped3A = tpu.sem_alloc : memref<!tpu.dma_semaphore, #tpu.memory_space<semaphore_mem>>
      %dma_start3A = arith.constant 0 : i32
      %dma_start3A_126 = tpu.memref_slice %arg8[%add3A_99, %dma_start3A] : memref<50048x64xbf16, #tpu.memory_space<vmem_shared>> -> memref<184x64xbf16, #tpu.memory_space<vmem_shared>>
      %dma_start3A_127 = arith.constant 0 : i32
      %dma_start3A_128 = tpu.memref_slice %arg8[%add3A_99, %dma_start3A_127] : memref<50048x64xbf16, #tpu.memory_space<vmem_shared>> -> memref<184x64xbf16, #tpu.memory_space<vmem_shared>>
      tpu.enqueue_dma source(%arg12 : memref<184x64xbf16, #tpu.memory_space<vmem>>) target(%dma_start3A_128 : memref<184x64xbf16, #tpu.memory_space<vmem_shared>>) target_semaphore(%run_scoped3A : memref<!tpu.dma_semaphore, #tpu.memory_space<semaphore_mem>>)
      %dma_wait3A = arith.constant 0 : i32
      %dma_wait3A_129 = tpu.memref_slice %arg8[%add3A_99, %dma_wait3A] : memref<50048x64xbf16, #tpu.memory_space<vmem_shared>> -> memref<184x64xbf16, #tpu.memory_space<vmem_shared>>
      %dma_wait3A_130 = arith.constant 0 : i32
      %dma_wait3A_131 = tpu.memref_slice %arg8[%add3A_99, %dma_wait3A_130] : memref<50048x64xbf16, #tpu.memory_space<vmem_shared>> -> memref<184x64xbf16, #tpu.memory_space<vmem_shared>>
      tpu.wait_dma2 semaphore(%run_scoped3A : memref<!tpu.dma_semaphore, #tpu.memory_space<semaphore_mem>>) src(%arg12 : memref<184x64xbf16, #tpu.memory_space<vmem>>) dst(%dma_wait3A_131 : memref<184x64xbf16, #tpu.memory_space<vmem_shared>>)
      tpu.yield
    }) : () -> ()
    %add3A_100 = arith.constant 1840 : i32
    %add3A_101 = arith.addi %mul3A_0, %add3A_100 : i32
    "tpu.region"() ({
      %run_scoped3A = tpu.sem_alloc : memref<!tpu.dma_semaphore, #tpu.memory_space<semaphore_mem>>
      %dma_start3A = arith.constant 0 : i32
      %dma_start3A_126 = tpu.memref_slice %arg8[%add3A_101, %dma_start3A] : memref<50048x64xbf16, #tpu.memory_space<vmem_shared>> -> memref<184x64xbf16, #tpu.memory_space<vmem_shared>>
      %dma_start3A_127 = arith.constant 0 : i32
      %dma_start3A_128 = tpu.memref_slice %arg8[%add3A_101, %dma_start3A_127] : memref<50048x64xbf16, #tpu.memory_space<vmem_shared>> -> memref<184x64xbf16, #tpu.memory_space<vmem_shared>>
      tpu.enqueue_dma source(%arg12 : memref<184x64xbf16, #tpu.memory_space<vmem>>) target(%dma_start3A_128 : memref<184x64xbf16, #tpu.memory_space<vmem_shared>>) target_semaphore(%run_scoped3A : memref<!tpu.dma_semaphore, #tpu.memory_space<semaphore_mem>>)
      %dma_wait3A = arith.constant 0 : i32
      %dma_wait3A_129 = tpu.memref_slice %arg8[%add3A_101, %dma_wait3A] : memref<50048x64xbf16, #tpu.memory_space<vmem_shared>> -> memref<184x64xbf16, #tpu.memory_space<vmem_shared>>
      %dma_wait3A_130 = arith.constant 0 : i32
      %dma_wait3A_131 = tpu.memref_slice %arg8[%add3A_101, %dma_wait3A_130] : memref<50048x64xbf16, #tpu.memory_space<vmem_shared>> -> memref<184x64xbf16, #tpu.memory_space<vmem_shared>>
      tpu.wait_dma2 semaphore(%run_scoped3A : memref<!tpu.dma_semaphore, #tpu.memory_space<semaphore_mem>>) src(%arg12 : memref<184x64xbf16, #tpu.memory_space<vmem>>) dst(%dma_wait3A_131 : memref<184x64xbf16, #tpu.memory_space<vmem_shared>>)
      tpu.yield
    }) : () -> ()
    %add3A_102 = arith.constant 2024 : i32
    %add3A_103 = arith.addi %mul3A_0, %add3A_102 : i32
    "tpu.region"() ({
      %run_scoped3A = tpu.sem_alloc : memref<!tpu.dma_semaphore, #tpu.memory_space<semaphore_mem>>
      %dma_start3A = arith.constant 0 : i32
      %dma_start3A_126 = tpu.memref_slice %arg8[%add3A_103, %dma_start3A] : memref<50048x64xbf16, #tpu.memory_space<vmem_shared>> -> memref<184x64xbf16, #tpu.memory_space<vmem_shared>>
      %dma_start3A_127 = arith.constant 0 : i32
      %dma_start3A_128 = tpu.memref_slice %arg8[%add3A_103, %dma_start3A_127] : memref<50048x64xbf16, #tpu.memory_space<vmem_shared>> -> memref<184x64xbf16, #tpu.memory_space<vmem_shared>>
      tpu.enqueue_dma source(%arg12 : memref<184x64xbf16, #tpu.memory_space<vmem>>) target(%dma_start3A_128 : memref<184x64xbf16, #tpu.memory_space<vmem_shared>>) target_semaphore(%run_scoped3A : memref<!tpu.dma_semaphore, #tpu.memory_space<semaphore_mem>>)
      %dma_wait3A = arith.constant 0 : i32
      %dma_wait3A_129 = tpu.memref_slice %arg8[%add3A_103, %dma_wait3A] : memref<50048x64xbf16, #tpu.memory_space<vmem_shared>> -> memref<184x64xbf16, #tpu.memory_space<vmem_shared>>
      %dma_wait3A_130 = arith.constant 0 : i32
      %dma_wait3A_131 = tpu.memref_slice %arg8[%add3A_103, %dma_wait3A_130] : memref<50048x64xbf16, #tpu.memory_space<vmem_shared>> -> memref<184x64xbf16, #tpu.memory_space<vmem_shared>>
      tpu.wait_dma2 semaphore(%run_scoped3A : memref<!tpu.dma_semaphore, #tpu.memory_space<semaphore_mem>>) src(%arg12 : memref<184x64xbf16, #tpu.memory_space<vmem>>) dst(%dma_wait3A_131 : memref<184x64xbf16, #tpu.memory_space<vmem_shared>>)
      tpu.yield
    }) : () -> ()
    %add3A_104 = arith.constant 2208 : i32
    %add3A_105 = arith.addi %mul3A_0, %add3A_104 : i32
    "tpu.region"() ({
      %run_scoped3A = tpu.sem_alloc : memref<!tpu.dma_semaphore, #tpu.memory_space<semaphore_mem>>
      %dma_start3A = arith.constant 0 : i32
      %dma_start3A_126 = tpu.memref_slice %arg8[%add3A_105, %dma_start3A] : memref<50048x64xbf16, #tpu.memory_space<vmem_shared>> -> memref<184x64xbf16, #tpu.memory_space<vmem_shared>>
      %dma_start3A_127 = arith.constant 0 : i32
      %dma_start3A_128 = tpu.memref_slice %arg8[%add3A_105, %dma_start3A_127] : memref<50048x64xbf16, #tpu.memory_space<vmem_shared>> -> memref<184x64xbf16, #tpu.memory_space<vmem_shared>>
      tpu.enqueue_dma source(%arg12 : memref<184x64xbf16, #tpu.memory_space<vmem>>) target(%dma_start3A_128 : memref<184x64xbf16, #tpu.memory_space<vmem_shared>>) target_semaphore(%run_scoped3A : memref<!tpu.dma_semaphore, #tpu.memory_space<semaphore_mem>>)
      %dma_wait3A = arith.constant 0 : i32
      %dma_wait3A_129 = tpu.memref_slice %arg8[%add3A_105, %dma_wait3A] : memref<50048x64xbf16, #tpu.memory_space<vmem_shared>> -> memref<184x64xbf16, #tpu.memory_space<vmem_shared>>
      %dma_wait3A_130 = arith.constant 0 : i32
      %dma_wait3A_131 = tpu.memref_slice %arg8[%add3A_105, %dma_wait3A_130] : memref<50048x64xbf16, #tpu.memory_space<vmem_shared>> -> memref<184x64xbf16, #tpu.memory_space<vmem_shared>>
      tpu.wait_dma2 semaphore(%run_scoped3A : memref<!tpu.dma_semaphore, #tpu.memory_space<semaphore_mem>>) src(%arg12 : memref<184x64xbf16, #tpu.memory_space<vmem>>) dst(%dma_wait3A_131 : memref<184x64xbf16, #tpu.memory_space<vmem_shared>>)
      tpu.yield
    }) : () -> ()
    %add3A_106 = arith.constant 2392 : i32
    %add3A_107 = arith.addi %mul3A_0, %add3A_106 : i32
    "tpu.region"() ({
      %run_scoped3A = tpu.sem_alloc : memref<!tpu.dma_semaphore, #tpu.memory_space<semaphore_mem>>
      %dma_start3A = arith.constant 0 : i32
      %dma_start3A_126 = tpu.memref_slice %arg8[%add3A_107, %dma_start3A] : memref<50048x64xbf16, #tpu.memory_space<vmem_shared>> -> memref<184x64xbf16, #tpu.memory_space<vmem_shared>>
      %dma_start3A_127 = arith.constant 0 : i32
      %dma_start3A_128 = tpu.memref_slice %arg8[%add3A_107, %dma_start3A_127] : memref<50048x64xbf16, #tpu.memory_space<vmem_shared>> -> memref<184x64xbf16, #tpu.memory_space<vmem_shared>>
      tpu.enqueue_dma source(%arg12 : memref<184x64xbf16, #tpu.memory_space<vmem>>) target(%dma_start3A_128 : memref<184x64xbf16, #tpu.memory_space<vmem_shared>>) target_semaphore(%run_scoped3A : memref<!tpu.dma_semaphore, #tpu.memory_space<semaphore_mem>>)
      %dma_wait3A = arith.constant 0 : i32
      %dma_wait3A_129 = tpu.memref_slice %arg8[%add3A_107, %dma_wait3A] : memref<50048x64xbf16, #tpu.memory_space<vmem_shared>> -> memref<184x64xbf16, #tpu.memory_space<vmem_shared>>
      %dma_wait3A_130 = arith.constant 0 : i32
      %dma_wait3A_131 = tpu.memref_slice %arg8[%add3A_107, %dma_wait3A_130] : memref<50048x64xbf16, #tpu.memory_space<vmem_shared>> -> memref<184x64xbf16, #tpu.memory_space<vmem_shared>>
      tpu.wait_dma2 semaphore(%run_scoped3A : memref<!tpu.dma_semaphore, #tpu.memory_space<semaphore_mem>>) src(%arg12 : memref<184x64xbf16, #tpu.memory_space<vmem>>) dst(%dma_wait3A_131 : memref<184x64xbf16, #tpu.memory_space<vmem_shared>>)
      tpu.yield
    }) : () -> ()
    %add3A_108 = arith.constant 2576 : i32
    %add3A_109 = arith.addi %mul3A_0, %add3A_108 : i32
    "tpu.region"() ({
      %run_scoped3A = tpu.sem_alloc : memref<!tpu.dma_semaphore, #tpu.memory_space<semaphore_mem>>
      %dma_start3A = arith.constant 0 : i32
      %dma_start3A_126 = tpu.memref_slice %arg8[%add3A_109, %dma_start3A] : memref<50048x64xbf16, #tpu.memory_space<vmem_shared>> -> memref<184x64xbf16, #tpu.memory_space<vmem_shared>>
      %dma_start3A_127 = arith.constant 0 : i32
      %dma_start3A_128 = tpu.memref_slice %arg8[%add3A_109, %dma_start3A_127] : memref<50048x64xbf16, #tpu.memory_space<vmem_shared>> -> memref<184x64xbf16, #tpu.memory_space<vmem_shared>>
      tpu.enqueue_dma source(%arg12 : memref<184x64xbf16, #tpu.memory_space<vmem>>) target(%dma_start3A_128 : memref<184x64xbf16, #tpu.memory_space<vmem_shared>>) target_semaphore(%run_scoped3A : memref<!tpu.dma_semaphore, #tpu.memory_space<semaphore_mem>>)
      %dma_wait3A = arith.constant 0 : i32
      %dma_wait3A_129 = tpu.memref_slice %arg8[%add3A_109, %dma_wait3A] : memref<50048x64xbf16, #tpu.memory_space<vmem_shared>> -> memref<184x64xbf16, #tpu.memory_space<vmem_shared>>
      %dma_wait3A_130 = arith.constant 0 : i32
      %dma_wait3A_131 = tpu.memref_slice %arg8[%add3A_109, %dma_wait3A_130] : memref<50048x64xbf16, #tpu.memory_space<vmem_shared>> -> memref<184x64xbf16, #tpu.memory_space<vmem_shared>>
      tpu.wait_dma2 semaphore(%run_scoped3A : memref<!tpu.dma_semaphore, #tpu.memory_space<semaphore_mem>>) src(%arg12 : memref<184x64xbf16, #tpu.memory_space<vmem>>) dst(%dma_wait3A_131 : memref<184x64xbf16, #tpu.memory_space<vmem_shared>>)
      tpu.yield
    }) : () -> ()
    %add3A_110 = arith.constant 2760 : i32
    %add3A_111 = arith.addi %mul3A_0, %add3A_110 : i32
    "tpu.region"() ({
      %run_scoped3A = tpu.sem_alloc : memref<!tpu.dma_semaphore, #tpu.memory_space<semaphore_mem>>
      %dma_start3A = arith.constant 0 : i32
      %dma_start3A_126 = tpu.memref_slice %arg8[%add3A_111, %dma_start3A] : memref<50048x64xbf16, #tpu.memory_space<vmem_shared>> -> memref<184x64xbf16, #tpu.memory_space<vmem_shared>>
      %dma_start3A_127 = arith.constant 0 : i32
      %dma_start3A_128 = tpu.memref_slice %arg8[%add3A_111, %dma_start3A_127] : memref<50048x64xbf16, #tpu.memory_space<vmem_shared>> -> memref<184x64xbf16, #tpu.memory_space<vmem_shared>>
      tpu.enqueue_dma source(%arg12 : memref<184x64xbf16, #tpu.memory_space<vmem>>) target(%dma_start3A_128 : memref<184x64xbf16, #tpu.memory_space<vmem_shared>>) target_semaphore(%run_scoped3A : memref<!tpu.dma_semaphore, #tpu.memory_space<semaphore_mem>>)
      %dma_wait3A = arith.constant 0 : i32
      %dma_wait3A_129 = tpu.memref_slice %arg8[%add3A_111, %dma_wait3A] : memref<50048x64xbf16, #tpu.memory_space<vmem_shared>> -> memref<184x64xbf16, #tpu.memory_space<vmem_shared>>
      %dma_wait3A_130 = arith.constant 0 : i32
      %dma_wait3A_131 = tpu.memref_slice %arg8[%add3A_111, %dma_wait3A_130] : memref<50048x64xbf16, #tpu.memory_space<vmem_shared>> -> memref<184x64xbf16, #tpu.memory_space<vmem_shared>>
      tpu.wait_dma2 semaphore(%run_scoped3A : memref<!tpu.dma_semaphore, #tpu.memory_space<semaphore_mem>>) src(%arg12 : memref<184x64xbf16, #tpu.memory_space<vmem>>) dst(%dma_wait3A_131 : memref<184x64xbf16, #tpu.memory_space<vmem_shared>>)
      tpu.yield
    }) : () -> ()
    %add3A_112 = arith.constant 2944 : i32
    %add3A_113 = arith.addi %mul3A_0, %add3A_112 : i32
    "tpu.region"() ({
      %run_scoped3A = tpu.sem_alloc : memref<!tpu.dma_semaphore, #tpu.memory_space<semaphore_mem>>
      %dma_start3A = arith.constant 0 : i32
      %dma_start3A_126 = tpu.memref_slice %arg8[%add3A_113, %dma_start3A] : memref<50048x64xbf16, #tpu.memory_space<vmem_shared>> -> memref<184x64xbf16, #tpu.memory_space<vmem_shared>>
      %dma_start3A_127 = arith.constant 0 : i32
      %dma_start3A_128 = tpu.memref_slice %arg8[%add3A_113, %dma_start3A_127] : memref<50048x64xbf16, #tpu.memory_space<vmem_shared>> -> memref<184x64xbf16, #tpu.memory_space<vmem_shared>>
      tpu.enqueue_dma source(%arg12 : memref<184x64xbf16, #tpu.memory_space<vmem>>) target(%dma_start3A_128 : memref<184x64xbf16, #tpu.memory_space<vmem_shared>>) target_semaphore(%run_scoped3A : memref<!tpu.dma_semaphore, #tpu.memory_space<semaphore_mem>>)
      %dma_wait3A = arith.constant 0 : i32
      %dma_wait3A_129 = tpu.memref_slice %arg8[%add3A_113, %dma_wait3A] : memref<50048x64xbf16, #tpu.memory_space<vmem_shared>> -> memref<184x64xbf16, #tpu.memory_space<vmem_shared>>
      %dma_wait3A_130 = arith.constant 0 : i32
      %dma_wait3A_131 = tpu.memref_slice %arg8[%add3A_113, %dma_wait3A_130] : memref<50048x64xbf16, #tpu.memory_space<vmem_shared>> -> memref<184x64xbf16, #tpu.memory_space<vmem_shared>>
      tpu.wait_dma2 semaphore(%run_scoped3A : memref<!tpu.dma_semaphore, #tpu.memory_space<semaphore_mem>>) src(%arg12 : memref<184x64xbf16, #tpu.memory_space<vmem>>) dst(%dma_wait3A_131 : memref<184x64xbf16, #tpu.memory_space<vmem_shared>>)
      tpu.yield
    }) : () -> ()
    %scan3A_114 = arith.constant 0 : i32
    %scan3A_115 = arith.constant 208 : i32
    %scan3A_116 = arith.addi %scan3A_114, %scan3A_115 : i32
    %scan3A_117 = arith.constant 1 : i32
    scf.for %scan3A_126 = %scan3A_114 to %scan3A_116 step %scan3A_117  : i32 {
      %mul3A_127 = arith.constant 1 : i32
      %mul3A_128 = arith.muli %scan3A_126, %mul3A_127 : i32
      %add3A_129 = arith.constant 0 : i32
      %add3A_130 = arith.addi %add3A_129, %mul3A_128 : i32
      %broadcast_in_dim3A = arith.constant 1.000000e+00 : bf16
      %broadcast_in_dim3A_131 = vector.broadcast %broadcast_in_dim3A : bf16 to vector<32xbf16>
      %swap3A = arith.constant 0 : i32
      %swap3A_132 = arith.index_cast %swap3A : i32 to index
      %swap3A_133 = arith.index_cast %add3A_130 : i32 to index
      %swap3A_134 = arith.constant 0 : index
      %swap3A_135 = tpu.vector_load %arg11[%swap3A_132, %swap3A_133, %swap3A_134] {strides = array<i32>} : memref<3x208x64xbf16, #tpu.memory_space<vmem>>, vector<1x1x32xbf16>,
      %swap3A_136 = vector.shape_cast %swap3A_135 : vector<1x1x32xbf16> to vector<32xbf16>
      %swap3A_137 = vector.shape_cast %broadcast_in_dim3A_131 : vector<32xbf16> to vector<1x1x32xbf16>
      tpu.vector_store %arg11[%swap3A_132, %swap3A_133, %swap3A_134], %swap3A_137 {strides = array<i32>} : memref<3x208x64xbf16, #tpu.memory_space<vmem>>, vector<1x1x32xbf16>,
      %broadcast_in_dim3A_138 = arith.constant 1.000000e+00 : bf16
      %broadcast_in_dim3A_139 = vector.broadcast %broadcast_in_dim3A_138 : bf16 to vector<32xbf16>
      %swap3A_140 = arith.constant 0 : i32
      %swap3A_141 = arith.index_cast %swap3A_140 : i32 to index
      %swap3A_142 = arith.index_cast %add3A_130 : i32 to index
      %swap3A_143 = arith.constant 32 : index
      %swap3A_144 = tpu.vector_load %arg11[%swap3A_141, %swap3A_142, %swap3A_143] {strides = array<i32>} : memref<3x208x64xbf16, #tpu.memory_space<vmem>>, vector<1x1x32xbf16>,
      %swap3A_145 = vector.shape_cast %swap3A_144 : vector<1x1x32xbf16> to vector<32xbf16>
      %swap3A_146 = vector.shape_cast %broadcast_in_dim3A_139 : vector<32xbf16> to vector<1x1x32xbf16>
      tpu.vector_store %arg11[%swap3A_141, %swap3A_142, %swap3A_143], %swap3A_146 {strides = array<i32>} : memref<3x208x64xbf16, #tpu.memory_space<vmem>>, vector<1x1x32xbf16>,
    }
    %scan3A_118 = arith.constant 208 : i32
    %barrier3A_119 = arith.constant 0 : index
    tpu.barrier barrier_id(%barrier3A_119)
    %scan3A_120 = arith.constant 0 : i32
    %scan3A_121 = arith.constant 4 : i32
    %scan3A_122 = arith.addi %scan3A_120, %scan3A_121 : i32
    %scan3A_123 = arith.constant 1 : i32
    scf.for %scan3A_126 = %scan3A_120 to %scan3A_122 step %scan3A_123  : i32 {
      %mul3A_127 = arith.constant 1 : i32
      %mul3A_128 = arith.muli %scan3A_126, %mul3A_127 : i32
      %add3A_129 = arith.constant 0 : i32
      %add3A_130 = arith.addi %add3A_129, %mul3A_128 : i32
      %mul3A_131 = arith.constant 2496 : i32
      %mul3A_132 = arith.muli %add3A_130, %mul3A_131 : i32
      "tpu.region"() ({
        %run_scoped3A = tpu.sem_alloc : memref<!tpu.dma_semaphore, #tpu.memory_space<semaphore_mem>>
        %dma_start3A = tpu.memref_slice %arg4[%arg0, %arg1, %mul3A_132] : memref<2x16x9984xi32, #tpu.memory_space<hbm>> -> memref<1x1x2496xi32, #tpu.memory_space<hbm>>
        %dma_start3A_138 = tpu.memref_squeeze %dma_start3A : memref<1x1x2496xi32, #tpu.memory_space<hbm>> -> memref<2496xi32, #tpu.memory_space<hbm>>
        %dma_start3A_139 = tpu.memref_slice %arg4[%arg0, %arg1, %mul3A_132] : memref<2x16x9984xi32, #tpu.memory_space<hbm>> -> memref<1x1x2496xi32, #tpu.memory_space<hbm>>
        %dma_start3A_140 = tpu.memref_squeeze %dma_start3A_139 : memref<1x1x2496xi32, #tpu.memory_space<hbm>> -> memref<2496xi32, #tpu.memory_space<hbm>>
        tpu.enqueue_dma source(%dma_start3A_140 : memref<2496xi32, #tpu.memory_space<hbm>>) target(%arg10 : memref<2496xi32, #tpu.memory_space<vmem>>) target_semaphore(%run_scoped3A : memref<!tpu.dma_semaphore, #tpu.memory_space<semaphore_mem>>)
        %dma_wait3A = tpu.memref_slice %arg4[%arg0, %arg1, %mul3A_132] : memref<2x16x9984xi32, #tpu.memory_space<hbm>> -> memref<1x1x2496xi32, #tpu.memory_space<hbm>>
        %dma_wait3A_141 = tpu.memref_squeeze %dma_wait3A : memref<1x1x2496xi32, #tpu.memory_space<hbm>> -> memref<2496xi32, #tpu.memory_space<hbm>>
        %dma_wait3A_142 = tpu.memref_slice %arg4[%arg0, %arg1, %mul3A_132] : memref<2x16x9984xi32, #tpu.memory_space<hbm>> -> memref<1x1x2496xi32, #tpu.memory_space<hbm>>
        %dma_wait3A_143 = tpu.memref_squeeze %dma_wait3A_142 : memref<1x1x2496xi32, #tpu.memory_space<hbm>> -> memref<2496xi32, #tpu.memory_space<hbm>>
        tpu.wait_dma2 semaphore(%run_scoped3A : memref<!tpu.dma_semaphore, #tpu.memory_space<semaphore_mem>>) src(%dma_wait3A_143 : memref<2496xi32, #tpu.memory_space<hbm>>) dst(%arg10 : memref<2496xi32, #tpu.memory_space<vmem>>)
        tpu.yield
      }) : () -> ()
      %scan3A_133 = arith.constant 0 : i32
      %scan3A_134 = arith.constant 12 : i32
      %scan3A_135 = arith.addi %scan3A_133, %scan3A_134 : i32
      %scan3A_136 = arith.constant 1 : i32
      scf.for %scan3A_138 = %scan3A_133 to %scan3A_135 step %scan3A_136  : i32 {
        %mul3A_139 = arith.constant 1 : i32
        %mul3A_140 = arith.muli %scan3A_138, %mul3A_139 : i32
        %add3A_141 = arith.constant 0 : i32
        %add3A_142 = arith.addi %add3A_141, %mul3A_140 : i32
        %mul3A_143 = arith.constant 208 : i32
        %mul3A_144 = arith.muli %add3A_142, %mul3A_143 : i32
        %run_scoped3A = arith.constant 0 : i32
        "tpu.region"() ({
          %run_scoped3A_145 = tpu.sem_alloc : memref<!tpu.dma_semaphore, #tpu.memory_space<semaphore_mem>>
          %dma_start3A = arith.constant 0 : i32
          %dma_start3A_146 = arith.constant 0 : i32
          %dma_start3A_147 = tpu.memref_slice %arg11[%run_scoped3A, %dma_start3A, %dma_start3A_146] : memref<3x208x64xbf16, #tpu.memory_space<vmem>> -> memref<1x208x64xbf16, #tpu.memory_space<vmem>>
          %dma_start3A_148 = tpu.memref_squeeze %dma_start3A_147 : memref<1x208x64xbf16, #tpu.memory_space<vmem>> -> memref<208x64xbf16, #tpu.memory_space<vmem>>
          %dma_start3A_149 = tpu.memref_slice %arg10[%mul3A_144] : memref<2496xi32, #tpu.memory_space<vmem>> -> memref<208xi32, #tpu.memory_space<vmem>>
          %dma_start3A_150 = arith.constant 0 : i32
          %dma_start3A_151 = arith.constant 0 : i32
          %dma_start3A_152 = tpu.memref_slice %arg8[%dma_start3A_150, %dma_start3A_151] : memref<50048x64xbf16, #tpu.memory_space<vmem_shared>> -> memref<50048x64xbf16, #tpu.memory_space<vmem_shared>>
          tpu.enqueue_indirect_dma source(%dma_start3A_148 : memref<208x64xbf16, #tpu.memory_space<vmem>>) target(%dma_start3A_152 : memref<50048x64xbf16, #tpu.memory_space<vmem_shared>>) offsets(%dma_start3A_149 : memref<208xi32, #tpu.memory_space<vmem>>) semaphore(%run_scoped3A_145 : memref<!tpu.dma_semaphore, #tpu.memory_space<semaphore_mem>>) {add = true}
          %dma_wait3A = arith.constant 0 : i32
          %dma_wait3A_153 = arith.constant 0 : i32
          %dma_wait3A_154 = tpu.memref_slice %arg11[%run_scoped3A, %dma_wait3A, %dma_wait3A_153] : memref<3x208x64xbf16, #tpu.memory_space<vmem>> -> memref<1x208x64xbf16, #tpu.memory_space<vmem>>
          %dma_wait3A_155 = tpu.memref_squeeze %dma_wait3A_154 : memref<1x208x64xbf16, #tpu.memory_space<vmem>> -> memref<208x64xbf16, #tpu.memory_space<vmem>>
          %dma_wait3A_156 = tpu.memref_slice %arg10[%mul3A_144] : memref<2496xi32, #tpu.memory_space<vmem>> -> memref<208xi32, #tpu.memory_space<vmem>>
          %dma_wait3A_157 = arith.constant 0 : i32
          %dma_wait3A_158 = arith.constant 0 : i32
          %dma_wait3A_159 = tpu.memref_slice %arg8[%dma_wait3A_157, %dma_wait3A_158] : memref<50048x64xbf16, #tpu.memory_space<vmem_shared>> -> memref<50048x64xbf16, #tpu.memory_space<vmem_shared>>
          tpu.wait_indirect_dma semaphore(%run_scoped3A_145 : memref<!tpu.dma_semaphore, #tpu.memory_space<semaphore_mem>>) src(%dma_wait3A_155 : memref<208x64xbf16, #tpu.memory_space<vmem>>) dst(%dma_wait3A_159 : memref<50048x64xbf16, #tpu.memory_space<vmem_shared>>)
          tpu.yield
        }) : () -> ()
      }
      %scan3A_137 = arith.constant 12 : i32
    }
    %scan3A_124 = arith.constant 4 : i32
    %barrier3A_125 = arith.constant 0 : index
    tpu.barrier barrier_id(%barrier3A_125)
    "tpu.region"() ({
      %run_scoped3A = tpu.sem_alloc : memref<!tpu.dma_semaphore, #tpu.memory_space<semaphore_mem>>
      %dma_start3A = arith.constant 0 : i32
      %dma_start3A_126 = tpu.memref_slice %arg7[%arg0, %mul3A_0, %dma_start3A] : memref<2x50048x64xbf16, #tpu.memory_space<hbm>> -> memref<1x3128x64xbf16, #tpu.memory_space<hbm>>
      %dma_start3A_127 = tpu.memref_squeeze %dma_start3A_126 : memref<1x3128x64xbf16, #tpu.memory_space<hbm>> -> memref<3128x64xbf16, #tpu.memory_space<hbm>>
      %dma_start3A_128 = arith.constant 0 : i32
      %dma_start3A_129 = tpu.memref_slice %arg8[%mul3A_0, %dma_start3A_128] : memref<50048x64xbf16, #tpu.memory_space<vmem_shared>> -> memref<3128x64xbf16, #tpu.memory_space<vmem_shared>>
      tpu.enqueue_dma source(%dma_start3A_129 : memref<3128x64xbf16, #tpu.memory_space<vmem_shared>>) target(%dma_start3A_127 : memref<3128x64xbf16, #tpu.memory_space<hbm>>) target_semaphore(%run_scoped3A : memref<!tpu.dma_semaphore, #tpu.memory_space<semaphore_mem>>)
      %dma_wait3A = arith.constant 0 : i32
      %dma_wait3A_130 = tpu.memref_slice %arg7[%arg0, %mul3A_0, %dma_wait3A] : memref<2x50048x64xbf16, #tpu.memory_space<hbm>> -> memref<1x3128x64xbf16, #tpu.memory_space<hbm>>
      %dma_wait3A_131 = tpu.memref_squeeze %dma_wait3A_130 : memref<1x3128x64xbf16, #tpu.memory_space<hbm>> -> memref<3128x64xbf16, #tpu.memory_space<hbm>>
      %dma_wait3A_132 = arith.constant 0 : i32
      %dma_wait3A_133 = tpu.memref_slice %arg8[%mul3A_0, %dma_wait3A_132] : memref<50048x64xbf16, #tpu.memory_space<vmem_shared>> -> memref<3128x64xbf16, #tpu.memory_space<vmem_shared>>
      tpu.wait_dma2 semaphore(%run_scoped3A : memref<!tpu.dma_semaphore, #tpu.memory_space<semaphore_mem>>) src(%dma_wait3A_133 : memref<3128x64xbf16, #tpu.memory_space<vmem_shared>>) dst(%dma_wait3A_131 : memref<3128x64xbf16, #tpu.memory_space<hbm>>)
      tpu.yield
    }) : () -> ()
    return
  }
}

module attributes {stable_mosaic.version = 14 : i64} {
  func.func @_tc_selfloop_body(%arg0: i32, %arg1: memref<2000x128xf32, #tpu.memory_space<vmem>>, %arg2: memref<128x128xf32, #tpu.memory_space<vmem>>, %arg3: memref<1x128xf32, #tpu.memory_space<vmem>>, %arg4: memref<2000x128xf32, #tpu.memory_space<vmem>>) attributes {dimension_semantics = [#tpu.dimension_semantics<arbitrary>], iteration_bounds = array<i64: 25>, scalar_prefetch = 0 : i64, scratch_operands = 0 : i64, tpu.core_type = #tpu.core_type<tc>, window_params = [{transform_indices = @transform_0, window_bounds = array<i64: 2000, 128>}, {pipeline_mode = #tpu.pipeline_mode<synchronous>, transform_indices = @transform_1, window_bounds = array<i64: 128, 128>}, {pipeline_mode = #tpu.pipeline_mode<synchronous>, transform_indices = @transform_2, window_bounds = array<i64: 1, 128>}, {transform_indices = @transform_3, window_bounds = array<i64: 2000, 128>}]} {
    %get3A = arith.constant 0 : index
    %get3A_0 = arith.constant 0 : index
    %get3A_1 = vector.load %arg1[%get3A, %get3A_0] : memref<2000x128xf32, #tpu.memory_space<vmem>>, vector<2000x128xf32>
    %get3A_2 = arith.constant 0 : index
    %get3A_3 = arith.constant 0 : index
    %get3A_4 = vector.load %arg2[%get3A_2, %get3A_3] : memref<128x128xf32, #tpu.memory_space<vmem>>, vector<128x128xf32>
    %dot_general3A = arith.constant dense<0.000000e+00> : vector<2000x128xf32>
    %dot_general3A_5 = tpu.matmul %get3A_1, %get3A_4, %dot_general3A {dimension_numbers = #tpu.dot_dimension_numbers<[1], [0], [0], [1], [0, 0, 1, 1], [], []>, transpose_lhs_hint = false} : vector<2000x128xf32>, vector<128x128xf32>, vector<2000x128xf32> -> vector<2000x128xf32>
    %get3A_6 = arith.constant 0 : index
    %get3A_7 = arith.constant 0 : index
    %get3A_8 = vector.load %arg3[%get3A_6, %get3A_7] : memref<1x128xf32, #tpu.memory_space<vmem>>, vector<1x128xf32>
    %add3A = vector.broadcast %get3A_8 : vector<1x128xf32> to vector<2000x128xf32>
    %add3A_9 = arith.addf %dot_general3A_5, %add3A : vector<2000x128xf32>
    %swap3A = arith.constant 0 : index
    %swap3A_10 = arith.constant 0 : index
    %swap3A_11 = vector.load %arg4[%swap3A, %swap3A_10] : memref<2000x128xf32, #tpu.memory_space<vmem>>, vector<2000x128xf32>
    tpu.vector_store %arg4[%swap3A, %swap3A_10], %add3A_9 {strides = array<i32>} : memref<2000x128xf32, #tpu.memory_space<vmem>>, vector<2000x128xf32>,
    return
  }
  func.func @transform_0(%arg0: i32) -> (i32, i32) {
    %c0_i32 = arith.constant 0 : i32
    %c0_i32_0 = arith.constant 0 : i32
    return %arg0, %c0_i32 : i32, i32
  }
  func.func @transform_1(%arg0: i32) -> (i32, i32) {
    %c0_i32 = arith.constant 0 : i32
    %c0_i32_0 = arith.constant 0 : i32
    %c0_i32_1 = arith.constant 0 : i32
    return %c0_i32, %c0_i32_0 : i32, i32
  }
  func.func @transform_2(%arg0: i32) -> (i32, i32) {
    %c0_i32 = arith.constant 0 : i32
    %c0_i32_0 = arith.constant 0 : i32
    %c0_i32_1 = arith.constant 0 : i32
    return %c0_i32, %c0_i32_0 : i32, i32
  }
  func.func @transform_3(%arg0: i32) -> (i32, i32) {
    %c0_i32 = arith.constant 0 : i32
    %c0_i32_0 = arith.constant 0 : i32
    return %arg0, %c0_i32 : i32, i32
  }
}

module attributes {stable_mosaic.version = 14 : i64} {
  func.func @_tc_body(%arg0: i32, %arg1: memref<2x2000x128xbf16, #tpu.memory_space<vmem>>, %arg2: memref<2x2000x64xbf16, #tpu.memory_space<vmem>>, %arg3: memref<2000x128xf32, #tpu.memory_space<vmem>>, %arg4: memref<2x128x128xf32, #tpu.memory_space<vmem>>, %arg5: memref<2000x128xf32, #tpu.memory_space<vmem>>) attributes {dimension_semantics = [#tpu.dimension_semantics<arbitrary>], iteration_bounds = array<i64: 25>, scalar_prefetch = 0 : i64, scratch_operands = 0 : i64, tpu.core_type = #tpu.core_type<tc>, window_params = [{transform_indices = @transform_0, window_bounds = array<i64: 2, 2000, 128>}, {transform_indices = @transform_1, window_bounds = array<i64: 2, 2000, 64>}, {transform_indices = @transform_2, window_bounds = array<i64: 2000, 128>}, {pipeline_mode = #tpu.pipeline_mode<synchronous>, transform_indices = @transform_3, window_bounds = array<i64: 2, 128, 128>}, {transform_indices = @transform_4, window_bounds = array<i64: 2000, 128>}]} {
    %get3A = arith.constant 0 : index
    %get3A_0 = arith.constant 0 : index
    %get3A_1 = vector.load %arg3[%get3A, %get3A_0] : memref<2000x128xf32, #tpu.memory_space<vmem>>, vector<2000x128xf32>
    %get3A_2 = arith.constant 0 : index
    %get3A_3 = arith.constant 0 : index
    %get3A_4 = arith.constant 0 : index
    %get3A_5 = vector.load %arg1[%get3A_2, %get3A_3, %get3A_4] : memref<2x2000x128xbf16, #tpu.memory_space<vmem>>, vector<1x2000x128xbf16>
    %get3A_6 = vector.shape_cast %get3A_5 : vector<1x2000x128xbf16> to vector<2000x128xbf16>
    %convert_element_type3A = arith.extf %get3A_6 : vector<2000x128xbf16> to vector<2000x128xf32>
    %get3A_7 = arith.constant 0 : index
    %get3A_8 = arith.constant 0 : index
    %get3A_9 = arith.constant 0 : index
    %get3A_10 = vector.load %arg2[%get3A_7, %get3A_8, %get3A_9] : memref<2x2000x64xbf16, #tpu.memory_space<vmem>>, vector<1x2000x1xbf16>
    %get3A_11 = vector.shape_cast %get3A_10 : vector<1x2000x1xbf16> to vector<2000x1xbf16>
    %convert_element_type3A_12 = arith.extf %get3A_11 : vector<2000x1xbf16> to vector<2000x1xf32>
    %max3A = arith.constant 1.000000e+00 : f32
    %max3A_13 = vector.broadcast %max3A : f32 to vector<2000x1xf32>
    %max3A_14 = arith.maximumf %convert_element_type3A_12, %max3A_13 : vector<2000x1xf32>
    %div3A = vector.broadcast %max3A_14 : vector<2000x1xf32> to vector<2000x128xf32>
    %div3A_15 = arith.divf %convert_element_type3A, %div3A : vector<2000x128xf32>
    %get3A_16 = arith.constant 0 : index
    %get3A_17 = arith.constant 0 : index
    %get3A_18 = arith.constant 0 : index
    %get3A_19 = vector.load %arg4[%get3A_16, %get3A_17, %get3A_18] : memref<2x128x128xf32, #tpu.memory_space<vmem>>, vector<1x128x128xf32>
    %get3A_20 = vector.shape_cast %get3A_19 : vector<1x128x128xf32> to vector<128x128xf32>
    %dot_general3A = arith.constant dense<0.000000e+00> : vector<2000x128xf32>
    %dot_general3A_21 = tpu.matmul %div3A_15, %get3A_20, %dot_general3A {dimension_numbers = #tpu.dot_dimension_numbers<[1], [0], [0], [1], [0, 0, 1, 1], [], []>, transpose_lhs_hint = false} : vector<2000x128xf32>, vector<128x128xf32>, vector<2000x128xf32> -> vector<2000x128xf32>
    %add3A = arith.addf %get3A_1, %dot_general3A_21 : vector<2000x128xf32>
    %get3A_22 = arith.constant 1 : index
    %get3A_23 = arith.constant 0 : index
    %get3A_24 = arith.constant 0 : index
    %get3A_25 = vector.load %arg1[%get3A_22, %get3A_23, %get3A_24] : memref<2x2000x128xbf16, #tpu.memory_space<vmem>>, vector<1x2000x128xbf16>
    %get3A_26 = vector.shape_cast %get3A_25 : vector<1x2000x128xbf16> to vector<2000x128xbf16>
    %convert_element_type3A_27 = arith.extf %get3A_26 : vector<2000x128xbf16> to vector<2000x128xf32>
    %get3A_28 = arith.constant 1 : index
    %get3A_29 = arith.constant 0 : index
    %get3A_30 = arith.constant 0 : index
    %get3A_31 = vector.load %arg2[%get3A_28, %get3A_29, %get3A_30] : memref<2x2000x64xbf16, #tpu.memory_space<vmem>>, vector<1x2000x1xbf16>
    %get3A_32 = vector.shape_cast %get3A_31 : vector<1x2000x1xbf16> to vector<2000x1xbf16>
    %convert_element_type3A_33 = arith.extf %get3A_32 : vector<2000x1xbf16> to vector<2000x1xf32>
    %max3A_34 = arith.constant 1.000000e+00 : f32
    %max3A_35 = vector.broadcast %max3A_34 : f32 to vector<2000x1xf32>
    %max3A_36 = arith.maximumf %convert_element_type3A_33, %max3A_35 : vector<2000x1xf32>
    %div3A_37 = vector.broadcast %max3A_36 : vector<2000x1xf32> to vector<2000x128xf32>
    %div3A_38 = arith.divf %convert_element_type3A_27, %div3A_37 : vector<2000x128xf32>
    %get3A_39 = arith.constant 1 : index
    %get3A_40 = arith.constant 0 : index
    %get3A_41 = arith.constant 0 : index
    %get3A_42 = vector.load %arg4[%get3A_39, %get3A_40, %get3A_41] : memref<2x128x128xf32, #tpu.memory_space<vmem>>, vector<1x128x128xf32>
    %get3A_43 = vector.shape_cast %get3A_42 : vector<1x128x128xf32> to vector<128x128xf32>
    %dot_general3A_44 = arith.constant dense<0.000000e+00> : vector<2000x128xf32>
    %dot_general3A_45 = tpu.matmul %div3A_38, %get3A_43, %dot_general3A_44 {dimension_numbers = #tpu.dot_dimension_numbers<[1], [0], [0], [1], [0, 0, 1, 1], [], []>, transpose_lhs_hint = false} : vector<2000x128xf32>, vector<128x128xf32>, vector<2000x128xf32> -> vector<2000x128xf32>
    %add3A_46 = arith.addf %add3A, %dot_general3A_45 : vector<2000x128xf32>
    %swap3A = arith.constant 0 : index
    %swap3A_47 = arith.constant 0 : index
    %swap3A_48 = vector.load %arg5[%swap3A, %swap3A_47] : memref<2000x128xf32, #tpu.memory_space<vmem>>, vector<2000x128xf32>
    tpu.vector_store %arg5[%swap3A, %swap3A_47], %add3A_46 {strides = array<i32>} : memref<2000x128xf32, #tpu.memory_space<vmem>>, vector<2000x128xf32>,
    return
  }
  func.func @transform_0(%arg0: i32) -> (i32, i32, i32) {
    %c0_i32 = arith.constant 0 : i32
    %c0_i32_0 = arith.constant 0 : i32
    %c0_i32_1 = arith.constant 0 : i32
    return %c0_i32, %arg0, %c0_i32_0 : i32, i32, i32
  }
  func.func @transform_1(%arg0: i32) -> (i32, i32, i32) {
    %c0_i32 = arith.constant 0 : i32
    %c0_i32_0 = arith.constant 0 : i32
    %c0_i32_1 = arith.constant 0 : i32
    return %c0_i32, %arg0, %c0_i32_0 : i32, i32, i32
  }
  func.func @transform_2(%arg0: i32) -> (i32, i32) {
    %c0_i32 = arith.constant 0 : i32
    %c0_i32_0 = arith.constant 0 : i32
    return %arg0, %c0_i32 : i32, i32
  }
  func.func @transform_3(%arg0: i32) -> (i32, i32, i32) {
    %c0_i32 = arith.constant 0 : i32
    %c0_i32_0 = arith.constant 0 : i32
    %c0_i32_1 = arith.constant 0 : i32
    %c0_i32_2 = arith.constant 0 : i32
    return %c0_i32, %c0_i32_0, %c0_i32_1 : i32, i32, i32
  }
  func.func @transform_4(%arg0: i32) -> (i32, i32) {
    %c0_i32 = arith.constant 0 : i32
    %c0_i32_0 = arith.constant 0 : i32
    return %arg0, %c0_i32 : i32, i32
  }
}

</mosaic_0001>

<sc_bundles>
// kernel: kernel.10.cloned.1.call-start
scs
__scs_entry_jumppad:
0x0: {  	(pc) =	sbr.rel $0x88, $3  }
0x1: {  	(tag) =	ssettag $0x0;
	lr =	simm.s32 $0x1  }
0x2: {  	[smem:$0x3F96] =	sst lr;
	_ =	strace $0xD0000000  }
0x3: {  	_ = 	snop  }
0x4: {  	_ = 	snop  }
0x5: {  	_ = 	snop  }
0x6: {  	_ = 	snop  }
0x7: {  	_ = 	snop  }
__scs_overlays_trampoline_lowered:
0x8: {  	[smem:$0x3FA5] =	sst s0  }
0x9: {  	[smem:$0x3FA6] =	sst s1  }
0xa: {  	[smem:$0x3FA7] =	sst s2  }
0xb: {  	[smem:$0x3FA8] =	sst s3  }
0xc: {  	[smem:$0x3FA9] =	sst s4  }
0xd: {  	[smem:$0x3FAA] =	sst s5  }
0xe: {  	[smem:$0x3FAB] =	sst s6  }
0xf: {  	[smem:$0x3FAC] =	sst s7  }
0x10: {  	[smem:$0x3FAD] =	sst s8  }
0x11: {  	[smem:$0x3FAE] =	sst s9;
	s0 =	simm.s32 @!p0 $0x0  }
0x12: {  	s1 =	sld [smem:$0x3F94];
	s0 =	simm.s32 @p0 $0x1  }
0x13: {  	[smem:$0x3FAF] =	sst s0;
	s0 =	simm.s32 @!p1 $0x0  }
0x14: {  	s2 =	sld [smem:$0x3F93];
	s0 =	simm.s32 @p1 $0x1  }
0x15: {  	[smem:$0x3FB0] =	sst s0;
	s0 =	simm.s32 @!p2 $0x0  }
0x16: {  	s3 =	sld [smem:$0x3FDB];
	s0 =	simm.s32 @p2 $0x1  }
0x17: {  	s4 =	simm.s32 $0x1BF5;
	[smem:$0x3FB2] =	sst s0  }
0x18: {  	s0 =	sld [smem:$0x3F95];
	_ =	swait.ge [sflag:s4], $0x0  }
0x19: {  	s7 =	sld [smem:$0x3F96]  }
0x1a: {  	s8 =	sadd.s32 $0xFFFFE003, lr  }
0x1b: {  	s9 =	sadd.s32 $0xFFFFFEF7, lr;
	s5 =	simm.s32 $0xFFFFFFFF;
	p2 =	slt.u32 s8, $0xFFFFF086  }
0x1c: {  	p1 =	slt.u32 s9, $0xF7A;
	s5 =	simm.s32 @!p2 $0x0  }
0x1d: {  	s5 =	simm.s32 @p1 $0x1;
	p0 =	seq.s32 s7, s2  }
0x1e: {  	s7 =	smul.u32 @!p0 $0xF7A, s2;
	p2 =	seq.s32 @!p0 s5, $0x0  }
0x1f: {  	s9 =	smul.u32 $0xF7A, s1;
	s8 =	simm.s32 @!p0 $0x1BF5;
	p2 =	por !p2, p0  }
0x20: {  	[sflag:s8] =	ssyncset.s32 @!p0 $0xFFFFF086;
	s6 =	sadd.s32 @!p0 s3, s7;
	s7 =	simm.s32 @!p0 $0x108  }
0x21: {  	s3 =	sadd.s32 s3, s9;
	s6 =	sadd.s32 @!p0 $0x88, s6;
	s7 =	simm.s32 @p2 $0x1082  }
0x22: {  	[simem:s7], [sflag:s8] =	dma.local @!p0 [hbm:s6], $0xF7A  }
0x23: {  	s9 =	sor.u32 $0xD0000000, s2;
	s6 =	simm.s32 $0x108;
	_ =	swait.ge @!p0 [sflag:s8], $0x0  }
0x24: {  	s3 =	sadd.s32 $0x88, s3;
	s6 =	simm.s32 @!p1 $0x1082;
	[sflag:s4] =	ssyncset.s32 $0xFFFFF086  }
0x25: {  	[simem:s6], [sflag:s4] =	dma.local [hbm:s3], $0xF7A  }
0x26: {  	[smem:$0x3F96] =	sst s1;
	(tag) =	ssettag s2;
	_ =	strace s9  }
0x27: {  	s1 =	sld [smem:$0x3FA6]  }
0x28: {  	s2 =	sld [smem:$0x3FA7]  }
0x29: {  	s4 =	sld [smem:$0x3FA9]  }
0x2a: {  	p0 =	seq.s32 s5, $0x0;
	s5 =	sld [smem:$0x3FAA]  }
0x2b: {  	s6 =	sld [smem:$0x3FAB]  }
0x2c: {  	s7 =	sld [smem:$0x3FAC]  }
0x2d: {  	s3 =	simm.s32 $0x108;
	s8 =	sld [smem:$0x3FAD]  }
0x2e: {  	s3 =	simm.s32 @!p0 $0x1082;
	s9 =	sld [smem:$0x3FAE]  }
0x2f: {  	lr =	sadd.s32 s0, s3;
	s0 =	sld [smem:$0x3FA5]  }
0x30: {  	s3 =	sld [smem:$0x3FA8]  }
0x31: {  	[smem:$0x3FB1] =	sst s10  }
0x32: {  	s10 =	sld [smem:$0x3FAF];
	_ =	sdelay $0x3  }
0x33: {  	p0 =	seq.s32 s10, $0x1;
	s10 =	sld [smem:$0x3FB1];
	_ =	sdelay $0x3  }
0x34: {  	[smem:$0x3FB1] =	sst s10  }
0x35: {  	s10 =	sld [smem:$0x3FB0];
	_ =	sdelay $0x3  }
0x36: {  	p1 =	seq.s32 s10, $0x1;
	s10 =	sld [smem:$0x3FB1];
	_ =	sdelay $0x3  }
0x37: {  	[smem:$0x3FB1] =	sst s10  }
0x38: {  	s10 =	sld [smem:$0x3FB2]  }
0x39: {  	_ = 	snop;
	(pc) =	sbr.ind lr, $3  }
0x3a: {  	_ = 	snop  }
0x3b: {  	_ = 	snop  }
0x3c: {  	p2 =	seq.s32 s10, $0x1;
	s10 =	sld [smem:$0x3FB1]  }
0x3d: {  	_ =	shalt  }
0x3e: {  	_ =	shalt  }
0x3f: {  	_ =	shalt  }
0x40: {  	_ =	shalt  }
0x41: {  	_ =	shalt  }
0x42: {  	_ =	shalt  }
0x43: {  	_ =	shalt  }
0x44: {  	_ =	shalt  }
0x45: {  	_ =	shalt  }
0x46: {  	_ =	shalt  }
0x47: {  	_ =	shalt  }
0x48: {  	_ =	shalt  }
0x49: {  	_ =	shalt  }
0x4a: {  	_ =	shalt  }
0x4b: {  	_ =	shalt  }
0x4c: {  	_ =	shalt  }
0x4d: {  	_ =	shalt  }
0x4e: {  	_ =	shalt  }
0x4f: {  	_ =	shalt  }
0x50: {  	_ =	shalt  }
0x51: {  	_ =	shalt  }
0x52: {  	_ =	shalt  }
0x53: {  	_ =	shalt  }
0x54: {  	_ =	shalt  }
0x55: {  	_ =	shalt  }
0x56: {  	_ =	shalt  }
0x57: {  	_ =	shalt  }
0x58: {  	_ =	shalt  }
0x59: {  	_ =	shalt  }
0x5a: {  	_ =	shalt  }
0x5b: {  	_ =	shalt  }
0x5c: {  	_ =	shalt  }
0x5d: {  	_ =	shalt  }
0x5e: {  	_ =	shalt  }
0x5f: {  	_ =	shalt  }
0x60: {  	_ =	shalt  }
0x61: {  	_ =	shalt  }
0x62: {  	_ =	shalt  }
0x63: {  	_ =	shalt  }
0x64: {  	_ =	shalt  }
0x65: {  	_ =	shalt  }
0x66: {  	_ =	shalt  }
0x67: {  	_ =	shalt  }
0x68: {  	_ =	shalt  }
0x69: {  	_ =	shalt  }
0x6a: {  	_ =	shalt  }
0x6b: {  	_ =	shalt  }
0x6c: {  	_ =	shalt  }
0x6d: {  	_ =	shalt  }
0x6e: {  	_ =	shalt  }
0x6f: {  	_ =	shalt  }
0x70: {  	_ =	shalt  }
0x71: {  	_ =	shalt  }
0x72: {  	_ =	shalt  }
0x73: {  	_ =	shalt  }
0x74: {  	_ =	shalt  }
0x75: {  	_ =	shalt  }
0x76: {  	_ =	shalt  }
0x77: {  	_ =	shalt  }
0x78: {  	_ =	shalt  }
0x79: {  	_ =	shalt  }
0x7a: {  	_ =	shalt  }
0x7b: {  	_ =	shalt  }
0x7c: {  	_ =	shalt  }
0x7d: {  	_ =	shalt  }
0x7e: {  	_ =	shalt  }
0x7f: {  	_ =	shalt  }
0x80: {  	_ =	shalt  }
0x81: {  	_ =	shalt  }
0x82: {  	_ =	shalt  }
0x83: {  	_ =	shalt  }
0x84: {  	_ =	shalt  }
0x85: {  	_ =	shalt  }
0x86: {  	_ =	shalt  }
0x87: {  	_ =	shalt  }
.Lfunc_end0:
.L_simem_size_0:
called_computation.1_lowered:
.L_overlay_start_0:
0x88: {  	s2 =	sld [smem:$0x3FD9]  }
0x89: {  	s3 =	sld [smem:$0x3FFE];
	_ =	sdelay $0x1  }
0x8a: {  	s1 =	srdreg.scid  }
0x8b: {  	s0 =	sand.u32 $0x1, s1  }
0x8c: {  	s17 =	sshll.u32 s0, $0xA;
	s2 =	sadd.s32 s3, s2  }
0x8d: {  	s2 =	sadd.s32 s2, s17  }
0x8e: {  	[smem:$0x3FBD] =	sst s2  }
0x8f: {  	_ = 	snop  }
0x90: {  	(tm) =	ssettm $0x1  }
0x91: {  	s18 =	sld [smem:$0x3FFB];
	_ =	sdelay $0x3  }
0x92: {  	_ =	strace s18  }
0x93: {  	s2 =	sld [smem:$0x3FFC];
	_ =	sdelay $0x3  }
0x94: {  	_ =	strace s2  }
0x95: {  	s2 =	sld [smem:$0x3FFD];
	_ =	sdelay $0x3  }
0x96: {  	_ =	strace s2  }
0x97: {  	_ =	strace $0x8FFFFFFF  }
0x98: {  	s19 =	sld [smem:$0x3FDB];
	_ =	sdelay $0x1  }
0x99: {  	s20 =	simm.s32 $_scs_section_size  }
0x9a: {  	s4 =	simm.s32 $_size__tile_overlayer_lowered;
	s5 =	simm.s32 $_tile_overlayer_lowered  }
0x9b: {  	s6 =	simm.s32 $0x1BFF;
	s21 =	sshll.u32 s5, $0x1;
	s3 =	sadd.s32 s20, s19  }
0x9c: {  	s22 =	simm.s32 $0x0;
	s4 =	sshll.u32 s4, $0x1;
	s5 =	sadd.s32 s21, s3  }
0x9d: {  	[timem:s22], [sflag:s6] =	dma.local [hbm:s5], s4  }
0x9e: {  	_ =	swait.ge [sflag:s6], s4  }
0x9f: {  	s4 =	ssub.s32 $0x0, s4;
	[sflag:s6] =	ssyncset.done $0x0  }
0xa0: {  	[sflag:s6] =	ssyncadd.s32 s4;
	_ =	sdelay $0x1  }
0xa1: {  	s23 =	simm.s32 $0x1B8B  }
0xa2: {  	_ =	swait.ge [sflag:s23], $0x1  }
0xa3: {  	[sflag:s23] =	ssyncset.done $0x0  }
0xa4: {  	[sflag:s23] =	ssyncadd.s32 $0xFFFFFFFF  }
0xa5: {  	s4 =	sld [smem:$0x0]  }
0xa6: {  	s5 =	sand.u32 $0xFFFFFFFE, s1  }
0xa7: {  	p0 =	sne.s32 s1, s5  }
0xa8: {  	s5 =	sshll.u32 @p0 s5, $0xE  }
0xa9: {  	s5 =	sadd.s32 @p0 $0x11B8D, s5;
	s6 =	sshll.u32 @p0 s4, $0x11  }
0xaa: {  	s5 =	sor.u32 @p0 s6, s5  }
0xab: {  	[sflag:s5] =	ssyncadd.remote.s32 @p0 $0x1;
	_ =	sdelay $0x1  }
0xac: {  	s5 =	simm.s32 @p0 $0x1B8D  }
0xad: {  	_ =	swait.eq @p0 [sflag:s5], $0x1  }
0xae: {  	[sflag:s5] =	ssyncadd.s32 @p0 $0xFFFFFFFF  }
0xaf: {  	s6 =	sshll.u32 @!p0 s1, $0xE  }
0xb0: {  	s6 =	sor.u32 @!p0 $0x4000, s6;
	s5 =	simm.s32 @!p0 $0x1B8D  }
0xb1: {  	s4 =	sshll.u32 @!p0 s4, $0x11;
	s6 =	sadd.s32 @!p0 $0x11B8D, s6;
	_ =	swait.eq @!p0 [sflag:s5], $0x1  }
0xb2: {  	s4 =	sor.u32 @!p0 s4, s6;
	[sflag:s5] =	ssyncadd.s32 @!p0 $0xFFFFFFFF  }
0xb3: {  	s25 =	simm.s32 $0x1B8E;
	s24 =	sld [smem:$0x3FFE];
	[sflag:s4] =	ssyncadd.remote.s32 @!p0 $0x1  }
0xb4: {  	s26 =	simm.s32 $execute0_lowered;
	[smem:$0x3FD2] =	sst s25  }
0xb5: {  	s5 =	sshll.u32 s26, $0x1;
	_ =	strace $0x80000049;
	[dreg:$0x1] =	wrdreg $0xFFFFFFFF  }
0xb6: {  	s28 =	simm.s32 $_size_execute0_lowered;
	s3 =	sadd.s32 s3, s5;
	[dreg:$0x0] =	wrdreg $0x0  }
0xb7: {  	s5 =	sshll.u32 s28, $0x1;
	[dreg:$0x2] =	wrdreg s3  }
0xb8: {  	[dreg:$0x3] =	wrdreg s5  }
0xb9: {  	[dreg:$0x4] =	wrdreg $0xC0  }
0xba: {  	_ =	task [dreg:s22], $0x5FFFF  }
0xbb: {  	[dreg:$0x1] =	wrdreg $0xFFFFFFFF  }
0xbc: {  	[dreg:$0x0] =	wrdreg $0x60  }
0xbd: {  	[dreg:$0x2] =	wrdreg s24  }
0xbe: {  	[dreg:$0x3] =	wrdreg $0x0  }
0xbf: {  	[dreg:$0x4] =	wrdreg $0xA  }
0xc0: {  	_ =	task.clear_ibuf [dreg:s22], $0x5FFFF;
	_ =	strace $0x90000049  }
0xc1: {  	s29 =	simm.s32 $0xA;
	_ =	strace $0x8000004B  }
0xc2: {  	_ =	swait.ge [sflag:s29], $0x1  }
0xc3: {  	[sflag:s29] =	ssyncadd.s32 $0xFFFFFFFF  }
0xc4: {  	_ =	strace $0x9000004B  }
0xc5: {  	_ =	sfence  }
0xc6: {  	s30 =	sld [smem:$0x0];
	_ =	sdelay $0x2  }
0xc7: {  	s31 =	sshll.u32 s1, $0xD;
	s1 =	sshrl.u32 s1, $0x2  }
0xc8: {  	s4 =	sand.u32 $0x4000, s31;
	s1 =	sadd.s32 s1, s30  }
0xc9: {  	s0 =	sor.u32 s4, s0;
	s1 =	sshll.u32 s1, $0x11  }
0xca: {  	s0 =	sor.u32 s1, s0  }
0xcb: {  	s0 =	sadd.s32 $0x8F2B, s0  }
0xcc: {  	[sflag:s0] =	ssyncadd.remote.s32 $0x1  }
0xcd: {  	_ =	sfence.sel $0xFFFF  }
0xce: {  	[dreg:$0x0] =	wrdreg $0xFFFFFFFF;
	(pc) =	sbr.abs _section_cstart, $3  }
0xcf: {  	[dreg:$0x1] =	wrdreg $0xFFFFFFFF  }
0xd0: {  	_ =	task.clear_ibuf [dreg:s22], $0x2FFFF;
	_ =	strace $0x9FFFFFFF  }
0xd1: {  	(tm) =	ssettm $0x7FFFFFFF  }
tec
execute0_lowered:
.L_overlay_start_1:
0x0: {  	(tag) =	ssettag $0x1  }
0x1: {  	s0 =	srdreg.scid;
	s7 =	stileid.u32  }
0x2: {  	s12 =	rddreg [dreg:$0x0];
	s1 =	smul.u32 $0x2700, s7  }
0x3: {  	s3 =	rddreg [dreg:$0x1];
	s5 =	smul.u32 $0x61C00, s7  }
0x4: {  	s4 =	simm.s32 $0x0;
	s0 =	sand.u32 $0x1, s0;
	s7 =	smul.u32 $0x30E00, s7  }
0x5: {  	s30 =	simm.s32 $0x4;
	s31 =	simm.s32 $0x18700;
	s2 =	smul.u32 $0x27000, s0  }
0x6: {  	s29 =	simm.s32 $0x199B0;
	[smem:$0x7FF] =	sst s4;
	s6 =	smul.u32 $0x61C000, s0  }
0x7: {  	s9 =	sadd.s32 $0x1AE400, s12;
	s28 =	sadd.s32 $0x1D800, s12;
	s8 =	smul.u32 $0x30E000, s0  }
0x8: {  	_ =	strace $0x8000004A;
	s10 =	ssub.s32 $0x2, s0;
	s0 =	smul.u32 $0x4E000, s0  }
0x9: {  	s11 =	sshrl.u32 s10, $0x1;
	s6 =	sadd.s32 s5, s6;
	s5 =	sshrl.u32 s5, $0x2  }
0xa: {  	s2 =	sadd.s32 s2, s1;
	s8 =	sadd.s32 s7, s8;
	s5 =	sadd.s32 s5, s3  }
0xb: {  	s10 =	ssub.s32 s10, s11;
	s7 =	sshrl.u32 s7, $0x1;
	s20 =	sadd.s32 $0x2E00, s5  }
0xc: {  	s0 =	sadd.s32 s0, s1;
	s21 =	sadd.s32 $0x4500, s5;
	[dreg:$0x6] =	wrdreg s20  }
0xd: {  	s2 =	sshrl.u32 s2, $0x3;
	s22 =	sadd.s32 $0x5C00, s5;
	[dreg:$0x7] =	wrdreg s21  }
0xe: {  	s6 =	sshrl.u32 s6, $0x4;
	s23 =	sadd.s32 $0x7300, s5;
	[dreg:$0x8] =	wrdreg s22  }
0xf: {  	s8 =	sshrl.u32 s8, $0x4;
	s24 =	sadd.s32 $0x8A00, s5;
	[dreg:$0x9] =	wrdreg s23  }
0x10: {  	s14 =	sshrl.u32 s0, $0x3;
	s25 =	sadd.s32 $0xA100, s5;
	[dreg:$0xa] =	wrdreg s24  }
0x11: {  	s0 =	sadd.s32 $0x27000, s0;
	s26 =	sadd.s32 $0xB800, s5;
	[dreg:$0xb] =	wrdreg s25  }
0x12: {  	s2 =	sadd.s32 s2, s12;
	s11 =	sadd.s32 $0xCF00, s5;
	[dreg:$0xc] =	wrdreg s26  }
0x13: {  	s6 =	sadd.s32 s6, s12;
	s13 =	sadd.s32 $0xE600, s5;
	[dreg:$0xd] =	wrdreg s11  }
0x14: {  	s8 =	sadd.s32 s8, s12;
	s15 =	sadd.s32 $0xFD00, s5;
	[dreg:$0xe] =	wrdreg s13  }
0x15: {  	s18 =	sadd.s32 $0x1700, s5;
	s16 =	sadd.s32 $0x11400, s5;
	[dreg:$0xf] =	wrdreg s15  }
0x16: {  	s1 =	sadd.s32 s14, s9;
	s0 =	sshrl.u32 s0, $0x3;
	[dreg:$0x10] =	wrdreg s16  }
0x17: {  	s17 =	sadd.s32 $0x12B00, s5;
	s19 =	sadd.s32 $0x14200, s5;
	[dreg:$0x3] =	wrdreg s1  }
0x18: {  	s12 =	simm.s32 $0x19670;
	[dreg:$0x11] =	wrdreg s17;
	s0 =	sadd.s32 s0, s9  }
0x19: {  	[dreg:$0x12] =	wrdreg s19;
	s20 =	sadd.s32 $0x15900, s5;
	s21 =	sadd.s32 $0x17000, s5  }
0x1a: {  	s22 =	sadd.s32 s7, s3;
	s23 =	sadd.s32 $0x1C1C00, s6;
	[dreg:$0x5] =	wrdreg s18  }
0x1b: {  	s24 =	sadd.s32 $0x1C1C04, s6;
	s25 =	sadd.s32 $0x285400, s8;
	[dreg:$0x4] =	wrdreg s0  }
0x1c: {  	s26 =	smax.u32 s10, $0x1;
	s1 =	simm.s32 $0x190C0;
	[dreg:$0x13] =	wrdreg s20  }
0x1d: {  	s5 =	simm.s32 $0x1;
	s6 =	simm.s32 $0x18970;
	[dreg:$0x14] =	wrdreg s21  }
0x1e: {  	s7 =	simm.s32 $0x2;
	s8 =	simm.s32 $0x19190;
	[dreg:$0x15] =	wrdreg s22  }
0x1f: {  	s10 =	simm.s32 $0x3;
	s11 =	simm.s32 $0x19260;
	[dreg:$0x16] =	wrdreg s23  }
0x20: {  	s15 =	simm.s32 $0x19330;
	s19 =	simm.s32 $0x19400;
	[dreg:$0x17] =	wrdreg s24  }
0x21: {  	s9 =	simm.s32 $0x195A0;
	s13 =	simm.s32 $0x19740;
	[dreg:$0x18] =	wrdreg s25  }
0x22: {  	s17 =	simm.s32 $0x19810;
	s16 =	simm.s32 $0x0;
	[dreg:$0x19] =	wrdreg s26  }
0x23: {  	s26 =	sadd.s32 $0x1A4800, s2;
	s0 =	simm.s32 $0xD0;
	s2 =	simm.s32 $0x19A80  }
0x24: {  	s23 =	simm.s32 $0x1B480;
	s20 =	simm.s32 $0x188A0;
	s25 =	simm.s32 $0x1CE80  }
0x25: {  	v0 =	vimm.bf16 $1.0000e+00;
	s24 =	simm.s32 $0x18A40;
	s22 =	simm.s32 $0x194D0;
	s21 =	simm.s32 $0x198E0  }
.LBB2_1:
0x26: {  	[dreg:$0x1a] =	wrdreg s16  }
0x27: {  	s14 =	rddreg [dreg:$0x0];
	s16 =	simm.s32 $0x1E880  }
0x28: {  	[tilespmem:s16], [sflag:$0x4] =	stream.linear.gather [hbm4b:s14+s4], $0x1700, $0x38;
	[tilespmem:$0x1FF80] =	vst v63  }
0x29: {  	_ =	swait.ge [sflag:s30], $0x1700  }
0x2a: {  	[sflag:s30] =	ssyncset.done $0x0  }
0x2b: {  	s14 =	rddreg [dreg:$0x15];
	[sflag:s30] =	ssyncadd.s32 $0xFFFFE900  }
0x2c: {  	[spmem:s14] =	stream.linear.scatter [tilespmem:s16], [sflag:$0x4], $0x1700, $0x38;
	[tilespmem:$0x1FF80] =	vst v63  }
0x2d: {  	_ =	swait.ge [sflag:s30], $0x1700  }
0x2e: {  	[sflag:s30] =	ssyncset.done $0x0  }
0x2f: {  	[sflag:s30] =	ssyncadd.s32 $0xFFFFE900  }
0x30: {  	[spmem:s18] =	stream.linear.scatter [tilespmem:s16], [sflag:$0x4], $0x1700, $0x38;
	[tilespmem:$0x1FF80] =	vst v63  }
0x31: {  	_ =	swait.ge [sflag:s30], $0x1700  }
0x32: {  	[sflag:s30] =	ssyncset.done $0x0  }
0x33: {  	s18 =	rddreg [dreg:$0x6];
	[sflag:s30] =	ssyncadd.s32 $0xFFFFE900  }
0x34: {  	[spmem:s18] =	stream.linear.scatter [tilespmem:s16], [sflag:$0x4], $0x1700, $0x38;
	[tilespmem:$0x1FF80] =	vst v63  }
0x35: {  	_ =	swait.ge [sflag:s30], $0x1700  }
0x36: {  	[sflag:s30] =	ssyncset.done $0x0  }
0x37: {  	s18 =	rddreg [dreg:$0x7];
	[sflag:s30] =	ssyncadd.s32 $0xFFFFE900  }
0x38: {  	[spmem:s18] =	stream.linear.scatter [tilespmem:s16], [sflag:$0x4], $0x1700, $0x38;
	[tilespmem:$0x1FF80] =	vst v63  }
0x39: {  	_ =	swait.ge [sflag:s30], $0x1700  }
0x3a: {  	[sflag:s30] =	ssyncset.done $0x0  }
0x3b: {  	s18 =	rddreg [dreg:$0x8];
	[sflag:s30] =	ssyncadd.s32 $0xFFFFE900  }
0x3c: {  	[spmem:s18] =	stream.linear.scatter [tilespmem:s16], [sflag:$0x4], $0x1700, $0x38;
	[tilespmem:$0x1FF80] =	vst v63  }
0x3d: {  	_ =	swait.ge [sflag:s30], $0x1700  }
0x3e: {  	[sflag:s30] =	ssyncset.done $0x0  }
0x3f: {  	s18 =	rddreg [dreg:$0x9];
	[sflag:s30] =	ssyncadd.s32 $0xFFFFE900  }
0x40: {  	[spmem:s18] =	stream.linear.scatter [tilespmem:s16], [sflag:$0x4], $0x1700, $0x38;
	[tilespmem:$0x1FF80] =	vst v63  }
0x41: {  	_ =	swait.ge [sflag:s30], $0x1700  }
0x42: {  	[sflag:s30] =	ssyncset.done $0x0  }
0x43: {  	s18 =	rddreg [dreg:$0xa];
	[sflag:s30] =	ssyncadd.s32 $0xFFFFE900  }
0x44: {  	[spmem:s18] =	stream.linear.scatter [tilespmem:s16], [sflag:$0x4], $0x1700, $0x38;
	[tilespmem:$0x1FF80] =	vst v63  }
0x45: {  	_ =	swait.ge [sflag:s30], $0x1700  }
0x46: {  	[sflag:s30] =	ssyncset.done $0x0  }
0x47: {  	s18 =	rddreg [dreg:$0xb];
	[sflag:s30] =	ssyncadd.s32 $0xFFFFE900  }
0x48: {  	[spmem:s18] =	stream.linear.scatter [tilespmem:s16], [sflag:$0x4], $0x1700, $0x38;
	[tilespmem:$0x1FF80] =	vst v63  }
0x49: {  	_ =	swait.ge [sflag:s30], $0x1700  }
0x4a: {  	[sflag:s30] =	ssyncset.done $0x0  }
0x4b: {  	s18 =	rddreg [dreg:$0xc];
	[sflag:s30] =	ssyncadd.s32 $0xFFFFE900  }
0x4c: {  	[spmem:s18] =	stream.linear.scatter [tilespmem:s16], [sflag:$0x4], $0x1700, $0x38;
	[tilespmem:$0x1FF80] =	vst v63  }
0x4d: {  	_ =	swait.ge [sflag:s30], $0x1700  }
0x4e: {  	[sflag:s30] =	ssyncset.done $0x0  }
0x4f: {  	s18 =	rddreg [dreg:$0xd];
	[sflag:s30] =	ssyncadd.s32 $0xFFFFE900  }
0x50: {  	[spmem:s18] =	stream.linear.scatter [tilespmem:s16], [sflag:$0x4], $0x1700, $0x38;
	[tilespmem:$0x1FF80] =	vst v63  }
0x51: {  	_ =	swait.ge [sflag:s30], $0x1700  }
0x52: {  	[sflag:s30] =	ssyncset.done $0x0  }
0x53: {  	s18 =	rddreg [dreg:$0xe];
	[sflag:s30] =	ssyncadd.s32 $0xFFFFE900  }
0x54: {  	[spmem:s18] =	stream.linear.scatter [tilespmem:s16], [sflag:$0x4], $0x1700, $0x38;
	[tilespmem:$0x1FF80] =	vst v63  }
0x55: {  	_ =	swait.ge [sflag:s30], $0x1700  }
0x56: {  	[sflag:s30] =	ssyncset.done $0x0  }
0x57: {  	s18 =	rddreg [dreg:$0xf];
	[sflag:s30] =	ssyncadd.s32 $0xFFFFE900  }
0x58: {  	[spmem:s18] =	stream.linear.scatter [tilespmem:s16], [sflag:$0x4], $0x1700, $0x38;
	[tilespmem:$0x1FF80] =	vst v63  }
0x59: {  	_ =	swait.ge [sflag:s30], $0x1700  }
0x5a: {  	[sflag:s30] =	ssyncset.done $0x0  }
0x5b: {  	s18 =	rddreg [dreg:$0x10];
	[sflag:s30] =	ssyncadd.s32 $0xFFFFE900  }
0x5c: {  	[spmem:s18] =	stream.linear.scatter [tilespmem:s16], [sflag:$0x4], $0x1700, $0x38;
	[tilespmem:$0x1FF80] =	vst v63  }
0x5d: {  	_ =	swait.ge [sflag:s30], $0x1700  }
0x5e: {  	[sflag:s30] =	ssyncset.done $0x0  }
0x5f: {  	s18 =	rddreg [dreg:$0x11];
	[sflag:s30] =	ssyncadd.s32 $0xFFFFE900  }
0x60: {  	[spmem:s18] =	stream.linear.scatter [tilespmem:s16], [sflag:$0x4], $0x1700, $0x38;
	[tilespmem:$0x1FF80] =	vst v63  }
0x61: {  	_ =	swait.ge [sflag:s30], $0x1700  }
0x62: {  	[sflag:s30] =	ssyncset.done $0x0  }
0x63: {  	s18 =	rddreg [dreg:$0x12];
	[sflag:s30] =	ssyncadd.s32 $0xFFFFE900  }
0x64: {  	[spmem:s18] =	stream.linear.scatter [tilespmem:s16], [sflag:$0x4], $0x1700, $0x38;
	[tilespmem:$0x1FF80] =	vst v63  }
0x65: {  	_ =	swait.ge [sflag:s30], $0x1700  }
0x66: {  	[sflag:s30] =	ssyncset.done $0x0  }
0x67: {  	s18 =	rddreg [dreg:$0x13];
	[sflag:s30] =	ssyncadd.s32 $0xFFFFE900  }
0x68: {  	[spmem:s18] =	stream.linear.scatter [tilespmem:s16], [sflag:$0x4], $0x1700, $0x38;
	[tilespmem:$0x1FF80] =	vst v63  }
0x69: {  	_ =	swait.ge [sflag:s30], $0x1700  }
0x6a: {  	[sflag:s30] =	ssyncset.done $0x0  }
0x6b: {  	s18 =	rddreg [dreg:$0x14];
	[sflag:s30] =	ssyncadd.s32 $0xFFFFE900  }
0x6c: {  	[spmem:s18] =	stream.linear.scatter [tilespmem:s16], [sflag:$0x4], $0x1700, $0x38;
	[tilespmem:$0x1FF80] =	vst v63  }
0x6d: {  	_ =	swait.ge [sflag:s30], $0x1700  }
0x6e: {  	[sflag:s30] =	ssyncset.done $0x0  }
0x6f: {  	[sflag:s30] =	ssyncadd.s32 $0xFFFFE900  }
0x70: {  	[bflag:$0x0] =	sbarrier.arrive $0xFFFF  }
0x71: {  	s16 =	rddreg [dreg:$0x3]  }
0x72: {  	s14 =	sadd.s32 $0x0, s16  }
0x73: {  	[tilespmem:s31], [sflag:$0x4] =	stream.linear.gather [hbm4b:s14+s4], $0x9C0, $0x38;
	[tilespmem:$0x1FF80] =	vst v63  }
0x74: {  	_ =	swait.ge [sflag:s30], $0x9C0  }
0x75: {  	[sflag:s30] =	ssyncset.done $0x0  }
0x76: {  	s18 =	sadd.s32 $0x0, s26;
	[sflag:s30] =	ssyncadd.s32 $0xFFFFF640  }
0x77: {  	[tilespmem:s1], [sflag:$0x4] =	stream.linear.gather [hbm4b:s18+s4], $0x9C0, $0x38;
	[tilespmem:$0x1FF80] =	vst v63  }
0x78: {  	_ =	swait.ge [sflag:s30], $0x9C0  }
0x79: {  	[sflag:s30] =	ssyncset.done $0x0  }
0x7a: {  	[sflag:s30] =	ssyncadd.s32 $0xFFFFF640  }
0x7b: {  	[tilespmem:s2], [sflag:$0x1] =	stream.indirect.gather [hbm4b:s28+s0], $0x20, s31, s0, $0xb8;
	[tilespmem:$0x1FF80] =	vst v63  }
0x7c: {  	s16 =	simm.s32 $0x187D0  }
0x7d: {  	[tilespmem:s23], [sflag:$0x2] =	stream.indirect.gather [hbm4b:s28+s0], $0x20, s16, s0, $0xb8;
	[tilespmem:$0x1FF80] =	vst v63  }
0x7e: {  	_ = 	snop  }
0x7f: {  	[tilespmem:s25], [sflag:$0x3] =	stream.indirect.gather [hbm4b:s28+s0], $0x20, s20, s0, $0xb8;
	[tilespmem:$0x1FF80] =	vst v63  }
0x80: {  	_ =	swait.ge [sflag:s5], $0x1A00  }
0x81: {  	[sflag:s5] =	ssyncset.done $0x0  }
0x82: {  	[sflag:s5] =	ssyncadd.s32 $0xFFFFE600  }
0x83: {  	[spmem:s3] =	stream.indirect.scatter.add.bf16 [tilespmem:s2], [sflag:$0x4], $0x20, s1, s0, $0xb8;
	[tilespmem:$0x1FF80] =	vst v63  }
0x84: {  	_ =	swait.ge [sflag:s30], $0x1A00  }
0x85: {  	[sflag:s30] =	ssyncset.done $0x0  }
0x86: {  	[sflag:s30] =	ssyncadd.s32 $0xFFFFE600  }
0x87: {  	[tilespmem:s2], [sflag:$0x1] =	stream.indirect.gather [hbm4b:s28+s0], $0x20, s6, s0, $0xb8;
	[tilespmem:$0x1FF80] =	vst v63  }
0x88: {  	_ =	swait.ge [sflag:s7], $0x1A00  }
0x89: {  	[sflag:s7] =	ssyncset.done $0x0  }
0x8a: {  	[sflag:s7] =	ssyncadd.s32 $0xFFFFE600  }
0x8b: {  	[spmem:s3] =	stream.indirect.scatter.add.bf16 [tilespmem:s23], [sflag:$0x4], $0x20, s8, s0, $0xb8;
	[tilespmem:$0x1FF80] =	vst v63  }
0x8c: {  	_ =	swait.ge [sflag:s30], $0x1A00  }
0x8d: {  	[sflag:s30] =	ssyncset.done $0x0  }
0x8e: {  	[sflag:s30] =	ssyncadd.s32 $0xFFFFE600  }
0x8f: {  	[tilespmem:s23], [sflag:$0x2] =	stream.indirect.gather [hbm4b:s28+s0], $0x20, s24, s0, $0xb8;
	[tilespmem:$0x1FF80] =	vst v63  }
0x90: {  	_ =	swait.ge [sflag:s10], $0x1A00  }
0x91: {  	[sflag:s10] =	ssyncset.done $0x0  }
0x92: {  	[sflag:s10] =	ssyncadd.s32 $0xFFFFE600  }
0x93: {  	[spmem:s3] =	stream.indirect.scatter.add.bf16 [tilespmem:s25], [sflag:$0x4], $0x20, s11, s0, $0xb8;
	[tilespmem:$0x1FF80] =	vst v63  }
0x94: {  	_ =	swait.ge [sflag:s30], $0x1A00  }
0x95: {  	[sflag:s30] =	ssyncset.done $0x0  }
0x96: {  	s18 =	simm.s32 $0x18B10;
	[sflag:s30] =	ssyncadd.s32 $0xFFFFE600  }
0x97: {  	[tilespmem:s25], [sflag:$0x3] =	stream.indirect.gather [hbm4b:s28+s0], $0x20, s18, s0, $0xb8;
	[tilespmem:$0x1FF80] =	vst v63  }
0x98: {  	_ =	swait.ge [sflag:s5], $0x1A00  }
0x99: {  	[sflag:s5] =	ssyncset.done $0x0  }
0x9a: {  	[sflag:s5] =	ssyncadd.s32 $0xFFFFE600  }
0x9b: {  	[spmem:s3] =	stream.indirect.scatter.add.bf16 [tilespmem:s2], [sflag:$0x4], $0x20, s15, s0, $0xb8;
	[tilespmem:$0x1FF80] =	vst v63  }
0x9c: {  	_ =	swait.ge [sflag:s30], $0x1A00  }
0x9d: {  	[sflag:s30] =	ssyncset.done $0x0  }
0x9e: {  	s16 =	simm.s32 $0x18BE0;
	[sflag:s30] =	ssyncadd.s32 $0xFFFFE600  }
0x9f: {  	[tilespmem:s2], [sflag:$0x1] =	stream.indirect.gather [hbm4b:s28+s0], $0x20, s16, s0, $0xb8;
	[tilespmem:$0x1FF80] =	vst v63  }
0xa0: {  	_ =	swait.ge [sflag:s7], $0x1A00  }
0xa1: {  	[sflag:s7] =	ssyncset.done $0x0  }
0xa2: {  	[sflag:s7] =	ssyncadd.s32 $0xFFFFE600  }
0xa3: {  	[spmem:s3] =	stream.indirect.scatter.add.bf16 [tilespmem:s23], [sflag:$0x4], $0x20, s19, s0, $0xb8;
	[tilespmem:$0x1FF80] =	vst v63  }
0xa4: {  	_ =	swait.ge [sflag:s30], $0x1A00  }
0xa5: {  	[sflag:s30] =	ssyncset.done $0x0  }
0xa6: {  	s18 =	simm.s32 $0x18CB0;
	[sflag:s30] =	ssyncadd.s32 $0xFFFFE600  }
0xa7: {  	[tilespmem:s23], [sflag:$0x2] =	stream.indirect.gather [hbm4b:s28+s0], $0x20, s18, s0, $0xb8;
	[tilespmem:$0x1FF80] =	vst v63  }
0xa8: {  	_ =	swait.ge [sflag:s10], $0x1A00  }
0xa9: {  	[sflag:s10] =	ssyncset.done $0x0  }
0xaa: {  	[sflag:s10] =	ssyncadd.s32 $0xFFFFE600  }
0xab: {  	[spmem:s3] =	stream.indirect.scatter.add.bf16 [tilespmem:s25], [sflag:$0x4], $0x20, s22, s0, $0xb8;
	[tilespmem:$0x1FF80] =	vst v63  }
0xac: {  	_ =	swait.ge [sflag:s30], $0x1A00  }
0xad: {  	[sflag:s30] =	ssyncset.done $0x0  }
0xae: {  	s16 =	simm.s32 $0x18D80;
	[sflag:s30] =	ssyncadd.s32 $0xFFFFE600  }
0xaf: {  	[tilespmem:s25], [sflag:$0x3] =	stream.indirect.gather [hbm4b:s28+s0], $0x20, s16, s0, $0xb8;
	[tilespmem:$0x1FF80] =	vst v63  }
0xb0: {  	_ =	swait.ge [sflag:s5], $0x1A00  }
0xb1: {  	[sflag:s5] =	ssyncset.done $0x0  }
0xb2: {  	[sflag:s5] =	ssyncadd.s32 $0xFFFFE600  }
0xb3: {  	[spmem:s3] =	stream.indirect.scatter.add.bf16 [tilespmem:s2], [sflag:$0x4], $0x20, s9, s0, $0xb8;
	[tilespmem:$0x1FF80] =	vst v63  }
0xb4: {  	_ =	swait.ge [sflag:s30], $0x1A00  }
0xb5: {  	[sflag:s30] =	ssyncset.done $0x0  }
0xb6: {  	s18 =	simm.s32 $0x18E50;
	[sflag:s30] =	ssyncadd.s32 $0xFFFFE600  }
0xb7: {  	[tilespmem:s2], [sflag:$0x1] =	stream.indirect.gather [hbm4b:s28+s0], $0x20, s18, s0, $0xb8;
	[tilespmem:$0x1FF80] =	vst v63  }
0xb8: {  	_ =	swait.ge [sflag:s7], $0x1A00  }
0xb9: {  	[sflag:s7] =	ssyncset.done $0x0  }
0xba: {  	[sflag:s7] =	ssyncadd.s32 $0xFFFFE600  }
0xbb: {  	[spmem:s3] =	stream.indirect.scatter.add.bf16 [tilespmem:s23], [sflag:$0x4], $0x20, s12, s0, $0xb8;
	[tilespmem:$0x1FF80] =	vst v63  }
0xbc: {  	_ =	swait.ge [sflag:s30], $0x1A00  }
0xbd: {  	[sflag:s30] =	ssyncset.done $0x0  }
0xbe: {  	s16 =	simm.s32 $0x18F20;
	[sflag:s30] =	ssyncadd.s32 $0xFFFFE600  }
0xbf: {  	[tilespmem:s23], [sflag:$0x2] =	stream.indirect.gather [hbm4b:s28+s0], $0x20, s16, s0, $0xb8;
	[tilespmem:$0x1FF80] =	vst v63  }
0xc0: {  	_ =	swait.ge [sflag:s10], $0x1A00  }
0xc1: {  	[sflag:s10] =	ssyncset.done $0x0  }
0xc2: {  	[sflag:s10] =	ssyncadd.s32 $0xFFFFE600  }
0xc3: {  	[spmem:s3] =	stream.indirect.scatter.add.bf16 [tilespmem:s25], [sflag:$0x4], $0x20, s13, s0, $0xb8;
	[tilespmem:$0x1FF80] =	vst v63  }
0xc4: {  	_ =	swait.ge [sflag:s30], $0x1A00  }
0xc5: {  	[sflag:s30] =	ssyncset.done $0x0  }
0xc6: {  	s18 =	simm.s32 $0x18FF0;
	[sflag:s30] =	ssyncadd.s32 $0xFFFFE600  }
0xc7: {  	[tilespmem:s25], [sflag:$0x3] =	stream.indirect.gather [hbm4b:s28+s0], $0x20, s18, s0, $0xb8;
	[tilespmem:$0x1FF80] =	vst v63  }
0xc8: {  	_ =	swait.ge [sflag:s5], $0x1A00  }
0xc9: {  	[sflag:s5] =	ssyncset.done $0x0  }
0xca: {  	[sflag:s5] =	ssyncadd.s32 $0xFFFFE600  }
0xcb: {  	[spmem:s3] =	stream.indirect.scatter.add.bf16 [tilespmem:s2], [sflag:$0x4], $0x20, s17, s0, $0xb8;
	[tilespmem:$0x1FF80] =	vst v63  }
0xcc: {  	_ =	swait.ge [sflag:s30], $0x1A00  }
0xcd: {  	[sflag:s30] =	ssyncset.done $0x0  }
0xce: {  	[sflag:s30] =	ssyncadd.s32 $0xFFFFE600  }
0xcf: {  	_ =	swait.ge [sflag:s7], $0x1A00  }
0xd0: {  	[sflag:s7] =	ssyncset.done $0x0  }
0xd1: {  	[sflag:s7] =	ssyncadd.s32 $0xFFFFE600  }
0xd2: {  	[spmem:s3] =	stream.indirect.scatter.add.bf16 [tilespmem:s23], [sflag:$0x4], $0x20, s21, s0, $0xb8;
	[tilespmem:$0x1FF80] =	vst v63  }
0xd3: {  	_ =	swait.ge [sflag:s30], $0x1A00  }
0xd4: {  	[sflag:s30] =	ssyncset.done $0x0  }
0xd5: {  	[sflag:s30] =	ssyncadd.s32 $0xFFFFE600  }
0xd6: {  	_ =	swait.ge [sflag:s10], $0x1A00  }
0xd7: {  	[sflag:s10] =	ssyncset.done $0x0  }
0xd8: {  	[sflag:s10] =	ssyncadd.s32 $0xFFFFE600  }
0xd9: {  	[spmem:s3] =	stream.indirect.scatter.add.bf16 [tilespmem:s25], [sflag:$0x4], $0x20, s29, s0, $0xb8;
	[tilespmem:$0x1FF80] =	vst v63  }
0xda: {  	s14 =	simm.s32 $0x138;
	_ =	swait.ge [sflag:s30], $0x1A00  }
.LBB2_2:
0xdb: {  	s16 =	rddreg [dreg:$0x3];
	s18 =	smov.u32 s14;
	[sflag:s30] =	ssyncset.done $0x0  }
0xdc: {  	s16 =	sadd.s32 s18, s16;
	[sflag:s30] =	ssyncadd.s32 $0xFFFFE600  }
0xdd: {  	[tilespmem:s31], [sflag:$0x4] =	stream.linear.gather [hbm4b:s16+s4], $0x9C0, $0x38;
	[tilespmem:$0x1FF80] =	vst v63  }
0xde: {  	_ =	swait.ge [sflag:s30], $0x9C0  }
0xdf: {  	[sflag:s30] =	ssyncset.done $0x0  }
0xe0: {  	s16 =	sadd.s32 s18, s26;
	[sflag:s30] =	ssyncadd.s32 $0xFFFFF640  }
0xe1: {  	[tilespmem:s1], [sflag:$0x4] =	stream.linear.gather [hbm4b:s16+s4], $0x9C0, $0x38;
	[tilespmem:$0x1FF80] =	vst v63  }
0xe2: {  	_ =	swait.ge [sflag:s30], $0x9C0  }
0xe3: {  	[sflag:s30] =	ssyncset.done $0x0  }
0xe4: {  	[sflag:s30] =	ssyncadd.s32 $0xFFFFF640  }
0xe5: {  	[tilespmem:s2], [sflag:$0x1] =	stream.indirect.gather [hbm4b:s28+s0], $0x20, s31, s0, $0xb8;
	[tilespmem:$0x1FF80] =	vst v63  }
0xe6: {  	s18 =	simm.s32 $0x187D0  }
0xe7: {  	[tilespmem:s23], [sflag:$0x2] =	stream.indirect.gather [hbm4b:s28+s0], $0x20, s18, s0, $0xb8;
	[tilespmem:$0x1FF80] =	vst v63  }
0xe8: {  	_ = 	snop  }
0xe9: {  	[tilespmem:s25], [sflag:$0x3] =	stream.indirect.gather [hbm4b:s28+s0], $0x20, s20, s0, $0xb8;
	[tilespmem:$0x1FF80] =	vst v63  }
0xea: {  	_ =	swait.ge [sflag:s5], $0x1A00  }
0xeb: {  	[sflag:s5] =	ssyncset.done $0x0  }
0xec: {  	[sflag:s5] =	ssyncadd.s32 $0xFFFFE600  }
0xed: {  	[spmem:s3] =	stream.indirect.scatter.add.bf16 [tilespmem:s2], [sflag:$0x4], $0x20, s1, s0, $0xb8;
	[tilespmem:$0x1FF80] =	vst v63  }
0xee: {  	_ =	swait.ge [sflag:s30], $0x1A00  }
0xef: {  	[sflag:s30] =	ssyncset.done $0x0  }
0xf0: {  	[sflag:s30] =	ssyncadd.s32 $0xFFFFE600  }
0xf1: {  	[tilespmem:s2], [sflag:$0x1] =	stream.indirect.gather [hbm4b:s28+s0], $0x20, s6, s0, $0xb8;
	[tilespmem:$0x1FF80] =	vst v63  }
0xf2: {  	_ =	swait.ge [sflag:s7], $0x1A00  }
0xf3: {  	[sflag:s7] =	ssyncset.done $0x0  }
0xf4: {  	[sflag:s7] =	ssyncadd.s32 $0xFFFFE600  }
0xf5: {  	[spmem:s3] =	stream.indirect.scatter.add.bf16 [tilespmem:s23], [sflag:$0x4], $0x20, s8, s0, $0xb8;
	[tilespmem:$0x1FF80] =	vst v63  }
0xf6: {  	_ =	swait.ge [sflag:s30], $0x1A00  }
0xf7: {  	[sflag:s30] =	ssyncset.done $0x0  }
0xf8: {  	[sflag:s30] =	ssyncadd.s32 $0xFFFFE600  }
0xf9: {  	[tilespmem:s23], [sflag:$0x2] =	stream.indirect.gather [hbm4b:s28+s0], $0x20, s24, s0, $0xb8;
	[tilespmem:$0x1FF80] =	vst v63  }
0xfa: {  	_ =	swait.ge [sflag:s10], $0x1A00  }
0xfb: {  	[sflag:s10] =	ssyncset.done $0x0  }
0xfc: {  	[sflag:s10] =	ssyncadd.s32 $0xFFFFE600  }
0xfd: {  	[spmem:s3] =	stream.indirect.scatter.add.bf16 [tilespmem:s25], [sflag:$0x4], $0x20, s11, s0, $0xb8;
	[tilespmem:$0x1FF80] =	vst v63  }
0xfe: {  	_ =	swait.ge [sflag:s30], $0x1A00  }
0xff: {  	[sflag:s30] =	ssyncset.done $0x0  }
0x100: {  	s16 =	simm.s32 $0x18B10;
	[sflag:s30] =	ssyncadd.s32 $0xFFFFE600  }
0x101: {  	[tilespmem:s25], [sflag:$0x3] =	stream.indirect.gather [hbm4b:s28+s0], $0x20, s16, s0, $0xb8;
	[tilespmem:$0x1FF80] =	vst v63  }
0x102: {  	_ =	swait.ge [sflag:s5], $0x1A00  }
0x103: {  	[sflag:s5] =	ssyncset.done $0x0  }
0x104: {  	[sflag:s5] =	ssyncadd.s32 $0xFFFFE600  }
0x105: {  	[spmem:s3] =	stream.indirect.scatter.add.bf16 [tilespmem:s2], [sflag:$0x4], $0x20, s15, s0, $0xb8;
	[tilespmem:$0x1FF80] =	vst v63  }
0x106: {  	_ =	swait.ge [sflag:s30], $0x1A00  }
0x107: {  	[sflag:s30] =	ssyncset.done $0x0  }
0x108: {  	s16 =	simm.s32 $0x18BE0;
	[sflag:s30] =	ssyncadd.s32 $0xFFFFE600  }
0x109: {  	[tilespmem:s2], [sflag:$0x1] =	stream.indirect.gather [hbm4b:s28+s0], $0x20, s16, s0, $0xb8;
	[tilespmem:$0x1FF80] =	vst v63  }
0x10a: {  	_ =	swait.ge [sflag:s7], $0x1A00  }
0x10b: {  	[sflag:s7] =	ssyncset.done $0x0  }
0x10c: {  	[sflag:s7] =	ssyncadd.s32 $0xFFFFE600  }
0x10d: {  	[spmem:s3] =	stream.indirect.scatter.add.bf16 [tilespmem:s23], [sflag:$0x4], $0x20, s19, s0, $0xb8;
	[tilespmem:$0x1FF80] =	vst v63  }
0x10e: {  	_ =	swait.ge [sflag:s30], $0x1A00  }
0x10f: {  	[sflag:s30] =	ssyncset.done $0x0  }
0x110: {  	s16 =	simm.s32 $0x18CB0;
	[sflag:s30] =	ssyncadd.s32 $0xFFFFE600  }
0x111: {  	[tilespmem:s23], [sflag:$0x2] =	stream.indirect.gather [hbm4b:s28+s0], $0x20, s16, s0, $0xb8;
	[tilespmem:$0x1FF80] =	vst v63  }
0x112: {  	_ =	swait.ge [sflag:s10], $0x1A00  }
0x113: {  	[sflag:s10] =	ssyncset.done $0x0  }
0x114: {  	[sflag:s10] =	ssyncadd.s32 $0xFFFFE600  }
0x115: {  	[spmem:s3] =	stream.indirect.scatter.add.bf16 [tilespmem:s25], [sflag:$0x4], $0x20, s22, s0, $0xb8;
	[tilespmem:$0x1FF80] =	vst v63  }
0x116: {  	_ =	swait.ge [sflag:s30], $0x1A00  }
0x117: {  	[sflag:s30] =	ssyncset.done $0x0  }
0x118: {  	s16 =	simm.s32 $0x18D80;
	[sflag:s30] =	ssyncadd.s32 $0xFFFFE600  }
0x119: {  	[tilespmem:s25], [sflag:$0x3] =	stream.indirect.gather [hbm4b:s28+s0], $0x20, s16, s0, $0xb8;
	[tilespmem:$0x1FF80] =	vst v63  }
0x11a: {  	_ =	swait.ge [sflag:s5], $0x1A00  }
0x11b: {  	[sflag:s5] =	ssyncset.done $0x0  }
0x11c: {  	[sflag:s5] =	ssyncadd.s32 $0xFFFFE600  }
0x11d: {  	[spmem:s3] =	stream.indirect.scatter.add.bf16 [tilespmem:s2], [sflag:$0x4], $0x20, s9, s0, $0xb8;
	[tilespmem:$0x1FF80] =	vst v63  }
0x11e: {  	_ =	swait.ge [sflag:s30], $0x1A00  }
0x11f: {  	[sflag:s30] =	ssyncset.done $0x0  }
0x120: {  	s16 =	simm.s32 $0x18E50;
	[sflag:s30] =	ssyncadd.s32 $0xFFFFE600  }
0x121: {  	[tilespmem:s2], [sflag:$0x1] =	stream.indirect.gather [hbm4b:s28+s0], $0x20, s16, s0, $0xb8;
	[tilespmem:$0x1FF80] =	vst v63  }
0x122: {  	_ =	swait.ge [sflag:s7], $0x1A00  }
0x123: {  	[sflag:s7] =	ssyncset.done $0x0  }
0x124: {  	[sflag:s7] =	ssyncadd.s32 $0xFFFFE600  }
0x125: {  	[spmem:s3] =	stream.indirect.scatter.add.bf16 [tilespmem:s23], [sflag:$0x4], $0x20, s12, s0, $0xb8;
	[tilespmem:$0x1FF80] =	vst v63  }
0x126: {  	_ =	swait.ge [sflag:s30], $0x1A00  }
0x127: {  	[sflag:s30] =	ssyncset.done $0x0  }
0x128: {  	s16 =	simm.s32 $0x18F20;
	[sflag:s30] =	ssyncadd.s32 $0xFFFFE600  }
0x129: {  	[tilespmem:s23], [sflag:$0x2] =	stream.indirect.gather [hbm4b:s28+s0], $0x20, s16, s0, $0xb8;
	[tilespmem:$0x1FF80] =	vst v63  }
0x12a: {  	_ =	swait.ge [sflag:s10], $0x1A00  }
0x12b: {  	[sflag:s10] =	ssyncset.done $0x0  }
0x12c: {  	[sflag:s10] =	ssyncadd.s32 $0xFFFFE600  }
0x12d: {  	[spmem:s3] =	stream.indirect.scatter.add.bf16 [tilespmem:s25], [sflag:$0x4], $0x20, s13, s0, $0xb8;
	[tilespmem:$0x1FF80] =	vst v63  }
0x12e: {  	_ =	swait.ge [sflag:s30], $0x1A00  }
0x12f: {  	[sflag:s30] =	ssyncset.done $0x0  }
0x130: {  	s16 =	simm.s32 $0x18FF0;
	[sflag:s30] =	ssyncadd.s32 $0xFFFFE600  }
0x131: {  	[tilespmem:s25], [sflag:$0x3] =	stream.indirect.gather [hbm4b:s28+s0], $0x20, s16, s0, $0xb8;
	[tilespmem:$0x1FF80] =	vst v63  }
0x132: {  	_ =	swait.ge [sflag:s5], $0x1A00  }
0x133: {  	[sflag:s5] =	ssyncset.done $0x0  }
0x134: {  	[sflag:s5] =	ssyncadd.s32 $0xFFFFE600  }
0x135: {  	[spmem:s3] =	stream.indirect.scatter.add.bf16 [tilespmem:s2], [sflag:$0x4], $0x20, s17, s0, $0xb8;
	[tilespmem:$0x1FF80] =	vst v63  }
0x136: {  	_ =	swait.ge [sflag:s30], $0x1A00  }
0x137: {  	[sflag:s30] =	ssyncset.done $0x0  }
0x138: {  	[sflag:s30] =	ssyncadd.s32 $0xFFFFE600  }
0x139: {  	_ =	swait.ge [sflag:s7], $0x1A00  }
0x13a: {  	[sflag:s7] =	ssyncset.done $0x0  }
0x13b: {  	[sflag:s7] =	ssyncadd.s32 $0xFFFFE600  }
0x13c: {  	[spmem:s3] =	stream.indirect.scatter.add.bf16 [tilespmem:s23], [sflag:$0x4], $0x20, s21, s0, $0xb8;
	[tilespmem:$0x1FF80] =	vst v63  }
0x13d: {  	_ =	swait.ge [sflag:s30], $0x1A00  }
0x13e: {  	[sflag:s30] =	ssyncset.done $0x0  }
0x13f: {  	p0 =	sne.s32 s14, $0x3A8;
	[sflag:s30] =	ssyncadd.s32 $0xFFFFE600  }
.Ltmp0:
0x140: {  	_ =	swait.ge [sflag:s10], $0x1A00;
	(pc) =	sbr.rel @p0 .LBB2_2-.Ltmp0, $4  }
0x141: {  	[sflag:s10] =	ssyncset.done $0x0  }
0x142: {  	[sflag:s10] =	ssyncadd.s32 $0xFFFFE600  }
0x143: {  	[spmem:s3] =	stream.indirect.scatter.add.bf16 [tilespmem:s25], [sflag:$0x4], $0x20, s29, s0, $0xb8;
	[tilespmem:$0x1FF80] =	vst v63  }
0x144: {  	s14 =	sadd.s32 $0x138, s14;
	_ =	swait.ge [sflag:s30], $0x1A00  }
0x145: {  	[sflag:s30] =	ssyncset.done $0x0;
	s14 =	stileid.u32  }
0x146: {  	[sflag:s30] =	ssyncadd.s32 $0xFFFFE600;
	s14 =	sshll.u32 s14, $0x6  }
0x147: {  	[bflag:$0x0] =	sbarrier.arrive $0xFFFF;
	s14 =	sor.u32 $0x1C04, s14  }
0x148: {  	[dreg:$0x1b] =	wrdreg s14  }
0x149: {  	s24 =	rddreg [dreg:$0x15]  }
0x14a: {  	s16 =	rddreg [dreg:$0x16]  }
0x14b: {  	s14 =	sshrl.u32 s24, $0x3;
	s24 =	rddreg [dreg:$0x1b]  }
0x14c: {  	[dreg:$0x1c] =	wrdreg s14  }
0x14d: {  	s14 =	simm.s32 $0x8;
	s6 =	rddreg [dreg:$0x1c]  }
0x14e: {  	[hbm:s16@s14], [sflag:s24] =	dma.strided [spmem:s6@s30], $0x30E0, s5, $0x4   }
0x14f: {  	_ =	swait.ge [sflag:s30], $0x30E0  }
0x150: {  	[sflag:s30] =	ssyncset.done $0x0  }
0x151: {  	s16 =	simm.s32 $0x1E880;
	s6 =	rddreg [dreg:$0x15];
	[sflag:s30] =	ssyncadd.s32 $0xFFFFCF20  }
0x152: {  	[spmem:s6] =	stream.linear.scatter [tilespmem:s16], [sflag:$0x4], $0x1700, $0x38;
	[tilespmem:$0x1FF80] =	vst v63  }
0x153: {  	_ =	swait.ge [sflag:s30], $0x1700  }
0x154: {  	[sflag:s30] =	ssyncset.done $0x0  }
0x155: {  	s24 =	rddreg [dreg:$0x5];
	[sflag:s30] =	ssyncadd.s32 $0xFFFFE900  }
0x156: {  	[spmem:s24] =	stream.linear.scatter [tilespmem:s16], [sflag:$0x4], $0x1700, $0x38;
	[tilespmem:$0x1FF80] =	vst v63  }
0x157: {  	_ =	swait.ge [sflag:s30], $0x1700  }
0x158: {  	[sflag:s30] =	ssyncset.done $0x0  }
0x159: {  	s6 =	rddreg [dreg:$0x6];
	[sflag:s30] =	ssyncadd.s32 $0xFFFFE900  }
0x15a: {  	[spmem:s6] =	stream.linear.scatter [tilespmem:s16], [sflag:$0x4], $0x1700, $0x38;
	[tilespmem:$0x1FF80] =	vst v63  }
0x15b: {  	_ =	swait.ge [sflag:s30], $0x1700  }
0x15c: {  	[sflag:s30] =	ssyncset.done $0x0  }
0x15d: {  	s24 =	rddreg [dreg:$0x7];
	[sflag:s30] =	ssyncadd.s32 $0xFFFFE900  }
0x15e: {  	[spmem:s24] =	stream.linear.scatter [tilespmem:s16], [sflag:$0x4], $0x1700, $0x38;
	[tilespmem:$0x1FF80] =	vst v63  }
0x15f: {  	_ =	swait.ge [sflag:s30], $0x1700  }
0x160: {  	[sflag:s30] =	ssyncset.done $0x0  }
0x161: {  	s6 =	rddreg [dreg:$0x8];
	[sflag:s30] =	ssyncadd.s32 $0xFFFFE900  }
0x162: {  	[spmem:s6] =	stream.linear.scatter [tilespmem:s16], [sflag:$0x4], $0x1700, $0x38;
	[tilespmem:$0x1FF80] =	vst v63  }
0x163: {  	_ =	swait.ge [sflag:s30], $0x1700  }
0x164: {  	[sflag:s30] =	ssyncset.done $0x0  }
0x165: {  	s24 =	rddreg [dreg:$0x9];
	[sflag:s30] =	ssyncadd.s32 $0xFFFFE900  }
0x166: {  	[spmem:s24] =	stream.linear.scatter [tilespmem:s16], [sflag:$0x4], $0x1700, $0x38;
	[tilespmem:$0x1FF80] =	vst v63  }
0x167: {  	_ =	swait.ge [sflag:s30], $0x1700  }
0x168: {  	[sflag:s30] =	ssyncset.done $0x0  }
0x169: {  	s6 =	rddreg [dreg:$0xa];
	[sflag:s30] =	ssyncadd.s32 $0xFFFFE900  }
0x16a: {  	[spmem:s6] =	stream.linear.scatter [tilespmem:s16], [sflag:$0x4], $0x1700, $0x38;
	[tilespmem:$0x1FF80] =	vst v63  }
0x16b: {  	_ =	swait.ge [sflag:s30], $0x1700  }
0x16c: {  	[sflag:s30] =	ssyncset.done $0x0  }
0x16d: {  	s24 =	rddreg [dreg:$0xb];
	[sflag:s30] =	ssyncadd.s32 $0xFFFFE900  }
0x16e: {  	[spmem:s24] =	stream.linear.scatter [tilespmem:s16], [sflag:$0x4], $0x1700, $0x38;
	[tilespmem:$0x1FF80] =	vst v63  }
0x16f: {  	_ =	swait.ge [sflag:s30], $0x1700  }
0x170: {  	[sflag:s30] =	ssyncset.done $0x0  }
0x171: {  	s6 =	rddreg [dreg:$0xc];
	[sflag:s30] =	ssyncadd.s32 $0xFFFFE900  }
0x172: {  	[spmem:s6] =	stream.linear.scatter [tilespmem:s16], [sflag:$0x4], $0x1700, $0x38;
	[tilespmem:$0x1FF80] =	vst v63  }
0x173: {  	_ =	swait.ge [sflag:s30], $0x1700  }
0x174: {  	[sflag:s30] =	ssyncset.done $0x0  }
0x175: {  	s24 =	rddreg [dreg:$0xd];
	[sflag:s30] =	ssyncadd.s32 $0xFFFFE900  }
0x176: {  	[spmem:s24] =	stream.linear.scatter [tilespmem:s16], [sflag:$0x4], $0x1700, $0x38;
	[tilespmem:$0x1FF80] =	vst v63  }
0x177: {  	_ =	swait.ge [sflag:s30], $0x1700  }
0x178: {  	[sflag:s30] =	ssyncset.done $0x0  }
0x179: {  	s6 =	rddreg [dreg:$0xe];
	[sflag:s30] =	ssyncadd.s32 $0xFFFFE900  }
0x17a: {  	[spmem:s6] =	stream.linear.scatter [tilespmem:s16], [sflag:$0x4], $0x1700, $0x38;
	[tilespmem:$0x1FF80] =	vst v63  }
0x17b: {  	_ =	swait.ge [sflag:s30], $0x1700  }
0x17c: {  	[sflag:s30] =	ssyncset.done $0x0  }
0x17d: {  	s24 =	rddreg [dreg:$0xf];
	[sflag:s30] =	ssyncadd.s32 $0xFFFFE900  }
0x17e: {  	[spmem:s24] =	stream.linear.scatter [tilespmem:s16], [sflag:$0x4], $0x1700, $0x38;
	[tilespmem:$0x1FF80] =	vst v63  }
0x17f: {  	_ =	swait.ge [sflag:s30], $0x1700  }
0x180: {  	[sflag:s30] =	ssyncset.done $0x0  }
0x181: {  	s6 =	rddreg [dreg:$0x10];
	[sflag:s30] =	ssyncadd.s32 $0xFFFFE900  }
0x182: {  	[spmem:s6] =	stream.linear.scatter [tilespmem:s16], [sflag:$0x4], $0x1700, $0x38;
	[tilespmem:$0x1FF80] =	vst v63  }
0x183: {  	_ =	swait.ge [sflag:s30], $0x1700  }
0x184: {  	[sflag:s30] =	ssyncset.done $0x0  }
0x185: {  	s24 =	rddreg [dreg:$0x11];
	[sflag:s30] =	ssyncadd.s32 $0xFFFFE900  }
0x186: {  	[spmem:s24] =	stream.linear.scatter [tilespmem:s16], [sflag:$0x4], $0x1700, $0x38;
	[tilespmem:$0x1FF80] =	vst v63  }
0x187: {  	_ =	swait.ge [sflag:s30], $0x1700  }
0x188: {  	[sflag:s30] =	ssyncset.done $0x0  }
0x189: {  	s6 =	rddreg [dreg:$0x12];
	[sflag:s30] =	ssyncadd.s32 $0xFFFFE900  }
0x18a: {  	[spmem:s6] =	stream.linear.scatter [tilespmem:s16], [sflag:$0x4], $0x1700, $0x38;
	[tilespmem:$0x1FF80] =	vst v63  }
0x18b: {  	_ =	swait.ge [sflag:s30], $0x1700  }
0x18c: {  	[sflag:s30] =	ssyncset.done $0x0  }
0x18d: {  	s24 =	rddreg [dreg:$0x13];
	[sflag:s30] =	ssyncadd.s32 $0xFFFFE900  }
0x18e: {  	[spmem:s24] =	stream.linear.scatter [tilespmem:s16], [sflag:$0x4], $0x1700, $0x38;
	[tilespmem:$0x1FF80] =	vst v63  }
0x18f: {  	_ =	swait.ge [sflag:s30], $0x1700  }
0x190: {  	[sflag:s30] =	ssyncset.done $0x0  }
0x191: {  	s6 =	rddreg [dreg:$0x14];
	[sflag:s30] =	ssyncadd.s32 $0xFFFFE900  }
0x192: {  	[spmem:s6] =	stream.linear.scatter [tilespmem:s16], [sflag:$0x4], $0x1700, $0x38;
	[tilespmem:$0x1FF80] =	vst v63  }
0x193: {  	_ =	swait.ge [sflag:s30], $0x1700  }
0x194: {  	[sflag:s30] =	ssyncset.done $0x0  }
0x195: {  	[sflag:s30] =	ssyncadd.s32 $0xFFFFE900  }
0x196: {  	[bflag:$0x0] =	sbarrier.arrive $0xFFFF  }
0x197: {  	s16 =	rddreg [dreg:$0x4]  }
0x198: {  	s14 =	sadd.s32 $0x0, s16  }
0x199: {  	[tilespmem:s31], [sflag:$0x4] =	stream.linear.gather [hbm4b:s14+s4], $0x9C0, $0x38;
	[tilespmem:$0x1FF80] =	vst v63  }
0x19a: {  	_ =	swait.ge [sflag:s30], $0x9C0  }
0x19b: {  	[sflag:s30] =	ssyncset.done $0x0  }
0x19c: {  	s24 =	sadd.s32 $0x0, s26;
	[sflag:s30] =	ssyncadd.s32 $0xFFFFF640  }
0x19d: {  	[tilespmem:s1], [sflag:$0x4] =	stream.linear.gather [hbm4b:s24+s4], $0x9C0, $0x38;
	[tilespmem:$0x1FF80] =	vst v63  }
0x19e: {  	_ =	swait.ge [sflag:s30], $0x9C0  }
0x19f: {  	[sflag:s30] =	ssyncset.done $0x0  }
0x1a0: {  	[sflag:s30] =	ssyncadd.s32 $0xFFFFF640  }
0x1a1: {  	[tilespmem:s2], [sflag:$0x1] =	stream.indirect.gather [hbm4b:s28+s0], $0x20, s31, s0, $0xb8;
	[tilespmem:$0x1FF80] =	vst v63  }
0x1a2: {  	_ = 	snop  }
0x1a3: {  	[tilespmem:s23], [sflag:$0x2] =	stream.indirect.gather [hbm4b:s28+s0], $0x20, s18, s0, $0xb8;
	[tilespmem:$0x1FF80] =	vst v63  }
0x1a4: {  	_ = 	snop  }
0x1a5: {  	[tilespmem:s25], [sflag:$0x3] =	stream.indirect.gather [hbm4b:s28+s0], $0x20, s20, s0, $0xb8;
	[tilespmem:$0x1FF80] =	vst v63  }
0x1a6: {  	_ =	swait.ge [sflag:s5], $0x1A00  }
0x1a7: {  	[sflag:s5] =	ssyncset.done $0x0  }
0x1a8: {  	[sflag:s5] =	ssyncadd.s32 $0xFFFFE600  }
0x1a9: {  	[spmem:s3] =	stream.indirect.scatter.add.bf16 [tilespmem:s2], [sflag:$0x4], $0x20, s1, s0, $0xb8;
	[tilespmem:$0x1FF80] =	vst v63  }
0x1aa: {  	_ =	swait.ge [sflag:s30], $0x1A00  }
0x1ab: {  	[sflag:s30] =	ssyncset.done $0x0  }
0x1ac: {  	s6 =	simm.s32 $0x18970;
	[sflag:s30] =	ssyncadd.s32 $0xFFFFE600  }
0x1ad: {  	[tilespmem:s2], [sflag:$0x1] =	stream.indirect.gather [hbm4b:s28+s0], $0x20, s6, s0, $0xb8;
	[tilespmem:$0x1FF80] =	vst v63  }
0x1ae: {  	_ =	swait.ge [sflag:s7], $0x1A00  }
0x1af: {  	[sflag:s7] =	ssyncset.done $0x0  }
0x1b0: {  	[sflag:s7] =	ssyncadd.s32 $0xFFFFE600  }
0x1b1: {  	[spmem:s3] =	stream.indirect.scatter.add.bf16 [tilespmem:s23], [sflag:$0x4], $0x20, s8, s0, $0xb8;
	[tilespmem:$0x1FF80] =	vst v63  }
0x1b2: {  	_ =	swait.ge [sflag:s30], $0x1A00  }
0x1b3: {  	[sflag:s30] =	ssyncset.done $0x0  }
0x1b4: {  	s8 =	simm.s32 $0x18A40;
	[sflag:s30] =	ssyncadd.s32 $0xFFFFE600  }
0x1b5: {  	[tilespmem:s23], [sflag:$0x2] =	stream.indirect.gather [hbm4b:s28+s0], $0x20, s8, s0, $0xb8;
	[tilespmem:$0x1FF80] =	vst v63  }
0x1b6: {  	_ =	swait.ge [sflag:s10], $0x1A00  }
0x1b7: {  	[sflag:s10] =	ssyncset.done $0x0  }
0x1b8: {  	[sflag:s10] =	ssyncadd.s32 $0xFFFFE600  }
0x1b9: {  	[spmem:s3] =	stream.indirect.scatter.add.bf16 [tilespmem:s25], [sflag:$0x4], $0x20, s11, s0, $0xb8;
	[tilespmem:$0x1FF80] =	vst v63  }
0x1ba: {  	_ =	swait.ge [sflag:s30], $0x1A00  }
0x1bb: {  	[sflag:s30] =	ssyncset.done $0x0  }
0x1bc: {  	s14 =	simm.s32 $0x18B10;
	[sflag:s30] =	ssyncadd.s32 $0xFFFFE600  }
0x1bd: {  	[tilespmem:s25], [sflag:$0x3] =	stream.indirect.gather [hbm4b:s28+s0], $0x20, s14, s0, $0xb8;
	[tilespmem:$0x1FF80] =	vst v63  }
0x1be: {  	_ =	swait.ge [sflag:s5], $0x1A00  }
0x1bf: {  	[sflag:s5] =	ssyncset.done $0x0  }
0x1c0: {  	[sflag:s5] =	ssyncadd.s32 $0xFFFFE600  }
0x1c1: {  	[spmem:s3] =	stream.indirect.scatter.add.bf16 [tilespmem:s2], [sflag:$0x4], $0x20, s15, s0, $0xb8;
	[tilespmem:$0x1FF80] =	vst v63  }
0x1c2: {  	_ =	swait.ge [sflag:s30], $0x1A00  }
0x1c3: {  	[sflag:s30] =	ssyncset.done $0x0  }
0x1c4: {  	s16 =	simm.s32 $0x18BE0;
	[sflag:s30] =	ssyncadd.s32 $0xFFFFE600  }
0x1c5: {  	[tilespmem:s2], [sflag:$0x1] =	stream.indirect.gather [hbm4b:s28+s0], $0x20, s16, s0, $0xb8;
	[tilespmem:$0x1FF80] =	vst v63  }
0x1c6: {  	_ =	swait.ge [sflag:s7], $0x1A00  }
0x1c7: {  	[sflag:s7] =	ssyncset.done $0x0  }
0x1c8: {  	[sflag:s7] =	ssyncadd.s32 $0xFFFFE600  }
0x1c9: {  	[spmem:s3] =	stream.indirect.scatter.add.bf16 [tilespmem:s23], [sflag:$0x4], $0x20, s19, s0, $0xb8;
	[tilespmem:$0x1FF80] =	vst v63  }
0x1ca: {  	_ =	swait.ge [sflag:s30], $0x1A00  }
0x1cb: {  	[sflag:s30] =	ssyncset.done $0x0  }
0x1cc: {  	s18 =	simm.s32 $0x18CB0;
	[sflag:s30] =	ssyncadd.s32 $0xFFFFE600  }
0x1cd: {  	[tilespmem:s23], [sflag:$0x2] =	stream.indirect.gather [hbm4b:s28+s0], $0x20, s18, s0, $0xb8;
	[tilespmem:$0x1FF80] =	vst v63  }
0x1ce: {  	_ =	swait.ge [sflag:s10], $0x1A00  }
0x1cf: {  	[sflag:s10] =	ssyncset.done $0x0  }
0x1d0: {  	[sflag:s10] =	ssyncadd.s32 $0xFFFFE600  }
0x1d1: {  	[spmem:s3] =	stream.indirect.scatter.add.bf16 [tilespmem:s25], [sflag:$0x4], $0x20, s22, s0, $0xb8;
	[tilespmem:$0x1FF80] =	vst v63  }
0x1d2: {  	_ =	swait.ge [sflag:s30], $0x1A00  }
0x1d3: {  	[sflag:s30] =	ssyncset.done $0x0  }
0x1d4: {  	s19 =	simm.s32 $0x18D80;
	[sflag:s30] =	ssyncadd.s32 $0xFFFFE600  }
0x1d5: {  	[tilespmem:s25], [sflag:$0x3] =	stream.indirect.gather [hbm4b:s28+s0], $0x20, s19, s0, $0xb8;
	[tilespmem:$0x1FF80] =	vst v63  }
0x1d6: {  	_ =	swait.ge [sflag:s5], $0x1A00  }
0x1d7: {  	[sflag:s5] =	ssyncset.done $0x0  }
0x1d8: {  	[sflag:s5] =	ssyncadd.s32 $0xFFFFE600  }
0x1d9: {  	[spmem:s3] =	stream.indirect.scatter.add.bf16 [tilespmem:s2], [sflag:$0x4], $0x20, s9, s0, $0xb8;
	[tilespmem:$0x1FF80] =	vst v63  }
0x1da: {  	_ =	swait.ge [sflag:s30], $0x1A00  }
0x1db: {  	[sflag:s30] =	ssyncset.done $0x0  }
0x1dc: {  	s20 =	simm.s32 $0x18E50;
	[sflag:s30] =	ssyncadd.s32 $0xFFFFE600  }
0x1dd: {  	[tilespmem:s2], [sflag:$0x1] =	stream.indirect.gather [hbm4b:s28+s0], $0x20, s20, s0, $0xb8;
	[tilespmem:$0x1FF80] =	vst v63  }
0x1de: {  	_ =	swait.ge [sflag:s7], $0x1A00  }
0x1df: {  	[sflag:s7] =	ssyncset.done $0x0  }
0x1e0: {  	[sflag:s7] =	ssyncadd.s32 $0xFFFFE600  }
0x1e1: {  	[spmem:s3] =	stream.indirect.scatter.add.bf16 [tilespmem:s23], [sflag:$0x4], $0x20, s12, s0, $0xb8;
	[tilespmem:$0x1FF80] =	vst v63  }
0x1e2: {  	_ =	swait.ge [sflag:s30], $0x1A00  }
0x1e3: {  	[sflag:s30] =	ssyncset.done $0x0  }
0x1e4: {  	s22 =	simm.s32 $0x18F20;
	[sflag:s30] =	ssyncadd.s32 $0xFFFFE600  }
0x1e5: {  	[tilespmem:s23], [sflag:$0x2] =	stream.indirect.gather [hbm4b:s28+s0], $0x20, s22, s0, $0xb8;
	[tilespmem:$0x1FF80] =	vst v63  }
0x1e6: {  	_ =	swait.ge [sflag:s10], $0x1A00  }
0x1e7: {  	[sflag:s10] =	ssyncset.done $0x0  }
0x1e8: {  	[sflag:s10] =	ssyncadd.s32 $0xFFFFE600  }
0x1e9: {  	[spmem:s3] =	stream.indirect.scatter.add.bf16 [tilespmem:s25], [sflag:$0x4], $0x20, s13, s0, $0xb8;
	[tilespmem:$0x1FF80] =	vst v63  }
0x1ea: {  	_ =	swait.ge [sflag:s30], $0x1A00  }
0x1eb: {  	[sflag:s30] =	ssyncset.done $0x0  }
0x1ec: {  	s24 =	simm.s32 $0x18FF0;
	[sflag:s30] =	ssyncadd.s32 $0xFFFFE600  }
0x1ed: {  	[tilespmem:s25], [sflag:$0x3] =	stream.indirect.gather [hbm4b:s28+s0], $0x20, s24, s0, $0xb8;
	[tilespmem:$0x1FF80] =	vst v63  }
0x1ee: {  	_ =	swait.ge [sflag:s5], $0x1A00  }
0x1ef: {  	[sflag:s5] =	ssyncset.done $0x0  }
0x1f0: {  	[sflag:s5] =	ssyncadd.s32 $0xFFFFE600  }
0x1f1: {  	[spmem:s3] =	stream.indirect.scatter.add.bf16 [tilespmem:s2], [sflag:$0x4], $0x20, s17, s0, $0xb8;
	[tilespmem:$0x1FF80] =	vst v63  }
0x1f2: {  	_ =	swait.ge [sflag:s30], $0x1A00  }
0x1f3: {  	[sflag:s30] =	ssyncset.done $0x0  }
0x1f4: {  	[sflag:s30] =	ssyncadd.s32 $0xFFFFE600  }
0x1f5: {  	_ =	swait.ge [sflag:s7], $0x1A00  }
0x1f6: {  	[sflag:s7] =	ssyncset.done $0x0  }
0x1f7: {  	[sflag:s7] =	ssyncadd.s32 $0xFFFFE600  }
0x1f8: {  	[spmem:s3] =	stream.indirect.scatter.add.bf16 [tilespmem:s23], [sflag:$0x4], $0x20, s21, s0, $0xb8;
	[tilespmem:$0x1FF80] =	vst v63  }
0x1f9: {  	_ =	swait.ge [sflag:s30], $0x1A00  }
0x1fa: {  	s4 =	simm.s32 $0x18700;
	s31 =	simm.s32 $0x18E50;
	[sflag:s30] =	ssyncset.done $0x0  }
0x1fb: {  	s6 =	simm.s32 $0x0;
	s8 =	simm.s32 $0x18A40;
	[sflag:s30] =	ssyncadd.s32 $0xFFFFE600  }
0x1fc: {  	s11 =	simm.s32 $0x19190;
	s14 =	simm.s32 $0x138;
	_ =	swait.ge [sflag:s10], $0x1A00  }
0x1fd: {  	s15 =	simm.s32 $0x18B10;
	s19 =	simm.s32 $0x18BE0;
	[sflag:s10] =	ssyncset.done $0x0  }
0x1fe: {  	s9 =	simm.s32 $0x18D80;
	s20 =	simm.s32 $0x187D0;
	[sflag:s10] =	ssyncadd.s32 $0xFFFFE600  }
0x1ff: {  	[spmem:s3] =	stream.indirect.scatter.add.bf16 [tilespmem:s25], [sflag:$0x4], $0x20, s29, s0, $0xb8;
	[tilespmem:$0x1FF80] =	vst v63  }
0x200: {  	s22 =	simm.s32 $0x18CB0;
	s24 =	simm.s32 $0x18970;
	_ =	swait.ge [sflag:s30], $0x1A00  }
.LBB2_4:
0x201: {  	s16 =	rddreg [dreg:$0x4];
	s18 =	smov.u32 s14;
	[sflag:s30] =	ssyncset.done $0x0  }
0x202: {  	s16 =	sadd.s32 s18, s16;
	[sflag:s30] =	ssyncadd.s32 $0xFFFFE600  }
0x203: {  	[tilespmem:s4], [sflag:$0x4] =	stream.linear.gather [hbm4b:s16+s6], $0x9C0, $0x38;
	[tilespmem:$0x1FF80] =	vst v63  }
0x204: {  	_ =	swait.ge [sflag:s30], $0x9C0  }
0x205: {  	[sflag:s30] =	ssyncset.done $0x0  }
0x206: {  	s18 =	sadd.s32 s18, s26;
	[sflag:s30] =	ssyncadd.s32 $0xFFFFF640  }
0x207: {  	[tilespmem:s1], [sflag:$0x4] =	stream.linear.gather [hbm4b:s18+s6], $0x9C0, $0x38;
	[tilespmem:$0x1FF80] =	vst v63  }
0x208: {  	_ =	swait.ge [sflag:s30], $0x9C0  }
0x209: {  	[sflag:s30] =	ssyncset.done $0x0  }
0x20a: {  	[sflag:s30] =	ssyncadd.s32 $0xFFFFF640  }
0x20b: {  	[tilespmem:s2], [sflag:$0x1] =	stream.indirect.gather [hbm4b:s28+s0], $0x20, s4, s0, $0xb8;
	[tilespmem:$0x1FF80] =	vst v63  }
0x20c: {  	_ = 	snop  }
0x20d: {  	[tilespmem:s23], [sflag:$0x2] =	stream.indirect.gather [hbm4b:s28+s0], $0x20, s20, s0, $0xb8;
	[tilespmem:$0x1FF80] =	vst v63  }
0x20e: {  	s18 =	simm.s32 $0x188A0  }
0x20f: {  	[tilespmem:s25], [sflag:$0x3] =	stream.indirect.gather [hbm4b:s28+s0], $0x20, s18, s0, $0xb8;
	[tilespmem:$0x1FF80] =	vst v63  }
0x210: {  	_ =	swait.ge [sflag:s5], $0x1A00  }
0x211: {  	[sflag:s5] =	ssyncset.done $0x0  }
0x212: {  	[sflag:s5] =	ssyncadd.s32 $0xFFFFE600  }
0x213: {  	[spmem:s3] =	stream.indirect.scatter.add.bf16 [tilespmem:s2], [sflag:$0x4], $0x20, s1, s0, $0xb8;
	[tilespmem:$0x1FF80] =	vst v63  }
0x214: {  	_ =	swait.ge [sflag:s30], $0x1A00  }
0x215: {  	[sflag:s30] =	ssyncset.done $0x0  }
0x216: {  	[sflag:s30] =	ssyncadd.s32 $0xFFFFE600  }
0x217: {  	[tilespmem:s2], [sflag:$0x1] =	stream.indirect.gather [hbm4b:s28+s0], $0x20, s24, s0, $0xb8;
	[tilespmem:$0x1FF80] =	vst v63  }
0x218: {  	_ =	swait.ge [sflag:s7], $0x1A00  }
0x219: {  	[sflag:s7] =	ssyncset.done $0x0  }
0x21a: {  	[sflag:s7] =	ssyncadd.s32 $0xFFFFE600  }
0x21b: {  	[spmem:s3] =	stream.indirect.scatter.add.bf16 [tilespmem:s23], [sflag:$0x4], $0x20, s11, s0, $0xb8;
	[tilespmem:$0x1FF80] =	vst v63  }
0x21c: {  	_ =	swait.ge [sflag:s30], $0x1A00  }
0x21d: {  	[sflag:s30] =	ssyncset.done $0x0  }
0x21e: {  	[sflag:s30] =	ssyncadd.s32 $0xFFFFE600  }
0x21f: {  	[tilespmem:s23], [sflag:$0x2] =	stream.indirect.gather [hbm4b:s28+s0], $0x20, s8, s0, $0xb8;
	[tilespmem:$0x1FF80] =	vst v63  }
0x220: {  	_ =	swait.ge [sflag:s10], $0x1A00  }
0x221: {  	[sflag:s10] =	ssyncset.done $0x0  }
0x222: {  	s18 =	simm.s32 $0x19260;
	[sflag:s10] =	ssyncadd.s32 $0xFFFFE600  }
0x223: {  	[spmem:s3] =	stream.indirect.scatter.add.bf16 [tilespmem:s25], [sflag:$0x4], $0x20, s18, s0, $0xb8;
	[tilespmem:$0x1FF80] =	vst v63  }
0x224: {  	_ =	swait.ge [sflag:s30], $0x1A00  }
0x225: {  	[sflag:s30] =	ssyncset.done $0x0  }
0x226: {  	[sflag:s30] =	ssyncadd.s32 $0xFFFFE600  }
0x227: {  	[tilespmem:s25], [sflag:$0x3] =	stream.indirect.gather [hbm4b:s28+s0], $0x20, s15, s0, $0xb8;
	[tilespmem:$0x1FF80] =	vst v63  }
0x228: {  	_ =	swait.ge [sflag:s5], $0x1A00  }
0x229: {  	[sflag:s5] =	ssyncset.done $0x0  }
0x22a: {  	s18 =	simm.s32 $0x19330;
	[sflag:s5] =	ssyncadd.s32 $0xFFFFE600  }
0x22b: {  	[spmem:s3] =	stream.indirect.scatter.add.bf16 [tilespmem:s2], [sflag:$0x4], $0x20, s18, s0, $0xb8;
	[tilespmem:$0x1FF80] =	vst v63  }
0x22c: {  	_ =	swait.ge [sflag:s30], $0x1A00  }
0x22d: {  	[sflag:s30] =	ssyncset.done $0x0  }
0x22e: {  	[sflag:s30] =	ssyncadd.s32 $0xFFFFE600  }
0x22f: {  	[tilespmem:s2], [sflag:$0x1] =	stream.indirect.gather [hbm4b:s28+s0], $0x20, s19, s0, $0xb8;
	[tilespmem:$0x1FF80] =	vst v63  }
0x230: {  	_ =	swait.ge [sflag:s7], $0x1A00  }
0x231: {  	[sflag:s7] =	ssyncset.done $0x0  }
0x232: {  	s18 =	simm.s32 $0x19400;
	[sflag:s7] =	ssyncadd.s32 $0xFFFFE600  }
0x233: {  	[spmem:s3] =	stream.indirect.scatter.add.bf16 [tilespmem:s23], [sflag:$0x4], $0x20, s18, s0, $0xb8;
	[tilespmem:$0x1FF80] =	vst v63  }
0x234: {  	_ =	swait.ge [sflag:s30], $0x1A00  }
0x235: {  	[sflag:s30] =	ssyncset.done $0x0  }
0x236: {  	[sflag:s30] =	ssyncadd.s32 $0xFFFFE600  }
0x237: {  	[tilespmem:s23], [sflag:$0x2] =	stream.indirect.gather [hbm4b:s28+s0], $0x20, s22, s0, $0xb8;
	[tilespmem:$0x1FF80] =	vst v63  }
0x238: {  	_ =	swait.ge [sflag:s10], $0x1A00  }
0x239: {  	[sflag:s10] =	ssyncset.done $0x0  }
0x23a: {  	s18 =	simm.s32 $0x194D0;
	[sflag:s10] =	ssyncadd.s32 $0xFFFFE600  }
0x23b: {  	[spmem:s3] =	stream.indirect.scatter.add.bf16 [tilespmem:s25], [sflag:$0x4], $0x20, s18, s0, $0xb8;
	[tilespmem:$0x1FF80] =	vst v63  }
0x23c: {  	_ =	swait.ge [sflag:s30], $0x1A00  }
0x23d: {  	[sflag:s30] =	ssyncset.done $0x0  }
0x23e: {  	[sflag:s30] =	ssyncadd.s32 $0xFFFFE600  }
0x23f: {  	[tilespmem:s25], [sflag:$0x3] =	stream.indirect.gather [hbm4b:s28+s0], $0x20, s9, s0, $0xb8;
	[tilespmem:$0x1FF80] =	vst v63  }
0x240: {  	_ =	swait.ge [sflag:s5], $0x1A00  }
0x241: {  	[sflag:s5] =	ssyncset.done $0x0  }
0x242: {  	s18 =	simm.s32 $0x195A0;
	[sflag:s5] =	ssyncadd.s32 $0xFFFFE600  }
0x243: {  	[spmem:s3] =	stream.indirect.scatter.add.bf16 [tilespmem:s2], [sflag:$0x4], $0x20, s18, s0, $0xb8;
	[tilespmem:$0x1FF80] =	vst v63  }
0x244: {  	_ =	swait.ge [sflag:s30], $0x1A00  }
0x245: {  	[sflag:s30] =	ssyncset.done $0x0  }
0x246: {  	[sflag:s30] =	ssyncadd.s32 $0xFFFFE600  }
0x247: {  	[tilespmem:s2], [sflag:$0x1] =	stream.indirect.gather [hbm4b:s28+s0], $0x20, s31, s0, $0xb8;
	[tilespmem:$0x1FF80] =	vst v63  }
0x248: {  	_ =	swait.ge [sflag:s7], $0x1A00  }
0x249: {  	[sflag:s7] =	ssyncset.done $0x0  }
0x24a: {  	[sflag:s7] =	ssyncadd.s32 $0xFFFFE600  }
0x24b: {  	[spmem:s3] =	stream.indirect.scatter.add.bf16 [tilespmem:s23], [sflag:$0x4], $0x20, s12, s0, $0xb8;
	[tilespmem:$0x1FF80] =	vst v63  }
0x24c: {  	_ =	swait.ge [sflag:s30], $0x1A00  }
0x24d: {  	[sflag:s30] =	ssyncset.done $0x0  }
0x24e: {  	s18 =	simm.s32 $0x18F20;
	[sflag:s30] =	ssyncadd.s32 $0xFFFFE600  }
0x24f: {  	[tilespmem:s23], [sflag:$0x2] =	stream.indirect.gather [hbm4b:s28+s0], $0x20, s18, s0, $0xb8;
	[tilespmem:$0x1FF80] =	vst v63  }
0x250: {  	_ =	swait.ge [sflag:s10], $0x1A00  }
0x251: {  	[sflag:s10] =	ssyncset.done $0x0  }
0x252: {  	[sflag:s10] =	ssyncadd.s32 $0xFFFFE600  }
0x253: {  	[spmem:s3] =	stream.indirect.scatter.add.bf16 [tilespmem:s25], [sflag:$0x4], $0x20, s13, s0, $0xb8;
	[tilespmem:$0x1FF80] =	vst v63  }
0x254: {  	_ =	swait.ge [sflag:s30], $0x1A00  }
0x255: {  	[sflag:s30] =	ssyncset.done $0x0  }
0x256: {  	s18 =	simm.s32 $0x18FF0;
	[sflag:s30] =	ssyncadd.s32 $0xFFFFE600  }
0x257: {  	[tilespmem:s25], [sflag:$0x3] =	stream.indirect.gather [hbm4b:s28+s0], $0x20, s18, s0, $0xb8;
	[tilespmem:$0x1FF80] =	vst v63  }
0x258: {  	_ =	swait.ge [sflag:s5], $0x1A00  }
0x259: {  	[sflag:s5] =	ssyncset.done $0x0  }
0x25a: {  	[sflag:s5] =	ssyncadd.s32 $0xFFFFE600  }
0x25b: {  	[spmem:s3] =	stream.indirect.scatter.add.bf16 [tilespmem:s2], [sflag:$0x4], $0x20, s17, s0, $0xb8;
	[tilespmem:$0x1FF80] =	vst v63  }
0x25c: {  	_ =	swait.ge [sflag:s30], $0x1A00  }
0x25d: {  	[sflag:s30] =	ssyncset.done $0x0  }
0x25e: {  	[sflag:s30] =	ssyncadd.s32 $0xFFFFE600  }
0x25f: {  	_ =	swait.ge [sflag:s7], $0x1A00  }
0x260: {  	[sflag:s7] =	ssyncset.done $0x0  }
0x261: {  	[sflag:s7] =	ssyncadd.s32 $0xFFFFE600  }
0x262: {  	[spmem:s3] =	stream.indirect.scatter.add.bf16 [tilespmem:s23], [sflag:$0x4], $0x20, s21, s0, $0xb8;
	[tilespmem:$0x1FF80] =	vst v63  }
0x263: {  	_ =	swait.ge [sflag:s30], $0x1A00  }
0x264: {  	[sflag:s30] =	ssyncset.done $0x0  }
0x265: {  	p0 =	sne.s32 s14, $0x3A8;
	[sflag:s30] =	ssyncadd.s32 $0xFFFFE600  }
.Ltmp1:
0x266: {  	_ =	swait.ge [sflag:s10], $0x1A00;
	(pc) =	sbr.rel @p0 .LBB2_4-.Ltmp1, $4  }
0x267: {  	[sflag:s10] =	ssyncset.done $0x0  }
0x268: {  	[sflag:s10] =	ssyncadd.s32 $0xFFFFE600  }
0x269: {  	[spmem:s3] =	stream.indirect.scatter.add.bf16 [tilespmem:s25], [sflag:$0x4], $0x20, s29, s0, $0xb8;
	[tilespmem:$0x1FF80] =	vst v63  }
0x26a: {  	s14 =	sadd.s32 $0x138, s14;
	_ =	swait.ge [sflag:s30], $0x1A00  }
0x26b: {  	[sflag:s30] =	ssyncset.done $0x0  }
0x26c: {  	[sflag:s30] =	ssyncadd.s32 $0xFFFFE600  }
0x26d: {  	[bflag:$0x0] =	sbarrier.arrive $0xFFFF  }
0x26e: {  	s14 =	rddreg [dreg:$0x17]  }
0x26f: {  	s29 =	rddreg [dreg:$0x1b]  }
0x270: {  	s4 =	simm.s32 $0x8;
	s6 =	rddreg [dreg:$0x1c]  }
0x271: {  	[hbm:s14@s4], [sflag:s29] =	dma.strided [spmem:s6@s30], $0x30E0, s5, $0x4   }
0x272: {  	_ =	swait.ge [sflag:s30], $0x30E0  }
0x273: {  	[sflag:s30] =	ssyncset.done $0x0  }
0x274: {  	s16 =	simm.s32 $0x1E880;
	s24 =	rddreg [dreg:$0x15];
	[sflag:s30] =	ssyncadd.s32 $0xFFFFCF20  }
0x275: {  	[spmem:s24] =	stream.linear.scatter [tilespmem:s16], [sflag:$0x4], $0x1700, $0x38;
	[tilespmem:$0x1FF80] =	vst v63  }
0x276: {  	_ =	swait.ge [sflag:s30], $0x1700  }
0x277: {  	[sflag:s30] =	ssyncset.done $0x0  }
0x278: {  	s31 =	rddreg [dreg:$0x5];
	[sflag:s30] =	ssyncadd.s32 $0xFFFFE900  }
0x279: {  	[spmem:s31] =	stream.linear.scatter [tilespmem:s16], [sflag:$0x4], $0x1700, $0x38;
	[tilespmem:$0x1FF80] =	vst v63  }
0x27a: {  	_ =	swait.ge [sflag:s30], $0x1700  }
0x27b: {  	[sflag:s30] =	ssyncset.done $0x0  }
0x27c: {  	s6 =	rddreg [dreg:$0x6];
	[sflag:s30] =	ssyncadd.s32 $0xFFFFE900  }
0x27d: {  	[spmem:s6] =	stream.linear.scatter [tilespmem:s16], [sflag:$0x4], $0x1700, $0x38;
	[tilespmem:$0x1FF80] =	vst v63  }
0x27e: {  	_ =	swait.ge [sflag:s30], $0x1700  }
0x27f: {  	[sflag:s30] =	ssyncset.done $0x0  }
0x280: {  	s8 =	rddreg [dreg:$0x7];
	[sflag:s30] =	ssyncadd.s32 $0xFFFFE900  }
0x281: {  	[spmem:s8] =	stream.linear.scatter [tilespmem:s16], [sflag:$0x4], $0x1700, $0x38;
	[tilespmem:$0x1FF80] =	vst v63  }
0x282: {  	_ =	swait.ge [sflag:s30], $0x1700  }
0x283: {  	[sflag:s30] =	ssyncset.done $0x0  }
0x284: {  	s9 =	rddreg [dreg:$0x8];
	[sflag:s30] =	ssyncadd.s32 $0xFFFFE900  }
0x285: {  	[spmem:s9] =	stream.linear.scatter [tilespmem:s16], [sflag:$0x4], $0x1700, $0x38;
	[tilespmem:$0x1FF80] =	vst v63  }
0x286: {  	_ =	swait.ge [sflag:s30], $0x1700  }
0x287: {  	[sflag:s30] =	ssyncset.done $0x0  }
0x288: {  	s11 =	rddreg [dreg:$0x9];
	[sflag:s30] =	ssyncadd.s32 $0xFFFFE900  }
0x289: {  	[spmem:s11] =	stream.linear.scatter [tilespmem:s16], [sflag:$0x4], $0x1700, $0x38;
	[tilespmem:$0x1FF80] =	vst v63  }
0x28a: {  	_ =	swait.ge [sflag:s30], $0x1700  }
0x28b: {  	[sflag:s30] =	ssyncset.done $0x0  }
0x28c: {  	s12 =	rddreg [dreg:$0xa];
	[sflag:s30] =	ssyncadd.s32 $0xFFFFE900  }
0x28d: {  	[spmem:s12] =	stream.linear.scatter [tilespmem:s16], [sflag:$0x4], $0x1700, $0x38;
	[tilespmem:$0x1FF80] =	vst v63  }
0x28e: {  	_ =	swait.ge [sflag:s30], $0x1700  }
0x28f: {  	[sflag:s30] =	ssyncset.done $0x0  }
0x290: {  	s13 =	rddreg [dreg:$0xb];
	[sflag:s30] =	ssyncadd.s32 $0xFFFFE900  }
0x291: {  	[spmem:s13] =	stream.linear.scatter [tilespmem:s16], [sflag:$0x4], $0x1700, $0x38;
	[tilespmem:$0x1FF80] =	vst v63  }
0x292: {  	_ =	swait.ge [sflag:s30], $0x1700  }
0x293: {  	[sflag:s30] =	ssyncset.done $0x0  }
0x294: {  	s15 =	rddreg [dreg:$0xc];
	[sflag:s30] =	ssyncadd.s32 $0xFFFFE900  }
0x295: {  	[spmem:s15] =	stream.linear.scatter [tilespmem:s16], [sflag:$0x4], $0x1700, $0x38;
	[tilespmem:$0x1FF80] =	vst v63  }
0x296: {  	_ =	swait.ge [sflag:s30], $0x1700  }
0x297: {  	[sflag:s30] =	ssyncset.done $0x0  }
0x298: {  	s17 =	rddreg [dreg:$0xd];
	[sflag:s30] =	ssyncadd.s32 $0xFFFFE900  }
0x299: {  	[spmem:s17] =	stream.linear.scatter [tilespmem:s16], [sflag:$0x4], $0x1700, $0x38;
	[tilespmem:$0x1FF80] =	vst v63  }
0x29a: {  	_ =	swait.ge [sflag:s30], $0x1700  }
0x29b: {  	[sflag:s30] =	ssyncset.done $0x0  }
0x29c: {  	s18 =	rddreg [dreg:$0xe];
	[sflag:s30] =	ssyncadd.s32 $0xFFFFE900  }
0x29d: {  	[spmem:s18] =	stream.linear.scatter [tilespmem:s16], [sflag:$0x4], $0x1700, $0x38;
	[tilespmem:$0x1FF80] =	vst v63  }
0x29e: {  	_ =	swait.ge [sflag:s30], $0x1700  }
0x29f: {  	[sflag:s30] =	ssyncset.done $0x0  }
0x2a0: {  	s19 =	rddreg [dreg:$0xf];
	[sflag:s30] =	ssyncadd.s32 $0xFFFFE900  }
0x2a1: {  	[spmem:s19] =	stream.linear.scatter [tilespmem:s16], [sflag:$0x4], $0x1700, $0x38;
	[tilespmem:$0x1FF80] =	vst v63  }
0x2a2: {  	_ =	swait.ge [sflag:s30], $0x1700  }
0x2a3: {  	[sflag:s30] =	ssyncset.done $0x0  }
0x2a4: {  	s20 =	rddreg [dreg:$0x10];
	[sflag:s30] =	ssyncadd.s32 $0xFFFFE900  }
0x2a5: {  	[spmem:s20] =	stream.linear.scatter [tilespmem:s16], [sflag:$0x4], $0x1700, $0x38;
	[tilespmem:$0x1FF80] =	vst v63  }
0x2a6: {  	_ =	swait.ge [sflag:s30], $0x1700  }
0x2a7: {  	[sflag:s30] =	ssyncset.done $0x0  }
0x2a8: {  	s21 =	rddreg [dreg:$0x11];
	[sflag:s30] =	ssyncadd.s32 $0xFFFFE900  }
0x2a9: {  	[spmem:s21] =	stream.linear.scatter [tilespmem:s16], [sflag:$0x4], $0x1700, $0x38;
	[tilespmem:$0x1FF80] =	vst v63  }
0x2aa: {  	_ =	swait.ge [sflag:s30], $0x1700  }
0x2ab: {  	[sflag:s30] =	ssyncset.done $0x0  }
0x2ac: {  	s22 =	rddreg [dreg:$0x12];
	[sflag:s30] =	ssyncadd.s32 $0xFFFFE900  }
0x2ad: {  	[spmem:s22] =	stream.linear.scatter [tilespmem:s16], [sflag:$0x4], $0x1700, $0x38;
	[tilespmem:$0x1FF80] =	vst v63  }
0x2ae: {  	_ =	swait.ge [sflag:s30], $0x1700  }
0x2af: {  	[sflag:s30] =	ssyncset.done $0x0  }
0x2b0: {  	s24 =	rddreg [dreg:$0x13];
	[sflag:s30] =	ssyncadd.s32 $0xFFFFE900  }
0x2b1: {  	[spmem:s24] =	stream.linear.scatter [tilespmem:s16], [sflag:$0x4], $0x1700, $0x38;
	[tilespmem:$0x1FF80] =	vst v63  }
0x2b2: {  	_ =	swait.ge [sflag:s30], $0x1700  }
0x2b3: {  	[sflag:s30] =	ssyncset.done $0x0  }
0x2b4: {  	s31 =	rddreg [dreg:$0x14];
	[sflag:s30] =	ssyncadd.s32 $0xFFFFE900  }
0x2b5: {  	[spmem:s31] =	stream.linear.scatter [tilespmem:s16], [sflag:$0x4], $0x1700, $0x38;
	[tilespmem:$0x1FF80] =	vst v63  }
0x2b6: {  	_ =	swait.ge [sflag:s30], $0x1700  }
0x2b7: {  	[sflag:s30] =	ssyncset.done $0x0  }
0x2b8: {  	s14 =	simm.s32 $0x80;
	s16 =	simm.s32 $0x0;
	[sflag:s30] =	ssyncadd.s32 $0xFFFFE900  }
.LBB2_6:
0x2b9: {  	p0 =	sne.s32 s14, $0x6780;
	[tilespmem:s16+$0x19A80] =	vst v0;
	s18 =	smov.u32 s14;
	s14 =	sadd.s32 $0x80, s14  }
.Ltmp2:
0x2ba: {  	[tilespmem:s16+$0x19A90] =	vst v0;
	(pc) =	sbr.rel @p0 .LBB2_6-.Ltmp2, $2  }
0x2bb: {  	_ =	sdelay $0x2  }
0x2bc: {  	s16 =	sshra.s32 s18, $0x2  }
0x2bd: {  	[tilespmem:s16+$0x19A80] =	vst v0  }
0x2be: {  	[tilespmem:s16+$0x19A90] =	vst v0  }
0x2bf: {  	s14 =	sadd.s32 $0x0, s26;
	s4 =	simm.s32 $0x0;
	[bflag:$0x0] =	sbarrier.arrive $0xFFFF  }
0x2c0: {  	[tilespmem:s1], [sflag:$0x4] =	stream.linear.gather [hbm4b:s14+s4], $0x9C0, $0x38;
	[tilespmem:$0x1FF80] =	vst v63  }
0x2c1: {  	_ =	swait.ge [sflag:s30], $0x9C0  }
0x2c2: {  	[sflag:s30] =	ssyncset.done $0x0  }
0x2c3: {  	[sflag:s30] =	ssyncadd.s32 $0xFFFFF640  }
0x2c4: {  	[spmem:s3] =	stream.indirect.scatter.add.bf16 [tilespmem:s2], [sflag:$0x4], $0x20, s1, s0, $0xb8;
	[tilespmem:$0x1FF80] =	vst v63  }
0x2c5: {  	_ =	swait.ge [sflag:s30], $0x1A00  }
0x2c6: {  	[sflag:s30] =	ssyncset.done $0x0  }
0x2c7: {  	s8 =	simm.s32 $0x19190;
	[sflag:s30] =	ssyncadd.s32 $0xFFFFE600  }
0x2c8: {  	[spmem:s3] =	stream.indirect.scatter.add.bf16 [tilespmem:s2], [sflag:$0x4], $0x20, s8, s0, $0xb8;
	[tilespmem:$0x1FF80] =	vst v63  }
0x2c9: {  	_ =	swait.ge [sflag:s30], $0x1A00  }
0x2ca: {  	[sflag:s30] =	ssyncset.done $0x0  }
0x2cb: {  	s11 =	simm.s32 $0x19260;
	[sflag:s30] =	ssyncadd.s32 $0xFFFFE600  }
0x2cc: {  	[spmem:s3] =	stream.indirect.scatter.add.bf16 [tilespmem:s2], [sflag:$0x4], $0x20, s11, s0, $0xb8;
	[tilespmem:$0x1FF80] =	vst v63  }
0x2cd: {  	_ =	swait.ge [sflag:s30], $0x1A00  }
0x2ce: {  	[sflag:s30] =	ssyncset.done $0x0  }
0x2cf: {  	s15 =	simm.s32 $0x19330;
	[sflag:s30] =	ssyncadd.s32 $0xFFFFE600  }
0x2d0: {  	[spmem:s3] =	stream.indirect.scatter.add.bf16 [tilespmem:s2], [sflag:$0x4], $0x20, s15, s0, $0xb8;
	[tilespmem:$0x1FF80] =	vst v63  }
0x2d1: {  	_ =	swait.ge [sflag:s30], $0x1A00  }
0x2d2: {  	[sflag:s30] =	ssyncset.done $0x0  }
0x2d3: {  	s19 =	simm.s32 $0x19400;
	[sflag:s30] =	ssyncadd.s32 $0xFFFFE600  }
0x2d4: {  	[spmem:s3] =	stream.indirect.scatter.add.bf16 [tilespmem:s2], [sflag:$0x4], $0x20, s19, s0, $0xb8;
	[tilespmem:$0x1FF80] =	vst v63  }
0x2d5: {  	_ =	swait.ge [sflag:s30], $0x1A00  }
0x2d6: {  	[sflag:s30] =	ssyncset.done $0x0  }
0x2d7: {  	s22 =	simm.s32 $0x194D0;
	[sflag:s30] =	ssyncadd.s32 $0xFFFFE600  }
0x2d8: {  	[spmem:s3] =	stream.indirect.scatter.add.bf16 [tilespmem:s2], [sflag:$0x4], $0x20, s22, s0, $0xb8;
	[tilespmem:$0x1FF80] =	vst v63  }
0x2d9: {  	_ =	swait.ge [sflag:s30], $0x1A00  }
0x2da: {  	[sflag:s30] =	ssyncset.done $0x0  }
0x2db: {  	s9 =	simm.s32 $0x195A0;
	[sflag:s30] =	ssyncadd.s32 $0xFFFFE600  }
0x2dc: {  	[spmem:s3] =	stream.indirect.scatter.add.bf16 [tilespmem:s2], [sflag:$0x4], $0x20, s9, s0, $0xb8;
	[tilespmem:$0x1FF80] =	vst v63  }
0x2dd: {  	_ =	swait.ge [sflag:s30], $0x1A00  }
0x2de: {  	[sflag:s30] =	ssyncset.done $0x0  }
0x2df: {  	s6 =	simm.s32 $0x19670;
	[sflag:s30] =	ssyncadd.s32 $0xFFFFE600  }
0x2e0: {  	[spmem:s3] =	stream.indirect.scatter.add.bf16 [tilespmem:s2], [sflag:$0x4], $0x20, s6, s0, $0xb8;
	[tilespmem:$0x1FF80] =	vst v63  }
0x2e1: {  	_ =	swait.ge [sflag:s30], $0x1A00  }
0x2e2: {  	[sflag:s30] =	ssyncset.done $0x0  }
0x2e3: {  	s20 =	simm.s32 $0x19740;
	[sflag:s30] =	ssyncadd.s32 $0xFFFFE600  }
0x2e4: {  	[spmem:s3] =	stream.indirect.scatter.add.bf16 [tilespmem:s2], [sflag:$0x4], $0x20, s20, s0, $0xb8;
	[tilespmem:$0x1FF80] =	vst v63  }
0x2e5: {  	_ =	swait.ge [sflag:s30], $0x1A00  }
0x2e6: {  	[sflag:s30] =	ssyncset.done $0x0  }
0x2e7: {  	s21 =	simm.s32 $0x19810;
	[sflag:s30] =	ssyncadd.s32 $0xFFFFE600  }
0x2e8: {  	[spmem:s3] =	stream.indirect.scatter.add.bf16 [tilespmem:s2], [sflag:$0x4], $0x20, s21, s0, $0xb8;
	[tilespmem:$0x1FF80] =	vst v63  }
0x2e9: {  	_ =	swait.ge [sflag:s30], $0x1A00  }
0x2ea: {  	[sflag:s30] =	ssyncset.done $0x0  }
0x2eb: {  	s24 =	simm.s32 $0x198E0;
	[sflag:s30] =	ssyncadd.s32 $0xFFFFE600  }
0x2ec: {  	[spmem:s3] =	stream.indirect.scatter.add.bf16 [tilespmem:s2], [sflag:$0x4], $0x20, s24, s0, $0xb8;
	[tilespmem:$0x1FF80] =	vst v63  }
0x2ed: {  	_ =	swait.ge [sflag:s30], $0x1A00  }
0x2ee: {  	[sflag:s30] =	ssyncset.done $0x0  }
0x2ef: {  	s16 =	simm.s32 $0x270;
	s21 =	simm.s32 $0x199B0;
	[sflag:s30] =	ssyncadd.s32 $0xFFFFE600  }
0x2f0: {  	[spmem:s3] =	stream.indirect.scatter.add.bf16 [tilespmem:s2], [sflag:$0x4], $0x20, s21, s0, $0xb8;
	[tilespmem:$0x1FF80] =	vst v63  }
0x2f1: {  	s31 =	simm.s32 $0x18700;
	s14 =	simm.s32 $0x138;
	_ =	swait.ge [sflag:s30], $0x1A00  }
0x2f2: {  	s6 =	simm.s32 $0x18970;
	s24 =	simm.s32 $0x18A40;
	[sflag:s30] =	ssyncset.done $0x0  }
.LBB2_8:
0x2f3: {  	s20 =	sadd.s32 s14, s26;
	[sflag:s30] =	ssyncadd.s32 $0xFFFFE600  }
0x2f4: {  	s14 =	smov.u32 s16;
	s18 =	sadd.s32 $0x138, s16;
	s17 =	simm.s32 $0x19810  }
0x2f5: {  	[tilespmem:s1], [sflag:$0x4] =	stream.linear.gather [hbm4b:s20+s4], $0x9C0, $0x38;
	[tilespmem:$0x1FF80] =	vst v63  }
0x2f6: {  	s13 =	simm.s32 $0x19740;
	s12 =	simm.s32 $0x19670;
	s20 =	simm.s32 $0x198E0  }
0x2f7: {  	p0 =	sne.s32 s16, $0x3A8;
	_ =	swait.ge [sflag:s30], $0x9C0  }
0x2f8: {  	[sflag:s30] =	ssyncset.done $0x0  }
0x2f9: {  	[sflag:s30] =	ssyncadd.s32 $0xFFFFF640  }
0x2fa: {  	[spmem:s3] =	stream.indirect.scatter.add.bf16 [tilespmem:s2], [sflag:$0x4], $0x20, s1, s0, $0xb8;
	[tilespmem:$0x1FF80] =	vst v63  }
0x2fb: {  	_ =	swait.ge [sflag:s30], $0x1A00  }
0x2fc: {  	[sflag:s30] =	ssyncset.done $0x0  }
0x2fd: {  	[sflag:s30] =	ssyncadd.s32 $0xFFFFE600  }
0x2fe: {  	[spmem:s3] =	stream.indirect.scatter.add.bf16 [tilespmem:s2], [sflag:$0x4], $0x20, s8, s0, $0xb8;
	[tilespmem:$0x1FF80] =	vst v63  }
0x2ff: {  	_ =	swait.ge [sflag:s30], $0x1A00  }
0x300: {  	[sflag:s30] =	ssyncset.done $0x0  }
0x301: {  	[sflag:s30] =	ssyncadd.s32 $0xFFFFE600  }
0x302: {  	[spmem:s3] =	stream.indirect.scatter.add.bf16 [tilespmem:s2], [sflag:$0x4], $0x20, s11, s0, $0xb8;
	[tilespmem:$0x1FF80] =	vst v63  }
0x303: {  	_ =	swait.ge [sflag:s30], $0x1A00  }
0x304: {  	[sflag:s30] =	ssyncset.done $0x0  }
0x305: {  	[sflag:s30] =	ssyncadd.s32 $0xFFFFE600  }
0x306: {  	[spmem:s3] =	stream.indirect.scatter.add.bf16 [tilespmem:s2], [sflag:$0x4], $0x20, s15, s0, $0xb8;
	[tilespmem:$0x1FF80] =	vst v63  }
0x307: {  	_ =	swait.ge [sflag:s30], $0x1A00  }
0x308: {  	[sflag:s30] =	ssyncset.done $0x0  }
0x309: {  	[sflag:s30] =	ssyncadd.s32 $0xFFFFE600  }
0x30a: {  	[spmem:s3] =	stream.indirect.scatter.add.bf16 [tilespmem:s2], [sflag:$0x4], $0x20, s19, s0, $0xb8;
	[tilespmem:$0x1FF80] =	vst v63  }
0x30b: {  	_ =	swait.ge [sflag:s30], $0x1A00  }
0x30c: {  	[sflag:s30] =	ssyncset.done $0x0  }
0x30d: {  	[sflag:s30] =	ssyncadd.s32 $0xFFFFE600  }
0x30e: {  	[spmem:s3] =	stream.indirect.scatter.add.bf16 [tilespmem:s2], [sflag:$0x4], $0x20, s22, s0, $0xb8;
	[tilespmem:$0x1FF80] =	vst v63  }
0x30f: {  	_ =	swait.ge [sflag:s30], $0x1A00  }
0x310: {  	[sflag:s30] =	ssyncset.done $0x0  }
0x311: {  	[sflag:s30] =	ssyncadd.s32 $0xFFFFE600  }
0x312: {  	[spmem:s3] =	stream.indirect.scatter.add.bf16 [tilespmem:s2], [sflag:$0x4], $0x20, s9, s0, $0xb8;
	[tilespmem:$0x1FF80] =	vst v63  }
0x313: {  	_ =	swait.ge [sflag:s30], $0x1A00  }
0x314: {  	[sflag:s30] =	ssyncset.done $0x0  }
0x315: {  	[sflag:s30] =	ssyncadd.s32 $0xFFFFE600  }
0x316: {  	[spmem:s3] =	stream.indirect.scatter.add.bf16 [tilespmem:s2], [sflag:$0x4], $0x20, s12, s0, $0xb8;
	[tilespmem:$0x1FF80] =	vst v63  }
0x317: {  	_ =	swait.ge [sflag:s30], $0x1A00  }
0x318: {  	[sflag:s30] =	ssyncset.done $0x0  }
0x319: {  	[sflag:s30] =	ssyncadd.s32 $0xFFFFE600  }
0x31a: {  	[spmem:s3] =	stream.indirect.scatter.add.bf16 [tilespmem:s2], [sflag:$0x4], $0x20, s13, s0, $0xb8;
	[tilespmem:$0x1FF80] =	vst v63  }
0x31b: {  	_ =	swait.ge [sflag:s30], $0x1A00  }
0x31c: {  	[sflag:s30] =	ssyncset.done $0x0  }
0x31d: {  	[sflag:s30] =	ssyncadd.s32 $0xFFFFE600  }
0x31e: {  	[spmem:s3] =	stream.indirect.scatter.add.bf16 [tilespmem:s2], [sflag:$0x4], $0x20, s17, s0, $0xb8;
	[tilespmem:$0x1FF80] =	vst v63  }
0x31f: {  	_ =	swait.ge [sflag:s30], $0x1A00  }
0x320: {  	[sflag:s30] =	ssyncset.done $0x0  }
0x321: {  	[sflag:s30] =	ssyncadd.s32 $0xFFFFE600  }
0x322: {  	[spmem:s3] =	stream.indirect.scatter.add.bf16 [tilespmem:s2], [sflag:$0x4], $0x20, s20, s0, $0xb8;
	[tilespmem:$0x1FF80] =	vst v63  }
0x323: {  	_ =	swait.ge [sflag:s30], $0x1A00  }
.Ltmp3:
0x324: {  	[sflag:s30] =	ssyncset.done $0x0;
	(pc) =	sbr.rel @p0 .LBB2_8-.Ltmp3, $4  }
0x325: {  	[sflag:s30] =	ssyncadd.s32 $0xFFFFE600  }
0x326: {  	[spmem:s3] =	stream.indirect.scatter.add.bf16 [tilespmem:s2], [sflag:$0x4], $0x20, s21, s0, $0xb8;
	[tilespmem:$0x1FF80] =	vst v63  }
0x327: {  	_ =	swait.ge [sflag:s30], $0x1A00  }
0x328: {  	s16 =	smov.u32 s18;
	[sflag:s30] =	ssyncset.done $0x0  }
0x329: {  	s14 =	sadd.s32 s14, s26;
	[sflag:s30] =	ssyncadd.s32 $0xFFFFE600  }
0x32a: {  	[tilespmem:s1], [sflag:$0x4] =	stream.linear.gather [hbm4b:s14+s4], $0x9C0, $0x38;
	[tilespmem:$0x1FF80] =	vst v63  }
0x32b: {  	_ =	swait.ge [sflag:s30], $0x9C0  }
0x32c: {  	[sflag:s30] =	ssyncset.done $0x0  }
0x32d: {  	[sflag:s30] =	ssyncadd.s32 $0xFFFFF640  }
0x32e: {  	[spmem:s3] =	stream.indirect.scatter.add.bf16 [tilespmem:s2], [sflag:$0x4], $0x20, s1, s0, $0xb8;
	[tilespmem:$0x1FF80] =	vst v63  }
0x32f: {  	_ =	swait.ge [sflag:s30], $0x1A00  }
0x330: {  	[sflag:s30] =	ssyncset.done $0x0  }
0x331: {  	[sflag:s30] =	ssyncadd.s32 $0xFFFFE600  }
0x332: {  	[spmem:s3] =	stream.indirect.scatter.add.bf16 [tilespmem:s2], [sflag:$0x4], $0x20, s8, s0, $0xb8;
	[tilespmem:$0x1FF80] =	vst v63  }
0x333: {  	_ =	swait.ge [sflag:s30], $0x1A00  }
0x334: {  	[sflag:s30] =	ssyncset.done $0x0  }
0x335: {  	[sflag:s30] =	ssyncadd.s32 $0xFFFFE600  }
0x336: {  	[spmem:s3] =	stream.indirect.scatter.add.bf16 [tilespmem:s2], [sflag:$0x4], $0x20, s11, s0, $0xb8;
	[tilespmem:$0x1FF80] =	vst v63  }
0x337: {  	_ =	swait.ge [sflag:s30], $0x1A00  }
0x338: {  	[sflag:s30] =	ssyncset.done $0x0  }
0x339: {  	[sflag:s30] =	ssyncadd.s32 $0xFFFFE600  }
0x33a: {  	[spmem:s3] =	stream.indirect.scatter.add.bf16 [tilespmem:s2], [sflag:$0x4], $0x20, s15, s0, $0xb8;
	[tilespmem:$0x1FF80] =	vst v63  }
0x33b: {  	_ =	swait.ge [sflag:s30], $0x1A00  }
0x33c: {  	[sflag:s30] =	ssyncset.done $0x0  }
0x33d: {  	[sflag:s30] =	ssyncadd.s32 $0xFFFFE600  }
0x33e: {  	[spmem:s3] =	stream.indirect.scatter.add.bf16 [tilespmem:s2], [sflag:$0x4], $0x20, s19, s0, $0xb8;
	[tilespmem:$0x1FF80] =	vst v63  }
0x33f: {  	_ =	swait.ge [sflag:s30], $0x1A00  }
0x340: {  	[sflag:s30] =	ssyncset.done $0x0  }
0x341: {  	[sflag:s30] =	ssyncadd.s32 $0xFFFFE600  }
0x342: {  	[spmem:s3] =	stream.indirect.scatter.add.bf16 [tilespmem:s2], [sflag:$0x4], $0x20, s22, s0, $0xb8;
	[tilespmem:$0x1FF80] =	vst v63  }
0x343: {  	_ =	swait.ge [sflag:s30], $0x1A00  }
0x344: {  	[sflag:s30] =	ssyncset.done $0x0  }
0x345: {  	[sflag:s30] =	ssyncadd.s32 $0xFFFFE600  }
0x346: {  	[spmem:s3] =	stream.indirect.scatter.add.bf16 [tilespmem:s2], [sflag:$0x4], $0x20, s9, s0, $0xb8;
	[tilespmem:$0x1FF80] =	vst v63  }
0x347: {  	_ =	swait.ge [sflag:s30], $0x1A00  }
0x348: {  	[sflag:s30] =	ssyncset.done $0x0  }
0x349: {  	[sflag:s30] =	ssyncadd.s32 $0xFFFFE600  }
0x34a: {  	[spmem:s3] =	stream.indirect.scatter.add.bf16 [tilespmem:s2], [sflag:$0x4], $0x20, s12, s0, $0xb8;
	[tilespmem:$0x1FF80] =	vst v63  }
0x34b: {  	_ =	swait.ge [sflag:s30], $0x1A00  }
0x34c: {  	[sflag:s30] =	ssyncset.done $0x0  }
0x34d: {  	[sflag:s30] =	ssyncadd.s32 $0xFFFFE600  }
0x34e: {  	[spmem:s3] =	stream.indirect.scatter.add.bf16 [tilespmem:s2], [sflag:$0x4], $0x20, s13, s0, $0xb8;
	[tilespmem:$0x1FF80] =	vst v63  }
0x34f: {  	_ =	swait.ge [sflag:s30], $0x1A00  }
0x350: {  	[sflag:s30] =	ssyncset.done $0x0  }
0x351: {  	[sflag:s30] =	ssyncadd.s32 $0xFFFFE600  }
0x352: {  	[spmem:s3] =	stream.indirect.scatter.add.bf16 [tilespmem:s2], [sflag:$0x4], $0x20, s17, s0, $0xb8;
	[tilespmem:$0x1FF80] =	vst v63  }
0x353: {  	_ =	swait.ge [sflag:s30], $0x1A00  }
0x354: {  	[sflag:s30] =	ssyncset.done $0x0  }
0x355: {  	[sflag:s30] =	ssyncadd.s32 $0xFFFFE600  }
0x356: {  	[spmem:s3] =	stream.indirect.scatter.add.bf16 [tilespmem:s2], [sflag:$0x4], $0x20, s20, s0, $0xb8;
	[tilespmem:$0x1FF80] =	vst v63  }
0x357: {  	_ =	swait.ge [sflag:s30], $0x1A00  }
0x358: {  	[sflag:s30] =	ssyncset.done $0x0  }
0x359: {  	[sflag:s30] =	ssyncadd.s32 $0xFFFFE600  }
0x35a: {  	[spmem:s3] =	stream.indirect.scatter.add.bf16 [tilespmem:s2], [sflag:$0x4], $0x20, s21, s0, $0xb8;
	[tilespmem:$0x1FF80] =	vst v63  }
0x35b: {  	_ =	swait.ge [sflag:s30], $0x1A00  }
0x35c: {  	[sflag:s30] =	ssyncset.done $0x0  }
0x35d: {  	[sflag:s30] =	ssyncadd.s32 $0xFFFFE600  }
0x35e: {  	[bflag:$0x0] =	sbarrier.arrive $0xFFFF  }
0x35f: {  	s18 =	rddreg [dreg:$0x18]  }
0x360: {  	s20 =	rddreg [dreg:$0x1c]  }
0x361: {  	[hbm:s18], [sflag:s29] =	dma.local [spmem:s20], $0x30E0  }
0x362: {  	_ =	swait.ge [sflag:s30], $0x30E0  }
0x363: {  	s16 =	rddreg [dreg:$0x1a]  }
0x364: {  	s21 =	rddreg [dreg:$0x19];
	s16 =	sadd.s32 $0x1, s16  }
0x365: {  	p0 =	sne.s32 s16, s21  }
.Ltmp4:
0x366: {  	_ = 	snop;
	(pc) =	sbr.rel @p0 .LBB2_1-.Ltmp4, $4  }
0x367: {  	_ = 	snop  }
0x368: {  	s12 =	simm.s32 $0x19670;
	s13 =	simm.s32 $0x19740;
	s17 =	simm.s32 $0x19810  }
0x369: {  	s29 =	simm.s32 $0x199B0;
	s20 =	simm.s32 $0x188A0;
	[sflag:s30] =	ssyncset.done $0x0  }
0x36a: {  	s18 =	rddreg [dreg:$0x5];
	[sflag:s30] =	ssyncadd.s32 $0xFFFFCF20;
	s21 =	simm.s32 $0x198E0  }
0x36b: {  	_ =	sfence.sel $0x180000  }
0x36c: {  	[bflag:$0x0] =	sbarrier.arrive $0xFFFF  }
0x36d: {  	_ =	strace $0x9000004A  }
0x36e: {  	s0 =	stileid.u32;
	[bflag:$0x2] =	sbarrier.arrive $0xFFFF  }
0x36f: {  	p0 =	sne.s32 s0, $0x0;
	s0 =	rddreg [dreg:$0x2]  }
0x370: {  	s0 =	sadd.s32 @!p0 $0x100000, s0  }
0x371: {  	[sflag:s0] =	ssyncadd.tile.s32 @!p0 $0x1;
	_ =	shalt  }
.Lfunc_end2:
_tile_overlayer_lowered:
.L_overlay_start_2:
0x372: {  	(tag) =	ssettag $0x2  }
0x373: {  	s0 =	rddreg [dreg:$0x0];
	s2 =	stileid.u32  }
0x374: {  	s1 =	rddreg [dreg:$0x1];
	p0 =	sne.s32 s2, $0x0  }
0x375: {  	s3 =	rddreg [dreg:$0x2];
	[bflag:$0x3] =	sbarrier.arrive $0xFFFF;
	s2 =	simm.s32 @!p0 $0x1C04  }
0x376: {  	[timem:s3], [sflag:s2] =	dma.local @!p0 [hbm:s0], s1  }
0x377: {  	s0 =	simm.s32 @!p0 $0x4  }
0x378: {  	_ =	swait.ge @!p0 [sflag:s0], s1  }
0x379: {  	s1 =	ssub.s32 @!p0 $0x0, s1;
	[sflag:s0] =	ssyncset.done @!p0 $0x0  }
0x37a: {  	[sflag:s0] =	ssyncadd.s32 @!p0 s1  }
0x37b: {  	[bflag:$0x3] =	sbarrier.arrive $0xFFFF  }
0x37c: {  	_ =	shalt  }

// kernel: kernel.7.cloned.1.call-start
scs
__scs_entry_jumppad:
0x0: {  	(pc) =	sbr.rel $0x88, $3  }
0x1: {  	(tag) =	ssettag $0x0;
	lr =	simm.s32 $0x1  }
0x2: {  	[smem:$0x3F96] =	sst lr;
	_ =	strace $0xD0000000  }
0x3: {  	_ = 	snop  }
0x4: {  	_ = 	snop  }
0x5: {  	_ = 	snop  }
0x6: {  	_ = 	snop  }
0x7: {  	_ = 	snop  }
__scs_overlays_trampoline_lowered:
0x8: {  	[smem:$0x3FA5] =	sst s0  }
0x9: {  	[smem:$0x3FA6] =	sst s1  }
0xa: {  	[smem:$0x3FA7] =	sst s2  }
0xb: {  	[smem:$0x3FA8] =	sst s3  }
0xc: {  	[smem:$0x3FA9] =	sst s4  }
0xd: {  	[smem:$0x3FAA] =	sst s5  }
0xe: {  	[smem:$0x3FAB] =	sst s6  }
0xf: {  	[smem:$0x3FAC] =	sst s7  }
0x10: {  	[smem:$0x3FAD] =	sst s8  }
0x11: {  	[smem:$0x3FAE] =	sst s9;
	s0 =	simm.s32 @!p0 $0x0  }
0x12: {  	s1 =	sld [smem:$0x3F94];
	s0 =	simm.s32 @p0 $0x1  }
0x13: {  	[smem:$0x3FAF] =	sst s0;
	s0 =	simm.s32 @!p1 $0x0  }
0x14: {  	s2 =	sld [smem:$0x3F93];
	s0 =	simm.s32 @p1 $0x1  }
0x15: {  	[smem:$0x3FB0] =	sst s0;
	s0 =	simm.s32 @!p2 $0x0  }
0x16: {  	s3 =	sld [smem:$0x3FDB];
	s0 =	simm.s32 @p2 $0x1  }
0x17: {  	s4 =	simm.s32 $0x1BF5;
	[smem:$0x3FB2] =	sst s0  }
0x18: {  	s0 =	sld [smem:$0x3F95];
	_ =	swait.ge [sflag:s4], $0x0  }
0x19: {  	s7 =	sld [smem:$0x3F96]  }
0x1a: {  	s8 =	sadd.s32 $0xFFFFE003, lr  }
0x1b: {  	s9 =	sadd.s32 $0xFFFFFEF7, lr;
	s5 =	simm.s32 $0xFFFFFFFF;
	p2 =	slt.u32 s8, $0xFFFFF086  }
0x1c: {  	p1 =	slt.u32 s9, $0xF7A;
	s5 =	simm.s32 @!p2 $0x0  }
0x1d: {  	s5 =	simm.s32 @p1 $0x1;
	p0 =	seq.s32 s7, s2  }
0x1e: {  	s7 =	smul.u32 @!p0 $0xF7A, s2;
	p2 =	seq.s32 @!p0 s5, $0x0  }
0x1f: {  	s9 =	smul.u32 $0xF7A, s1;
	s8 =	simm.s32 @!p0 $0x1BF5;
	p2 =	por !p2, p0  }
0x20: {  	[sflag:s8] =	ssyncset.s32 @!p0 $0xFFFFF086;
	s6 =	sadd.s32 @!p0 s3, s7;
	s7 =	simm.s32 @!p0 $0x108  }
0x21: {  	s3 =	sadd.s32 s3, s9;
	s6 =	sadd.s32 @!p0 $0x88, s6;
	s7 =	simm.s32 @p2 $0x1082  }
0x22: {  	[simem:s7], [sflag:s8] =	dma.local @!p0 [hbm:s6], $0xF7A  }
0x23: {  	s9 =	sor.u32 $0xD0000000, s2;
	s6 =	simm.s32 $0x108;
	_ =	swait.ge @!p0 [sflag:s8], $0x0  }
0x24: {  	s3 =	sadd.s32 $0x88, s3;
	s6 =	simm.s32 @!p1 $0x1082;
	[sflag:s4] =	ssyncset.s32 $0xFFFFF086  }
0x25: {  	[simem:s6], [sflag:s4] =	dma.local [hbm:s3], $0xF7A  }
0x26: {  	[smem:$0x3F96] =	sst s1;
	(tag) =	ssettag s2;
	_ =	strace s9  }
0x27: {  	s1 =	sld [smem:$0x3FA6]  }
0x28: {  	s2 =	sld [smem:$0x3FA7]  }
0x29: {  	s4 =	sld [smem:$0x3FA9]  }
0x2a: {  	p0 =	seq.s32 s5, $0x0;
	s5 =	sld [smem:$0x3FAA]  }
0x2b: {  	s6 =	sld [smem:$0x3FAB]  }
0x2c: {  	s7 =	sld [smem:$0x3FAC]  }
0x2d: {  	s3 =	simm.s32 $0x108;
	s8 =	sld [smem:$0x3FAD]  }
0x2e: {  	s3 =	simm.s32 @!p0 $0x1082;
	s9 =	sld [smem:$0x3FAE]  }
0x2f: {  	lr =	sadd.s32 s0, s3;
	s0 =	sld [smem:$0x3FA5]  }
0x30: {  	s3 =	sld [smem:$0x3FA8]  }
0x31: {  	[smem:$0x3FB1] =	sst s10  }
0x32: {  	s10 =	sld [smem:$0x3FAF];
	_ =	sdelay $0x3  }
0x33: {  	p0 =	seq.s32 s10, $0x1;
	s10 =	sld [smem:$0x3FB1];
	_ =	sdelay $0x3  }
0x34: {  	[smem:$0x3FB1] =	sst s10  }
0x35: {  	s10 =	sld [smem:$0x3FB0];
	_ =	sdelay $0x3  }
0x36: {  	p1 =	seq.s32 s10, $0x1;
	s10 =	sld [smem:$0x3FB1];
	_ =	sdelay $0x3  }
0x37: {  	[smem:$0x3FB1] =	sst s10  }
0x38: {  	s10 =	sld [smem:$0x3FB2]  }
0x39: {  	_ = 	snop;
	(pc) =	sbr.ind lr, $3  }
0x3a: {  	_ = 	snop  }
0x3b: {  	_ = 	snop  }
0x3c: {  	p2 =	seq.s32 s10, $0x1;
	s10 =	sld [smem:$0x3FB1]  }
0x3d: {  	_ =	shalt  }
0x3e: {  	_ =	shalt  }
0x3f: {  	_ =	shalt  }
0x40: {  	_ =	shalt  }
0x41: {  	_ =	shalt  }
0x42: {  	_ =	shalt  }
0x43: {  	_ =	shalt  }
0x44: {  	_ =	shalt  }
0x45: {  	_ =	shalt  }
0x46: {  	_ =	shalt  }
0x47: {  	_ =	shalt  }
0x48: {  	_ =	shalt  }
0x49: {  	_ =	shalt  }
0x4a: {  	_ =	shalt  }
0x4b: {  	_ =	shalt  }
0x4c: {  	_ =	shalt  }
0x4d: {  	_ =	shalt  }
0x4e: {  	_ =	shalt  }
0x4f: {  	_ =	shalt  }
0x50: {  	_ =	shalt  }
0x51: {  	_ =	shalt  }
0x52: {  	_ =	shalt  }
0x53: {  	_ =	shalt  }
0x54: {  	_ =	shalt  }
0x55: {  	_ =	shalt  }
0x56: {  	_ =	shalt  }
0x57: {  	_ =	shalt  }
0x58: {  	_ =	shalt  }
0x59: {  	_ =	shalt  }
0x5a: {  	_ =	shalt  }
0x5b: {  	_ =	shalt  }
0x5c: {  	_ =	shalt  }
0x5d: {  	_ =	shalt  }
0x5e: {  	_ =	shalt  }
0x5f: {  	_ =	shalt  }
0x60: {  	_ =	shalt  }
0x61: {  	_ =	shalt  }
0x62: {  	_ =	shalt  }
0x63: {  	_ =	shalt  }
0x64: {  	_ =	shalt  }
0x65: {  	_ =	shalt  }
0x66: {  	_ =	shalt  }
0x67: {  	_ =	shalt  }
0x68: {  	_ =	shalt  }
0x69: {  	_ =	shalt  }
0x6a: {  	_ =	shalt  }
0x6b: {  	_ =	shalt  }
0x6c: {  	_ =	shalt  }
0x6d: {  	_ =	shalt  }
0x6e: {  	_ =	shalt  }
0x6f: {  	_ =	shalt  }
0x70: {  	_ =	shalt  }
0x71: {  	_ =	shalt  }
0x72: {  	_ =	shalt  }
0x73: {  	_ =	shalt  }
0x74: {  	_ =	shalt  }
0x75: {  	_ =	shalt  }
0x76: {  	_ =	shalt  }
0x77: {  	_ =	shalt  }
0x78: {  	_ =	shalt  }
0x79: {  	_ =	shalt  }
0x7a: {  	_ =	shalt  }
0x7b: {  	_ =	shalt  }
0x7c: {  	_ =	shalt  }
0x7d: {  	_ =	shalt  }
0x7e: {  	_ =	shalt  }
0x7f: {  	_ =	shalt  }
0x80: {  	_ =	shalt  }
0x81: {  	_ =	shalt  }
0x82: {  	_ =	shalt  }
0x83: {  	_ =	shalt  }
0x84: {  	_ =	shalt  }
0x85: {  	_ =	shalt  }
0x86: {  	_ =	shalt  }
0x87: {  	_ =	shalt  }
.Lfunc_end0:
.L_simem_size_0:
called_computation_lowered:
.L_overlay_start_0:
0x88: {  	s2 =	sld [smem:$0x3FD9]  }
0x89: {  	s3 =	sld [smem:$0x3FFE];
	_ =	sdelay $0x1  }
0x8a: {  	s1 =	srdreg.scid  }
0x8b: {  	s0 =	sand.u32 $0x1, s1  }
0x8c: {  	s16 =	sshll.u32 s0, $0xA;
	s2 =	sadd.s32 s3, s2  }
0x8d: {  	s2 =	sadd.s32 s2, s16  }
0x8e: {  	[smem:$0x3FBD] =	sst s2  }
0x8f: {  	_ = 	snop  }
0x90: {  	(tm) =	ssettm $0x1  }
0x91: {  	s17 =	sld [smem:$0x3FFB];
	_ =	sdelay $0x3  }
0x92: {  	_ =	strace s17  }
0x93: {  	s2 =	sld [smem:$0x3FFC];
	_ =	sdelay $0x3  }
0x94: {  	_ =	strace s2  }
0x95: {  	s2 =	sld [smem:$0x3FFD];
	_ =	sdelay $0x3  }
0x96: {  	_ =	strace s2  }
0x97: {  	_ =	strace $0x8FFFFFFF  }
0x98: {  	s18 =	sld [smem:$0x3FDB];
	_ =	sdelay $0x1  }
0x99: {  	s19 =	simm.s32 $_scs_section_size  }
0x9a: {  	s4 =	simm.s32 $_size__tile_overlayer_lowered;
	s5 =	simm.s32 $_tile_overlayer_lowered  }
0x9b: {  	s22 =	simm.s32 $0x1BFF;
	s21 =	sshll.u32 s5, $0x1;
	s2 =	sadd.s32 s19, s18  }
0x9c: {  	s6 =	simm.s32 $0x0;
	s20 =	sshll.u32 s4, $0x1;
	s4 =	sadd.s32 s21, s2  }
0x9d: {  	[timem:s6], [sflag:s22] =	dma.local [hbm:s4], s20  }
0x9e: {  	_ =	swait.ge [sflag:s22], s20  }
0x9f: {  	s3 =	ssub.s32 $0x0, s20;
	[sflag:s22] =	ssyncset.done $0x0  }
0xa0: {  	[sflag:s22] =	ssyncadd.s32 s3;
	_ =	sdelay $0x1  }
0xa1: {  	s23 =	simm.s32 $0x1B8B  }
0xa2: {  	_ =	swait.ge [sflag:s23], $0x1  }
0xa3: {  	[sflag:s23] =	ssyncset.done $0x0  }
0xa4: {  	s25 =	simm.s32 $0x1B8E;
	s24 =	sld [smem:$0x3FFE];
	[sflag:s23] =	ssyncadd.s32 $0xFFFFFFFF  }
0xa5: {  	s26 =	simm.s32 $execute0_lowered;
	[smem:$0x3FD2] =	sst s25  }
0xa6: {  	s4 =	sshll.u32 s26, $0x1;
	_ =	strace $0x80000046;
	[dreg:$0x1] =	wrdreg $0xFFFFFFFF  }
0xa7: {  	s28 =	simm.s32 $_size_execute0_lowered;
	s2 =	sadd.s32 s2, s4;
	[dreg:$0x0] =	wrdreg $0x0  }
0xa8: {  	s4 =	sshll.u32 s28, $0x1;
	[dreg:$0x2] =	wrdreg s2  }
0xa9: {  	[dreg:$0x3] =	wrdreg s4  }
0xaa: {  	[dreg:$0x4] =	wrdreg $0xC0  }
0xab: {  	_ =	task [dreg:s6], $0x5FFFF  }
0xac: {  	[dreg:$0x1] =	wrdreg $0xFFFFFFFF  }
0xad: {  	[dreg:$0x0] =	wrdreg $0x60  }
0xae: {  	[dreg:$0x2] =	wrdreg s24  }
0xaf: {  	[dreg:$0x3] =	wrdreg $0x0  }
0xb0: {  	[dreg:$0x4] =	wrdreg $0x9  }
0xb1: {  	_ =	task.clear_ibuf [dreg:s6], $0x5FFFF;
	_ =	strace $0x90000046  }
0xb2: {  	s29 =	simm.s32 $0x9;
	_ =	strace $0x80000048  }
0xb3: {  	_ =	swait.ge [sflag:s29], $0x1  }
0xb4: {  	[sflag:s29] =	ssyncadd.s32 $0xFFFFFFFF  }
0xb5: {  	_ =	strace $0x90000048  }
0xb6: {  	_ =	sfence  }
0xb7: {  	s30 =	sld [smem:$0x0];
	_ =	sdelay $0x2  }
0xb8: {  	s31 =	sshll.u32 s1, $0xD;
	s1 =	sshrl.u32 s1, $0x2  }
0xb9: {  	s3 =	sand.u32 $0x4000, s31;
	s1 =	sadd.s32 s1, s30  }
0xba: {  	s0 =	sor.u32 s3, s0;
	s1 =	sshll.u32 s1, $0x11  }
0xbb: {  	s0 =	sor.u32 s1, s0  }
0xbc: {  	s0 =	sadd.s32 $0x8F2B, s0  }
0xbd: {  	[sflag:s0] =	ssyncadd.remote.s32 $0x1  }
0xbe: {  	_ =	sfence.sel $0xFFFF  }
0xbf: {  	[dreg:$0x0] =	wrdreg $0xFFFFFFFF;
	(pc) =	sbr.abs _section_cstart, $3  }
0xc0: {  	[dreg:$0x1] =	wrdreg $0xFFFFFFFF  }
0xc1: {  	_ =	task.clear_ibuf [dreg:s6], $0x2FFFF;
	_ =	strace $0x9FFFFFFF  }
0xc2: {  	(tm) =	ssettm $0x7FFFFFFF  }
0xc3: {  	_ =	shalt  }
tec
execute0_lowered:
.L_overlay_start_1:
0x0: {  	(tag) =	ssettag $0x1  }
0x1: {  	s0 =	srdreg.scid;
	s7 =	stileid.u32  }
0x2: {  	s12 =	rddreg [dreg:$0x0];
	s1 =	smul.u32 $0x2700, s7  }
0x3: {  	s3 =	rddreg [dreg:$0x1];
	s5 =	smul.u32 $0x61C00, s7  }
0x4: {  	s4 =	simm.s32 $0x0;
	s0 =	sand.u32 $0x1, s0;
	s7 =	smul.u32 $0x30E00, s7  }
0x5: {  	s30 =	simm.s32 $0x4;
	s31 =	simm.s32 $0x18700;
	s2 =	smul.u32 $0x27000, s0  }
0x6: {  	s29 =	simm.s32 $0x199B0;
	[smem:$0x7FF] =	sst s4;
	s6 =	smul.u32 $0x61C000, s0  }
0x7: {  	s9 =	sadd.s32 $0xA000, s12;
	s28 =	sadd.s32 $0x1D800, s12;
	s8 =	smul.u32 $0x30E000, s0  }
0x8: {  	_ =	strace $0x80000047;
	s10 =	ssub.s32 $0x2, s0;
	s6 =	sadd.s32 s5, s6  }
0x9: {  	s8 =	sadd.s32 s7, s8;
	s7 =	sshrl.u32 s7, $0x1;
	s5 =	sshrl.u32 s5, $0x2  }
0xa: {  	s0 =	smul.u32 $0x4E000, s0;
	s19 =	sadd.s32 s7, s3;
	s5 =	sadd.s32 s5, s3  }
0xb: {  	s11 =	sshrl.u32 s10, $0x1;
	s18 =	sadd.s32 $0x1700, s5;
	[dreg:$0x5] =	wrdreg s19  }
0xc: {  	s2 =	sadd.s32 s2, s1;
	s20 =	sadd.s32 $0x2E00, s5;
	[dreg:$0x6] =	wrdreg s18  }
0xd: {  	s10 =	ssub.s32 s10, s11;
	s21 =	sadd.s32 $0x4500, s5;
	[dreg:$0x7] =	wrdreg s20  }
0xe: {  	s0 =	sadd.s32 s0, s1;
	s22 =	sadd.s32 $0x5C00, s5;
	[dreg:$0x8] =	wrdreg s21  }
0xf: {  	s2 =	sshrl.u32 s2, $0x3;
	s23 =	sadd.s32 $0x7300, s5;
	[dreg:$0x9] =	wrdreg s22  }
0x10: {  	s6 =	sshrl.u32 s6, $0x4;
	s24 =	sadd.s32 $0x8A00, s5;
	[dreg:$0xa] =	wrdreg s23  }
0x11: {  	s8 =	sshrl.u32 s8, $0x4;
	s25 =	sadd.s32 $0xA100, s5;
	[dreg:$0xb] =	wrdreg s24  }
0x12: {  	s15 =	sadd.s32 $0x27000, s0;
	s26 =	sadd.s32 $0xB800, s5;
	[dreg:$0xc] =	wrdreg s25  }
0x13: {  	s0 =	sshrl.u32 s0, $0x3;
	s11 =	sadd.s32 $0xCF00, s5;
	[dreg:$0xd] =	wrdreg s26  }
0x14: {  	s7 =	simm.s32 $0x19670;
	s13 =	sadd.s32 $0xE600, s5;
	[dreg:$0xe] =	wrdreg s11  }
0x15: {  	s2 =	sadd.s32 s2, s12;
	s14 =	sadd.s32 $0xFD00, s5;
	[dreg:$0xf] =	wrdreg s13  }
0x16: {  	s6 =	sadd.s32 s6, s12;
	s16 =	sadd.s32 $0x11400, s5;
	[dreg:$0x10] =	wrdreg s14  }
0x17: {  	s8 =	sadd.s32 s8, s12;
	s0 =	sadd.s32 s0, s9;
	[dreg:$0x11] =	wrdreg s16  }
0x18: {  	s1 =	sshrl.u32 s15, $0x3;
	s17 =	sadd.s32 $0x12B00, s5;
	[dreg:$0x3] =	wrdreg s0  }
0x19: {  	s12 =	simm.s32 $0x19260;
	[dreg:$0x12] =	wrdreg s17;
	s18 =	sadd.s32 s1, s9  }
0x1a: {  	s20 =	sadd.s32 $0x14200, s5;
	s21 =	sadd.s32 $0x15900, s5;
	s22 =	sadd.s32 $0x17000, s5  }
0x1b: {  	s23 =	sadd.s32 $0x7F400, s6;
	s24 =	sadd.s32 $0x7F404, s6;
	[dreg:$0x13] =	wrdreg s20  }
0x1c: {  	s25 =	sadd.s32 $0x142C00, s8;
	s26 =	smax.u32 s10, $0x1;
	[dreg:$0x4] =	wrdreg s18  }
0x1d: {  	s1 =	simm.s32 $0x190C0;
	s0 =	simm.s32 $0xD0;
	[dreg:$0x14] =	wrdreg s21  }
0x1e: {  	s6 =	simm.s32 $0x1;
	s5 =	simm.s32 $0x18970;
	[dreg:$0x15] =	wrdreg s22  }
0x1f: {  	s8 =	simm.s32 $0x2;
	s9 =	simm.s32 $0x19190;
	[dreg:$0x16] =	wrdreg s23  }
0x20: {  	s11 =	simm.s32 $0x3;
	s16 =	simm.s32 $0x19330;
	[dreg:$0x17] =	wrdreg s24  }
0x21: {  	s10 =	simm.s32 $0x195A0;
	s13 =	simm.s32 $0x19740;
	[dreg:$0x18] =	wrdreg s25  }
0x22: {  	s14 =	simm.s32 $0x19810;
	s17 =	simm.s32 $0x0;
	[dreg:$0x19] =	wrdreg s26  }
0x23: {  	s26 =	sadd.s32 $0x400, s2;
	s2 =	simm.s32 $0x19A80;
	s23 =	simm.s32 $0x1B480  }
0x24: {  	s21 =	simm.s32 $0x188A0;
	s25 =	simm.s32 $0x1CE80;
	s24 =	simm.s32 $0x18A40  }
0x25: {  	v0 =	vimm.bf16 $1.0000e+00;
	s20 =	simm.s32 $0x19400;
	s22 =	simm.s32 $0x194D0;
	s18 =	simm.s32 $0x198E0  }
.LBB2_1:
0x26: {  	[dreg:$0x1a] =	wrdreg s17  }
0x27: {  	s15 =	rddreg [dreg:$0x0];
	s17 =	simm.s32 $0x1E880  }
0x28: {  	[tilespmem:s17], [sflag:$0x4] =	stream.linear.gather [hbm4b:s15+s4], $0x1700, $0x38;
	[tilespmem:$0x1FF80] =	vst v63  }
0x29: {  	_ =	swait.ge [sflag:s30], $0x1700  }
0x2a: {  	[sflag:s30] =	ssyncset.done $0x0  }
0x2b: {  	[sflag:s30] =	ssyncadd.s32 $0xFFFFE900  }
0x2c: {  	[spmem:s19] =	stream.linear.scatter [tilespmem:s17], [sflag:$0x4], $0x1700, $0x38;
	[tilespmem:$0x1FF80] =	vst v63  }
0x2d: {  	_ =	swait.ge [sflag:s30], $0x1700  }
0x2e: {  	[sflag:s30] =	ssyncset.done $0x0  }
0x2f: {  	s19 =	rddreg [dreg:$0x6];
	[sflag:s30] =	ssyncadd.s32 $0xFFFFE900  }
0x30: {  	[spmem:s19] =	stream.linear.scatter [tilespmem:s17], [sflag:$0x4], $0x1700, $0x38;
	[tilespmem:$0x1FF80] =	vst v63  }
0x31: {  	_ =	swait.ge [sflag:s30], $0x1700  }
0x32: {  	[sflag:s30] =	ssyncset.done $0x0  }
0x33: {  	s19 =	rddreg [dreg:$0x7];
	[sflag:s30] =	ssyncadd.s32 $0xFFFFE900  }
0x34: {  	[spmem:s19] =	stream.linear.scatter [tilespmem:s17], [sflag:$0x4], $0x1700, $0x38;
	[tilespmem:$0x1FF80] =	vst v63  }
0x35: {  	_ =	swait.ge [sflag:s30], $0x1700  }
0x36: {  	[sflag:s30] =	ssyncset.done $0x0  }
0x37: {  	s19 =	rddreg [dreg:$0x8];
	[sflag:s30] =	ssyncadd.s32 $0xFFFFE900  }
0x38: {  	[spmem:s19] =	stream.linear.scatter [tilespmem:s17], [sflag:$0x4], $0x1700, $0x38;
	[tilespmem:$0x1FF80] =	vst v63  }
0x39: {  	_ =	swait.ge [sflag:s30], $0x1700  }
0x3a: {  	[sflag:s30] =	ssyncset.done $0x0  }
0x3b: {  	s19 =	rddreg [dreg:$0x9];
	[sflag:s30] =	ssyncadd.s32 $0xFFFFE900  }
0x3c: {  	[spmem:s19] =	stream.linear.scatter [tilespmem:s17], [sflag:$0x4], $0x1700, $0x38;
	[tilespmem:$0x1FF80] =	vst v63  }
0x3d: {  	_ =	swait.ge [sflag:s30], $0x1700  }
0x3e: {  	[sflag:s30] =	ssyncset.done $0x0  }
0x3f: {  	s19 =	rddreg [dreg:$0xa];
	[sflag:s30] =	ssyncadd.s32 $0xFFFFE900  }
0x40: {  	[spmem:s19] =	stream.linear.scatter [tilespmem:s17], [sflag:$0x4], $0x1700, $0x38;
	[tilespmem:$0x1FF80] =	vst v63  }
0x41: {  	_ =	swait.ge [sflag:s30], $0x1700  }
0x42: {  	[sflag:s30] =	ssyncset.done $0x0  }
0x43: {  	s19 =	rddreg [dreg:$0xb];
	[sflag:s30] =	ssyncadd.s32 $0xFFFFE900  }
0x44: {  	[spmem:s19] =	stream.linear.scatter [tilespmem:s17], [sflag:$0x4], $0x1700, $0x38;
	[tilespmem:$0x1FF80] =	vst v63  }
0x45: {  	_ =	swait.ge [sflag:s30], $0x1700  }
0x46: {  	[sflag:s30] =	ssyncset.done $0x0  }
0x47: {  	s19 =	rddreg [dreg:$0xc];
	[sflag:s30] =	ssyncadd.s32 $0xFFFFE900  }
0x48: {  	[spmem:s19] =	stream.linear.scatter [tilespmem:s17], [sflag:$0x4], $0x1700, $0x38;
	[tilespmem:$0x1FF80] =	vst v63  }
0x49: {  	_ =	swait.ge [sflag:s30], $0x1700  }
0x4a: {  	[sflag:s30] =	ssyncset.done $0x0  }
0x4b: {  	s19 =	rddreg [dreg:$0xd];
	[sflag:s30] =	ssyncadd.s32 $0xFFFFE900  }
0x4c: {  	[spmem:s19] =	stream.linear.scatter [tilespmem:s17], [sflag:$0x4], $0x1700, $0x38;
	[tilespmem:$0x1FF80] =	vst v63  }
0x4d: {  	_ =	swait.ge [sflag:s30], $0x1700  }
0x4e: {  	[sflag:s30] =	ssyncset.done $0x0  }
0x4f: {  	s19 =	rddreg [dreg:$0xe];
	[sflag:s30] =	ssyncadd.s32 $0xFFFFE900  }
0x50: {  	[spmem:s19] =	stream.linear.scatter [tilespmem:s17], [sflag:$0x4], $0x1700, $0x38;
	[tilespmem:$0x1FF80] =	vst v63  }
0x51: {  	_ =	swait.ge [sflag:s30], $0x1700  }
0x52: {  	[sflag:s30] =	ssyncset.done $0x0  }
0x53: {  	s19 =	rddreg [dreg:$0xf];
	[sflag:s30] =	ssyncadd.s32 $0xFFFFE900  }
0x54: {  	[spmem:s19] =	stream.linear.scatter [tilespmem:s17], [sflag:$0x4], $0x1700, $0x38;
	[tilespmem:$0x1FF80] =	vst v63  }
0x55: {  	_ =	swait.ge [sflag:s30], $0x1700  }
0x56: {  	[sflag:s30] =	ssyncset.done $0x0  }
0x57: {  	s19 =	rddreg [dreg:$0x10];
	[sflag:s30] =	ssyncadd.s32 $0xFFFFE900  }
0x58: {  	[spmem:s19] =	stream.linear.scatter [tilespmem:s17], [sflag:$0x4], $0x1700, $0x38;
	[tilespmem:$0x1FF80] =	vst v63  }
0x59: {  	_ =	swait.ge [sflag:s30], $0x1700  }
0x5a: {  	[sflag:s30] =	ssyncset.done $0x0  }
0x5b: {  	s19 =	rddreg [dreg:$0x11];
	[sflag:s30] =	ssyncadd.s32 $0xFFFFE900  }
0x5c: {  	[spmem:s19] =	stream.linear.scatter [tilespmem:s17], [sflag:$0x4], $0x1700, $0x38;
	[tilespmem:$0x1FF80] =	vst v63  }
0x5d: {  	_ =	swait.ge [sflag:s30], $0x1700  }
0x5e: {  	[sflag:s30] =	ssyncset.done $0x0  }
0x5f: {  	s19 =	rddreg [dreg:$0x12];
	[sflag:s30] =	ssyncadd.s32 $0xFFFFE900  }
0x60: {  	[spmem:s19] =	stream.linear.scatter [tilespmem:s17], [sflag:$0x4], $0x1700, $0x38;
	[tilespmem:$0x1FF80] =	vst v63  }
0x61: {  	_ =	swait.ge [sflag:s30], $0x1700  }
0x62: {  	[sflag:s30] =	ssyncset.done $0x0  }
0x63: {  	s19 =	rddreg [dreg:$0x13];
	[sflag:s30] =	ssyncadd.s32 $0xFFFFE900  }
0x64: {  	[spmem:s19] =	stream.linear.scatter [tilespmem:s17], [sflag:$0x4], $0x1700, $0x38;
	[tilespmem:$0x1FF80] =	vst v63  }
0x65: {  	_ =	swait.ge [sflag:s30], $0x1700  }
0x66: {  	[sflag:s30] =	ssyncset.done $0x0  }
0x67: {  	s19 =	rddreg [dreg:$0x14];
	[sflag:s30] =	ssyncadd.s32 $0xFFFFE900  }
0x68: {  	[spmem:s19] =	stream.linear.scatter [tilespmem:s17], [sflag:$0x4], $0x1700, $0x38;
	[tilespmem:$0x1FF80] =	vst v63  }
0x69: {  	_ =	swait.ge [sflag:s30], $0x1700  }
0x6a: {  	[sflag:s30] =	ssyncset.done $0x0  }
0x6b: {  	s19 =	rddreg [dreg:$0x15];
	[sflag:s30] =	ssyncadd.s32 $0xFFFFE900  }
0x6c: {  	[spmem:s19] =	stream.linear.scatter [tilespmem:s17], [sflag:$0x4], $0x1700, $0x38;
	[tilespmem:$0x1FF80] =	vst v63  }
0x6d: {  	_ =	swait.ge [sflag:s30], $0x1700  }
0x6e: {  	[sflag:s30] =	ssyncset.done $0x0  }
0x6f: {  	[sflag:s30] =	ssyncadd.s32 $0xFFFFE900  }
0x70: {  	[bflag:$0x0] =	sbarrier.arrive $0xFFFF  }
0x71: {  	s17 =	rddreg [dreg:$0x3]  }
0x72: {  	s15 =	sadd.s32 $0x0, s17  }
0x73: {  	[tilespmem:s31], [sflag:$0x4] =	stream.linear.gather [hbm4b:s15+s4], $0x9C0, $0x38;
	[tilespmem:$0x1FF80] =	vst v63  }
0x74: {  	_ =	swait.ge [sflag:s30], $0x9C0  }
0x75: {  	[sflag:s30] =	ssyncset.done $0x0  }
0x76: {  	s19 =	sadd.s32 $0x0, s26;
	[sflag:s30] =	ssyncadd.s32 $0xFFFFF640  }
0x77: {  	[tilespmem:s1], [sflag:$0x4] =	stream.linear.gather [hbm4b:s19+s4], $0x9C0, $0x38;
	[tilespmem:$0x1FF80] =	vst v63  }
0x78: {  	_ =	swait.ge [sflag:s30], $0x9C0  }
0x79: {  	[sflag:s30] =	ssyncset.done $0x0  }
0x7a: {  	[sflag:s30] =	ssyncadd.s32 $0xFFFFF640  }
0x7b: {  	[tilespmem:s2], [sflag:$0x1] =	stream.indirect.gather [hbm4b:s28+s0], $0x20, s31, s0, $0xb8;
	[tilespmem:$0x1FF80] =	vst v63  }
0x7c: {  	s17 =	simm.s32 $0x187D0  }
0x7d: {  	[tilespmem:s23], [sflag:$0x2] =	stream.indirect.gather [hbm4b:s28+s0], $0x20, s17, s0, $0xb8;
	[tilespmem:$0x1FF80] =	vst v63  }
0x7e: {  	_ = 	snop  }
0x7f: {  	[tilespmem:s25], [sflag:$0x3] =	stream.indirect.gather [hbm4b:s28+s0], $0x20, s21, s0, $0xb8;
	[tilespmem:$0x1FF80] =	vst v63  }
0x80: {  	_ =	swait.ge [sflag:s6], $0x1A00  }
0x81: {  	[sflag:s6] =	ssyncset.done $0x0  }
0x82: {  	[sflag:s6] =	ssyncadd.s32 $0xFFFFE600  }
0x83: {  	[spmem:s3] =	stream.indirect.scatter.add.bf16 [tilespmem:s2], [sflag:$0x4], $0x20, s1, s0, $0xb8;
	[tilespmem:$0x1FF80] =	vst v63  }
0x84: {  	_ =	swait.ge [sflag:s30], $0x1A00  }
0x85: {  	[sflag:s30] =	ssyncset.done $0x0  }
0x86: {  	[sflag:s30] =	ssyncadd.s32 $0xFFFFE600  }
0x87: {  	[tilespmem:s2], [sflag:$0x1] =	stream.indirect.gather [hbm4b:s28+s0], $0x20, s5, s0, $0xb8;
	[tilespmem:$0x1FF80] =	vst v63  }
0x88: {  	_ =	swait.ge [sflag:s8], $0x1A00  }
0x89: {  	[sflag:s8] =	ssyncset.done $0x0  }
0x8a: {  	[sflag:s8] =	ssyncadd.s32 $0xFFFFE600  }
0x8b: {  	[spmem:s3] =	stream.indirect.scatter.add.bf16 [tilespmem:s23], [sflag:$0x4], $0x20, s9, s0, $0xb8;
	[tilespmem:$0x1FF80] =	vst v63  }
0x8c: {  	_ =	swait.ge [sflag:s30], $0x1A00  }
0x8d: {  	[sflag:s30] =	ssyncset.done $0x0  }
0x8e: {  	[sflag:s30] =	ssyncadd.s32 $0xFFFFE600  }
0x8f: {  	[tilespmem:s23], [sflag:$0x2] =	stream.indirect.gather [hbm4b:s28+s0], $0x20, s24, s0, $0xb8;
	[tilespmem:$0x1FF80] =	vst v63  }
0x90: {  	_ =	swait.ge [sflag:s11], $0x1A00  }
0x91: {  	[sflag:s11] =	ssyncset.done $0x0  }
0x92: {  	[sflag:s11] =	ssyncadd.s32 $0xFFFFE600  }
0x93: {  	[spmem:s3] =	stream.indirect.scatter.add.bf16 [tilespmem:s25], [sflag:$0x4], $0x20, s12, s0, $0xb8;
	[tilespmem:$0x1FF80] =	vst v63  }
0x94: {  	_ =	swait.ge [sflag:s30], $0x1A00  }
0x95: {  	[sflag:s30] =	ssyncset.done $0x0  }
0x96: {  	s19 =	simm.s32 $0x18B10;
	[sflag:s30] =	ssyncadd.s32 $0xFFFFE600  }
0x97: {  	[tilespmem:s25], [sflag:$0x3] =	stream.indirect.gather [hbm4b:s28+s0], $0x20, s19, s0, $0xb8;
	[tilespmem:$0x1FF80] =	vst v63  }
0x98: {  	_ =	swait.ge [sflag:s6], $0x1A00  }
0x99: {  	[sflag:s6] =	ssyncset.done $0x0  }
0x9a: {  	[sflag:s6] =	ssyncadd.s32 $0xFFFFE600  }
0x9b: {  	[spmem:s3] =	stream.indirect.scatter.add.bf16 [tilespmem:s2], [sflag:$0x4], $0x20, s16, s0, $0xb8;
	[tilespmem:$0x1FF80] =	vst v63  }
0x9c: {  	_ =	swait.ge [sflag:s30], $0x1A00  }
0x9d: {  	[sflag:s30] =	ssyncset.done $0x0  }
0x9e: {  	s17 =	simm.s32 $0x18BE0;
	[sflag:s30] =	ssyncadd.s32 $0xFFFFE600  }
0x9f: {  	[tilespmem:s2], [sflag:$0x1] =	stream.indirect.gather [hbm4b:s28+s0], $0x20, s17, s0, $0xb8;
	[tilespmem:$0x1FF80] =	vst v63  }
0xa0: {  	_ =	swait.ge [sflag:s8], $0x1A00  }
0xa1: {  	[sflag:s8] =	ssyncset.done $0x0  }
0xa2: {  	[sflag:s8] =	ssyncadd.s32 $0xFFFFE600  }
0xa3: {  	[spmem:s3] =	stream.indirect.scatter.add.bf16 [tilespmem:s23], [sflag:$0x4], $0x20, s20, s0, $0xb8;
	[tilespmem:$0x1FF80] =	vst v63  }
0xa4: {  	_ =	swait.ge [sflag:s30], $0x1A00  }
0xa5: {  	[sflag:s30] =	ssyncset.done $0x0  }
0xa6: {  	s19 =	simm.s32 $0x18CB0;
	[sflag:s30] =	ssyncadd.s32 $0xFFFFE600  }
0xa7: {  	[tilespmem:s23], [sflag:$0x2] =	stream.indirect.gather [hbm4b:s28+s0], $0x20, s19, s0, $0xb8;
	[tilespmem:$0x1FF80] =	vst v63  }
0xa8: {  	_ =	swait.ge [sflag:s11], $0x1A00  }
0xa9: {  	[sflag:s11] =	ssyncset.done $0x0  }
0xaa: {  	[sflag:s11] =	ssyncadd.s32 $0xFFFFE600  }
0xab: {  	[spmem:s3] =	stream.indirect.scatter.add.bf16 [tilespmem:s25], [sflag:$0x4], $0x20, s22, s0, $0xb8;
	[tilespmem:$0x1FF80] =	vst v63  }
0xac: {  	_ =	swait.ge [sflag:s30], $0x1A00  }
0xad: {  	[sflag:s30] =	ssyncset.done $0x0  }
0xae: {  	s17 =	simm.s32 $0x18D80;
	[sflag:s30] =	ssyncadd.s32 $0xFFFFE600  }
0xaf: {  	[tilespmem:s25], [sflag:$0x3] =	stream.indirect.gather [hbm4b:s28+s0], $0x20, s17, s0, $0xb8;
	[tilespmem:$0x1FF80] =	vst v63  }
0xb0: {  	_ =	swait.ge [sflag:s6], $0x1A00  }
0xb1: {  	[sflag:s6] =	ssyncset.done $0x0  }
0xb2: {  	[sflag:s6] =	ssyncadd.s32 $0xFFFFE600  }
0xb3: {  	[spmem:s3] =	stream.indirect.scatter.add.bf16 [tilespmem:s2], [sflag:$0x4], $0x20, s10, s0, $0xb8;
	[tilespmem:$0x1FF80] =	vst v63  }
0xb4: {  	_ =	swait.ge [sflag:s30], $0x1A00  }
0xb5: {  	[sflag:s30] =	ssyncset.done $0x0  }
0xb6: {  	s19 =	simm.s32 $0x18E50;
	[sflag:s30] =	ssyncadd.s32 $0xFFFFE600  }
0xb7: {  	[tilespmem:s2], [sflag:$0x1] =	stream.indirect.gather [hbm4b:s28+s0], $0x20, s19, s0, $0xb8;
	[tilespmem:$0x1FF80] =	vst v63  }
0xb8: {  	_ =	swait.ge [sflag:s8], $0x1A00  }
0xb9: {  	[sflag:s8] =	ssyncset.done $0x0  }
0xba: {  	[sflag:s8] =	ssyncadd.s32 $0xFFFFE600  }
0xbb: {  	[spmem:s3] =	stream.indirect.scatter.add.bf16 [tilespmem:s23], [sflag:$0x4], $0x20, s7, s0, $0xb8;
	[tilespmem:$0x1FF80] =	vst v63  }
0xbc: {  	_ =	swait.ge [sflag:s30], $0x1A00  }
0xbd: {  	[sflag:s30] =	ssyncset.done $0x0  }
0xbe: {  	s17 =	simm.s32 $0x18F20;
	[sflag:s30] =	ssyncadd.s32 $0xFFFFE600  }
0xbf: {  	[tilespmem:s23], [sflag:$0x2] =	stream.indirect.gather [hbm4b:s28+s0], $0x20, s17, s0, $0xb8;
	[tilespmem:$0x1FF80] =	vst v63  }
0xc0: {  	_ =	swait.ge [sflag:s11], $0x1A00  }
0xc1: {  	[sflag:s11] =	ssyncset.done $0x0  }
0xc2: {  	[sflag:s11] =	ssyncadd.s32 $0xFFFFE600  }
0xc3: {  	[spmem:s3] =	stream.indirect.scatter.add.bf16 [tilespmem:s25], [sflag:$0x4], $0x20, s13, s0, $0xb8;
	[tilespmem:$0x1FF80] =	vst v63  }
0xc4: {  	_ =	swait.ge [sflag:s30], $0x1A00  }
0xc5: {  	[sflag:s30] =	ssyncset.done $0x0  }
0xc6: {  	s19 =	simm.s32 $0x18FF0;
	[sflag:s30] =	ssyncadd.s32 $0xFFFFE600  }
0xc7: {  	[tilespmem:s25], [sflag:$0x3] =	stream.indirect.gather [hbm4b:s28+s0], $0x20, s19, s0, $0xb8;
	[tilespmem:$0x1FF80] =	vst v63  }
0xc8: {  	_ =	swait.ge [sflag:s6], $0x1A00  }
0xc9: {  	[sflag:s6] =	ssyncset.done $0x0  }
0xca: {  	[sflag:s6] =	ssyncadd.s32 $0xFFFFE600  }
0xcb: {  	[spmem:s3] =	stream.indirect.scatter.add.bf16 [tilespmem:s2], [sflag:$0x4], $0x20, s14, s0, $0xb8;
	[tilespmem:$0x1FF80] =	vst v63  }
0xcc: {  	_ =	swait.ge [sflag:s30], $0x1A00  }
0xcd: {  	[sflag:s30] =	ssyncset.done $0x0  }
0xce: {  	[sflag:s30] =	ssyncadd.s32 $0xFFFFE600  }
0xcf: {  	_ =	swait.ge [sflag:s8], $0x1A00  }
0xd0: {  	[sflag:s8] =	ssyncset.done $0x0  }
0xd1: {  	[sflag:s8] =	ssyncadd.s32 $0xFFFFE600  }
0xd2: {  	[spmem:s3] =	stream.indirect.scatter.add.bf16 [tilespmem:s23], [sflag:$0x4], $0x20, s18, s0, $0xb8;
	[tilespmem:$0x1FF80] =	vst v63  }
0xd3: {  	_ =	swait.ge [sflag:s30], $0x1A00  }
0xd4: {  	[sflag:s30] =	ssyncset.done $0x0  }
0xd5: {  	[sflag:s30] =	ssyncadd.s32 $0xFFFFE600  }
0xd6: {  	_ =	swait.ge [sflag:s11], $0x1A00  }
0xd7: {  	[sflag:s11] =	ssyncset.done $0x0  }
0xd8: {  	[sflag:s11] =	ssyncadd.s32 $0xFFFFE600  }
0xd9: {  	[spmem:s3] =	stream.indirect.scatter.add.bf16 [tilespmem:s25], [sflag:$0x4], $0x20, s29, s0, $0xb8;
	[tilespmem:$0x1FF80] =	vst v63  }
0xda: {  	s15 =	simm.s32 $0x138;
	_ =	swait.ge [sflag:s30], $0x1A00  }
.LBB2_2:
0xdb: {  	s17 =	rddreg [dreg:$0x3];
	s19 =	smov.u32 s15;
	[sflag:s30] =	ssyncset.done $0x0  }
0xdc: {  	s17 =	sadd.s32 s19, s17;
	[sflag:s30] =	ssyncadd.s32 $0xFFFFE600  }
0xdd: {  	[tilespmem:s31], [sflag:$0x4] =	stream.linear.gather [hbm4b:s17+s4], $0x9C0, $0x38;
	[tilespmem:$0x1FF80] =	vst v63  }
0xde: {  	_ =	swait.ge [sflag:s30], $0x9C0  }
0xdf: {  	[sflag:s30] =	ssyncset.done $0x0  }
0xe0: {  	s17 =	sadd.s32 s19, s26;
	[sflag:s30] =	ssyncadd.s32 $0xFFFFF640  }
0xe1: {  	[tilespmem:s1], [sflag:$0x4] =	stream.linear.gather [hbm4b:s17+s4], $0x9C0, $0x38;
	[tilespmem:$0x1FF80] =	vst v63  }
0xe2: {  	_ =	swait.ge [sflag:s30], $0x9C0  }
0xe3: {  	[sflag:s30] =	ssyncset.done $0x0  }
0xe4: {  	[sflag:s30] =	ssyncadd.s32 $0xFFFFF640  }
0xe5: {  	[tilespmem:s2], [sflag:$0x1] =	stream.indirect.gather [hbm4b:s28+s0], $0x20, s31, s0, $0xb8;
	[tilespmem:$0x1FF80] =	vst v63  }
0xe6: {  	s19 =	simm.s32 $0x187D0  }
0xe7: {  	[tilespmem:s23], [sflag:$0x2] =	stream.indirect.gather [hbm4b:s28+s0], $0x20, s19, s0, $0xb8;
	[tilespmem:$0x1FF80] =	vst v63  }
0xe8: {  	_ = 	snop  }
0xe9: {  	[tilespmem:s25], [sflag:$0x3] =	stream.indirect.gather [hbm4b:s28+s0], $0x20, s21, s0, $0xb8;
	[tilespmem:$0x1FF80] =	vst v63  }
0xea: {  	_ =	swait.ge [sflag:s6], $0x1A00  }
0xeb: {  	[sflag:s6] =	ssyncset.done $0x0  }
0xec: {  	[sflag:s6] =	ssyncadd.s32 $0xFFFFE600  }
0xed: {  	[spmem:s3] =	stream.indirect.scatter.add.bf16 [tilespmem:s2], [sflag:$0x4], $0x20, s1, s0, $0xb8;
	[tilespmem:$0x1FF80] =	vst v63  }
0xee: {  	_ =	swait.ge [sflag:s30], $0x1A00  }
0xef: {  	[sflag:s30] =	ssyncset.done $0x0  }
0xf0: {  	[sflag:s30] =	ssyncadd.s32 $0xFFFFE600  }
0xf1: {  	[tilespmem:s2], [sflag:$0x1] =	stream.indirect.gather [hbm4b:s28+s0], $0x20, s5, s0, $0xb8;
	[tilespmem:$0x1FF80] =	vst v63  }
0xf2: {  	_ =	swait.ge [sflag:s8], $0x1A00  }
0xf3: {  	[sflag:s8] =	ssyncset.done $0x0  }
0xf4: {  	[sflag:s8] =	ssyncadd.s32 $0xFFFFE600  }
0xf5: {  	[spmem:s3] =	stream.indirect.scatter.add.bf16 [tilespmem:s23], [sflag:$0x4], $0x20, s9, s0, $0xb8;
	[tilespmem:$0x1FF80] =	vst v63  }
0xf6: {  	_ =	swait.ge [sflag:s30], $0x1A00  }
0xf7: {  	[sflag:s30] =	ssyncset.done $0x0  }
0xf8: {  	[sflag:s30] =	ssyncadd.s32 $0xFFFFE600  }
0xf9: {  	[tilespmem:s23], [sflag:$0x2] =	stream.indirect.gather [hbm4b:s28+s0], $0x20, s24, s0, $0xb8;
	[tilespmem:$0x1FF80] =	vst v63  }
0xfa: {  	_ =	swait.ge [sflag:s11], $0x1A00  }
0xfb: {  	[sflag:s11] =	ssyncset.done $0x0  }
0xfc: {  	[sflag:s11] =	ssyncadd.s32 $0xFFFFE600  }
0xfd: {  	[spmem:s3] =	stream.indirect.scatter.add.bf16 [tilespmem:s25], [sflag:$0x4], $0x20, s12, s0, $0xb8;
	[tilespmem:$0x1FF80] =	vst v63  }
0xfe: {  	_ =	swait.ge [sflag:s30], $0x1A00  }
0xff: {  	[sflag:s30] =	ssyncset.done $0x0  }
0x100: {  	s17 =	simm.s32 $0x18B10;
	[sflag:s30] =	ssyncadd.s32 $0xFFFFE600  }
0x101: {  	[tilespmem:s25], [sflag:$0x3] =	stream.indirect.gather [hbm4b:s28+s0], $0x20, s17, s0, $0xb8;
	[tilespmem:$0x1FF80] =	vst v63  }
0x102: {  	_ =	swait.ge [sflag:s6], $0x1A00  }
0x103: {  	[sflag:s6] =	ssyncset.done $0x0  }
0x104: {  	[sflag:s6] =	ssyncadd.s32 $0xFFFFE600  }
0x105: {  	[spmem:s3] =	stream.indirect.scatter.add.bf16 [tilespmem:s2], [sflag:$0x4], $0x20, s16, s0, $0xb8;
	[tilespmem:$0x1FF80] =	vst v63  }
0x106: {  	_ =	swait.ge [sflag:s30], $0x1A00  }
0x107: {  	[sflag:s30] =	ssyncset.done $0x0  }
0x108: {  	s17 =	simm.s32 $0x18BE0;
	[sflag:s30] =	ssyncadd.s32 $0xFFFFE600  }
0x109: {  	[tilespmem:s2], [sflag:$0x1] =	stream.indirect.gather [hbm4b:s28+s0], $0x20, s17, s0, $0xb8;
	[tilespmem:$0x1FF80] =	vst v63  }
0x10a: {  	_ =	swait.ge [sflag:s8], $0x1A00  }
0x10b: {  	[sflag:s8] =	ssyncset.done $0x0  }
0x10c: {  	[sflag:s8] =	ssyncadd.s32 $0xFFFFE600  }
0x10d: {  	[spmem:s3] =	stream.indirect.scatter.add.bf16 [tilespmem:s23], [sflag:$0x4], $0x20, s20, s0, $0xb8;
	[tilespmem:$0x1FF80] =	vst v63  }
0x10e: {  	_ =	swait.ge [sflag:s30], $0x1A00  }
0x10f: {  	[sflag:s30] =	ssyncset.done $0x0  }
0x110: {  	s17 =	simm.s32 $0x18CB0;
	[sflag:s30] =	ssyncadd.s32 $0xFFFFE600  }
0x111: {  	[tilespmem:s23], [sflag:$0x2] =	stream.indirect.gather [hbm4b:s28+s0], $0x20, s17, s0, $0xb8;
	[tilespmem:$0x1FF80] =	vst v63  }
0x112: {  	_ =	swait.ge [sflag:s11], $0x1A00  }
0x113: {  	[sflag:s11] =	ssyncset.done $0x0  }
0x114: {  	[sflag:s11] =	ssyncadd.s32 $0xFFFFE600  }
0x115: {  	[spmem:s3] =	stream.indirect.scatter.add.bf16 [tilespmem:s25], [sflag:$0x4], $0x20, s22, s0, $0xb8;
	[tilespmem:$0x1FF80] =	vst v63  }
0x116: {  	_ =	swait.ge [sflag:s30], $0x1A00  }
0x117: {  	[sflag:s30] =	ssyncset.done $0x0  }
0x118: {  	s17 =	simm.s32 $0x18D80;
	[sflag:s30] =	ssyncadd.s32 $0xFFFFE600  }
0x119: {  	[tilespmem:s25], [sflag:$0x3] =	stream.indirect.gather [hbm4b:s28+s0], $0x20, s17, s0, $0xb8;
	[tilespmem:$0x1FF80] =	vst v63  }
0x11a: {  	_ =	swait.ge [sflag:s6], $0x1A00  }
0x11b: {  	[sflag:s6] =	ssyncset.done $0x0  }
0x11c: {  	[sflag:s6] =	ssyncadd.s32 $0xFFFFE600  }
0x11d: {  	[spmem:s3] =	stream.indirect.scatter.add.bf16 [tilespmem:s2], [sflag:$0x4], $0x20, s10, s0, $0xb8;
	[tilespmem:$0x1FF80] =	vst v63  }
0x11e: {  	_ =	swait.ge [sflag:s30], $0x1A00  }
0x11f: {  	[sflag:s30] =	ssyncset.done $0x0  }
0x120: {  	s17 =	simm.s32 $0x18E50;
	[sflag:s30] =	ssyncadd.s32 $0xFFFFE600  }
0x121: {  	[tilespmem:s2], [sflag:$0x1] =	stream.indirect.gather [hbm4b:s28+s0], $0x20, s17, s0, $0xb8;
	[tilespmem:$0x1FF80] =	vst v63  }
0x122: {  	_ =	swait.ge [sflag:s8], $0x1A00  }
0x123: {  	[sflag:s8] =	ssyncset.done $0x0  }
0x124: {  	[sflag:s8] =	ssyncadd.s32 $0xFFFFE600  }
0x125: {  	[spmem:s3] =	stream.indirect.scatter.add.bf16 [tilespmem:s23], [sflag:$0x4], $0x20, s7, s0, $0xb8;
	[tilespmem:$0x1FF80] =	vst v63  }
0x126: {  	_ =	swait.ge [sflag:s30], $0x1A00  }
0x127: {  	[sflag:s30] =	ssyncset.done $0x0  }
0x128: {  	s17 =	simm.s32 $0x18F20;
	[sflag:s30] =	ssyncadd.s32 $0xFFFFE600  }
0x129: {  	[tilespmem:s23], [sflag:$0x2] =	stream.indirect.gather [hbm4b:s28+s0], $0x20, s17, s0, $0xb8;
	[tilespmem:$0x1FF80] =	vst v63  }
0x12a: {  	_ =	swait.ge [sflag:s11], $0x1A00  }
0x12b: {  	[sflag:s11] =	ssyncset.done $0x0  }
0x12c: {  	[sflag:s11] =	ssyncadd.s32 $0xFFFFE600  }
0x12d: {  	[spmem:s3] =	stream.indirect.scatter.add.bf16 [tilespmem:s25], [sflag:$0x4], $0x20, s13, s0, $0xb8;
	[tilespmem:$0x1FF80] =	vst v63  }
0x12e: {  	_ =	swait.ge [sflag:s30], $0x1A00  }
0x12f: {  	[sflag:s30] =	ssyncset.done $0x0  }
0x130: {  	s17 =	simm.s32 $0x18FF0;
	[sflag:s30] =	ssyncadd.s32 $0xFFFFE600  }
0x131: {  	[tilespmem:s25], [sflag:$0x3] =	stream.indirect.gather [hbm4b:s28+s0], $0x20, s17, s0, $0xb8;
	[tilespmem:$0x1FF80] =	vst v63  }
0x132: {  	_ =	swait.ge [sflag:s6], $0x1A00  }
0x133: {  	[sflag:s6] =	ssyncset.done $0x0  }
0x134: {  	[sflag:s6] =	ssyncadd.s32 $0xFFFFE600  }
0x135: {  	[spmem:s3] =	stream.indirect.scatter.add.bf16 [tilespmem:s2], [sflag:$0x4], $0x20, s14, s0, $0xb8;
	[tilespmem:$0x1FF80] =	vst v63  }
0x136: {  	_ =	swait.ge [sflag:s30], $0x1A00  }
0x137: {  	[sflag:s30] =	ssyncset.done $0x0  }
0x138: {  	[sflag:s30] =	ssyncadd.s32 $0xFFFFE600  }
0x139: {  	_ =	swait.ge [sflag:s8], $0x1A00  }
0x13a: {  	[sflag:s8] =	ssyncset.done $0x0  }
0x13b: {  	[sflag:s8] =	ssyncadd.s32 $0xFFFFE600  }
0x13c: {  	[spmem:s3] =	stream.indirect.scatter.add.bf16 [tilespmem:s23], [sflag:$0x4], $0x20, s18, s0, $0xb8;
	[tilespmem:$0x1FF80] =	vst v63  }
0x13d: {  	_ =	swait.ge [sflag:s30], $0x1A00  }
0x13e: {  	[sflag:s30] =	ssyncset.done $0x0  }
0x13f: {  	p0 =	sne.s32 s15, $0x3A8;
	[sflag:s30] =	ssyncadd.s32 $0xFFFFE600  }
.Ltmp0:
0x140: {  	_ =	swait.ge [sflag:s11], $0x1A00;
	(pc) =	sbr.rel @p0 .LBB2_2-.Ltmp0, $4  }
0x141: {  	[sflag:s11] =	ssyncset.done $0x0  }
0x142: {  	[sflag:s11] =	ssyncadd.s32 $0xFFFFE600  }
0x143: {  	[spmem:s3] =	stream.indirect.scatter.add.bf16 [tilespmem:s25], [sflag:$0x4], $0x20, s29, s0, $0xb8;
	[tilespmem:$0x1FF80] =	vst v63  }
0x144: {  	s15 =	sadd.s32 $0x138, s15;
	_ =	swait.ge [sflag:s30], $0x1A00  }
0x145: {  	[sflag:s30] =	ssyncset.done $0x0;
	s15 =	stileid.u32  }
0x146: {  	[sflag:s30] =	ssyncadd.s32 $0xFFFFE600;
	s15 =	sshll.u32 s15, $0x6  }
0x147: {  	[bflag:$0x0] =	sbarrier.arrive $0xFFFF;
	s15 =	sor.u32 $0x1C04, s15  }
0x148: {  	[dreg:$0x1b] =	wrdreg s15  }
0x149: {  	s24 =	rddreg [dreg:$0x5]  }
0x14a: {  	s15 =	sshrl.u32 s24, $0x3;
	s24 =	rddreg [dreg:$0x1b]  }
0x14b: {  	[dreg:$0x1c] =	wrdreg s15  }
0x14c: {  	s15 =	rddreg [dreg:$0x16]  }
0x14d: {  	s17 =	simm.s32 $0x8;
	s5 =	rddreg [dreg:$0x1c]  }
0x14e: {  	[hbm:s15@s17], [sflag:s24] =	dma.strided [spmem:s5@s30], $0x30E0, s6, $0x4   }
0x14f: {  	_ =	swait.ge [sflag:s30], $0x30E0  }
0x150: {  	[sflag:s30] =	ssyncset.done $0x0  }
0x151: {  	s17 =	simm.s32 $0x1E880;
	s5 =	rddreg [dreg:$0x5];
	[sflag:s30] =	ssyncadd.s32 $0xFFFFCF20  }
0x152: {  	[spmem:s5] =	stream.linear.scatter [tilespmem:s17], [sflag:$0x4], $0x1700, $0x38;
	[tilespmem:$0x1FF80] =	vst v63  }
0x153: {  	_ =	swait.ge [sflag:s30], $0x1700  }
0x154: {  	[sflag:s30] =	ssyncset.done $0x0  }
0x155: {  	s24 =	rddreg [dreg:$0x6];
	[sflag:s30] =	ssyncadd.s32 $0xFFFFE900  }
0x156: {  	[spmem:s24] =	stream.linear.scatter [tilespmem:s17], [sflag:$0x4], $0x1700, $0x38;
	[tilespmem:$0x1FF80] =	vst v63  }
0x157: {  	_ =	swait.ge [sflag:s30], $0x1700  }
0x158: {  	[sflag:s30] =	ssyncset.done $0x0  }
0x159: {  	s5 =	rddreg [dreg:$0x7];
	[sflag:s30] =	ssyncadd.s32 $0xFFFFE900  }
0x15a: {  	[spmem:s5] =	stream.linear.scatter [tilespmem:s17], [sflag:$0x4], $0x1700, $0x38;
	[tilespmem:$0x1FF80] =	vst v63  }
0x15b: {  	_ =	swait.ge [sflag:s30], $0x1700  }
0x15c: {  	[sflag:s30] =	ssyncset.done $0x0  }
0x15d: {  	s24 =	rddreg [dreg:$0x8];
	[sflag:s30] =	ssyncadd.s32 $0xFFFFE900  }
0x15e: {  	[spmem:s24] =	stream.linear.scatter [tilespmem:s17], [sflag:$0x4], $0x1700, $0x38;
	[tilespmem:$0x1FF80] =	vst v63  }
0x15f: {  	_ =	swait.ge [sflag:s30], $0x1700  }
0x160: {  	[sflag:s30] =	ssyncset.done $0x0  }
0x161: {  	s5 =	rddreg [dreg:$0x9];
	[sflag:s30] =	ssyncadd.s32 $0xFFFFE900  }
0x162: {  	[spmem:s5] =	stream.linear.scatter [tilespmem:s17], [sflag:$0x4], $0x1700, $0x38;
	[tilespmem:$0x1FF80] =	vst v63  }
0x163: {  	_ =	swait.ge [sflag:s30], $0x1700  }
0x164: {  	[sflag:s30] =	ssyncset.done $0x0  }
0x165: {  	s24 =	rddreg [dreg:$0xa];
	[sflag:s30] =	ssyncadd.s32 $0xFFFFE900  }
0x166: {  	[spmem:s24] =	stream.linear.scatter [tilespmem:s17], [sflag:$0x4], $0x1700, $0x38;
	[tilespmem:$0x1FF80] =	vst v63  }
0x167: {  	_ =	swait.ge [sflag:s30], $0x1700  }
0x168: {  	[sflag:s30] =	ssyncset.done $0x0  }
0x169: {  	s5 =	rddreg [dreg:$0xb];
	[sflag:s30] =	ssyncadd.s32 $0xFFFFE900  }
0x16a: {  	[spmem:s5] =	stream.linear.scatter [tilespmem:s17], [sflag:$0x4], $0x1700, $0x38;
	[tilespmem:$0x1FF80] =	vst v63  }
0x16b: {  	_ =	swait.ge [sflag:s30], $0x1700  }
0x16c: {  	[sflag:s30] =	ssyncset.done $0x0  }
0x16d: {  	s24 =	rddreg [dreg:$0xc];
	[sflag:s30] =	ssyncadd.s32 $0xFFFFE900  }
0x16e: {  	[spmem:s24] =	stream.linear.scatter [tilespmem:s17], [sflag:$0x4], $0x1700, $0x38;
	[tilespmem:$0x1FF80] =	vst v63  }
0x16f: {  	_ =	swait.ge [sflag:s30], $0x1700  }
0x170: {  	[sflag:s30] =	ssyncset.done $0x0  }
0x171: {  	s5 =	rddreg [dreg:$0xd];
	[sflag:s30] =	ssyncadd.s32 $0xFFFFE900  }
0x172: {  	[spmem:s5] =	stream.linear.scatter [tilespmem:s17], [sflag:$0x4], $0x1700, $0x38;
	[tilespmem:$0x1FF80] =	vst v63  }
0x173: {  	_ =	swait.ge [sflag:s30], $0x1700  }
0x174: {  	[sflag:s30] =	ssyncset.done $0x0  }
0x175: {  	s24 =	rddreg [dreg:$0xe];
	[sflag:s30] =	ssyncadd.s32 $0xFFFFE900  }
0x176: {  	[spmem:s24] =	stream.linear.scatter [tilespmem:s17], [sflag:$0x4], $0x1700, $0x38;
	[tilespmem:$0x1FF80] =	vst v63  }
0x177: {  	_ =	swait.ge [sflag:s30], $0x1700  }
0x178: {  	[sflag:s30] =	ssyncset.done $0x0  }
0x179: {  	s5 =	rddreg [dreg:$0xf];
	[sflag:s30] =	ssyncadd.s32 $0xFFFFE900  }
0x17a: {  	[spmem:s5] =	stream.linear.scatter [tilespmem:s17], [sflag:$0x4], $0x1700, $0x38;
	[tilespmem:$0x1FF80] =	vst v63  }
0x17b: {  	_ =	swait.ge [sflag:s30], $0x1700  }
0x17c: {  	[sflag:s30] =	ssyncset.done $0x0  }
0x17d: {  	s24 =	rddreg [dreg:$0x10];
	[sflag:s30] =	ssyncadd.s32 $0xFFFFE900  }
0x17e: {  	[spmem:s24] =	stream.linear.scatter [tilespmem:s17], [sflag:$0x4], $0x1700, $0x38;
	[tilespmem:$0x1FF80] =	vst v63  }
0x17f: {  	_ =	swait.ge [sflag:s30], $0x1700  }
0x180: {  	[sflag:s30] =	ssyncset.done $0x0  }
0x181: {  	s5 =	rddreg [dreg:$0x11];
	[sflag:s30] =	ssyncadd.s32 $0xFFFFE900  }
0x182: {  	[spmem:s5] =	stream.linear.scatter [tilespmem:s17], [sflag:$0x4], $0x1700, $0x38;
	[tilespmem:$0x1FF80] =	vst v63  }
0x183: {  	_ =	swait.ge [sflag:s30], $0x1700  }
0x184: {  	[sflag:s30] =	ssyncset.done $0x0  }
0x185: {  	s24 =	rddreg [dreg:$0x12];
	[sflag:s30] =	ssyncadd.s32 $0xFFFFE900  }
0x186: {  	[spmem:s24] =	stream.linear.scatter [tilespmem:s17], [sflag:$0x4], $0x1700, $0x38;
	[tilespmem:$0x1FF80] =	vst v63  }
0x187: {  	_ =	swait.ge [sflag:s30], $0x1700  }
0x188: {  	[sflag:s30] =	ssyncset.done $0x0  }
0x189: {  	s5 =	rddreg [dreg:$0x13];
	[sflag:s30] =	ssyncadd.s32 $0xFFFFE900  }
0x18a: {  	[spmem:s5] =	stream.linear.scatter [tilespmem:s17], [sflag:$0x4], $0x1700, $0x38;
	[tilespmem:$0x1FF80] =	vst v63  }
0x18b: {  	_ =	swait.ge [sflag:s30], $0x1700  }
0x18c: {  	[sflag:s30] =	ssyncset.done $0x0  }
0x18d: {  	s24 =	rddreg [dreg:$0x14];
	[sflag:s30] =	ssyncadd.s32 $0xFFFFE900  }
0x18e: {  	[spmem:s24] =	stream.linear.scatter [tilespmem:s17], [sflag:$0x4], $0x1700, $0x38;
	[tilespmem:$0x1FF80] =	vst v63  }
0x18f: {  	_ =	swait.ge [sflag:s30], $0x1700  }
0x190: {  	[sflag:s30] =	ssyncset.done $0x0  }
0x191: {  	s5 =	rddreg [dreg:$0x15];
	[sflag:s30] =	ssyncadd.s32 $0xFFFFE900  }
0x192: {  	[spmem:s5] =	stream.linear.scatter [tilespmem:s17], [sflag:$0x4], $0x1700, $0x38;
	[tilespmem:$0x1FF80] =	vst v63  }
0x193: {  	_ =	swait.ge [sflag:s30], $0x1700  }
0x194: {  	[sflag:s30] =	ssyncset.done $0x0  }
0x195: {  	[sflag:s30] =	ssyncadd.s32 $0xFFFFE900  }
0x196: {  	[bflag:$0x0] =	sbarrier.arrive $0xFFFF  }
0x197: {  	s17 =	rddreg [dreg:$0x4]  }
0x198: {  	s15 =	sadd.s32 $0x0, s17  }
0x199: {  	[tilespmem:s31], [sflag:$0x4] =	stream.linear.gather [hbm4b:s15+s4], $0x9C0, $0x38;
	[tilespmem:$0x1FF80] =	vst v63  }
0x19a: {  	_ =	swait.ge [sflag:s30], $0x9C0  }
0x19b: {  	[sflag:s30] =	ssyncset.done $0x0  }
0x19c: {  	s24 =	sadd.s32 $0x0, s26;
	[sflag:s30] =	ssyncadd.s32 $0xFFFFF640  }
0x19d: {  	[tilespmem:s1], [sflag:$0x4] =	stream.linear.gather [hbm4b:s24+s4], $0x9C0, $0x38;
	[tilespmem:$0x1FF80] =	vst v63  }
0x19e: {  	_ =	swait.ge [sflag:s30], $0x9C0  }
0x19f: {  	[sflag:s30] =	ssyncset.done $0x0  }
0x1a0: {  	[sflag:s30] =	ssyncadd.s32 $0xFFFFF640  }
0x1a1: {  	[tilespmem:s2], [sflag:$0x1] =	stream.indirect.gather [hbm4b:s28+s0], $0x20, s31, s0, $0xb8;
	[tilespmem:$0x1FF80] =	vst v63  }
0x1a2: {  	_ = 	snop  }
0x1a3: {  	[tilespmem:s23], [sflag:$0x2] =	stream.indirect.gather [hbm4b:s28+s0], $0x20, s19, s0, $0xb8;
	[tilespmem:$0x1FF80] =	vst v63  }
0x1a4: {  	_ = 	snop  }
0x1a5: {  	[tilespmem:s25], [sflag:$0x3] =	stream.indirect.gather [hbm4b:s28+s0], $0x20, s21, s0, $0xb8;
	[tilespmem:$0x1FF80] =	vst v63  }
0x1a6: {  	_ =	swait.ge [sflag:s6], $0x1A00  }
0x1a7: {  	[sflag:s6] =	ssyncset.done $0x0  }
0x1a8: {  	[sflag:s6] =	ssyncadd.s32 $0xFFFFE600  }
0x1a9: {  	[spmem:s3] =	stream.indirect.scatter.add.bf16 [tilespmem:s2], [sflag:$0x4], $0x20, s1, s0, $0xb8;
	[tilespmem:$0x1FF80] =	vst v63  }
0x1aa: {  	_ =	swait.ge [sflag:s30], $0x1A00  }
0x1ab: {  	[sflag:s30] =	ssyncset.done $0x0  }
0x1ac: {  	s5 =	simm.s32 $0x18970;
	[sflag:s30] =	ssyncadd.s32 $0xFFFFE600  }
0x1ad: {  	[tilespmem:s2], [sflag:$0x1] =	stream.indirect.gather [hbm4b:s28+s0], $0x20, s5, s0, $0xb8;
	[tilespmem:$0x1FF80] =	vst v63  }
0x1ae: {  	_ =	swait.ge [sflag:s8], $0x1A00  }
0x1af: {  	[sflag:s8] =	ssyncset.done $0x0  }
0x1b0: {  	[sflag:s8] =	ssyncadd.s32 $0xFFFFE600  }
0x1b1: {  	[spmem:s3] =	stream.indirect.scatter.add.bf16 [tilespmem:s23], [sflag:$0x4], $0x20, s9, s0, $0xb8;
	[tilespmem:$0x1FF80] =	vst v63  }
0x1b2: {  	_ =	swait.ge [sflag:s30], $0x1A00  }
0x1b3: {  	[sflag:s30] =	ssyncset.done $0x0  }
0x1b4: {  	s9 =	simm.s32 $0x18A40;
	[sflag:s30] =	ssyncadd.s32 $0xFFFFE600  }
0x1b5: {  	[tilespmem:s23], [sflag:$0x2] =	stream.indirect.gather [hbm4b:s28+s0], $0x20, s9, s0, $0xb8;
	[tilespmem:$0x1FF80] =	vst v63  }
0x1b6: {  	_ =	swait.ge [sflag:s11], $0x1A00  }
0x1b7: {  	[sflag:s11] =	ssyncset.done $0x0  }
0x1b8: {  	[sflag:s11] =	ssyncadd.s32 $0xFFFFE600  }
0x1b9: {  	[spmem:s3] =	stream.indirect.scatter.add.bf16 [tilespmem:s25], [sflag:$0x4], $0x20, s12, s0, $0xb8;
	[tilespmem:$0x1FF80] =	vst v63  }
0x1ba: {  	_ =	swait.ge [sflag:s30], $0x1A00  }
0x1bb: {  	[sflag:s30] =	ssyncset.done $0x0  }
0x1bc: {  	s15 =	simm.s32 $0x18B10;
	[sflag:s30] =	ssyncadd.s32 $0xFFFFE600  }
0x1bd: {  	[tilespmem:s25], [sflag:$0x3] =	stream.indirect.gather [hbm4b:s28+s0], $0x20, s15, s0, $0xb8;
	[tilespmem:$0x1FF80] =	vst v63  }
0x1be: {  	_ =	swait.ge [sflag:s6], $0x1A00  }
0x1bf: {  	[sflag:s6] =	ssyncset.done $0x0  }
0x1c0: {  	[sflag:s6] =	ssyncadd.s32 $0xFFFFE600  }
0x1c1: {  	[spmem:s3] =	stream.indirect.scatter.add.bf16 [tilespmem:s2], [sflag:$0x4], $0x20, s16, s0, $0xb8;
	[tilespmem:$0x1FF80] =	vst v63  }
0x1c2: {  	_ =	swait.ge [sflag:s30], $0x1A00  }
0x1c3: {  	[sflag:s30] =	ssyncset.done $0x0  }
0x1c4: {  	s17 =	simm.s32 $0x18BE0;
	[sflag:s30] =	ssyncadd.s32 $0xFFFFE600  }
0x1c5: {  	[tilespmem:s2], [sflag:$0x1] =	stream.indirect.gather [hbm4b:s28+s0], $0x20, s17, s0, $0xb8;
	[tilespmem:$0x1FF80] =	vst v63  }
0x1c6: {  	_ =	swait.ge [sflag:s8], $0x1A00  }
0x1c7: {  	[sflag:s8] =	ssyncset.done $0x0  }
0x1c8: {  	[sflag:s8] =	ssyncadd.s32 $0xFFFFE600  }
0x1c9: {  	[spmem:s3] =	stream.indirect.scatter.add.bf16 [tilespmem:s23], [sflag:$0x4], $0x20, s20, s0, $0xb8;
	[tilespmem:$0x1FF80] =	vst v63  }
0x1ca: {  	_ =	swait.ge [sflag:s30], $0x1A00  }
0x1cb: {  	[sflag:s30] =	ssyncset.done $0x0  }
0x1cc: {  	s19 =	simm.s32 $0x18CB0;
	[sflag:s30] =	ssyncadd.s32 $0xFFFFE600  }
0x1cd: {  	[tilespmem:s23], [sflag:$0x2] =	stream.indirect.gather [hbm4b:s28+s0], $0x20, s19, s0, $0xb8;
	[tilespmem:$0x1FF80] =	vst v63  }
0x1ce: {  	_ =	swait.ge [sflag:s11], $0x1A00  }
0x1cf: {  	[sflag:s11] =	ssyncset.done $0x0  }
0x1d0: {  	[sflag:s11] =	ssyncadd.s32 $0xFFFFE600  }
0x1d1: {  	[spmem:s3] =	stream.indirect.scatter.add.bf16 [tilespmem:s25], [sflag:$0x4], $0x20, s22, s0, $0xb8;
	[tilespmem:$0x1FF80] =	vst v63  }
0x1d2: {  	_ =	swait.ge [sflag:s30], $0x1A00  }
0x1d3: {  	[sflag:s30] =	ssyncset.done $0x0  }
0x1d4: {  	s20 =	simm.s32 $0x18D80;
	[sflag:s30] =	ssyncadd.s32 $0xFFFFE600  }
0x1d5: {  	[tilespmem:s25], [sflag:$0x3] =	stream.indirect.gather [hbm4b:s28+s0], $0x20, s20, s0, $0xb8;
	[tilespmem:$0x1FF80] =	vst v63  }
0x1d6: {  	_ =	swait.ge [sflag:s6], $0x1A00  }
0x1d7: {  	[sflag:s6] =	ssyncset.done $0x0  }
0x1d8: {  	[sflag:s6] =	ssyncadd.s32 $0xFFFFE600  }
0x1d9: {  	[spmem:s3] =	stream.indirect.scatter.add.bf16 [tilespmem:s2], [sflag:$0x4], $0x20, s10, s0, $0xb8;
	[tilespmem:$0x1FF80] =	vst v63  }
0x1da: {  	_ =	swait.ge [sflag:s30], $0x1A00  }
0x1db: {  	[sflag:s30] =	ssyncset.done $0x0  }
0x1dc: {  	s21 =	simm.s32 $0x18E50;
	[sflag:s30] =	ssyncadd.s32 $0xFFFFE600  }
0x1dd: {  	[tilespmem:s2], [sflag:$0x1] =	stream.indirect.gather [hbm4b:s28+s0], $0x20, s21, s0, $0xb8;
	[tilespmem:$0x1FF80] =	vst v63  }
0x1de: {  	_ =	swait.ge [sflag:s8], $0x1A00  }
0x1df: {  	[sflag:s8] =	ssyncset.done $0x0  }
0x1e0: {  	[sflag:s8] =	ssyncadd.s32 $0xFFFFE600  }
0x1e1: {  	[spmem:s3] =	stream.indirect.scatter.add.bf16 [tilespmem:s23], [sflag:$0x4], $0x20, s7, s0, $0xb8;
	[tilespmem:$0x1FF80] =	vst v63  }
0x1e2: {  	_ =	swait.ge [sflag:s30], $0x1A00  }
0x1e3: {  	[sflag:s30] =	ssyncset.done $0x0  }
0x1e4: {  	s22 =	simm.s32 $0x18F20;
	[sflag:s30] =	ssyncadd.s32 $0xFFFFE600  }
0x1e5: {  	[tilespmem:s23], [sflag:$0x2] =	stream.indirect.gather [hbm4b:s28+s0], $0x20, s22, s0, $0xb8;
	[tilespmem:$0x1FF80] =	vst v63  }
0x1e6: {  	_ =	swait.ge [sflag:s11], $0x1A00  }
0x1e7: {  	[sflag:s11] =	ssyncset.done $0x0  }
0x1e8: {  	[sflag:s11] =	ssyncadd.s32 $0xFFFFE600  }
0x1e9: {  	[spmem:s3] =	stream.indirect.scatter.add.bf16 [tilespmem:s25], [sflag:$0x4], $0x20, s13, s0, $0xb8;
	[tilespmem:$0x1FF80] =	vst v63  }
0x1ea: {  	_ =	swait.ge [sflag:s30], $0x1A00  }
0x1eb: {  	[sflag:s30] =	ssyncset.done $0x0  }
0x1ec: {  	s24 =	simm.s32 $0x18FF0;
	[sflag:s30] =	ssyncadd.s32 $0xFFFFE600  }
0x1ed: {  	[tilespmem:s25], [sflag:$0x3] =	stream.indirect.gather [hbm4b:s28+s0], $0x20, s24, s0, $0xb8;
	[tilespmem:$0x1FF80] =	vst v63  }
0x1ee: {  	_ =	swait.ge [sflag:s6], $0x1A00  }
0x1ef: {  	[sflag:s6] =	ssyncset.done $0x0  }
0x1f0: {  	[sflag:s6] =	ssyncadd.s32 $0xFFFFE600  }
0x1f1: {  	[spmem:s3] =	stream.indirect.scatter.add.bf16 [tilespmem:s2], [sflag:$0x4], $0x20, s14, s0, $0xb8;
	[tilespmem:$0x1FF80] =	vst v63  }
0x1f2: {  	_ =	swait.ge [sflag:s30], $0x1A00  }
0x1f3: {  	[sflag:s30] =	ssyncset.done $0x0  }
0x1f4: {  	[sflag:s30] =	ssyncadd.s32 $0xFFFFE600  }
0x1f5: {  	_ =	swait.ge [sflag:s8], $0x1A00  }
0x1f6: {  	[sflag:s8] =	ssyncset.done $0x0  }
0x1f7: {  	[sflag:s8] =	ssyncadd.s32 $0xFFFFE600  }
0x1f8: {  	[spmem:s3] =	stream.indirect.scatter.add.bf16 [tilespmem:s23], [sflag:$0x4], $0x20, s18, s0, $0xb8;
	[tilespmem:$0x1FF80] =	vst v63  }
0x1f9: {  	_ =	swait.ge [sflag:s30], $0x1A00  }
0x1fa: {  	s4 =	simm.s32 $0x18700;
	s31 =	simm.s32 $0x18E50;
	[sflag:s30] =	ssyncset.done $0x0  }
0x1fb: {  	s5 =	simm.s32 $0x0;
	s9 =	simm.s32 $0x18A40;
	[sflag:s30] =	ssyncadd.s32 $0xFFFFE600  }
0x1fc: {  	s12 =	simm.s32 $0x19190;
	s15 =	simm.s32 $0x138;
	_ =	swait.ge [sflag:s11], $0x1A00  }
0x1fd: {  	s16 =	simm.s32 $0x18B10;
	s20 =	simm.s32 $0x18BE0;
	[sflag:s11] =	ssyncset.done $0x0  }
0x1fe: {  	s10 =	simm.s32 $0x18D80;
	s21 =	simm.s32 $0x187D0;
	[sflag:s11] =	ssyncadd.s32 $0xFFFFE600  }
0x1ff: {  	[spmem:s3] =	stream.indirect.scatter.add.bf16 [tilespmem:s25], [sflag:$0x4], $0x20, s29, s0, $0xb8;
	[tilespmem:$0x1FF80] =	vst v63  }
0x200: {  	s22 =	simm.s32 $0x18CB0;
	s24 =	simm.s32 $0x18970;
	_ =	swait.ge [sflag:s30], $0x1A00  }
.LBB2_4:
0x201: {  	s17 =	rddreg [dreg:$0x4];
	s19 =	smov.u32 s15;
	[sflag:s30] =	ssyncset.done $0x0  }
0x202: {  	s17 =	sadd.s32 s19, s17;
	[sflag:s30] =	ssyncadd.s32 $0xFFFFE600  }
0x203: {  	[tilespmem:s4], [sflag:$0x4] =	stream.linear.gather [hbm4b:s17+s5], $0x9C0, $0x38;
	[tilespmem:$0x1FF80] =	vst v63  }
0x204: {  	_ =	swait.ge [sflag:s30], $0x9C0  }
0x205: {  	[sflag:s30] =	ssyncset.done $0x0  }
0x206: {  	s19 =	sadd.s32 s19, s26;
	[sflag:s30] =	ssyncadd.s32 $0xFFFFF640  }
0x207: {  	[tilespmem:s1], [sflag:$0x4] =	stream.linear.gather [hbm4b:s19+s5], $0x9C0, $0x38;
	[tilespmem:$0x1FF80] =	vst v63  }
0x208: {  	_ =	swait.ge [sflag:s30], $0x9C0  }
0x209: {  	[sflag:s30] =	ssyncset.done $0x0  }
0x20a: {  	[sflag:s30] =	ssyncadd.s32 $0xFFFFF640  }
0x20b: {  	[tilespmem:s2], [sflag:$0x1] =	stream.indirect.gather [hbm4b:s28+s0], $0x20, s4, s0, $0xb8;
	[tilespmem:$0x1FF80] =	vst v63  }
0x20c: {  	_ = 	snop  }
0x20d: {  	[tilespmem:s23], [sflag:$0x2] =	stream.indirect.gather [hbm4b:s28+s0], $0x20, s21, s0, $0xb8;
	[tilespmem:$0x1FF80] =	vst v63  }
0x20e: {  	s19 =	simm.s32 $0x188A0  }
0x20f: {  	[tilespmem:s25], [sflag:$0x3] =	stream.indirect.gather [hbm4b:s28+s0], $0x20, s19, s0, $0xb8;
	[tilespmem:$0x1FF80] =	vst v63  }
0x210: {  	_ =	swait.ge [sflag:s6], $0x1A00  }
0x211: {  	[sflag:s6] =	ssyncset.done $0x0  }
0x212: {  	[sflag:s6] =	ssyncadd.s32 $0xFFFFE600  }
0x213: {  	[spmem:s3] =	stream.indirect.scatter.add.bf16 [tilespmem:s2], [sflag:$0x4], $0x20, s1, s0, $0xb8;
	[tilespmem:$0x1FF80] =	vst v63  }
0x214: {  	_ =	swait.ge [sflag:s30], $0x1A00  }
0x215: {  	[sflag:s30] =	ssyncset.done $0x0  }
0x216: {  	[sflag:s30] =	ssyncadd.s32 $0xFFFFE600  }
0x217: {  	[tilespmem:s2], [sflag:$0x1] =	stream.indirect.gather [hbm4b:s28+s0], $0x20, s24, s0, $0xb8;
	[tilespmem:$0x1FF80] =	vst v63  }
0x218: {  	_ =	swait.ge [sflag:s8], $0x1A00  }
0x219: {  	[sflag:s8] =	ssyncset.done $0x0  }
0x21a: {  	[sflag:s8] =	ssyncadd.s32 $0xFFFFE600  }
0x21b: {  	[spmem:s3] =	stream.indirect.scatter.add.bf16 [tilespmem:s23], [sflag:$0x4], $0x20, s12, s0, $0xb8;
	[tilespmem:$0x1FF80] =	vst v63  }
0x21c: {  	_ =	swait.ge [sflag:s30], $0x1A00  }
0x21d: {  	[sflag:s30] =	ssyncset.done $0x0  }
0x21e: {  	[sflag:s30] =	ssyncadd.s32 $0xFFFFE600  }
0x21f: {  	[tilespmem:s23], [sflag:$0x2] =	stream.indirect.gather [hbm4b:s28+s0], $0x20, s9, s0, $0xb8;
	[tilespmem:$0x1FF80] =	vst v63  }
0x220: {  	_ =	swait.ge [sflag:s11], $0x1A00  }
0x221: {  	[sflag:s11] =	ssyncset.done $0x0  }
0x222: {  	s19 =	simm.s32 $0x19260;
	[sflag:s11] =	ssyncadd.s32 $0xFFFFE600  }
0x223: {  	[spmem:s3] =	stream.indirect.scatter.add.bf16 [tilespmem:s25], [sflag:$0x4], $0x20, s19, s0, $0xb8;
	[tilespmem:$0x1FF80] =	vst v63  }
0x224: {  	_ =	swait.ge [sflag:s30], $0x1A00  }
0x225: {  	[sflag:s30] =	ssyncset.done $0x0  }
0x226: {  	[sflag:s30] =	ssyncadd.s32 $0xFFFFE600  }
0x227: {  	[tilespmem:s25], [sflag:$0x3] =	stream.indirect.gather [hbm4b:s28+s0], $0x20, s16, s0, $0xb8;
	[tilespmem:$0x1FF80] =	vst v63  }
0x228: {  	_ =	swait.ge [sflag:s6], $0x1A00  }
0x229: {  	[sflag:s6] =	ssyncset.done $0x0  }
0x22a: {  	s19 =	simm.s32 $0x19330;
	[sflag:s6] =	ssyncadd.s32 $0xFFFFE600  }
0x22b: {  	[spmem:s3] =	stream.indirect.scatter.add.bf16 [tilespmem:s2], [sflag:$0x4], $0x20, s19, s0, $0xb8;
	[tilespmem:$0x1FF80] =	vst v63  }
0x22c: {  	_ =	swait.ge [sflag:s30], $0x1A00  }
0x22d: {  	[sflag:s30] =	ssyncset.done $0x0  }
0x22e: {  	[sflag:s30] =	ssyncadd.s32 $0xFFFFE600  }
0x22f: {  	[tilespmem:s2], [sflag:$0x1] =	stream.indirect.gather [hbm4b:s28+s0], $0x20, s20, s0, $0xb8;
	[tilespmem:$0x1FF80] =	vst v63  }
0x230: {  	_ =	swait.ge [sflag:s8], $0x1A00  }
0x231: {  	[sflag:s8] =	ssyncset.done $0x0  }
0x232: {  	s19 =	simm.s32 $0x19400;
	[sflag:s8] =	ssyncadd.s32 $0xFFFFE600  }
0x233: {  	[spmem:s3] =	stream.indirect.scatter.add.bf16 [tilespmem:s23], [sflag:$0x4], $0x20, s19, s0, $0xb8;
	[tilespmem:$0x1FF80] =	vst v63  }
0x234: {  	_ =	swait.ge [sflag:s30], $0x1A00  }
0x235: {  	[sflag:s30] =	ssyncset.done $0x0  }
0x236: {  	[sflag:s30] =	ssyncadd.s32 $0xFFFFE600  }
0x237: {  	[tilespmem:s23], [sflag:$0x2] =	stream.indirect.gather [hbm4b:s28+s0], $0x20, s22, s0, $0xb8;
	[tilespmem:$0x1FF80] =	vst v63  }
0x238: {  	_ =	swait.ge [sflag:s11], $0x1A00  }
0x239: {  	[sflag:s11] =	ssyncset.done $0x0  }
0x23a: {  	s19 =	simm.s32 $0x194D0;
	[sflag:s11] =	ssyncadd.s32 $0xFFFFE600  }
0x23b: {  	[spmem:s3] =	stream.indirect.scatter.add.bf16 [tilespmem:s25], [sflag:$0x4], $0x20, s19, s0, $0xb8;
	[tilespmem:$0x1FF80] =	vst v63  }
0x23c: {  	_ =	swait.ge [sflag:s30], $0x1A00  }
0x23d: {  	[sflag:s30] =	ssyncset.done $0x0  }
0x23e: {  	[sflag:s30] =	ssyncadd.s32 $0xFFFFE600  }
0x23f: {  	[tilespmem:s25], [sflag:$0x3] =	stream.indirect.gather [hbm4b:s28+s0], $0x20, s10, s0, $0xb8;
	[tilespmem:$0x1FF80] =	vst v63  }
0x240: {  	_ =	swait.ge [sflag:s6], $0x1A00  }
0x241: {  	[sflag:s6] =	ssyncset.done $0x0  }
0x242: {  	s19 =	simm.s32 $0x195A0;
	[sflag:s6] =	ssyncadd.s32 $0xFFFFE600  }
0x243: {  	[spmem:s3] =	stream.indirect.scatter.add.bf16 [tilespmem:s2], [sflag:$0x4], $0x20, s19, s0, $0xb8;
	[tilespmem:$0x1FF80] =	vst v63  }
0x244: {  	_ =	swait.ge [sflag:s30], $0x1A00  }
0x245: {  	[sflag:s30] =	ssyncset.done $0x0  }
0x246: {  	[sflag:s30] =	ssyncadd.s32 $0xFFFFE600  }
0x247: {  	[tilespmem:s2], [sflag:$0x1] =	stream.indirect.gather [hbm4b:s28+s0], $0x20, s31, s0, $0xb8;
	[tilespmem:$0x1FF80] =	vst v63  }
0x248: {  	_ =	swait.ge [sflag:s8], $0x1A00  }
0x249: {  	[sflag:s8] =	ssyncset.done $0x0  }
0x24a: {  	[sflag:s8] =	ssyncadd.s32 $0xFFFFE600  }
0x24b: {  	[spmem:s3] =	stream.indirect.scatter.add.bf16 [tilespmem:s23], [sflag:$0x4], $0x20, s7, s0, $0xb8;
	[tilespmem:$0x1FF80] =	vst v63  }
0x24c: {  	_ =	swait.ge [sflag:s30], $0x1A00  }
0x24d: {  	[sflag:s30] =	ssyncset.done $0x0  }
0x24e: {  	s19 =	simm.s32 $0x18F20;
	[sflag:s30] =	ssyncadd.s32 $0xFFFFE600  }
0x24f: {  	[tilespmem:s23], [sflag:$0x2] =	stream.indirect.gather [hbm4b:s28+s0], $0x20, s19, s0, $0xb8;
	[tilespmem:$0x1FF80] =	vst v63  }
0x250: {  	_ =	swait.ge [sflag:s11], $0x1A00  }
0x251: {  	[sflag:s11] =	ssyncset.done $0x0  }
0x252: {  	[sflag:s11] =	ssyncadd.s32 $0xFFFFE600  }
0x253: {  	[spmem:s3] =	stream.indirect.scatter.add.bf16 [tilespmem:s25], [sflag:$0x4], $0x20, s13, s0, $0xb8;
	[tilespmem:$0x1FF80] =	vst v63  }
0x254: {  	_ =	swait.ge [sflag:s30], $0x1A00  }
0x255: {  	[sflag:s30] =	ssyncset.done $0x0  }
0x256: {  	s19 =	simm.s32 $0x18FF0;
	[sflag:s30] =	ssyncadd.s32 $0xFFFFE600  }
0x257: {  	[tilespmem:s25], [sflag:$0x3] =	stream.indirect.gather [hbm4b:s28+s0], $0x20, s19, s0, $0xb8;
	[tilespmem:$0x1FF80] =	vst v63  }
0x258: {  	_ =	swait.ge [sflag:s6], $0x1A00  }
0x259: {  	[sflag:s6] =	ssyncset.done $0x0  }
0x25a: {  	[sflag:s6] =	ssyncadd.s32 $0xFFFFE600  }
0x25b: {  	[spmem:s3] =	stream.indirect.scatter.add.bf16 [tilespmem:s2], [sflag:$0x4], $0x20, s14, s0, $0xb8;
	[tilespmem:$0x1FF80] =	vst v63  }
0x25c: {  	_ =	swait.ge [sflag:s30], $0x1A00  }
0x25d: {  	[sflag:s30] =	ssyncset.done $0x0  }
0x25e: {  	[sflag:s30] =	ssyncadd.s32 $0xFFFFE600  }
0x25f: {  	_ =	swait.ge [sflag:s8], $0x1A00  }
0x260: {  	[sflag:s8] =	ssyncset.done $0x0  }
0x261: {  	[sflag:s8] =	ssyncadd.s32 $0xFFFFE600  }
0x262: {  	[spmem:s3] =	stream.indirect.scatter.add.bf16 [tilespmem:s23], [sflag:$0x4], $0x20, s18, s0, $0xb8;
	[tilespmem:$0x1FF80] =	vst v63  }
0x263: {  	_ =	swait.ge [sflag:s30], $0x1A00  }
0x264: {  	[sflag:s30] =	ssyncset.done $0x0  }
0x265: {  	p0 =	sne.s32 s15, $0x3A8;
	[sflag:s30] =	ssyncadd.s32 $0xFFFFE600  }
.Ltmp1:
0x266: {  	_ =	swait.ge [sflag:s11], $0x1A00;
	(pc) =	sbr.rel @p0 .LBB2_4-.Ltmp1, $4  }
0x267: {  	[sflag:s11] =	ssyncset.done $0x0  }
0x268: {  	[sflag:s11] =	ssyncadd.s32 $0xFFFFE600  }
0x269: {  	[spmem:s3] =	stream.indirect.scatter.add.bf16 [tilespmem:s25], [sflag:$0x4], $0x20, s29, s0, $0xb8;
	[tilespmem:$0x1FF80] =	vst v63  }
0x26a: {  	s15 =	sadd.s32 $0x138, s15;
	_ =	swait.ge [sflag:s30], $0x1A00  }
0x26b: {  	[sflag:s30] =	ssyncset.done $0x0  }
0x26c: {  	[sflag:s30] =	ssyncadd.s32 $0xFFFFE600  }
0x26d: {  	[bflag:$0x0] =	sbarrier.arrive $0xFFFF  }
0x26e: {  	s15 =	rddreg [dreg:$0x17]  }
0x26f: {  	s29 =	rddreg [dreg:$0x1b]  }
0x270: {  	s4 =	simm.s32 $0x8;
	s5 =	rddreg [dreg:$0x1c]  }
0x271: {  	[hbm:s15@s4], [sflag:s29] =	dma.strided [spmem:s5@s30], $0x30E0, s6, $0x4   }
0x272: {  	_ =	swait.ge [sflag:s30], $0x30E0  }
0x273: {  	[sflag:s30] =	ssyncset.done $0x0  }
0x274: {  	s17 =	simm.s32 $0x1E880;
	s31 =	rddreg [dreg:$0x5];
	[sflag:s30] =	ssyncadd.s32 $0xFFFFCF20  }
0x275: {  	[spmem:s31] =	stream.linear.scatter [tilespmem:s17], [sflag:$0x4], $0x1700, $0x38;
	[tilespmem:$0x1FF80] =	vst v63  }
0x276: {  	_ =	swait.ge [sflag:s30], $0x1700  }
0x277: {  	[sflag:s30] =	ssyncset.done $0x0  }
0x278: {  	s4 =	rddreg [dreg:$0x6];
	[sflag:s30] =	ssyncadd.s32 $0xFFFFE900  }
0x279: {  	[spmem:s4] =	stream.linear.scatter [tilespmem:s17], [sflag:$0x4], $0x1700, $0x38;
	[tilespmem:$0x1FF80] =	vst v63  }
0x27a: {  	_ =	swait.ge [sflag:s30], $0x1700  }
0x27b: {  	[sflag:s30] =	ssyncset.done $0x0  }
0x27c: {  	s5 =	rddreg [dreg:$0x7];
	[sflag:s30] =	ssyncadd.s32 $0xFFFFE900  }
0x27d: {  	[spmem:s5] =	stream.linear.scatter [tilespmem:s17], [sflag:$0x4], $0x1700, $0x38;
	[tilespmem:$0x1FF80] =	vst v63  }
0x27e: {  	_ =	swait.ge [sflag:s30], $0x1700  }
0x27f: {  	[sflag:s30] =	ssyncset.done $0x0  }
0x280: {  	s7 =	rddreg [dreg:$0x8];
	[sflag:s30] =	ssyncadd.s32 $0xFFFFE900  }
0x281: {  	[spmem:s7] =	stream.linear.scatter [tilespmem:s17], [sflag:$0x4], $0x1700, $0x38;
	[tilespmem:$0x1FF80] =	vst v63  }
0x282: {  	_ =	swait.ge [sflag:s30], $0x1700  }
0x283: {  	[sflag:s30] =	ssyncset.done $0x0  }
0x284: {  	s9 =	rddreg [dreg:$0x9];
	[sflag:s30] =	ssyncadd.s32 $0xFFFFE900  }
0x285: {  	[spmem:s9] =	stream.linear.scatter [tilespmem:s17], [sflag:$0x4], $0x1700, $0x38;
	[tilespmem:$0x1FF80] =	vst v63  }
0x286: {  	_ =	swait.ge [sflag:s30], $0x1700  }
0x287: {  	[sflag:s30] =	ssyncset.done $0x0  }
0x288: {  	s10 =	rddreg [dreg:$0xa];
	[sflag:s30] =	ssyncadd.s32 $0xFFFFE900  }
0x289: {  	[spmem:s10] =	stream.linear.scatter [tilespmem:s17], [sflag:$0x4], $0x1700, $0x38;
	[tilespmem:$0x1FF80] =	vst v63  }
0x28a: {  	_ =	swait.ge [sflag:s30], $0x1700  }
0x28b: {  	[sflag:s30] =	ssyncset.done $0x0  }
0x28c: {  	s12 =	rddreg [dreg:$0xb];
	[sflag:s30] =	ssyncadd.s32 $0xFFFFE900  }
0x28d: {  	[spmem:s12] =	stream.linear.scatter [tilespmem:s17], [sflag:$0x4], $0x1700, $0x38;
	[tilespmem:$0x1FF80] =	vst v63  }
0x28e: {  	_ =	swait.ge [sflag:s30], $0x1700  }
0x28f: {  	[sflag:s30] =	ssyncset.done $0x0  }
0x290: {  	s13 =	rddreg [dreg:$0xc];
	[sflag:s30] =	ssyncadd.s32 $0xFFFFE900  }
0x291: {  	[spmem:s13] =	stream.linear.scatter [tilespmem:s17], [sflag:$0x4], $0x1700, $0x38;
	[tilespmem:$0x1FF80] =	vst v63  }
0x292: {  	_ =	swait.ge [sflag:s30], $0x1700  }
0x293: {  	[sflag:s30] =	ssyncset.done $0x0  }
0x294: {  	s14 =	rddreg [dreg:$0xd];
	[sflag:s30] =	ssyncadd.s32 $0xFFFFE900  }
0x295: {  	[spmem:s14] =	stream.linear.scatter [tilespmem:s17], [sflag:$0x4], $0x1700, $0x38;
	[tilespmem:$0x1FF80] =	vst v63  }
0x296: {  	_ =	swait.ge [sflag:s30], $0x1700  }
0x297: {  	[sflag:s30] =	ssyncset.done $0x0  }
0x298: {  	s16 =	rddreg [dreg:$0xe];
	[sflag:s30] =	ssyncadd.s32 $0xFFFFE900  }
0x299: {  	[spmem:s16] =	stream.linear.scatter [tilespmem:s17], [sflag:$0x4], $0x1700, $0x38;
	[tilespmem:$0x1FF80] =	vst v63  }
0x29a: {  	_ =	swait.ge [sflag:s30], $0x1700  }
0x29b: {  	[sflag:s30] =	ssyncset.done $0x0  }
0x29c: {  	s18 =	rddreg [dreg:$0xf];
	[sflag:s30] =	ssyncadd.s32 $0xFFFFE900  }
0x29d: {  	[spmem:s18] =	stream.linear.scatter [tilespmem:s17], [sflag:$0x4], $0x1700, $0x38;
	[tilespmem:$0x1FF80] =	vst v63  }
0x29e: {  	_ =	swait.ge [sflag:s30], $0x1700  }
0x29f: {  	[sflag:s30] =	ssyncset.done $0x0  }
0x2a0: {  	s19 =	rddreg [dreg:$0x10];
	[sflag:s30] =	ssyncadd.s32 $0xFFFFE900  }
0x2a1: {  	[spmem:s19] =	stream.linear.scatter [tilespmem:s17], [sflag:$0x4], $0x1700, $0x38;
	[tilespmem:$0x1FF80] =	vst v63  }
0x2a2: {  	_ =	swait.ge [sflag:s30], $0x1700  }
0x2a3: {  	[sflag:s30] =	ssyncset.done $0x0  }
0x2a4: {  	s20 =	rddreg [dreg:$0x11];
	[sflag:s30] =	ssyncadd.s32 $0xFFFFE900  }
0x2a5: {  	[spmem:s20] =	stream.linear.scatter [tilespmem:s17], [sflag:$0x4], $0x1700, $0x38;
	[tilespmem:$0x1FF80] =	vst v63  }
0x2a6: {  	_ =	swait.ge [sflag:s30], $0x1700  }
0x2a7: {  	[sflag:s30] =	ssyncset.done $0x0  }
0x2a8: {  	s21 =	rddreg [dreg:$0x12];
	[sflag:s30] =	ssyncadd.s32 $0xFFFFE900  }
0x2a9: {  	[spmem:s21] =	stream.linear.scatter [tilespmem:s17], [sflag:$0x4], $0x1700, $0x38;
	[tilespmem:$0x1FF80] =	vst v63  }
0x2aa: {  	_ =	swait.ge [sflag:s30], $0x1700  }
0x2ab: {  	[sflag:s30] =	ssyncset.done $0x0  }
0x2ac: {  	s22 =	rddreg [dreg:$0x13];
	[sflag:s30] =	ssyncadd.s32 $0xFFFFE900  }
0x2ad: {  	[spmem:s22] =	stream.linear.scatter [tilespmem:s17], [sflag:$0x4], $0x1700, $0x38;
	[tilespmem:$0x1FF80] =	vst v63  }
0x2ae: {  	_ =	swait.ge [sflag:s30], $0x1700  }
0x2af: {  	[sflag:s30] =	ssyncset.done $0x0  }
0x2b0: {  	s24 =	rddreg [dreg:$0x14];
	[sflag:s30] =	ssyncadd.s32 $0xFFFFE900  }
0x2b1: {  	[spmem:s24] =	stream.linear.scatter [tilespmem:s17], [sflag:$0x4], $0x1700, $0x38;
	[tilespmem:$0x1FF80] =	vst v63  }
0x2b2: {  	_ =	swait.ge [sflag:s30], $0x1700  }
0x2b3: {  	[sflag:s30] =	ssyncset.done $0x0  }
0x2b4: {  	s31 =	rddreg [dreg:$0x15];
	[sflag:s30] =	ssyncadd.s32 $0xFFFFE900  }
0x2b5: {  	[spmem:s31] =	stream.linear.scatter [tilespmem:s17], [sflag:$0x4], $0x1700, $0x38;
	[tilespmem:$0x1FF80] =	vst v63  }
0x2b6: {  	_ =	swait.ge [sflag:s30], $0x1700  }
0x2b7: {  	[sflag:s30] =	ssyncset.done $0x0  }
0x2b8: {  	s15 =	simm.s32 $0x80;
	s17 =	simm.s32 $0x0;
	[sflag:s30] =	ssyncadd.s32 $0xFFFFE900  }
.LBB2_6:
0x2b9: {  	p0 =	sne.s32 s15, $0x6780;
	[tilespmem:s17+$0x19A80] =	vst v0;
	s19 =	smov.u32 s15;
	s15 =	sadd.s32 $0x80, s15  }
.Ltmp2:
0x2ba: {  	[tilespmem:s17+$0x19A90] =	vst v0;
	(pc) =	sbr.rel @p0 .LBB2_6-.Ltmp2, $2  }
0x2bb: {  	_ =	sdelay $0x2  }
0x2bc: {  	s17 =	sshra.s32 s19, $0x2  }
0x2bd: {  	[tilespmem:s17+$0x19A80] =	vst v0  }
0x2be: {  	[tilespmem:s17+$0x19A90] =	vst v0  }
0x2bf: {  	s15 =	sadd.s32 $0x0, s26;
	s4 =	simm.s32 $0x0;
	[bflag:$0x0] =	sbarrier.arrive $0xFFFF  }
0x2c0: {  	[tilespmem:s1], [sflag:$0x4] =	stream.linear.gather [hbm4b:s15+s4], $0x9C0, $0x38;
	[tilespmem:$0x1FF80] =	vst v63  }
0x2c1: {  	_ =	swait.ge [sflag:s30], $0x9C0  }
0x2c2: {  	[sflag:s30] =	ssyncset.done $0x0  }
0x2c3: {  	[sflag:s30] =	ssyncadd.s32 $0xFFFFF640  }
0x2c4: {  	[spmem:s3] =	stream.indirect.scatter.add.bf16 [tilespmem:s2], [sflag:$0x4], $0x20, s1, s0, $0xb8;
	[tilespmem:$0x1FF80] =	vst v63  }
0x2c5: {  	_ =	swait.ge [sflag:s30], $0x1A00  }
0x2c6: {  	[sflag:s30] =	ssyncset.done $0x0  }
0x2c7: {  	s9 =	simm.s32 $0x19190;
	[sflag:s30] =	ssyncadd.s32 $0xFFFFE600  }
0x2c8: {  	[spmem:s3] =	stream.indirect.scatter.add.bf16 [tilespmem:s2], [sflag:$0x4], $0x20, s9, s0, $0xb8;
	[tilespmem:$0x1FF80] =	vst v63  }
0x2c9: {  	_ =	swait.ge [sflag:s30], $0x1A00  }
0x2ca: {  	[sflag:s30] =	ssyncset.done $0x0  }
0x2cb: {  	s12 =	simm.s32 $0x19260;
	[sflag:s30] =	ssyncadd.s32 $0xFFFFE600  }
0x2cc: {  	[spmem:s3] =	stream.indirect.scatter.add.bf16 [tilespmem:s2], [sflag:$0x4], $0x20, s12, s0, $0xb8;
	[tilespmem:$0x1FF80] =	vst v63  }
0x2cd: {  	_ =	swait.ge [sflag:s30], $0x1A00  }
0x2ce: {  	[sflag:s30] =	ssyncset.done $0x0  }
0x2cf: {  	s16 =	simm.s32 $0x19330;
	[sflag:s30] =	ssyncadd.s32 $0xFFFFE600  }
0x2d0: {  	[spmem:s3] =	stream.indirect.scatter.add.bf16 [tilespmem:s2], [sflag:$0x4], $0x20, s16, s0, $0xb8;
	[tilespmem:$0x1FF80] =	vst v63  }
0x2d1: {  	_ =	swait.ge [sflag:s30], $0x1A00  }
0x2d2: {  	[sflag:s30] =	ssyncset.done $0x0  }
0x2d3: {  	s20 =	simm.s32 $0x19400;
	[sflag:s30] =	ssyncadd.s32 $0xFFFFE600  }
0x2d4: {  	[spmem:s3] =	stream.indirect.scatter.add.bf16 [tilespmem:s2], [sflag:$0x4], $0x20, s20, s0, $0xb8;
	[tilespmem:$0x1FF80] =	vst v63  }
0x2d5: {  	_ =	swait.ge [sflag:s30], $0x1A00  }
0x2d6: {  	[sflag:s30] =	ssyncset.done $0x0  }
0x2d7: {  	s22 =	simm.s32 $0x194D0;
	[sflag:s30] =	ssyncadd.s32 $0xFFFFE600  }
0x2d8: {  	[spmem:s3] =	stream.indirect.scatter.add.bf16 [tilespmem:s2], [sflag:$0x4], $0x20, s22, s0, $0xb8;
	[tilespmem:$0x1FF80] =	vst v63  }
0x2d9: {  	_ =	swait.ge [sflag:s30], $0x1A00  }
0x2da: {  	[sflag:s30] =	ssyncset.done $0x0  }
0x2db: {  	s10 =	simm.s32 $0x195A0;
	[sflag:s30] =	ssyncadd.s32 $0xFFFFE600  }
0x2dc: {  	[spmem:s3] =	stream.indirect.scatter.add.bf16 [tilespmem:s2], [sflag:$0x4], $0x20, s10, s0, $0xb8;
	[tilespmem:$0x1FF80] =	vst v63  }
0x2dd: {  	_ =	swait.ge [sflag:s30], $0x1A00  }
0x2de: {  	[sflag:s30] =	ssyncset.done $0x0  }
0x2df: {  	s5 =	simm.s32 $0x19670;
	[sflag:s30] =	ssyncadd.s32 $0xFFFFE600  }
0x2e0: {  	[spmem:s3] =	stream.indirect.scatter.add.bf16 [tilespmem:s2], [sflag:$0x4], $0x20, s5, s0, $0xb8;
	[tilespmem:$0x1FF80] =	vst v63  }
0x2e1: {  	_ =	swait.ge [sflag:s30], $0x1A00  }
0x2e2: {  	[sflag:s30] =	ssyncset.done $0x0  }
0x2e3: {  	s18 =	simm.s32 $0x19740;
	[sflag:s30] =	ssyncadd.s32 $0xFFFFE600  }
0x2e4: {  	[spmem:s3] =	stream.indirect.scatter.add.bf16 [tilespmem:s2], [sflag:$0x4], $0x20, s18, s0, $0xb8;
	[tilespmem:$0x1FF80] =	vst v63  }
0x2e5: {  	_ =	swait.ge [sflag:s30], $0x1A00  }
0x2e6: {  	[sflag:s30] =	ssyncset.done $0x0  }
0x2e7: {  	s19 =	simm.s32 $0x19810;
	[sflag:s30] =	ssyncadd.s32 $0xFFFFE600  }
0x2e8: {  	[spmem:s3] =	stream.indirect.scatter.add.bf16 [tilespmem:s2], [sflag:$0x4], $0x20, s19, s0, $0xb8;
	[tilespmem:$0x1FF80] =	vst v63  }
0x2e9: {  	_ =	swait.ge [sflag:s30], $0x1A00  }
0x2ea: {  	[sflag:s30] =	ssyncset.done $0x0  }
0x2eb: {  	s21 =	simm.s32 $0x198E0;
	[sflag:s30] =	ssyncadd.s32 $0xFFFFE600  }
0x2ec: {  	[spmem:s3] =	stream.indirect.scatter.add.bf16 [tilespmem:s2], [sflag:$0x4], $0x20, s21, s0, $0xb8;
	[tilespmem:$0x1FF80] =	vst v63  }
0x2ed: {  	_ =	swait.ge [sflag:s30], $0x1A00  }
0x2ee: {  	[sflag:s30] =	ssyncset.done $0x0  }
0x2ef: {  	s24 =	simm.s32 $0x199B0;
	s17 =	simm.s32 $0x270;
	[sflag:s30] =	ssyncadd.s32 $0xFFFFE600  }
0x2f0: {  	[spmem:s3] =	stream.indirect.scatter.add.bf16 [tilespmem:s2], [sflag:$0x4], $0x20, s24, s0, $0xb8;
	[tilespmem:$0x1FF80] =	vst v63  }
0x2f1: {  	s31 =	simm.s32 $0x18700;
	s15 =	simm.s32 $0x138;
	_ =	swait.ge [sflag:s30], $0x1A00  }
0x2f2: {  	s5 =	simm.s32 $0x18970;
	s24 =	simm.s32 $0x18A40;
	[sflag:s30] =	ssyncset.done $0x0  }
.LBB2_8:
0x2f3: {  	s21 =	sadd.s32 s15, s26;
	[sflag:s30] =	ssyncadd.s32 $0xFFFFE600;
	s15 =	smov.u32 s17  }
0x2f4: {  	s19 =	sadd.s32 $0x138, s17;
	s18 =	simm.s32 $0x198E0;
	s14 =	simm.s32 $0x19810  }
0x2f5: {  	[tilespmem:s1], [sflag:$0x4] =	stream.linear.gather [hbm4b:s21+s4], $0x9C0, $0x38;
	[tilespmem:$0x1FF80] =	vst v63  }
0x2f6: {  	s13 =	simm.s32 $0x19740;
	s7 =	simm.s32 $0x19670;
	s21 =	simm.s32 $0x199B0  }
0x2f7: {  	p0 =	sne.s32 s17, $0x3A8;
	_ =	swait.ge [sflag:s30], $0x9C0  }
0x2f8: {  	[sflag:s30] =	ssyncset.done $0x0  }
0x2f9: {  	[sflag:s30] =	ssyncadd.s32 $0xFFFFF640  }
0x2fa: {  	[spmem:s3] =	stream.indirect.scatter.add.bf16 [tilespmem:s2], [sflag:$0x4], $0x20, s1, s0, $0xb8;
	[tilespmem:$0x1FF80] =	vst v63  }
0x2fb: {  	_ =	swait.ge [sflag:s30], $0x1A00  }
0x2fc: {  	[sflag:s30] =	ssyncset.done $0x0  }
0x2fd: {  	[sflag:s30] =	ssyncadd.s32 $0xFFFFE600  }
0x2fe: {  	[spmem:s3] =	stream.indirect.scatter.add.bf16 [tilespmem:s2], [sflag:$0x4], $0x20, s9, s0, $0xb8;
	[tilespmem:$0x1FF80] =	vst v63  }
0x2ff: {  	_ =	swait.ge [sflag:s30], $0x1A00  }
0x300: {  	[sflag:s30] =	ssyncset.done $0x0  }
0x301: {  	[sflag:s30] =	ssyncadd.s32 $0xFFFFE600  }
0x302: {  	[spmem:s3] =	stream.indirect.scatter.add.bf16 [tilespmem:s2], [sflag:$0x4], $0x20, s12, s0, $0xb8;
	[tilespmem:$0x1FF80] =	vst v63  }
0x303: {  	_ =	swait.ge [sflag:s30], $0x1A00  }
0x304: {  	[sflag:s30] =	ssyncset.done $0x0  }
0x305: {  	[sflag:s30] =	ssyncadd.s32 $0xFFFFE600  }
0x306: {  	[spmem:s3] =	stream.indirect.scatter.add.bf16 [tilespmem:s2], [sflag:$0x4], $0x20, s16, s0, $0xb8;
	[tilespmem:$0x1FF80] =	vst v63  }
0x307: {  	_ =	swait.ge [sflag:s30], $0x1A00  }
0x308: {  	[sflag:s30] =	ssyncset.done $0x0  }
0x309: {  	[sflag:s30] =	ssyncadd.s32 $0xFFFFE600  }
0x30a: {  	[spmem:s3] =	stream.indirect.scatter.add.bf16 [tilespmem:s2], [sflag:$0x4], $0x20, s20, s0, $0xb8;
	[tilespmem:$0x1FF80] =	vst v63  }
0x30b: {  	_ =	swait.ge [sflag:s30], $0x1A00  }
0x30c: {  	[sflag:s30] =	ssyncset.done $0x0  }
0x30d: {  	[sflag:s30] =	ssyncadd.s32 $0xFFFFE600  }
0x30e: {  	[spmem:s3] =	stream.indirect.scatter.add.bf16 [tilespmem:s2], [sflag:$0x4], $0x20, s22, s0, $0xb8;
	[tilespmem:$0x1FF80] =	vst v63  }
0x30f: {  	_ =	swait.ge [sflag:s30], $0x1A00  }
0x310: {  	[sflag:s30] =	ssyncset.done $0x0  }
0x311: {  	[sflag:s30] =	ssyncadd.s32 $0xFFFFE600  }
0x312: {  	[spmem:s3] =	stream.indirect.scatter.add.bf16 [tilespmem:s2], [sflag:$0x4], $0x20, s10, s0, $0xb8;
	[tilespmem:$0x1FF80] =	vst v63  }
0x313: {  	_ =	swait.ge [sflag:s30], $0x1A00  }
0x314: {  	[sflag:s30] =	ssyncset.done $0x0  }
0x315: {  	[sflag:s30] =	ssyncadd.s32 $0xFFFFE600  }
0x316: {  	[spmem:s3] =	stream.indirect.scatter.add.bf16 [tilespmem:s2], [sflag:$0x4], $0x20, s7, s0, $0xb8;
	[tilespmem:$0x1FF80] =	vst v63  }
0x317: {  	_ =	swait.ge [sflag:s30], $0x1A00  }
0x318: {  	[sflag:s30] =	ssyncset.done $0x0  }
0x319: {  	[sflag:s30] =	ssyncadd.s32 $0xFFFFE600  }
0x31a: {  	[spmem:s3] =	stream.indirect.scatter.add.bf16 [tilespmem:s2], [sflag:$0x4], $0x20, s13, s0, $0xb8;
	[tilespmem:$0x1FF80] =	vst v63  }
0x31b: {  	_ =	swait.ge [sflag:s30], $0x1A00  }
0x31c: {  	[sflag:s30] =	ssyncset.done $0x0  }
0x31d: {  	[sflag:s30] =	ssyncadd.s32 $0xFFFFE600  }
0x31e: {  	[spmem:s3] =	stream.indirect.scatter.add.bf16 [tilespmem:s2], [sflag:$0x4], $0x20, s14, s0, $0xb8;
	[tilespmem:$0x1FF80] =	vst v63  }
0x31f: {  	_ =	swait.ge [sflag:s30], $0x1A00  }
0x320: {  	[sflag:s30] =	ssyncset.done $0x0  }
0x321: {  	[sflag:s30] =	ssyncadd.s32 $0xFFFFE600  }
0x322: {  	[spmem:s3] =	stream.indirect.scatter.add.bf16 [tilespmem:s2], [sflag:$0x4], $0x20, s18, s0, $0xb8;
	[tilespmem:$0x1FF80] =	vst v63  }
0x323: {  	_ =	swait.ge [sflag:s30], $0x1A00  }
.Ltmp3:
0x324: {  	[sflag:s30] =	ssyncset.done $0x0;
	(pc) =	sbr.rel @p0 .LBB2_8-.Ltmp3, $4  }
0x325: {  	[sflag:s30] =	ssyncadd.s32 $0xFFFFE600  }
0x326: {  	[spmem:s3] =	stream.indirect.scatter.add.bf16 [tilespmem:s2], [sflag:$0x4], $0x20, s21, s0, $0xb8;
	[tilespmem:$0x1FF80] =	vst v63  }
0x327: {  	_ =	swait.ge [sflag:s30], $0x1A00  }
0x328: {  	s17 =	smov.u32 s19;
	[sflag:s30] =	ssyncset.done $0x0  }
0x329: {  	s15 =	sadd.s32 s15, s26;
	[sflag:s30] =	ssyncadd.s32 $0xFFFFE600  }
0x32a: {  	[tilespmem:s1], [sflag:$0x4] =	stream.linear.gather [hbm4b:s15+s4], $0x9C0, $0x38;
	[tilespmem:$0x1FF80] =	vst v63  }
0x32b: {  	_ =	swait.ge [sflag:s30], $0x9C0  }
0x32c: {  	[sflag:s30] =	ssyncset.done $0x0  }
0x32d: {  	[sflag:s30] =	ssyncadd.s32 $0xFFFFF640  }
0x32e: {  	[spmem:s3] =	stream.indirect.scatter.add.bf16 [tilespmem:s2], [sflag:$0x4], $0x20, s1, s0, $0xb8;
	[tilespmem:$0x1FF80] =	vst v63  }
0x32f: {  	_ =	swait.ge [sflag:s30], $0x1A00  }
0x330: {  	[sflag:s30] =	ssyncset.done $0x0  }
0x331: {  	[sflag:s30] =	ssyncadd.s32 $0xFFFFE600  }
0x332: {  	[spmem:s3] =	stream.indirect.scatter.add.bf16 [tilespmem:s2], [sflag:$0x4], $0x20, s9, s0, $0xb8;
	[tilespmem:$0x1FF80] =	vst v63  }
0x333: {  	_ =	swait.ge [sflag:s30], $0x1A00  }
0x334: {  	[sflag:s30] =	ssyncset.done $0x0  }
0x335: {  	[sflag:s30] =	ssyncadd.s32 $0xFFFFE600  }
0x336: {  	[spmem:s3] =	stream.indirect.scatter.add.bf16 [tilespmem:s2], [sflag:$0x4], $0x20, s12, s0, $0xb8;
	[tilespmem:$0x1FF80] =	vst v63  }
0x337: {  	_ =	swait.ge [sflag:s30], $0x1A00  }
0x338: {  	[sflag:s30] =	ssyncset.done $0x0  }
0x339: {  	[sflag:s30] =	ssyncadd.s32 $0xFFFFE600  }
0x33a: {  	[spmem:s3] =	stream.indirect.scatter.add.bf16 [tilespmem:s2], [sflag:$0x4], $0x20, s16, s0, $0xb8;
	[tilespmem:$0x1FF80] =	vst v63  }
0x33b: {  	_ =	swait.ge [sflag:s30], $0x1A00  }
0x33c: {  	[sflag:s30] =	ssyncset.done $0x0  }
0x33d: {  	[sflag:s30] =	ssyncadd.s32 $0xFFFFE600  }
0x33e: {  	[spmem:s3] =	stream.indirect.scatter.add.bf16 [tilespmem:s2], [sflag:$0x4], $0x20, s20, s0, $0xb8;
	[tilespmem:$0x1FF80] =	vst v63  }
0x33f: {  	_ =	swait.ge [sflag:s30], $0x1A00  }
0x340: {  	[sflag:s30] =	ssyncset.done $0x0  }
0x341: {  	[sflag:s30] =	ssyncadd.s32 $0xFFFFE600  }
0x342: {  	[spmem:s3] =	stream.indirect.scatter.add.bf16 [tilespmem:s2], [sflag:$0x4], $0x20, s22, s0, $0xb8;
	[tilespmem:$0x1FF80] =	vst v63  }
0x343: {  	_ =	swait.ge [sflag:s30], $0x1A00  }
0x344: {  	[sflag:s30] =	ssyncset.done $0x0  }
0x345: {  	[sflag:s30] =	ssyncadd.s32 $0xFFFFE600  }
0x346: {  	[spmem:s3] =	stream.indirect.scatter.add.bf16 [tilespmem:s2], [sflag:$0x4], $0x20, s10, s0, $0xb8;
	[tilespmem:$0x1FF80] =	vst v63  }
0x347: {  	_ =	swait.ge [sflag:s30], $0x1A00  }
0x348: {  	[sflag:s30] =	ssyncset.done $0x0  }
0x349: {  	[sflag:s30] =	ssyncadd.s32 $0xFFFFE600  }
0x34a: {  	[spmem:s3] =	stream.indirect.scatter.add.bf16 [tilespmem:s2], [sflag:$0x4], $0x20, s7, s0, $0xb8;
	[tilespmem:$0x1FF80] =	vst v63  }
0x34b: {  	_ =	swait.ge [sflag:s30], $0x1A00  }
0x34c: {  	[sflag:s30] =	ssyncset.done $0x0  }
0x34d: {  	[sflag:s30] =	ssyncadd.s32 $0xFFFFE600  }
0x34e: {  	[spmem:s3] =	stream.indirect.scatter.add.bf16 [tilespmem:s2], [sflag:$0x4], $0x20, s13, s0, $0xb8;
	[tilespmem:$0x1FF80] =	vst v63  }
0x34f: {  	_ =	swait.ge [sflag:s30], $0x1A00  }
0x350: {  	[sflag:s30] =	ssyncset.done $0x0  }
0x351: {  	[sflag:s30] =	ssyncadd.s32 $0xFFFFE600  }
0x352: {  	[spmem:s3] =	stream.indirect.scatter.add.bf16 [tilespmem:s2], [sflag:$0x4], $0x20, s14, s0, $0xb8;
	[tilespmem:$0x1FF80] =	vst v63  }
0x353: {  	_ =	swait.ge [sflag:s30], $0x1A00  }
0x354: {  	[sflag:s30] =	ssyncset.done $0x0  }
0x355: {  	[sflag:s30] =	ssyncadd.s32 $0xFFFFE600  }
0x356: {  	[spmem:s3] =	stream.indirect.scatter.add.bf16 [tilespmem:s2], [sflag:$0x4], $0x20, s18, s0, $0xb8;
	[tilespmem:$0x1FF80] =	vst v63  }
0x357: {  	_ =	swait.ge [sflag:s30], $0x1A00  }
0x358: {  	[sflag:s30] =	ssyncset.done $0x0  }
0x359: {  	[sflag:s30] =	ssyncadd.s32 $0xFFFFE600  }
0x35a: {  	[spmem:s3] =	stream.indirect.scatter.add.bf16 [tilespmem:s2], [sflag:$0x4], $0x20, s21, s0, $0xb8;
	[tilespmem:$0x1FF80] =	vst v63  }
0x35b: {  	_ =	swait.ge [sflag:s30], $0x1A00  }
0x35c: {  	[sflag:s30] =	ssyncset.done $0x0  }
0x35d: {  	[sflag:s30] =	ssyncadd.s32 $0xFFFFE600  }
0x35e: {  	[bflag:$0x0] =	sbarrier.arrive $0xFFFF  }
0x35f: {  	s18 =	rddreg [dreg:$0x18]  }
0x360: {  	s19 =	rddreg [dreg:$0x1c]  }
0x361: {  	[hbm:s18], [sflag:s29] =	dma.local [spmem:s19], $0x30E0  }
0x362: {  	_ =	swait.ge [sflag:s30], $0x30E0  }
0x363: {  	s17 =	rddreg [dreg:$0x1a]  }
0x364: {  	s21 =	rddreg [dreg:$0x19];
	s17 =	sadd.s32 $0x1, s17  }
0x365: {  	p0 =	sne.s32 s17, s21  }
.Ltmp4:
0x366: {  	_ = 	snop;
	(pc) =	sbr.rel @p0 .LBB2_1-.Ltmp4, $4  }
0x367: {  	_ = 	snop  }
0x368: {  	s7 =	simm.s32 $0x19670;
	s13 =	simm.s32 $0x19740;
	s14 =	simm.s32 $0x19810  }
0x369: {  	s18 =	simm.s32 $0x198E0;
	s29 =	simm.s32 $0x199B0;
	[sflag:s30] =	ssyncset.done $0x0  }
0x36a: {  	s19 =	rddreg [dreg:$0x5];
	[sflag:s30] =	ssyncadd.s32 $0xFFFFCF20;
	s21 =	simm.s32 $0x188A0  }
0x36b: {  	_ =	sfence.sel $0x180000  }
0x36c: {  	[bflag:$0x0] =	sbarrier.arrive $0xFFFF  }
0x36d: {  	_ =	strace $0x90000047  }
0x36e: {  	s0 =	stileid.u32;
	[bflag:$0x2] =	sbarrier.arrive $0xFFFF  }
0x36f: {  	p0 =	sne.s32 s0, $0x0;
	s0 =	rddreg [dreg:$0x2]  }
0x370: {  	s0 =	sadd.s32 @!p0 $0x100000, s0  }
0x371: {  	[sflag:s0] =	ssyncadd.tile.s32 @!p0 $0x1;
	_ =	shalt  }
.Lfunc_end2:
_tile_overlayer_lowered:
.L_overlay_start_2:
0x372: {  	(tag) =	ssettag $0x2  }
0x373: {  	s0 =	rddreg [dreg:$0x0];
	s2 =	stileid.u32  }
0x374: {  	s1 =	rddreg [dreg:$0x1];
	p0 =	sne.s32 s2, $0x0  }
0x375: {  	s3 =	rddreg [dreg:$0x2];
	[bflag:$0x3] =	sbarrier.arrive $0xFFFF;
	s2 =	simm.s32 @!p0 $0x1C04  }
0x376: {  	[timem:s3], [sflag:s2] =	dma.local @!p0 [hbm:s0], s1  }
0x377: {  	s0 =	simm.s32 @!p0 $0x4  }
0x378: {  	_ =	swait.ge @!p0 [sflag:s0], s1  }
0x379: {  	s1 =	ssub.s32 @!p0 $0x0, s1;
	[sflag:s0] =	ssyncset.done @!p0 $0x0  }
0x37a: {  	[sflag:s0] =	ssyncadd.s32 @!p0 s1  }
0x37b: {  	[bflag:$0x3] =	sbarrier.arrive $0xFFFF  }
0x37c: {  	_ =	shalt  }

</sc_bundles>
